<compile_context>
chip_gen: v7x
topology: tpu7x:2x2x1
jax: 0.10.2.dev20260603
libtpu: 0.0.44.dev20260713+nightly
codegen_flags: <defaults>
</compile_context>

<pallas_src>
import functools

import jax
import jax.numpy as jnp
from jax import lax
from jax.experimental import pallas as pl
from jax.experimental.pallas import tpu as pltpu
from jax.experimental.pallas import tpu_sc as plsc

NC = 2
NS = 16
NW = NC * NS
L = 16


def _mf_body(chunk, k_dim, uid_hbm, iid_hbm, bias_hbm, utab_hbm, itab_hbm,
             wv_hbm, bv_hbm, out_hbm,
             uidx_v, iidx_v, ublk_v, iblk_v, bf_v, out_v, wv_v, bv_v,
             sem_u, sem_i):
    wid = lax.axis_index("s") * NC + lax.axis_index("c")
    base = wid * chunk
    n_win = chunk // L

    pltpu.sync_copy(uid_hbm.at[pl.ds(base, chunk)], uidx_v)
    pltpu.sync_copy(iid_hbm.at[pl.ds(base, chunk)], iidx_v)
    pltpu.sync_copy(bias_hbm.at[pl.ds(base, chunk)], bf_v)
    pltpu.sync_copy(wv_hbm, wv_v)
    pltpu.sync_copy(bv_hbm, bv_v)

    def fire(w):
        p = jnp.bitwise_and(w, 1)
        uvec = uidx_v[pl.ds(w * L, L)] >> 3
        ivec = iidx_v[pl.ds(w * L, L)] >> 3
        for l in range(L):
            pltpu.async_copy(utab_hbm.at[uvec[l]], ublk_v.at[p, l],
                             sem_u.at[p])
            pltpu.async_copy(itab_hbm.at[ivec[l]], iblk_v.at[p, l],
                             sem_i.at[p])

    wvec = wv_v[...]
    bvec = bv_v[...]
    lane = lax.iota(jnp.int32, L)
    keep_lo = {h: (jnp.bitwise_and(lane, h) == 0) for h in (8, 4, 2, 1)}
    brev = (((lane & 1) << 3) | ((lane & 2) << 1)
            | ((lane & 4) >> 1) | ((lane & 8) >> 3))

    def perm(x, idx):
        return x.at[idx].get(mode="promise_in_bounds")

    fire(0)

    def window(w, carry):
        @pl.when(w + 1 < n_win)
        def _():
            fire(w + 1)
        p = jnp.bitwise_and(w, 1)
        pltpu.make_async_copy(utab_hbm.at[pl.ds(0, L)], ublk_v.at[p],
                              sem_u.at[p]).wait()
        pltpu.make_async_copy(itab_hbm.at[pl.ds(0, L)], iblk_v.at[p],
                              sem_i.at[p]).wait()
        usub = jnp.bitwise_and(uidx_v[pl.ds(w * L, L)], 7)
        isub = jnp.bitwise_and(iidx_v[pl.ds(w * L, L)], 7)
        vecs = []
        for l in range(L):
            su = usub[l]
            si = isub[l]
            s = jnp.zeros((L,), jnp.float32)
            for half in range(k_dim // L):
                u = ublk_v[p, l, su, pl.ds(half * L, L)]
                it = iblk_v[p, l, si, pl.ds(half * L, L)]
                s = s + u * it
            vecs.append(s)
        for h in (8, 4, 2, 1):
            nxt = []
            for n in range(len(vecs) // 2):
                x, y = vecs[2 * n], vecs[2 * n + 1]
                x2 = x + perm(x, jnp.bitwise_xor(lane, h))
                y2 = y + perm(y, jnp.bitwise_xor(lane, h))
                nxt.append(jnp.where(keep_lo[h], x2, y2))
            vecs = nxt
        dots = perm(vecs[0], brev)
        acc = dots + bf_v[pl.ds(w * L, L)] * wvec + bvec
        out_v[pl.ds(w * L, L)] = acc
        return carry

    lax.fori_loop(0, n_win, window, 0)
    pltpu.sync_copy(out_v, out_hbm.at[pl.ds(base, chunk)])


@jax.jit
def kernel(user_ids, item_ids, bias_feat, user_table, item_table, dense_W,
           dense_b):
    batch = user_ids.shape[0]
    k_dim = user_table.shape[1]
    chunk = batch // NW

    utab3 = user_table.reshape(user_table.shape[0] // 8, 8, k_dim)
    itab3 = item_table.reshape(item_table.shape[0] // 8, 8, k_dim)

    mesh = plsc.VectorSubcoreMesh(core_axis_name="c", subcore_axis_name="s")
    mf = pl.kernel(
        functools.partial(_mf_body, chunk, k_dim),
        out_type=jax.ShapeDtypeStruct((batch,), jnp.float32),
        mesh=mesh,
        scratch_types=[
            pltpu.VMEM((chunk,), jnp.int32),
            pltpu.VMEM((chunk,), jnp.int32),
            pltpu.VMEM((2, L, 8, k_dim), jnp.float32),
            pltpu.VMEM((2, L, 8, k_dim), jnp.float32),
            pltpu.VMEM((chunk,), jnp.float32),
            pltpu.VMEM((chunk,), jnp.float32),
            pltpu.VMEM((L,), jnp.float32),
            pltpu.VMEM((L,), jnp.float32),
            pltpu.SemaphoreType.DMA((2,)),
            pltpu.SemaphoreType.DMA((2,)),
        ],
    )

    wv = jnp.broadcast_to(dense_W.reshape(()), (L,)).astype(jnp.float32)
    bv = jnp.broadcast_to(dense_b.reshape(()), (L,)).astype(jnp.float32)
    out = mf(user_ids.reshape(batch), item_ids.reshape(batch),
             bias_feat.reshape(batch), utab3, itab3, wv, bv)
    return out.reshape(batch, 1)

# --- scband reference (transcript-rebuilt; emitter-appended) ---
"""Pipeline reference for scband-mfmodel-11536282157519 (READ-ONLY COPY).

The authoritative reference and input builder live on the scoring server;
editing this copy changes nothing except your own understanding.
"""

import jax, jax.numpy as jnp
import numpy as np

N_USERS = 1000000
M_ITEMS = 1000000
K_FACTORS = 32
BATCH = 16384


def setup_inputs(seed: int = 0) -> dict:
    key = jax.random.key(seed)
    k1, k2, k3, k4, k5, k6 = jax.random.split(key, 6)
    user_ids = jax.random.randint(k1, (BATCH, 1), 0, N_USERS, dtype=jnp.int64 if jax.config.jax_enable_x64 else jnp.int32).astype(jnp.int32)
    item_ids = jax.random.randint(k2, (BATCH, 1), 0, M_ITEMS, dtype=jnp.int64 if jax.config.jax_enable_x64 else jnp.int32).astype(jnp.int32)
    bias_feat = jax.random.normal(k3, (BATCH, 1), dtype=jnp.float32)
    user_table = jax.random.normal(k4, (N_USERS, K_FACTORS), dtype=jnp.float32) * 0.05
    item_table = jax.random.normal(k5, (M_ITEMS, K_FACTORS), dtype=jnp.float32) * 0.05
    dense_W = jax.random.normal(k6, (1, 1), dtype=jnp.float32) * 0.05
    dense_b = jnp.zeros((1,), dtype=jnp.float32)
    return {
        "user_ids": user_ids,
        "item_ids": item_ids,
        "bias_feat": bias_feat,
        "user_table": user_table,
        "item_table": item_table,
        "dense_W": dense_W,
        "dense_b": dense_b,
    }


def reference(user_ids, item_ids, bias_feat, user_table, item_table, dense_W, dense_b):
    # Embedding lookups (input_length=1 -> flatten to [B, k])
    e1 = jnp.take(user_table, user_ids[:, 0], axis=0)  # [B, k]
    e2 = jnp.take(item_table, item_ids[:, 0], axis=0)  # [B, k]
    # Dot(axes=1) -> [B, 1]
    m = jnp.sum(e1 * e2, axis=1, keepdims=True)
    # Dense(1, activation=None) on bias_feat [B, 1]
    b = bias_feat @ dense_W + dense_b
    # Add
    out = m + b
    return out

if __name__ == "__main__":
    import jax
    _d = setup_inputs()
    print(jax.jit(kernel)(*tuple(_d.values())))

</pallas_src>

<mosaic_0001>
#map = affine_map<(d0, d1) -> (0)>
#map1 = affine_map<(d0, d1) -> (0, 0, 0)>
module attributes {stable_mosaic.version = 14 : i64} {
  func.func @_mf_body(%arg0: i32, %arg1: i32, %arg2: memref<16384xi32, #tpu.memory_space<hbm>>, %arg3: memref<16384xi32, #tpu.memory_space<hbm>>, %arg4: memref<16384xf32, #tpu.memory_space<hbm>>, %arg5: memref<125000x8x32xf32, #tpu.memory_space<hbm>>, %arg6: memref<125000x8x32xf32, #tpu.memory_space<hbm>>, %arg7: memref<16xf32, #tpu.memory_space<hbm>>, %arg8: memref<16xf32, #tpu.memory_space<hbm>>, %arg9: memref<16384xf32, #tpu.memory_space<hbm>>, %arg10: memref<512xi32, #tpu.memory_space<vmem>>, %arg11: memref<512xi32, #tpu.memory_space<vmem>>, %arg12: memref<2x16x8x32xf32, #tpu.memory_space<vmem>>, %arg13: memref<2x16x8x32xf32, #tpu.memory_space<vmem>>, %arg14: memref<512xf32, #tpu.memory_space<vmem>>, %arg15: memref<512xf32, #tpu.memory_space<vmem>>, %arg16: memref<16xf32, #tpu.memory_space<vmem>>, %arg17: memref<16xf32, #tpu.memory_space<vmem>>, %arg18: memref<2x!tpu.dma_semaphore, #tpu.memory_space<semaphore_mem>>, %arg19: memref<2x!tpu.dma_semaphore, #tpu.memory_space<semaphore_mem>>) attributes {dimension_semantics = [#tpu.dimension_semantics<core_parallel>, #tpu.dimension_semantics<subcore_parallel>], iteration_bounds = array<i64: 2, 16>, scalar_prefetch = 0 : i64, scratch_operands = 10 : i64, tpu.core_type = #tpu.core_type<sc_vector_subcore>, window_params = [{transform_indices = #map}, {transform_indices = #map}, {transform_indices = #map}, {transform_indices = #map1}, {transform_indices = #map1}, {transform_indices = #map}, {transform_indices = #map}, {transform_indices = #map}]} {
    %mul3A = arith.constant 2 : i32
    %mul3A_0 = arith.muli %arg1, %mul3A : i32
    %add3A = arith.addi %mul3A_0, %arg0 : i32
    %mul3A_1 = arith.constant 512 : i32
    %mul3A_2 = arith.muli %add3A, %mul3A_1 : i32
    "tpu.region"() ({
      %run_scoped3A = tpu.sem_alloc : memref<!tpu.dma_semaphore, #tpu.memory_space<semaphore_mem>>
      %dma_start3A_743 = tpu.memref_slice %arg2[%mul3A_2] : memref<16384xi32, #tpu.memory_space<hbm>> -> memref<512xi32, #tpu.memory_space<hbm>>
      %dma_start3A_744 = tpu.memref_slice %arg2[%mul3A_2] : memref<16384xi32, #tpu.memory_space<hbm>> -> memref<512xi32, #tpu.memory_space<hbm>>
      tpu.enqueue_dma source(%dma_start3A_744 : memref<512xi32, #tpu.memory_space<hbm>>) target(%arg10 : memref<512xi32, #tpu.memory_space<vmem>>) target_semaphore(%run_scoped3A : memref<!tpu.dma_semaphore, #tpu.memory_space<semaphore_mem>>)
      %dma_wait3A = tpu.memref_slice %arg2[%mul3A_2] : memref<16384xi32, #tpu.memory_space<hbm>> -> memref<512xi32, #tpu.memory_space<hbm>>
      %dma_wait3A_745 = tpu.memref_slice %arg2[%mul3A_2] : memref<16384xi32, #tpu.memory_space<hbm>> -> memref<512xi32, #tpu.memory_space<hbm>>
      tpu.wait_dma2 semaphore(%run_scoped3A : memref<!tpu.dma_semaphore, #tpu.memory_space<semaphore_mem>>) src(%dma_wait3A_745 : memref<512xi32, #tpu.memory_space<hbm>>) dst(%arg10 : memref<512xi32, #tpu.memory_space<vmem>>)
      tpu.yield
    }) : () -> ()
    "tpu.region"() ({
      %run_scoped3A = tpu.sem_alloc : memref<!tpu.dma_semaphore, #tpu.memory_space<semaphore_mem>>
      %dma_start3A_743 = tpu.memref_slice %arg3[%mul3A_2] : memref<16384xi32, #tpu.memory_space<hbm>> -> memref<512xi32, #tpu.memory_space<hbm>>
      %dma_start3A_744 = tpu.memref_slice %arg3[%mul3A_2] : memref<16384xi32, #tpu.memory_space<hbm>> -> memref<512xi32, #tpu.memory_space<hbm>>
      tpu.enqueue_dma source(%dma_start3A_744 : memref<512xi32, #tpu.memory_space<hbm>>) target(%arg11 : memref<512xi32, #tpu.memory_space<vmem>>) target_semaphore(%run_scoped3A : memref<!tpu.dma_semaphore, #tpu.memory_space<semaphore_mem>>)
      %dma_wait3A = tpu.memref_slice %arg3[%mul3A_2] : memref<16384xi32, #tpu.memory_space<hbm>> -> memref<512xi32, #tpu.memory_space<hbm>>
      %dma_wait3A_745 = tpu.memref_slice %arg3[%mul3A_2] : memref<16384xi32, #tpu.memory_space<hbm>> -> memref<512xi32, #tpu.memory_space<hbm>>
      tpu.wait_dma2 semaphore(%run_scoped3A : memref<!tpu.dma_semaphore, #tpu.memory_space<semaphore_mem>>) src(%dma_wait3A_745 : memref<512xi32, #tpu.memory_space<hbm>>) dst(%arg11 : memref<512xi32, #tpu.memory_space<vmem>>)
      tpu.yield
    }) : () -> ()
    "tpu.region"() ({
      %run_scoped3A = tpu.sem_alloc : memref<!tpu.dma_semaphore, #tpu.memory_space<semaphore_mem>>
      %dma_start3A_743 = tpu.memref_slice %arg4[%mul3A_2] : memref<16384xf32, #tpu.memory_space<hbm>> -> memref<512xf32, #tpu.memory_space<hbm>>
      %dma_start3A_744 = tpu.memref_slice %arg4[%mul3A_2] : memref<16384xf32, #tpu.memory_space<hbm>> -> memref<512xf32, #tpu.memory_space<hbm>>
      tpu.enqueue_dma source(%dma_start3A_744 : memref<512xf32, #tpu.memory_space<hbm>>) target(%arg14 : memref<512xf32, #tpu.memory_space<vmem>>) target_semaphore(%run_scoped3A : memref<!tpu.dma_semaphore, #tpu.memory_space<semaphore_mem>>)
      %dma_wait3A = tpu.memref_slice %arg4[%mul3A_2] : memref<16384xf32, #tpu.memory_space<hbm>> -> memref<512xf32, #tpu.memory_space<hbm>>
      %dma_wait3A_745 = tpu.memref_slice %arg4[%mul3A_2] : memref<16384xf32, #tpu.memory_space<hbm>> -> memref<512xf32, #tpu.memory_space<hbm>>
      tpu.wait_dma2 semaphore(%run_scoped3A : memref<!tpu.dma_semaphore, #tpu.memory_space<semaphore_mem>>) src(%dma_wait3A_745 : memref<512xf32, #tpu.memory_space<hbm>>) dst(%arg14 : memref<512xf32, #tpu.memory_space<vmem>>)
      tpu.yield
    }) : () -> ()
    "tpu.region"() ({
      %run_scoped3A = tpu.sem_alloc : memref<!tpu.dma_semaphore, #tpu.memory_space<semaphore_mem>>
      tpu.enqueue_dma source(%arg7 : memref<16xf32, #tpu.memory_space<hbm>>) target(%arg16 : memref<16xf32, #tpu.memory_space<vmem>>) target_semaphore(%run_scoped3A : memref<!tpu.dma_semaphore, #tpu.memory_space<semaphore_mem>>)
      tpu.wait_dma2 semaphore(%run_scoped3A : memref<!tpu.dma_semaphore, #tpu.memory_space<semaphore_mem>>) src(%arg7 : memref<16xf32, #tpu.memory_space<hbm>>) dst(%arg16 : memref<16xf32, #tpu.memory_space<vmem>>)
      tpu.yield
    }) : () -> ()
    "tpu.region"() ({
      %run_scoped3A = tpu.sem_alloc : memref<!tpu.dma_semaphore, #tpu.memory_space<semaphore_mem>>
      tpu.enqueue_dma source(%arg8 : memref<16xf32, #tpu.memory_space<hbm>>) target(%arg17 : memref<16xf32, #tpu.memory_space<vmem>>) target_semaphore(%run_scoped3A : memref<!tpu.dma_semaphore, #tpu.memory_space<semaphore_mem>>)
      tpu.wait_dma2 semaphore(%run_scoped3A : memref<!tpu.dma_semaphore, #tpu.memory_space<semaphore_mem>>) src(%arg8 : memref<16xf32, #tpu.memory_space<hbm>>) dst(%arg17 : memref<16xf32, #tpu.memory_space<vmem>>)
      tpu.yield
    }) : () -> ()
    %get3A = arith.constant 0 : index
    %get3A_3 = tpu.vector_load %arg16[%get3A] {strides = array<i32>} : memref<16xf32, #tpu.memory_space<vmem>>, vector<16xf32>,
    %get3A_4 = vector.shape_cast %get3A_3 : vector<16xf32> to vector<16xf32>
    %get3A_5 = arith.constant 0 : index
    %get3A_6 = tpu.vector_load %arg17[%get3A_5] {strides = array<i32>} : memref<16xf32, #tpu.memory_space<vmem>>, vector<16xf32>,
    %get3A_7 = vector.shape_cast %get3A_6 : vector<16xf32> to vector<16xf32>
    %iota3A = tpu.iota {dimensions = array<i32: 0>} : vector<16xi32>
    %and3A = arith.constant 8 : i32
    %and3A_8 = vector.broadcast %and3A : i32 to vector<16xi32>
    %and3A_9 = arith.andi %iota3A, %and3A_8 : vector<16xi32>
    %eq3A = arith.constant 0 : i32
    %eq3A_10 = vector.broadcast %eq3A : i32 to vector<16xi32>
    %eq3A_11 = arith.cmpi eq, %and3A_9, %eq3A_10 : vector<16xi32>
    %and3A_12 = arith.constant 4 : i32
    %and3A_13 = vector.broadcast %and3A_12 : i32 to vector<16xi32>
    %and3A_14 = arith.andi %iota3A, %and3A_13 : vector<16xi32>
    %eq3A_15 = arith.constant 0 : i32
    %eq3A_16 = vector.broadcast %eq3A_15 : i32 to vector<16xi32>
    %eq3A_17 = arith.cmpi eq, %and3A_14, %eq3A_16 : vector<16xi32>
    %and3A_18 = arith.constant 2 : i32
    %and3A_19 = vector.broadcast %and3A_18 : i32 to vector<16xi32>
    %and3A_20 = arith.andi %iota3A, %and3A_19 : vector<16xi32>
    %eq3A_21 = arith.constant 0 : i32
    %eq3A_22 = vector.broadcast %eq3A_21 : i32 to vector<16xi32>
    %eq3A_23 = arith.cmpi eq, %and3A_20, %eq3A_22 : vector<16xi32>
    %and3A_24 = arith.constant 1 : i32
    %and3A_25 = vector.broadcast %and3A_24 : i32 to vector<16xi32>
    %and3A_26 = arith.andi %iota3A, %and3A_25 : vector<16xi32>
    %eq3A_27 = arith.constant 0 : i32
    %eq3A_28 = vector.broadcast %eq3A_27 : i32 to vector<16xi32>
    %eq3A_29 = arith.cmpi eq, %and3A_26, %eq3A_28 : vector<16xi32>
    %and3A_30 = arith.constant 1 : i32
    %and3A_31 = vector.broadcast %and3A_30 : i32 to vector<16xi32>
    %and3A_32 = arith.andi %iota3A, %and3A_31 : vector<16xi32>
    %shift_left3A = arith.constant 3 : i32
    %shift_left3A_33 = vector.broadcast %shift_left3A : i32 to vector<16xi32>
    %shift_left3A_34 = arith.shli %and3A_32, %shift_left3A_33 : vector<16xi32>
    %and3A_35 = arith.constant 2 : i32
    %and3A_36 = vector.broadcast %and3A_35 : i32 to vector<16xi32>
    %and3A_37 = arith.andi %iota3A, %and3A_36 : vector<16xi32>
    %shift_left3A_38 = arith.constant 1 : i32
    %shift_left3A_39 = vector.broadcast %shift_left3A_38 : i32 to vector<16xi32>
    %shift_left3A_40 = arith.shli %and3A_37, %shift_left3A_39 : vector<16xi32>
    %or3A = arith.ori %shift_left3A_34, %shift_left3A_40 : vector<16xi32>
    %and3A_41 = arith.constant 4 : i32
    %and3A_42 = vector.broadcast %and3A_41 : i32 to vector<16xi32>
    %and3A_43 = arith.andi %iota3A, %and3A_42 : vector<16xi32>
    %shift_right_arithmetic3A = arith.constant 1 : i32
    %shift_right_arithmetic3A_44 = vector.broadcast %shift_right_arithmetic3A : i32 to vector<16xi32>
    %shift_right_arithmetic3A_45 = arith.shrsi %and3A_43, %shift_right_arithmetic3A_44 : vector<16xi32>
    %or3A_46 = arith.ori %or3A, %shift_right_arithmetic3A_45 : vector<16xi32>
    %and3A_47 = arith.constant 8 : i32
    %and3A_48 = vector.broadcast %and3A_47 : i32 to vector<16xi32>
    %and3A_49 = arith.andi %iota3A, %and3A_48 : vector<16xi32>
    %shift_right_arithmetic3A_50 = arith.constant 3 : i32
    %shift_right_arithmetic3A_51 = vector.broadcast %shift_right_arithmetic3A_50 : i32 to vector<16xi32>
    %shift_right_arithmetic3A_52 = arith.shrsi %and3A_49, %shift_right_arithmetic3A_51 : vector<16xi32>
    %or3A_53 = arith.ori %or3A_46, %shift_right_arithmetic3A_52 : vector<16xi32>
    %and3A_54 = arith.constant 0 : i32
    %and3A_55 = arith.constant 1 : i32
    %and3A_56 = arith.andi %and3A_54, %and3A_55 : i32
    %get3A_57 = arith.constant 0 : index
    %get3A_58 = tpu.vector_load %arg10[%get3A_57] {strides = array<i32>} : memref<512xi32, #tpu.memory_space<vmem>>, vector<16xi32>,
    %get3A_59 = vector.shape_cast %get3A_58 : vector<16xi32> to vector<16xi32>
    %shift_right_arithmetic3A_60 = arith.constant 3 : i32
    %shift_right_arithmetic3A_61 = vector.broadcast %shift_right_arithmetic3A_60 : i32 to vector<16xi32>
    %shift_right_arithmetic3A_62 = arith.shrsi %get3A_59, %shift_right_arithmetic3A_61 : vector<16xi32>
    %get3A_63 = arith.constant 0 : index
    %get3A_64 = tpu.vector_load %arg11[%get3A_63] {strides = array<i32>} : memref<512xi32, #tpu.memory_space<vmem>>, vector<16xi32>,
    %get3A_65 = vector.shape_cast %get3A_64 : vector<16xi32> to vector<16xi32>
    %shift_right_arithmetic3A_66 = arith.constant 3 : i32
    %shift_right_arithmetic3A_67 = vector.broadcast %shift_right_arithmetic3A_66 : i32 to vector<16xi32>
    %shift_right_arithmetic3A_68 = arith.shrsi %get3A_65, %shift_right_arithmetic3A_67 : vector<16xi32>
    %slice3A = vector.extract_strided_slice %shift_right_arithmetic3A_62 {offsets = [0], sizes = [1], strides = [1]} : vector<16xi32> to vector<1xi32>
    %squeeze3A = vector.extract %slice3A[0] : i32 from vector<1xi32>
    %dma_start3A = arith.constant 0 : i32
    %dma_start3A_69 = arith.constant 0 : i32
    %dma_start3A_70 = arith.constant 0 : i32
    %dma_start3A_71 = tpu.memref_slice %arg12[%and3A_56, %dma_start3A, %dma_start3A_69, %dma_start3A_70] : memref<2x16x8x32xf32, #tpu.memory_space<vmem>> -> memref<1x1x8x32xf32, #tpu.memory_space<vmem>>
    %dma_start3A_72 = tpu.memref_squeeze %dma_start3A_71 : memref<1x1x8x32xf32, #tpu.memory_space<vmem>> -> memref<8x32xf32, #tpu.memory_space<vmem>>
    %dma_start3A_73 = arith.constant 0 : i32
    %dma_start3A_74 = arith.constant 0 : i32
    %dma_start3A_75 = tpu.memref_slice %arg5[%squeeze3A, %dma_start3A_73, %dma_start3A_74] : memref<125000x8x32xf32, #tpu.memory_space<hbm>> -> memref<1x8x32xf32, #tpu.memory_space<hbm>>
    %dma_start3A_76 = tpu.memref_squeeze %dma_start3A_75 : memref<1x8x32xf32, #tpu.memory_space<hbm>> -> memref<8x32xf32, #tpu.memory_space<hbm>>
    %dma_start3A_77 = tpu.memref_slice %arg18[%and3A_56] : memref<2x!tpu.dma_semaphore, #tpu.memory_space<semaphore_mem>> -> memref<1x!tpu.dma_semaphore, #tpu.memory_space<semaphore_mem>>
    %dma_start3A_78 = tpu.memref_squeeze %dma_start3A_77 : memref<1x!tpu.dma_semaphore, #tpu.memory_space<semaphore_mem>> -> memref<!tpu.dma_semaphore, #tpu.memory_space<semaphore_mem>>
    %dma_start3A_79 = arith.constant 0 : i32
    %dma_start3A_80 = arith.constant 0 : i32
    %dma_start3A_81 = tpu.memref_slice %arg12[%and3A_56, %dma_start3A, %dma_start3A_79, %dma_start3A_80] : memref<2x16x8x32xf32, #tpu.memory_space<vmem>> -> memref<1x1x8x32xf32, #tpu.memory_space<vmem>>
    %dma_start3A_82 = tpu.memref_squeeze %dma_start3A_81 : memref<1x1x8x32xf32, #tpu.memory_space<vmem>> -> memref<8x32xf32, #tpu.memory_space<vmem>>
    %dma_start3A_83 = arith.constant 0 : i32
    %dma_start3A_84 = arith.constant 0 : i32
    %dma_start3A_85 = tpu.memref_slice %arg5[%squeeze3A, %dma_start3A_83, %dma_start3A_84] : memref<125000x8x32xf32, #tpu.memory_space<hbm>> -> memref<1x8x32xf32, #tpu.memory_space<hbm>>
    %dma_start3A_86 = tpu.memref_squeeze %dma_start3A_85 : memref<1x8x32xf32, #tpu.memory_space<hbm>> -> memref<8x32xf32, #tpu.memory_space<hbm>>
    tpu.enqueue_dma source(%dma_start3A_86 : memref<8x32xf32, #tpu.memory_space<hbm>>) target(%dma_start3A_82 : memref<8x32xf32, #tpu.memory_space<vmem>>) target_semaphore(%dma_start3A_78 : memref<!tpu.dma_semaphore, #tpu.memory_space<semaphore_mem>>)
    %slice3A_87 = vector.extract_strided_slice %shift_right_arithmetic3A_68 {offsets = [0], sizes = [1], strides = [1]} : vector<16xi32> to vector<1xi32>
    %squeeze3A_88 = vector.extract %slice3A_87[0] : i32 from vector<1xi32>
    %dma_start3A_89 = arith.constant 0 : i32
    %dma_start3A_90 = arith.constant 0 : i32
    %dma_start3A_91 = arith.constant 0 : i32
    %dma_start3A_92 = tpu.memref_slice %arg13[%and3A_56, %dma_start3A_89, %dma_start3A_90, %dma_start3A_91] : memref<2x16x8x32xf32, #tpu.memory_space<vmem>> -> memref<1x1x8x32xf32, #tpu.memory_space<vmem>>
    %dma_start3A_93 = tpu.memref_squeeze %dma_start3A_92 : memref<1x1x8x32xf32, #tpu.memory_space<vmem>> -> memref<8x32xf32, #tpu.memory_space<vmem>>
    %dma_start3A_94 = arith.constant 0 : i32
    %dma_start3A_95 = arith.constant 0 : i32
    %dma_start3A_96 = tpu.memref_slice %arg6[%squeeze3A_88, %dma_start3A_94, %dma_start3A_95] : memref<125000x8x32xf32, #tpu.memory_space<hbm>> -> memref<1x8x32xf32, #tpu.memory_space<hbm>>
    %dma_start3A_97 = tpu.memref_squeeze %dma_start3A_96 : memref<1x8x32xf32, #tpu.memory_space<hbm>> -> memref<8x32xf32, #tpu.memory_space<hbm>>
    %dma_start3A_98 = tpu.memref_slice %arg19[%and3A_56] : memref<2x!tpu.dma_semaphore, #tpu.memory_space<semaphore_mem>> -> memref<1x!tpu.dma_semaphore, #tpu.memory_space<semaphore_mem>>
    %dma_start3A_99 = tpu.memref_squeeze %dma_start3A_98 : memref<1x!tpu.dma_semaphore, #tpu.memory_space<semaphore_mem>> -> memref<!tpu.dma_semaphore, #tpu.memory_space<semaphore_mem>>
    %dma_start3A_100 = arith.constant 0 : i32
    %dma_start3A_101 = arith.constant 0 : i32
    %dma_start3A_102 = tpu.memref_slice %arg13[%and3A_56, %dma_start3A_89, %dma_start3A_100, %dma_start3A_101] : memref<2x16x8x32xf32, #tpu.memory_space<vmem>> -> memref<1x1x8x32xf32, #tpu.memory_space<vmem>>
    %dma_start3A_103 = tpu.memref_squeeze %dma_start3A_102 : memref<1x1x8x32xf32, #tpu.memory_space<vmem>> -> memref<8x32xf32, #tpu.memory_space<vmem>>
    %dma_start3A_104 = arith.constant 0 : i32
    %dma_start3A_105 = arith.constant 0 : i32
    %dma_start3A_106 = tpu.memref_slice %arg6[%squeeze3A_88, %dma_start3A_104, %dma_start3A_105] : memref<125000x8x32xf32, #tpu.memory_space<hbm>> -> memref<1x8x32xf32, #tpu.memory_space<hbm>>
    %dma_start3A_107 = tpu.memref_squeeze %dma_start3A_106 : memref<1x8x32xf32, #tpu.memory_space<hbm>> -> memref<8x32xf32, #tpu.memory_space<hbm>>
    tpu.enqueue_dma source(%dma_start3A_107 : memref<8x32xf32, #tpu.memory_space<hbm>>) target(%dma_start3A_103 : memref<8x32xf32, #tpu.memory_space<vmem>>) target_semaphore(%dma_start3A_99 : memref<!tpu.dma_semaphore, #tpu.memory_space<semaphore_mem>>)
    %slice3A_108 = vector.extract_strided_slice %shift_right_arithmetic3A_62 {offsets = [1], sizes = [1], strides = [1]} : vector<16xi32> to vector<1xi32>
    %squeeze3A_109 = vector.extract %slice3A_108[0] : i32 from vector<1xi32>
    %dma_start3A_110 = arith.constant 1 : i32
    %dma_start3A_111 = arith.constant 0 : i32
    %dma_start3A_112 = arith.constant 0 : i32
    %dma_start3A_113 = tpu.memref_slice %arg12[%and3A_56, %dma_start3A_110, %dma_start3A_111, %dma_start3A_112] : memref<2x16x8x32xf32, #tpu.memory_space<vmem>> -> memref<1x1x8x32xf32, #tpu.memory_space<vmem>>
    %dma_start3A_114 = tpu.memref_squeeze %dma_start3A_113 : memref<1x1x8x32xf32, #tpu.memory_space<vmem>> -> memref<8x32xf32, #tpu.memory_space<vmem>>
    %dma_start3A_115 = arith.constant 0 : i32
    %dma_start3A_116 = arith.constant 0 : i32
    %dma_start3A_117 = tpu.memref_slice %arg5[%squeeze3A_109, %dma_start3A_115, %dma_start3A_116] : memref<125000x8x32xf32, #tpu.memory_space<hbm>> -> memref<1x8x32xf32, #tpu.memory_space<hbm>>
    %dma_start3A_118 = tpu.memref_squeeze %dma_start3A_117 : memref<1x8x32xf32, #tpu.memory_space<hbm>> -> memref<8x32xf32, #tpu.memory_space<hbm>>
    %dma_start3A_119 = tpu.memref_slice %arg18[%and3A_56] : memref<2x!tpu.dma_semaphore, #tpu.memory_space<semaphore_mem>> -> memref<1x!tpu.dma_semaphore, #tpu.memory_space<semaphore_mem>>
    %dma_start3A_120 = tpu.memref_squeeze %dma_start3A_119 : memref<1x!tpu.dma_semaphore, #tpu.memory_space<semaphore_mem>> -> memref<!tpu.dma_semaphore, #tpu.memory_space<semaphore_mem>>
    %dma_start3A_121 = arith.constant 0 : i32
    %dma_start3A_122 = arith.constant 0 : i32
    %dma_start3A_123 = tpu.memref_slice %arg12[%and3A_56, %dma_start3A_110, %dma_start3A_121, %dma_start3A_122] : memref<2x16x8x32xf32, #tpu.memory_space<vmem>> -> memref<1x1x8x32xf32, #tpu.memory_space<vmem>>
    %dma_start3A_124 = tpu.memref_squeeze %dma_start3A_123 : memref<1x1x8x32xf32, #tpu.memory_space<vmem>> -> memref<8x32xf32, #tpu.memory_space<vmem>>
    %dma_start3A_125 = arith.constant 0 : i32
    %dma_start3A_126 = arith.constant 0 : i32
    %dma_start3A_127 = tpu.memref_slice %arg5[%squeeze3A_109, %dma_start3A_125, %dma_start3A_126] : memref<125000x8x32xf32, #tpu.memory_space<hbm>> -> memref<1x8x32xf32, #tpu.memory_space<hbm>>
    %dma_start3A_128 = tpu.memref_squeeze %dma_start3A_127 : memref<1x8x32xf32, #tpu.memory_space<hbm>> -> memref<8x32xf32, #tpu.memory_space<hbm>>
    tpu.enqueue_dma source(%dma_start3A_128 : memref<8x32xf32, #tpu.memory_space<hbm>>) target(%dma_start3A_124 : memref<8x32xf32, #tpu.memory_space<vmem>>) target_semaphore(%dma_start3A_120 : memref<!tpu.dma_semaphore, #tpu.memory_space<semaphore_mem>>)
    %slice3A_129 = vector.extract_strided_slice %shift_right_arithmetic3A_68 {offsets = [1], sizes = [1], strides = [1]} : vector<16xi32> to vector<1xi32>
    %squeeze3A_130 = vector.extract %slice3A_129[0] : i32 from vector<1xi32>
    %dma_start3A_131 = arith.constant 1 : i32
    %dma_start3A_132 = arith.constant 0 : i32
    %dma_start3A_133 = arith.constant 0 : i32
    %dma_start3A_134 = tpu.memref_slice %arg13[%and3A_56, %dma_start3A_131, %dma_start3A_132, %dma_start3A_133] : memref<2x16x8x32xf32, #tpu.memory_space<vmem>> -> memref<1x1x8x32xf32, #tpu.memory_space<vmem>>
    %dma_start3A_135 = tpu.memref_squeeze %dma_start3A_134 : memref<1x1x8x32xf32, #tpu.memory_space<vmem>> -> memref<8x32xf32, #tpu.memory_space<vmem>>
    %dma_start3A_136 = arith.constant 0 : i32
    %dma_start3A_137 = arith.constant 0 : i32
    %dma_start3A_138 = tpu.memref_slice %arg6[%squeeze3A_130, %dma_start3A_136, %dma_start3A_137] : memref<125000x8x32xf32, #tpu.memory_space<hbm>> -> memref<1x8x32xf32, #tpu.memory_space<hbm>>
    %dma_start3A_139 = tpu.memref_squeeze %dma_start3A_138 : memref<1x8x32xf32, #tpu.memory_space<hbm>> -> memref<8x32xf32, #tpu.memory_space<hbm>>
    %dma_start3A_140 = tpu.memref_slice %arg19[%and3A_56] : memref<2x!tpu.dma_semaphore, #tpu.memory_space<semaphore_mem>> -> memref<1x!tpu.dma_semaphore, #tpu.memory_space<semaphore_mem>>
    %dma_start3A_141 = tpu.memref_squeeze %dma_start3A_140 : memref<1x!tpu.dma_semaphore, #tpu.memory_space<semaphore_mem>> -> memref<!tpu.dma_semaphore, #tpu.memory_space<semaphore_mem>>
    %dma_start3A_142 = arith.constant 0 : i32
    %dma_start3A_143 = arith.constant 0 : i32
    %dma_start3A_144 = tpu.memref_slice %arg13[%and3A_56, %dma_start3A_131, %dma_start3A_142, %dma_start3A_143] : memref<2x16x8x32xf32, #tpu.memory_space<vmem>> -> memref<1x1x8x32xf32, #tpu.memory_space<vmem>>
    %dma_start3A_145 = tpu.memref_squeeze %dma_start3A_144 : memref<1x1x8x32xf32, #tpu.memory_space<vmem>> -> memref<8x32xf32, #tpu.memory_space<vmem>>
    %dma_start3A_146 = arith.constant 0 : i32
    %dma_start3A_147 = arith.constant 0 : i32
    %dma_start3A_148 = tpu.memref_slice %arg6[%squeeze3A_130, %dma_start3A_146, %dma_start3A_147] : memref<125000x8x32xf32, #tpu.memory_space<hbm>> -> memref<1x8x32xf32, #tpu.memory_space<hbm>>
    %dma_start3A_149 = tpu.memref_squeeze %dma_start3A_148 : memref<1x8x32xf32, #tpu.memory_space<hbm>> -> memref<8x32xf32, #tpu.memory_space<hbm>>
    tpu.enqueue_dma source(%dma_start3A_149 : memref<8x32xf32, #tpu.memory_space<hbm>>) target(%dma_start3A_145 : memref<8x32xf32, #tpu.memory_space<vmem>>) target_semaphore(%dma_start3A_141 : memref<!tpu.dma_semaphore, #tpu.memory_space<semaphore_mem>>)
    %slice3A_150 = vector.extract_strided_slice %shift_right_arithmetic3A_62 {offsets = [2], sizes = [1], strides = [1]} : vector<16xi32> to vector<1xi32>
    %squeeze3A_151 = vector.extract %slice3A_150[0] : i32 from vector<1xi32>
    %dma_start3A_152 = arith.constant 2 : i32
    %dma_start3A_153 = arith.constant 0 : i32
    %dma_start3A_154 = arith.constant 0 : i32
    %dma_start3A_155 = tpu.memref_slice %arg12[%and3A_56, %dma_start3A_152, %dma_start3A_153, %dma_start3A_154] : memref<2x16x8x32xf32, #tpu.memory_space<vmem>> -> memref<1x1x8x32xf32, #tpu.memory_space<vmem>>
    %dma_start3A_156 = tpu.memref_squeeze %dma_start3A_155 : memref<1x1x8x32xf32, #tpu.memory_space<vmem>> -> memref<8x32xf32, #tpu.memory_space<vmem>>
    %dma_start3A_157 = arith.constant 0 : i32
    %dma_start3A_158 = arith.constant 0 : i32
    %dma_start3A_159 = tpu.memref_slice %arg5[%squeeze3A_151, %dma_start3A_157, %dma_start3A_158] : memref<125000x8x32xf32, #tpu.memory_space<hbm>> -> memref<1x8x32xf32, #tpu.memory_space<hbm>>
    %dma_start3A_160 = tpu.memref_squeeze %dma_start3A_159 : memref<1x8x32xf32, #tpu.memory_space<hbm>> -> memref<8x32xf32, #tpu.memory_space<hbm>>
    %dma_start3A_161 = tpu.memref_slice %arg18[%and3A_56] : memref<2x!tpu.dma_semaphore, #tpu.memory_space<semaphore_mem>> -> memref<1x!tpu.dma_semaphore, #tpu.memory_space<semaphore_mem>>
    %dma_start3A_162 = tpu.memref_squeeze %dma_start3A_161 : memref<1x!tpu.dma_semaphore, #tpu.memory_space<semaphore_mem>> -> memref<!tpu.dma_semaphore, #tpu.memory_space<semaphore_mem>>
    %dma_start3A_163 = arith.constant 0 : i32
    %dma_start3A_164 = arith.constant 0 : i32
    %dma_start3A_165 = tpu.memref_slice %arg12[%and3A_56, %dma_start3A_152, %dma_start3A_163, %dma_start3A_164] : memref<2x16x8x32xf32, #tpu.memory_space<vmem>> -> memref<1x1x8x32xf32, #tpu.memory_space<vmem>>
    %dma_start3A_166 = tpu.memref_squeeze %dma_start3A_165 : memref<1x1x8x32xf32, #tpu.memory_space<vmem>> -> memref<8x32xf32, #tpu.memory_space<vmem>>
    %dma_start3A_167 = arith.constant 0 : i32
    %dma_start3A_168 = arith.constant 0 : i32
    %dma_start3A_169 = tpu.memref_slice %arg5[%squeeze3A_151, %dma_start3A_167, %dma_start3A_168] : memref<125000x8x32xf32, #tpu.memory_space<hbm>> -> memref<1x8x32xf32, #tpu.memory_space<hbm>>
    %dma_start3A_170 = tpu.memref_squeeze %dma_start3A_169 : memref<1x8x32xf32, #tpu.memory_space<hbm>> -> memref<8x32xf32, #tpu.memory_space<hbm>>
    tpu.enqueue_dma source(%dma_start3A_170 : memref<8x32xf32, #tpu.memory_space<hbm>>) target(%dma_start3A_166 : memref<8x32xf32, #tpu.memory_space<vmem>>) target_semaphore(%dma_start3A_162 : memref<!tpu.dma_semaphore, #tpu.memory_space<semaphore_mem>>)
    %slice3A_171 = vector.extract_strided_slice %shift_right_arithmetic3A_68 {offsets = [2], sizes = [1], strides = [1]} : vector<16xi32> to vector<1xi32>
    %squeeze3A_172 = vector.extract %slice3A_171[0] : i32 from vector<1xi32>
    %dma_start3A_173 = arith.constant 2 : i32
    %dma_start3A_174 = arith.constant 0 : i32
    %dma_start3A_175 = arith.constant 0 : i32
    %dma_start3A_176 = tpu.memref_slice %arg13[%and3A_56, %dma_start3A_173, %dma_start3A_174, %dma_start3A_175] : memref<2x16x8x32xf32, #tpu.memory_space<vmem>> -> memref<1x1x8x32xf32, #tpu.memory_space<vmem>>
    %dma_start3A_177 = tpu.memref_squeeze %dma_start3A_176 : memref<1x1x8x32xf32, #tpu.memory_space<vmem>> -> memref<8x32xf32, #tpu.memory_space<vmem>>
    %dma_start3A_178 = arith.constant 0 : i32
    %dma_start3A_179 = arith.constant 0 : i32
    %dma_start3A_180 = tpu.memref_slice %arg6[%squeeze3A_172, %dma_start3A_178, %dma_start3A_179] : memref<125000x8x32xf32, #tpu.memory_space<hbm>> -> memref<1x8x32xf32, #tpu.memory_space<hbm>>
    %dma_start3A_181 = tpu.memref_squeeze %dma_start3A_180 : memref<1x8x32xf32, #tpu.memory_space<hbm>> -> memref<8x32xf32, #tpu.memory_space<hbm>>
    %dma_start3A_182 = tpu.memref_slice %arg19[%and3A_56] : memref<2x!tpu.dma_semaphore, #tpu.memory_space<semaphore_mem>> -> memref<1x!tpu.dma_semaphore, #tpu.memory_space<semaphore_mem>>
    %dma_start3A_183 = tpu.memref_squeeze %dma_start3A_182 : memref<1x!tpu.dma_semaphore, #tpu.memory_space<semaphore_mem>> -> memref<!tpu.dma_semaphore, #tpu.memory_space<semaphore_mem>>
    %dma_start3A_184 = arith.constant 0 : i32
    %dma_start3A_185 = arith.constant 0 : i32
    %dma_start3A_186 = tpu.memref_slice %arg13[%and3A_56, %dma_start3A_173, %dma_start3A_184, %dma_start3A_185] : memref<2x16x8x32xf32, #tpu.memory_space<vmem>> -> memref<1x1x8x32xf32, #tpu.memory_space<vmem>>
    %dma_start3A_187 = tpu.memref_squeeze %dma_start3A_186 : memref<1x1x8x32xf32, #tpu.memory_space<vmem>> -> memref<8x32xf32, #tpu.memory_space<vmem>>
    %dma_start3A_188 = arith.constant 0 : i32
    %dma_start3A_189 = arith.constant 0 : i32
    %dma_start3A_190 = tpu.memref_slice %arg6[%squeeze3A_172, %dma_start3A_188, %dma_start3A_189] : memref<125000x8x32xf32, #tpu.memory_space<hbm>> -> memref<1x8x32xf32, #tpu.memory_space<hbm>>
    %dma_start3A_191 = tpu.memref_squeeze %dma_start3A_190 : memref<1x8x32xf32, #tpu.memory_space<hbm>> -> memref<8x32xf32, #tpu.memory_space<hbm>>
    tpu.enqueue_dma source(%dma_start3A_191 : memref<8x32xf32, #tpu.memory_space<hbm>>) target(%dma_start3A_187 : memref<8x32xf32, #tpu.memory_space<vmem>>) target_semaphore(%dma_start3A_183 : memref<!tpu.dma_semaphore, #tpu.memory_space<semaphore_mem>>)
    %slice3A_192 = vector.extract_strided_slice %shift_right_arithmetic3A_62 {offsets = [3], sizes = [1], strides = [1]} : vector<16xi32> to vector<1xi32>
    %squeeze3A_193 = vector.extract %slice3A_192[0] : i32 from vector<1xi32>
    %dma_start3A_194 = arith.constant 3 : i32
    %dma_start3A_195 = arith.constant 0 : i32
    %dma_start3A_196 = arith.constant 0 : i32
    %dma_start3A_197 = tpu.memref_slice %arg12[%and3A_56, %dma_start3A_194, %dma_start3A_195, %dma_start3A_196] : memref<2x16x8x32xf32, #tpu.memory_space<vmem>> -> memref<1x1x8x32xf32, #tpu.memory_space<vmem>>
    %dma_start3A_198 = tpu.memref_squeeze %dma_start3A_197 : memref<1x1x8x32xf32, #tpu.memory_space<vmem>> -> memref<8x32xf32, #tpu.memory_space<vmem>>
    %dma_start3A_199 = arith.constant 0 : i32
    %dma_start3A_200 = arith.constant 0 : i32
    %dma_start3A_201 = tpu.memref_slice %arg5[%squeeze3A_193, %dma_start3A_199, %dma_start3A_200] : memref<125000x8x32xf32, #tpu.memory_space<hbm>> -> memref<1x8x32xf32, #tpu.memory_space<hbm>>
    %dma_start3A_202 = tpu.memref_squeeze %dma_start3A_201 : memref<1x8x32xf32, #tpu.memory_space<hbm>> -> memref<8x32xf32, #tpu.memory_space<hbm>>
    %dma_start3A_203 = tpu.memref_slice %arg18[%and3A_56] : memref<2x!tpu.dma_semaphore, #tpu.memory_space<semaphore_mem>> -> memref<1x!tpu.dma_semaphore, #tpu.memory_space<semaphore_mem>>
    %dma_start3A_204 = tpu.memref_squeeze %dma_start3A_203 : memref<1x!tpu.dma_semaphore, #tpu.memory_space<semaphore_mem>> -> memref<!tpu.dma_semaphore, #tpu.memory_space<semaphore_mem>>
    %dma_start3A_205 = arith.constant 0 : i32
    %dma_start3A_206 = arith.constant 0 : i32
    %dma_start3A_207 = tpu.memref_slice %arg12[%and3A_56, %dma_start3A_194, %dma_start3A_205, %dma_start3A_206] : memref<2x16x8x32xf32, #tpu.memory_space<vmem>> -> memref<1x1x8x32xf32, #tpu.memory_space<vmem>>
    %dma_start3A_208 = tpu.memref_squeeze %dma_start3A_207 : memref<1x1x8x32xf32, #tpu.memory_space<vmem>> -> memref<8x32xf32, #tpu.memory_space<vmem>>
    %dma_start3A_209 = arith.constant 0 : i32
    %dma_start3A_210 = arith.constant 0 : i32
    %dma_start3A_211 = tpu.memref_slice %arg5[%squeeze3A_193, %dma_start3A_209, %dma_start3A_210] : memref<125000x8x32xf32, #tpu.memory_space<hbm>> -> memref<1x8x32xf32, #tpu.memory_space<hbm>>
    %dma_start3A_212 = tpu.memref_squeeze %dma_start3A_211 : memref<1x8x32xf32, #tpu.memory_space<hbm>> -> memref<8x32xf32, #tpu.memory_space<hbm>>
    tpu.enqueue_dma source(%dma_start3A_212 : memref<8x32xf32, #tpu.memory_space<hbm>>) target(%dma_start3A_208 : memref<8x32xf32, #tpu.memory_space<vmem>>) target_semaphore(%dma_start3A_204 : memref<!tpu.dma_semaphore, #tpu.memory_space<semaphore_mem>>)
    %slice3A_213 = vector.extract_strided_slice %shift_right_arithmetic3A_68 {offsets = [3], sizes = [1], strides = [1]} : vector<16xi32> to vector<1xi32>
    %squeeze3A_214 = vector.extract %slice3A_213[0] : i32 from vector<1xi32>
    %dma_start3A_215 = arith.constant 3 : i32
    %dma_start3A_216 = arith.constant 0 : i32
    %dma_start3A_217 = arith.constant 0 : i32
    %dma_start3A_218 = tpu.memref_slice %arg13[%and3A_56, %dma_start3A_215, %dma_start3A_216, %dma_start3A_217] : memref<2x16x8x32xf32, #tpu.memory_space<vmem>> -> memref<1x1x8x32xf32, #tpu.memory_space<vmem>>
    %dma_start3A_219 = tpu.memref_squeeze %dma_start3A_218 : memref<1x1x8x32xf32, #tpu.memory_space<vmem>> -> memref<8x32xf32, #tpu.memory_space<vmem>>
    %dma_start3A_220 = arith.constant 0 : i32
    %dma_start3A_221 = arith.constant 0 : i32
    %dma_start3A_222 = tpu.memref_slice %arg6[%squeeze3A_214, %dma_start3A_220, %dma_start3A_221] : memref<125000x8x32xf32, #tpu.memory_space<hbm>> -> memref<1x8x32xf32, #tpu.memory_space<hbm>>
    %dma_start3A_223 = tpu.memref_squeeze %dma_start3A_222 : memref<1x8x32xf32, #tpu.memory_space<hbm>> -> memref<8x32xf32, #tpu.memory_space<hbm>>
    %dma_start3A_224 = tpu.memref_slice %arg19[%and3A_56] : memref<2x!tpu.dma_semaphore, #tpu.memory_space<semaphore_mem>> -> memref<1x!tpu.dma_semaphore, #tpu.memory_space<semaphore_mem>>
    %dma_start3A_225 = tpu.memref_squeeze %dma_start3A_224 : memref<1x!tpu.dma_semaphore, #tpu.memory_space<semaphore_mem>> -> memref<!tpu.dma_semaphore, #tpu.memory_space<semaphore_mem>>
    %dma_start3A_226 = arith.constant 0 : i32
    %dma_start3A_227 = arith.constant 0 : i32
    %dma_start3A_228 = tpu.memref_slice %arg13[%and3A_56, %dma_start3A_215, %dma_start3A_226, %dma_start3A_227] : memref<2x16x8x32xf32, #tpu.memory_space<vmem>> -> memref<1x1x8x32xf32, #tpu.memory_space<vmem>>
    %dma_start3A_229 = tpu.memref_squeeze %dma_start3A_228 : memref<1x1x8x32xf32, #tpu.memory_space<vmem>> -> memref<8x32xf32, #tpu.memory_space<vmem>>
    %dma_start3A_230 = arith.constant 0 : i32
    %dma_start3A_231 = arith.constant 0 : i32
    %dma_start3A_232 = tpu.memref_slice %arg6[%squeeze3A_214, %dma_start3A_230, %dma_start3A_231] : memref<125000x8x32xf32, #tpu.memory_space<hbm>> -> memref<1x8x32xf32, #tpu.memory_space<hbm>>
    %dma_start3A_233 = tpu.memref_squeeze %dma_start3A_232 : memref<1x8x32xf32, #tpu.memory_space<hbm>> -> memref<8x32xf32, #tpu.memory_space<hbm>>
    tpu.enqueue_dma source(%dma_start3A_233 : memref<8x32xf32, #tpu.memory_space<hbm>>) target(%dma_start3A_229 : memref<8x32xf32, #tpu.memory_space<vmem>>) target_semaphore(%dma_start3A_225 : memref<!tpu.dma_semaphore, #tpu.memory_space<semaphore_mem>>)
    %slice3A_234 = vector.extract_strided_slice %shift_right_arithmetic3A_62 {offsets = [4], sizes = [1], strides = [1]} : vector<16xi32> to vector<1xi32>
    %squeeze3A_235 = vector.extract %slice3A_234[0] : i32 from vector<1xi32>
    %dma_start3A_236 = arith.constant 4 : i32
    %dma_start3A_237 = arith.constant 0 : i32
    %dma_start3A_238 = arith.constant 0 : i32
    %dma_start3A_239 = tpu.memref_slice %arg12[%and3A_56, %dma_start3A_236, %dma_start3A_237, %dma_start3A_238] : memref<2x16x8x32xf32, #tpu.memory_space<vmem>> -> memref<1x1x8x32xf32, #tpu.memory_space<vmem>>
    %dma_start3A_240 = tpu.memref_squeeze %dma_start3A_239 : memref<1x1x8x32xf32, #tpu.memory_space<vmem>> -> memref<8x32xf32, #tpu.memory_space<vmem>>
    %dma_start3A_241 = arith.constant 0 : i32
    %dma_start3A_242 = arith.constant 0 : i32
    %dma_start3A_243 = tpu.memref_slice %arg5[%squeeze3A_235, %dma_start3A_241, %dma_start3A_242] : memref<125000x8x32xf32, #tpu.memory_space<hbm>> -> memref<1x8x32xf32, #tpu.memory_space<hbm>>
    %dma_start3A_244 = tpu.memref_squeeze %dma_start3A_243 : memref<1x8x32xf32, #tpu.memory_space<hbm>> -> memref<8x32xf32, #tpu.memory_space<hbm>>
    %dma_start3A_245 = tpu.memref_slice %arg18[%and3A_56] : memref<2x!tpu.dma_semaphore, #tpu.memory_space<semaphore_mem>> -> memref<1x!tpu.dma_semaphore, #tpu.memory_space<semaphore_mem>>
    %dma_start3A_246 = tpu.memref_squeeze %dma_start3A_245 : memref<1x!tpu.dma_semaphore, #tpu.memory_space<semaphore_mem>> -> memref<!tpu.dma_semaphore, #tpu.memory_space<semaphore_mem>>
    %dma_start3A_247 = arith.constant 0 : i32
    %dma_start3A_248 = arith.constant 0 : i32
    %dma_start3A_249 = tpu.memref_slice %arg12[%and3A_56, %dma_start3A_236, %dma_start3A_247, %dma_start3A_248] : memref<2x16x8x32xf32, #tpu.memory_space<vmem>> -> memref<1x1x8x32xf32, #tpu.memory_space<vmem>>
    %dma_start3A_250 = tpu.memref_squeeze %dma_start3A_249 : memref<1x1x8x32xf32, #tpu.memory_space<vmem>> -> memref<8x32xf32, #tpu.memory_space<vmem>>
    %dma_start3A_251 = arith.constant 0 : i32
    %dma_start3A_252 = arith.constant 0 : i32
    %dma_start3A_253 = tpu.memref_slice %arg5[%squeeze3A_235, %dma_start3A_251, %dma_start3A_252] : memref<125000x8x32xf32, #tpu.memory_space<hbm>> -> memref<1x8x32xf32, #tpu.memory_space<hbm>>
    %dma_start3A_254 = tpu.memref_squeeze %dma_start3A_253 : memref<1x8x32xf32, #tpu.memory_space<hbm>> -> memref<8x32xf32, #tpu.memory_space<hbm>>
    tpu.enqueue_dma source(%dma_start3A_254 : memref<8x32xf32, #tpu.memory_space<hbm>>) target(%dma_start3A_250 : memref<8x32xf32, #tpu.memory_space<vmem>>) target_semaphore(%dma_start3A_246 : memref<!tpu.dma_semaphore, #tpu.memory_space<semaphore_mem>>)
    %slice3A_255 = vector.extract_strided_slice %shift_right_arithmetic3A_68 {offsets = [4], sizes = [1], strides = [1]} : vector<16xi32> to vector<1xi32>
    %squeeze3A_256 = vector.extract %slice3A_255[0] : i32 from vector<1xi32>
    %dma_start3A_257 = arith.constant 4 : i32
    %dma_start3A_258 = arith.constant 0 : i32
    %dma_start3A_259 = arith.constant 0 : i32
    %dma_start3A_260 = tpu.memref_slice %arg13[%and3A_56, %dma_start3A_257, %dma_start3A_258, %dma_start3A_259] : memref<2x16x8x32xf32, #tpu.memory_space<vmem>> -> memref<1x1x8x32xf32, #tpu.memory_space<vmem>>
    %dma_start3A_261 = tpu.memref_squeeze %dma_start3A_260 : memref<1x1x8x32xf32, #tpu.memory_space<vmem>> -> memref<8x32xf32, #tpu.memory_space<vmem>>
    %dma_start3A_262 = arith.constant 0 : i32
    %dma_start3A_263 = arith.constant 0 : i32
    %dma_start3A_264 = tpu.memref_slice %arg6[%squeeze3A_256, %dma_start3A_262, %dma_start3A_263] : memref<125000x8x32xf32, #tpu.memory_space<hbm>> -> memref<1x8x32xf32, #tpu.memory_space<hbm>>
    %dma_start3A_265 = tpu.memref_squeeze %dma_start3A_264 : memref<1x8x32xf32, #tpu.memory_space<hbm>> -> memref<8x32xf32, #tpu.memory_space<hbm>>
    %dma_start3A_266 = tpu.memref_slice %arg19[%and3A_56] : memref<2x!tpu.dma_semaphore, #tpu.memory_space<semaphore_mem>> -> memref<1x!tpu.dma_semaphore, #tpu.memory_space<semaphore_mem>>
    %dma_start3A_267 = tpu.memref_squeeze %dma_start3A_266 : memref<1x!tpu.dma_semaphore, #tpu.memory_space<semaphore_mem>> -> memref<!tpu.dma_semaphore, #tpu.memory_space<semaphore_mem>>
    %dma_start3A_268 = arith.constant 0 : i32
    %dma_start3A_269 = arith.constant 0 : i32
    %dma_start3A_270 = tpu.memref_slice %arg13[%and3A_56, %dma_start3A_257, %dma_start3A_268, %dma_start3A_269] : memref<2x16x8x32xf32, #tpu.memory_space<vmem>> -> memref<1x1x8x32xf32, #tpu.memory_space<vmem>>
    %dma_start3A_271 = tpu.memref_squeeze %dma_start3A_270 : memref<1x1x8x32xf32, #tpu.memory_space<vmem>> -> memref<8x32xf32, #tpu.memory_space<vmem>>
    %dma_start3A_272 = arith.constant 0 : i32
    %dma_start3A_273 = arith.constant 0 : i32
    %dma_start3A_274 = tpu.memref_slice %arg6[%squeeze3A_256, %dma_start3A_272, %dma_start3A_273] : memref<125000x8x32xf32, #tpu.memory_space<hbm>> -> memref<1x8x32xf32, #tpu.memory_space<hbm>>
    %dma_start3A_275 = tpu.memref_squeeze %dma_start3A_274 : memref<1x8x32xf32, #tpu.memory_space<hbm>> -> memref<8x32xf32, #tpu.memory_space<hbm>>
    tpu.enqueue_dma source(%dma_start3A_275 : memref<8x32xf32, #tpu.memory_space<hbm>>) target(%dma_start3A_271 : memref<8x32xf32, #tpu.memory_space<vmem>>) target_semaphore(%dma_start3A_267 : memref<!tpu.dma_semaphore, #tpu.memory_space<semaphore_mem>>)
    %slice3A_276 = vector.extract_strided_slice %shift_right_arithmetic3A_62 {offsets = [5], sizes = [1], strides = [1]} : vector<16xi32> to vector<1xi32>
    %squeeze3A_277 = vector.extract %slice3A_276[0] : i32 from vector<1xi32>
    %dma_start3A_278 = arith.constant 5 : i32
    %dma_start3A_279 = arith.constant 0 : i32
    %dma_start3A_280 = arith.constant 0 : i32
    %dma_start3A_281 = tpu.memref_slice %arg12[%and3A_56, %dma_start3A_278, %dma_start3A_279, %dma_start3A_280] : memref<2x16x8x32xf32, #tpu.memory_space<vmem>> -> memref<1x1x8x32xf32, #tpu.memory_space<vmem>>
    %dma_start3A_282 = tpu.memref_squeeze %dma_start3A_281 : memref<1x1x8x32xf32, #tpu.memory_space<vmem>> -> memref<8x32xf32, #tpu.memory_space<vmem>>
    %dma_start3A_283 = arith.constant 0 : i32
    %dma_start3A_284 = arith.constant 0 : i32
    %dma_start3A_285 = tpu.memref_slice %arg5[%squeeze3A_277, %dma_start3A_283, %dma_start3A_284] : memref<125000x8x32xf32, #tpu.memory_space<hbm>> -> memref<1x8x32xf32, #tpu.memory_space<hbm>>
    %dma_start3A_286 = tpu.memref_squeeze %dma_start3A_285 : memref<1x8x32xf32, #tpu.memory_space<hbm>> -> memref<8x32xf32, #tpu.memory_space<hbm>>
    %dma_start3A_287 = tpu.memref_slice %arg18[%and3A_56] : memref<2x!tpu.dma_semaphore, #tpu.memory_space<semaphore_mem>> -> memref<1x!tpu.dma_semaphore, #tpu.memory_space<semaphore_mem>>
    %dma_start3A_288 = tpu.memref_squeeze %dma_start3A_287 : memref<1x!tpu.dma_semaphore, #tpu.memory_space<semaphore_mem>> -> memref<!tpu.dma_semaphore, #tpu.memory_space<semaphore_mem>>
    %dma_start3A_289 = arith.constant 0 : i32
    %dma_start3A_290 = arith.constant 0 : i32
    %dma_start3A_291 = tpu.memref_slice %arg12[%and3A_56, %dma_start3A_278, %dma_start3A_289, %dma_start3A_290] : memref<2x16x8x32xf32, #tpu.memory_space<vmem>> -> memref<1x1x8x32xf32, #tpu.memory_space<vmem>>
    %dma_start3A_292 = tpu.memref_squeeze %dma_start3A_291 : memref<1x1x8x32xf32, #tpu.memory_space<vmem>> -> memref<8x32xf32, #tpu.memory_space<vmem>>
    %dma_start3A_293 = arith.constant 0 : i32
    %dma_start3A_294 = arith.constant 0 : i32
    %dma_start3A_295 = tpu.memref_slice %arg5[%squeeze3A_277, %dma_start3A_293, %dma_start3A_294] : memref<125000x8x32xf32, #tpu.memory_space<hbm>> -> memref<1x8x32xf32, #tpu.memory_space<hbm>>
    %dma_start3A_296 = tpu.memref_squeeze %dma_start3A_295 : memref<1x8x32xf32, #tpu.memory_space<hbm>> -> memref<8x32xf32, #tpu.memory_space<hbm>>
    tpu.enqueue_dma source(%dma_start3A_296 : memref<8x32xf32, #tpu.memory_space<hbm>>) target(%dma_start3A_292 : memref<8x32xf32, #tpu.memory_space<vmem>>) target_semaphore(%dma_start3A_288 : memref<!tpu.dma_semaphore, #tpu.memory_space<semaphore_mem>>)
    %slice3A_297 = vector.extract_strided_slice %shift_right_arithmetic3A_68 {offsets = [5], sizes = [1], strides = [1]} : vector<16xi32> to vector<1xi32>
    %squeeze3A_298 = vector.extract %slice3A_297[0] : i32 from vector<1xi32>
    %dma_start3A_299 = arith.constant 5 : i32
    %dma_start3A_300 = arith.constant 0 : i32
    %dma_start3A_301 = arith.constant 0 : i32
    %dma_start3A_302 = tpu.memref_slice %arg13[%and3A_56, %dma_start3A_299, %dma_start3A_300, %dma_start3A_301] : memref<2x16x8x32xf32, #tpu.memory_space<vmem>> -> memref<1x1x8x32xf32, #tpu.memory_space<vmem>>
    %dma_start3A_303 = tpu.memref_squeeze %dma_start3A_302 : memref<1x1x8x32xf32, #tpu.memory_space<vmem>> -> memref<8x32xf32, #tpu.memory_space<vmem>>
    %dma_start3A_304 = arith.constant 0 : i32
    %dma_start3A_305 = arith.constant 0 : i32
    %dma_start3A_306 = tpu.memref_slice %arg6[%squeeze3A_298, %dma_start3A_304, %dma_start3A_305] : memref<125000x8x32xf32, #tpu.memory_space<hbm>> -> memref<1x8x32xf32, #tpu.memory_space<hbm>>
    %dma_start3A_307 = tpu.memref_squeeze %dma_start3A_306 : memref<1x8x32xf32, #tpu.memory_space<hbm>> -> memref<8x32xf32, #tpu.memory_space<hbm>>
    %dma_start3A_308 = tpu.memref_slice %arg19[%and3A_56] : memref<2x!tpu.dma_semaphore, #tpu.memory_space<semaphore_mem>> -> memref<1x!tpu.dma_semaphore, #tpu.memory_space<semaphore_mem>>
    %dma_start3A_309 = tpu.memref_squeeze %dma_start3A_308 : memref<1x!tpu.dma_semaphore, #tpu.memory_space<semaphore_mem>> -> memref<!tpu.dma_semaphore, #tpu.memory_space<semaphore_mem>>
    %dma_start3A_310 = arith.constant 0 : i32
    %dma_start3A_311 = arith.constant 0 : i32
    %dma_start3A_312 = tpu.memref_slice %arg13[%and3A_56, %dma_start3A_299, %dma_start3A_310, %dma_start3A_311] : memref<2x16x8x32xf32, #tpu.memory_space<vmem>> -> memref<1x1x8x32xf32, #tpu.memory_space<vmem>>
    %dma_start3A_313 = tpu.memref_squeeze %dma_start3A_312 : memref<1x1x8x32xf32, #tpu.memory_space<vmem>> -> memref<8x32xf32, #tpu.memory_space<vmem>>
    %dma_start3A_314 = arith.constant 0 : i32
    %dma_start3A_315 = arith.constant 0 : i32
    %dma_start3A_316 = tpu.memref_slice %arg6[%squeeze3A_298, %dma_start3A_314, %dma_start3A_315] : memref<125000x8x32xf32, #tpu.memory_space<hbm>> -> memref<1x8x32xf32, #tpu.memory_space<hbm>>
    %dma_start3A_317 = tpu.memref_squeeze %dma_start3A_316 : memref<1x8x32xf32, #tpu.memory_space<hbm>> -> memref<8x32xf32, #tpu.memory_space<hbm>>
    tpu.enqueue_dma source(%dma_start3A_317 : memref<8x32xf32, #tpu.memory_space<hbm>>) target(%dma_start3A_313 : memref<8x32xf32, #tpu.memory_space<vmem>>) target_semaphore(%dma_start3A_309 : memref<!tpu.dma_semaphore, #tpu.memory_space<semaphore_mem>>)
    %slice3A_318 = vector.extract_strided_slice %shift_right_arithmetic3A_62 {offsets = [6], sizes = [1], strides = [1]} : vector<16xi32> to vector<1xi32>
    %squeeze3A_319 = vector.extract %slice3A_318[0] : i32 from vector<1xi32>
    %dma_start3A_320 = arith.constant 6 : i32
    %dma_start3A_321 = arith.constant 0 : i32
    %dma_start3A_322 = arith.constant 0 : i32
    %dma_start3A_323 = tpu.memref_slice %arg12[%and3A_56, %dma_start3A_320, %dma_start3A_321, %dma_start3A_322] : memref<2x16x8x32xf32, #tpu.memory_space<vmem>> -> memref<1x1x8x32xf32, #tpu.memory_space<vmem>>
    %dma_start3A_324 = tpu.memref_squeeze %dma_start3A_323 : memref<1x1x8x32xf32, #tpu.memory_space<vmem>> -> memref<8x32xf32, #tpu.memory_space<vmem>>
    %dma_start3A_325 = arith.constant 0 : i32
    %dma_start3A_326 = arith.constant 0 : i32
    %dma_start3A_327 = tpu.memref_slice %arg5[%squeeze3A_319, %dma_start3A_325, %dma_start3A_326] : memref<125000x8x32xf32, #tpu.memory_space<hbm>> -> memref<1x8x32xf32, #tpu.memory_space<hbm>>
    %dma_start3A_328 = tpu.memref_squeeze %dma_start3A_327 : memref<1x8x32xf32, #tpu.memory_space<hbm>> -> memref<8x32xf32, #tpu.memory_space<hbm>>
    %dma_start3A_329 = tpu.memref_slice %arg18[%and3A_56] : memref<2x!tpu.dma_semaphore, #tpu.memory_space<semaphore_mem>> -> memref<1x!tpu.dma_semaphore, #tpu.memory_space<semaphore_mem>>
    %dma_start3A_330 = tpu.memref_squeeze %dma_start3A_329 : memref<1x!tpu.dma_semaphore, #tpu.memory_space<semaphore_mem>> -> memref<!tpu.dma_semaphore, #tpu.memory_space<semaphore_mem>>
    %dma_start3A_331 = arith.constant 0 : i32
    %dma_start3A_332 = arith.constant 0 : i32
    %dma_start3A_333 = tpu.memref_slice %arg12[%and3A_56, %dma_start3A_320, %dma_start3A_331, %dma_start3A_332] : memref<2x16x8x32xf32, #tpu.memory_space<vmem>> -> memref<1x1x8x32xf32, #tpu.memory_space<vmem>>
    %dma_start3A_334 = tpu.memref_squeeze %dma_start3A_333 : memref<1x1x8x32xf32, #tpu.memory_space<vmem>> -> memref<8x32xf32, #tpu.memory_space<vmem>>
    %dma_start3A_335 = arith.constant 0 : i32
    %dma_start3A_336 = arith.constant 0 : i32
    %dma_start3A_337 = tpu.memref_slice %arg5[%squeeze3A_319, %dma_start3A_335, %dma_start3A_336] : memref<125000x8x32xf32, #tpu.memory_space<hbm>> -> memref<1x8x32xf32, #tpu.memory_space<hbm>>
    %dma_start3A_338 = tpu.memref_squeeze %dma_start3A_337 : memref<1x8x32xf32, #tpu.memory_space<hbm>> -> memref<8x32xf32, #tpu.memory_space<hbm>>
    tpu.enqueue_dma source(%dma_start3A_338 : memref<8x32xf32, #tpu.memory_space<hbm>>) target(%dma_start3A_334 : memref<8x32xf32, #tpu.memory_space<vmem>>) target_semaphore(%dma_start3A_330 : memref<!tpu.dma_semaphore, #tpu.memory_space<semaphore_mem>>)
    %slice3A_339 = vector.extract_strided_slice %shift_right_arithmetic3A_68 {offsets = [6], sizes = [1], strides = [1]} : vector<16xi32> to vector<1xi32>
    %squeeze3A_340 = vector.extract %slice3A_339[0] : i32 from vector<1xi32>
    %dma_start3A_341 = arith.constant 6 : i32
    %dma_start3A_342 = arith.constant 0 : i32
    %dma_start3A_343 = arith.constant 0 : i32
    %dma_start3A_344 = tpu.memref_slice %arg13[%and3A_56, %dma_start3A_341, %dma_start3A_342, %dma_start3A_343] : memref<2x16x8x32xf32, #tpu.memory_space<vmem>> -> memref<1x1x8x32xf32, #tpu.memory_space<vmem>>
    %dma_start3A_345 = tpu.memref_squeeze %dma_start3A_344 : memref<1x1x8x32xf32, #tpu.memory_space<vmem>> -> memref<8x32xf32, #tpu.memory_space<vmem>>
    %dma_start3A_346 = arith.constant 0 : i32
    %dma_start3A_347 = arith.constant 0 : i32
    %dma_start3A_348 = tpu.memref_slice %arg6[%squeeze3A_340, %dma_start3A_346, %dma_start3A_347] : memref<125000x8x32xf32, #tpu.memory_space<hbm>> -> memref<1x8x32xf32, #tpu.memory_space<hbm>>
    %dma_start3A_349 = tpu.memref_squeeze %dma_start3A_348 : memref<1x8x32xf32, #tpu.memory_space<hbm>> -> memref<8x32xf32, #tpu.memory_space<hbm>>
    %dma_start3A_350 = tpu.memref_slice %arg19[%and3A_56] : memref<2x!tpu.dma_semaphore, #tpu.memory_space<semaphore_mem>> -> memref<1x!tpu.dma_semaphore, #tpu.memory_space<semaphore_mem>>
    %dma_start3A_351 = tpu.memref_squeeze %dma_start3A_350 : memref<1x!tpu.dma_semaphore, #tpu.memory_space<semaphore_mem>> -> memref<!tpu.dma_semaphore, #tpu.memory_space<semaphore_mem>>
    %dma_start3A_352 = arith.constant 0 : i32
    %dma_start3A_353 = arith.constant 0 : i32
    %dma_start3A_354 = tpu.memref_slice %arg13[%and3A_56, %dma_start3A_341, %dma_start3A_352, %dma_start3A_353] : memref<2x16x8x32xf32, #tpu.memory_space<vmem>> -> memref<1x1x8x32xf32, #tpu.memory_space<vmem>>
    %dma_start3A_355 = tpu.memref_squeeze %dma_start3A_354 : memref<1x1x8x32xf32, #tpu.memory_space<vmem>> -> memref<8x32xf32, #tpu.memory_space<vmem>>
    %dma_start3A_356 = arith.constant 0 : i32
    %dma_start3A_357 = arith.constant 0 : i32
    %dma_start3A_358 = tpu.memref_slice %arg6[%squeeze3A_340, %dma_start3A_356, %dma_start3A_357] : memref<125000x8x32xf32, #tpu.memory_space<hbm>> -> memref<1x8x32xf32, #tpu.memory_space<hbm>>
    %dma_start3A_359 = tpu.memref_squeeze %dma_start3A_358 : memref<1x8x32xf32, #tpu.memory_space<hbm>> -> memref<8x32xf32, #tpu.memory_space<hbm>>
    tpu.enqueue_dma source(%dma_start3A_359 : memref<8x32xf32, #tpu.memory_space<hbm>>) target(%dma_start3A_355 : memref<8x32xf32, #tpu.memory_space<vmem>>) target_semaphore(%dma_start3A_351 : memref<!tpu.dma_semaphore, #tpu.memory_space<semaphore_mem>>)
    %slice3A_360 = vector.extract_strided_slice %shift_right_arithmetic3A_62 {offsets = [7], sizes = [1], strides = [1]} : vector<16xi32> to vector<1xi32>
    %squeeze3A_361 = vector.extract %slice3A_360[0] : i32 from vector<1xi32>
    %dma_start3A_362 = arith.constant 7 : i32
    %dma_start3A_363 = arith.constant 0 : i32
    %dma_start3A_364 = arith.constant 0 : i32
    %dma_start3A_365 = tpu.memref_slice %arg12[%and3A_56, %dma_start3A_362, %dma_start3A_363, %dma_start3A_364] : memref<2x16x8x32xf32, #tpu.memory_space<vmem>> -> memref<1x1x8x32xf32, #tpu.memory_space<vmem>>
    %dma_start3A_366 = tpu.memref_squeeze %dma_start3A_365 : memref<1x1x8x32xf32, #tpu.memory_space<vmem>> -> memref<8x32xf32, #tpu.memory_space<vmem>>
    %dma_start3A_367 = arith.constant 0 : i32
    %dma_start3A_368 = arith.constant 0 : i32
    %dma_start3A_369 = tpu.memref_slice %arg5[%squeeze3A_361, %dma_start3A_367, %dma_start3A_368] : memref<125000x8x32xf32, #tpu.memory_space<hbm>> -> memref<1x8x32xf32, #tpu.memory_space<hbm>>
    %dma_start3A_370 = tpu.memref_squeeze %dma_start3A_369 : memref<1x8x32xf32, #tpu.memory_space<hbm>> -> memref<8x32xf32, #tpu.memory_space<hbm>>
    %dma_start3A_371 = tpu.memref_slice %arg18[%and3A_56] : memref<2x!tpu.dma_semaphore, #tpu.memory_space<semaphore_mem>> -> memref<1x!tpu.dma_semaphore, #tpu.memory_space<semaphore_mem>>
    %dma_start3A_372 = tpu.memref_squeeze %dma_start3A_371 : memref<1x!tpu.dma_semaphore, #tpu.memory_space<semaphore_mem>> -> memref<!tpu.dma_semaphore, #tpu.memory_space<semaphore_mem>>
    %dma_start3A_373 = arith.constant 0 : i32
    %dma_start3A_374 = arith.constant 0 : i32
    %dma_start3A_375 = tpu.memref_slice %arg12[%and3A_56, %dma_start3A_362, %dma_start3A_373, %dma_start3A_374] : memref<2x16x8x32xf32, #tpu.memory_space<vmem>> -> memref<1x1x8x32xf32, #tpu.memory_space<vmem>>
    %dma_start3A_376 = tpu.memref_squeeze %dma_start3A_375 : memref<1x1x8x32xf32, #tpu.memory_space<vmem>> -> memref<8x32xf32, #tpu.memory_space<vmem>>
    %dma_start3A_377 = arith.constant 0 : i32
    %dma_start3A_378 = arith.constant 0 : i32
    %dma_start3A_379 = tpu.memref_slice %arg5[%squeeze3A_361, %dma_start3A_377, %dma_start3A_378] : memref<125000x8x32xf32, #tpu.memory_space<hbm>> -> memref<1x8x32xf32, #tpu.memory_space<hbm>>
    %dma_start3A_380 = tpu.memref_squeeze %dma_start3A_379 : memref<1x8x32xf32, #tpu.memory_space<hbm>> -> memref<8x32xf32, #tpu.memory_space<hbm>>
    tpu.enqueue_dma source(%dma_start3A_380 : memref<8x32xf32, #tpu.memory_space<hbm>>) target(%dma_start3A_376 : memref<8x32xf32, #tpu.memory_space<vmem>>) target_semaphore(%dma_start3A_372 : memref<!tpu.dma_semaphore, #tpu.memory_space<semaphore_mem>>)
    %slice3A_381 = vector.extract_strided_slice %shift_right_arithmetic3A_68 {offsets = [7], sizes = [1], strides = [1]} : vector<16xi32> to vector<1xi32>
    %squeeze3A_382 = vector.extract %slice3A_381[0] : i32 from vector<1xi32>
    %dma_start3A_383 = arith.constant 7 : i32
    %dma_start3A_384 = arith.constant 0 : i32
    %dma_start3A_385 = arith.constant 0 : i32
    %dma_start3A_386 = tpu.memref_slice %arg13[%and3A_56, %dma_start3A_383, %dma_start3A_384, %dma_start3A_385] : memref<2x16x8x32xf32, #tpu.memory_space<vmem>> -> memref<1x1x8x32xf32, #tpu.memory_space<vmem>>
    %dma_start3A_387 = tpu.memref_squeeze %dma_start3A_386 : memref<1x1x8x32xf32, #tpu.memory_space<vmem>> -> memref<8x32xf32, #tpu.memory_space<vmem>>
    %dma_start3A_388 = arith.constant 0 : i32
    %dma_start3A_389 = arith.constant 0 : i32
    %dma_start3A_390 = tpu.memref_slice %arg6[%squeeze3A_382, %dma_start3A_388, %dma_start3A_389] : memref<125000x8x32xf32, #tpu.memory_space<hbm>> -> memref<1x8x32xf32, #tpu.memory_space<hbm>>
    %dma_start3A_391 = tpu.memref_squeeze %dma_start3A_390 : memref<1x8x32xf32, #tpu.memory_space<hbm>> -> memref<8x32xf32, #tpu.memory_space<hbm>>
    %dma_start3A_392 = tpu.memref_slice %arg19[%and3A_56] : memref<2x!tpu.dma_semaphore, #tpu.memory_space<semaphore_mem>> -> memref<1x!tpu.dma_semaphore, #tpu.memory_space<semaphore_mem>>
    %dma_start3A_393 = tpu.memref_squeeze %dma_start3A_392 : memref<1x!tpu.dma_semaphore, #tpu.memory_space<semaphore_mem>> -> memref<!tpu.dma_semaphore, #tpu.memory_space<semaphore_mem>>
    %dma_start3A_394 = arith.constant 0 : i32
    %dma_start3A_395 = arith.constant 0 : i32
    %dma_start3A_396 = tpu.memref_slice %arg13[%and3A_56, %dma_start3A_383, %dma_start3A_394, %dma_start3A_395] : memref<2x16x8x32xf32, #tpu.memory_space<vmem>> -> memref<1x1x8x32xf32, #tpu.memory_space<vmem>>
    %dma_start3A_397 = tpu.memref_squeeze %dma_start3A_396 : memref<1x1x8x32xf32, #tpu.memory_space<vmem>> -> memref<8x32xf32, #tpu.memory_space<vmem>>
    %dma_start3A_398 = arith.constant 0 : i32
    %dma_start3A_399 = arith.constant 0 : i32
    %dma_start3A_400 = tpu.memref_slice %arg6[%squeeze3A_382, %dma_start3A_398, %dma_start3A_399] : memref<125000x8x32xf32, #tpu.memory_space<hbm>> -> memref<1x8x32xf32, #tpu.memory_space<hbm>>
    %dma_start3A_401 = tpu.memref_squeeze %dma_start3A_400 : memref<1x8x32xf32, #tpu.memory_space<hbm>> -> memref<8x32xf32, #tpu.memory_space<hbm>>
    tpu.enqueue_dma source(%dma_start3A_401 : memref<8x32xf32, #tpu.memory_space<hbm>>) target(%dma_start3A_397 : memref<8x32xf32, #tpu.memory_space<vmem>>) target_semaphore(%dma_start3A_393 : memref<!tpu.dma_semaphore, #tpu.memory_space<semaphore_mem>>)
    %slice3A_402 = vector.extract_strided_slice %shift_right_arithmetic3A_62 {offsets = [8], sizes = [1], strides = [1]} : vector<16xi32> to vector<1xi32>
    %squeeze3A_403 = vector.extract %slice3A_402[0] : i32 from vector<1xi32>
    %dma_start3A_404 = arith.constant 8 : i32
    %dma_start3A_405 = arith.constant 0 : i32
    %dma_start3A_406 = arith.constant 0 : i32
    %dma_start3A_407 = tpu.memref_slice %arg12[%and3A_56, %dma_start3A_404, %dma_start3A_405, %dma_start3A_406] : memref<2x16x8x32xf32, #tpu.memory_space<vmem>> -> memref<1x1x8x32xf32, #tpu.memory_space<vmem>>
    %dma_start3A_408 = tpu.memref_squeeze %dma_start3A_407 : memref<1x1x8x32xf32, #tpu.memory_space<vmem>> -> memref<8x32xf32, #tpu.memory_space<vmem>>
    %dma_start3A_409 = arith.constant 0 : i32
    %dma_start3A_410 = arith.constant 0 : i32
    %dma_start3A_411 = tpu.memref_slice %arg5[%squeeze3A_403, %dma_start3A_409, %dma_start3A_410] : memref<125000x8x32xf32, #tpu.memory_space<hbm>> -> memref<1x8x32xf32, #tpu.memory_space<hbm>>
    %dma_start3A_412 = tpu.memref_squeeze %dma_start3A_411 : memref<1x8x32xf32, #tpu.memory_space<hbm>> -> memref<8x32xf32, #tpu.memory_space<hbm>>
    %dma_start3A_413 = tpu.memref_slice %arg18[%and3A_56] : memref<2x!tpu.dma_semaphore, #tpu.memory_space<semaphore_mem>> -> memref<1x!tpu.dma_semaphore, #tpu.memory_space<semaphore_mem>>
    %dma_start3A_414 = tpu.memref_squeeze %dma_start3A_413 : memref<1x!tpu.dma_semaphore, #tpu.memory_space<semaphore_mem>> -> memref<!tpu.dma_semaphore, #tpu.memory_space<semaphore_mem>>
    %dma_start3A_415 = arith.constant 0 : i32
    %dma_start3A_416 = arith.constant 0 : i32
    %dma_start3A_417 = tpu.memref_slice %arg12[%and3A_56, %dma_start3A_404, %dma_start3A_415, %dma_start3A_416] : memref<2x16x8x32xf32, #tpu.memory_space<vmem>> -> memref<1x1x8x32xf32, #tpu.memory_space<vmem>>
    %dma_start3A_418 = tpu.memref_squeeze %dma_start3A_417 : memref<1x1x8x32xf32, #tpu.memory_space<vmem>> -> memref<8x32xf32, #tpu.memory_space<vmem>>
    %dma_start3A_419 = arith.constant 0 : i32
    %dma_start3A_420 = arith.constant 0 : i32
    %dma_start3A_421 = tpu.memref_slice %arg5[%squeeze3A_403, %dma_start3A_419, %dma_start3A_420] : memref<125000x8x32xf32, #tpu.memory_space<hbm>> -> memref<1x8x32xf32, #tpu.memory_space<hbm>>
    %dma_start3A_422 = tpu.memref_squeeze %dma_start3A_421 : memref<1x8x32xf32, #tpu.memory_space<hbm>> -> memref<8x32xf32, #tpu.memory_space<hbm>>
    tpu.enqueue_dma source(%dma_start3A_422 : memref<8x32xf32, #tpu.memory_space<hbm>>) target(%dma_start3A_418 : memref<8x32xf32, #tpu.memory_space<vmem>>) target_semaphore(%dma_start3A_414 : memref<!tpu.dma_semaphore, #tpu.memory_space<semaphore_mem>>)
    %slice3A_423 = vector.extract_strided_slice %shift_right_arithmetic3A_68 {offsets = [8], sizes = [1], strides = [1]} : vector<16xi32> to vector<1xi32>
    %squeeze3A_424 = vector.extract %slice3A_423[0] : i32 from vector<1xi32>
    %dma_start3A_425 = arith.constant 8 : i32
    %dma_start3A_426 = arith.constant 0 : i32
    %dma_start3A_427 = arith.constant 0 : i32
    %dma_start3A_428 = tpu.memref_slice %arg13[%and3A_56, %dma_start3A_425, %dma_start3A_426, %dma_start3A_427] : memref<2x16x8x32xf32, #tpu.memory_space<vmem>> -> memref<1x1x8x32xf32, #tpu.memory_space<vmem>>
    %dma_start3A_429 = tpu.memref_squeeze %dma_start3A_428 : memref<1x1x8x32xf32, #tpu.memory_space<vmem>> -> memref<8x32xf32, #tpu.memory_space<vmem>>
    %dma_start3A_430 = arith.constant 0 : i32
    %dma_start3A_431 = arith.constant 0 : i32
    %dma_start3A_432 = tpu.memref_slice %arg6[%squeeze3A_424, %dma_start3A_430, %dma_start3A_431] : memref<125000x8x32xf32, #tpu.memory_space<hbm>> -> memref<1x8x32xf32, #tpu.memory_space<hbm>>
    %dma_start3A_433 = tpu.memref_squeeze %dma_start3A_432 : memref<1x8x32xf32, #tpu.memory_space<hbm>> -> memref<8x32xf32, #tpu.memory_space<hbm>>
    %dma_start3A_434 = tpu.memref_slice %arg19[%and3A_56] : memref<2x!tpu.dma_semaphore, #tpu.memory_space<semaphore_mem>> -> memref<1x!tpu.dma_semaphore, #tpu.memory_space<semaphore_mem>>
    %dma_start3A_435 = tpu.memref_squeeze %dma_start3A_434 : memref<1x!tpu.dma_semaphore, #tpu.memory_space<semaphore_mem>> -> memref<!tpu.dma_semaphore, #tpu.memory_space<semaphore_mem>>
    %dma_start3A_436 = arith.constant 0 : i32
    %dma_start3A_437 = arith.constant 0 : i32
    %dma_start3A_438 = tpu.memref_slice %arg13[%and3A_56, %dma_start3A_425, %dma_start3A_436, %dma_start3A_437] : memref<2x16x8x32xf32, #tpu.memory_space<vmem>> -> memref<1x1x8x32xf32, #tpu.memory_space<vmem>>
    %dma_start3A_439 = tpu.memref_squeeze %dma_start3A_438 : memref<1x1x8x32xf32, #tpu.memory_space<vmem>> -> memref<8x32xf32, #tpu.memory_space<vmem>>
    %dma_start3A_440 = arith.constant 0 : i32
    %dma_start3A_441 = arith.constant 0 : i32
    %dma_start3A_442 = tpu.memref_slice %arg6[%squeeze3A_424, %dma_start3A_440, %dma_start3A_441] : memref<125000x8x32xf32, #tpu.memory_space<hbm>> -> memref<1x8x32xf32, #tpu.memory_space<hbm>>
    %dma_start3A_443 = tpu.memref_squeeze %dma_start3A_442 : memref<1x8x32xf32, #tpu.memory_space<hbm>> -> memref<8x32xf32, #tpu.memory_space<hbm>>
    tpu.enqueue_dma source(%dma_start3A_443 : memref<8x32xf32, #tpu.memory_space<hbm>>) target(%dma_start3A_439 : memref<8x32xf32, #tpu.memory_space<vmem>>) target_semaphore(%dma_start3A_435 : memref<!tpu.dma_semaphore, #tpu.memory_space<semaphore_mem>>)
    %slice3A_444 = vector.extract_strided_slice %shift_right_arithmetic3A_62 {offsets = [9], sizes = [1], strides = [1]} : vector<16xi32> to vector<1xi32>
    %squeeze3A_445 = vector.extract %slice3A_444[0] : i32 from vector<1xi32>
    %dma_start3A_446 = arith.constant 9 : i32
    %dma_start3A_447 = arith.constant 0 : i32
    %dma_start3A_448 = arith.constant 0 : i32
    %dma_start3A_449 = tpu.memref_slice %arg12[%and3A_56, %dma_start3A_446, %dma_start3A_447, %dma_start3A_448] : memref<2x16x8x32xf32, #tpu.memory_space<vmem>> -> memref<1x1x8x32xf32, #tpu.memory_space<vmem>>
    %dma_start3A_450 = tpu.memref_squeeze %dma_start3A_449 : memref<1x1x8x32xf32, #tpu.memory_space<vmem>> -> memref<8x32xf32, #tpu.memory_space<vmem>>
    %dma_start3A_451 = arith.constant 0 : i32
    %dma_start3A_452 = arith.constant 0 : i32
    %dma_start3A_453 = tpu.memref_slice %arg5[%squeeze3A_445, %dma_start3A_451, %dma_start3A_452] : memref<125000x8x32xf32, #tpu.memory_space<hbm>> -> memref<1x8x32xf32, #tpu.memory_space<hbm>>
    %dma_start3A_454 = tpu.memref_squeeze %dma_start3A_453 : memref<1x8x32xf32, #tpu.memory_space<hbm>> -> memref<8x32xf32, #tpu.memory_space<hbm>>
    %dma_start3A_455 = tpu.memref_slice %arg18[%and3A_56] : memref<2x!tpu.dma_semaphore, #tpu.memory_space<semaphore_mem>> -> memref<1x!tpu.dma_semaphore, #tpu.memory_space<semaphore_mem>>
    %dma_start3A_456 = tpu.memref_squeeze %dma_start3A_455 : memref<1x!tpu.dma_semaphore, #tpu.memory_space<semaphore_mem>> -> memref<!tpu.dma_semaphore, #tpu.memory_space<semaphore_mem>>
    %dma_start3A_457 = arith.constant 0 : i32
    %dma_start3A_458 = arith.constant 0 : i32
    %dma_start3A_459 = tpu.memref_slice %arg12[%and3A_56, %dma_start3A_446, %dma_start3A_457, %dma_start3A_458] : memref<2x16x8x32xf32, #tpu.memory_space<vmem>> -> memref<1x1x8x32xf32, #tpu.memory_space<vmem>>
    %dma_start3A_460 = tpu.memref_squeeze %dma_start3A_459 : memref<1x1x8x32xf32, #tpu.memory_space<vmem>> -> memref<8x32xf32, #tpu.memory_space<vmem>>
    %dma_start3A_461 = arith.constant 0 : i32
    %dma_start3A_462 = arith.constant 0 : i32
    %dma_start3A_463 = tpu.memref_slice %arg5[%squeeze3A_445, %dma_start3A_461, %dma_start3A_462] : memref<125000x8x32xf32, #tpu.memory_space<hbm>> -> memref<1x8x32xf32, #tpu.memory_space<hbm>>
    %dma_start3A_464 = tpu.memref_squeeze %dma_start3A_463 : memref<1x8x32xf32, #tpu.memory_space<hbm>> -> memref<8x32xf32, #tpu.memory_space<hbm>>
    tpu.enqueue_dma source(%dma_start3A_464 : memref<8x32xf32, #tpu.memory_space<hbm>>) target(%dma_start3A_460 : memref<8x32xf32, #tpu.memory_space<vmem>>) target_semaphore(%dma_start3A_456 : memref<!tpu.dma_semaphore, #tpu.memory_space<semaphore_mem>>)
    %slice3A_465 = vector.extract_strided_slice %shift_right_arithmetic3A_68 {offsets = [9], sizes = [1], strides = [1]} : vector<16xi32> to vector<1xi32>
    %squeeze3A_466 = vector.extract %slice3A_465[0] : i32 from vector<1xi32>
    %dma_start3A_467 = arith.constant 9 : i32
    %dma_start3A_468 = arith.constant 0 : i32
    %dma_start3A_469 = arith.constant 0 : i32
    %dma_start3A_470 = tpu.memref_slice %arg13[%and3A_56, %dma_start3A_467, %dma_start3A_468, %dma_start3A_469] : memref<2x16x8x32xf32, #tpu.memory_space<vmem>> -> memref<1x1x8x32xf32, #tpu.memory_space<vmem>>
    %dma_start3A_471 = tpu.memref_squeeze %dma_start3A_470 : memref<1x1x8x32xf32, #tpu.memory_space<vmem>> -> memref<8x32xf32, #tpu.memory_space<vmem>>
    %dma_start3A_472 = arith.constant 0 : i32
    %dma_start3A_473 = arith.constant 0 : i32
    %dma_start3A_474 = tpu.memref_slice %arg6[%squeeze3A_466, %dma_start3A_472, %dma_start3A_473] : memref<125000x8x32xf32, #tpu.memory_space<hbm>> -> memref<1x8x32xf32, #tpu.memory_space<hbm>>
    %dma_start3A_475 = tpu.memref_squeeze %dma_start3A_474 : memref<1x8x32xf32, #tpu.memory_space<hbm>> -> memref<8x32xf32, #tpu.memory_space<hbm>>
    %dma_start3A_476 = tpu.memref_slice %arg19[%and3A_56] : memref<2x!tpu.dma_semaphore, #tpu.memory_space<semaphore_mem>> -> memref<1x!tpu.dma_semaphore, #tpu.memory_space<semaphore_mem>>
    %dma_start3A_477 = tpu.memref_squeeze %dma_start3A_476 : memref<1x!tpu.dma_semaphore, #tpu.memory_space<semaphore_mem>> -> memref<!tpu.dma_semaphore, #tpu.memory_space<semaphore_mem>>
    %dma_start3A_478 = arith.constant 0 : i32
    %dma_start3A_479 = arith.constant 0 : i32
    %dma_start3A_480 = tpu.memref_slice %arg13[%and3A_56, %dma_start3A_467, %dma_start3A_478, %dma_start3A_479] : memref<2x16x8x32xf32, #tpu.memory_space<vmem>> -> memref<1x1x8x32xf32, #tpu.memory_space<vmem>>
    %dma_start3A_481 = tpu.memref_squeeze %dma_start3A_480 : memref<1x1x8x32xf32, #tpu.memory_space<vmem>> -> memref<8x32xf32, #tpu.memory_space<vmem>>
    %dma_start3A_482 = arith.constant 0 : i32
    %dma_start3A_483 = arith.constant 0 : i32
    %dma_start3A_484 = tpu.memref_slice %arg6[%squeeze3A_466, %dma_start3A_482, %dma_start3A_483] : memref<125000x8x32xf32, #tpu.memory_space<hbm>> -> memref<1x8x32xf32, #tpu.memory_space<hbm>>
    %dma_start3A_485 = tpu.memref_squeeze %dma_start3A_484 : memref<1x8x32xf32, #tpu.memory_space<hbm>> -> memref<8x32xf32, #tpu.memory_space<hbm>>
    tpu.enqueue_dma source(%dma_start3A_485 : memref<8x32xf32, #tpu.memory_space<hbm>>) target(%dma_start3A_481 : memref<8x32xf32, #tpu.memory_space<vmem>>) target_semaphore(%dma_start3A_477 : memref<!tpu.dma_semaphore, #tpu.memory_space<semaphore_mem>>)
    %slice3A_486 = vector.extract_strided_slice %shift_right_arithmetic3A_62 {offsets = [10], sizes = [1], strides = [1]} : vector<16xi32> to vector<1xi32>
    %squeeze3A_487 = vector.extract %slice3A_486[0] : i32 from vector<1xi32>
    %dma_start3A_488 = arith.constant 10 : i32
    %dma_start3A_489 = arith.constant 0 : i32
    %dma_start3A_490 = arith.constant 0 : i32
    %dma_start3A_491 = tpu.memref_slice %arg12[%and3A_56, %dma_start3A_488, %dma_start3A_489, %dma_start3A_490] : memref<2x16x8x32xf32, #tpu.memory_space<vmem>> -> memref<1x1x8x32xf32, #tpu.memory_space<vmem>>
    %dma_start3A_492 = tpu.memref_squeeze %dma_start3A_491 : memref<1x1x8x32xf32, #tpu.memory_space<vmem>> -> memref<8x32xf32, #tpu.memory_space<vmem>>
    %dma_start3A_493 = arith.constant 0 : i32
    %dma_start3A_494 = arith.constant 0 : i32
    %dma_start3A_495 = tpu.memref_slice %arg5[%squeeze3A_487, %dma_start3A_493, %dma_start3A_494] : memref<125000x8x32xf32, #tpu.memory_space<hbm>> -> memref<1x8x32xf32, #tpu.memory_space<hbm>>
    %dma_start3A_496 = tpu.memref_squeeze %dma_start3A_495 : memref<1x8x32xf32, #tpu.memory_space<hbm>> -> memref<8x32xf32, #tpu.memory_space<hbm>>
    %dma_start3A_497 = tpu.memref_slice %arg18[%and3A_56] : memref<2x!tpu.dma_semaphore, #tpu.memory_space<semaphore_mem>> -> memref<1x!tpu.dma_semaphore, #tpu.memory_space<semaphore_mem>>
    %dma_start3A_498 = tpu.memref_squeeze %dma_start3A_497 : memref<1x!tpu.dma_semaphore, #tpu.memory_space<semaphore_mem>> -> memref<!tpu.dma_semaphore, #tpu.memory_space<semaphore_mem>>
    %dma_start3A_499 = arith.constant 0 : i32
    %dma_start3A_500 = arith.constant 0 : i32
    %dma_start3A_501 = tpu.memref_slice %arg12[%and3A_56, %dma_start3A_488, %dma_start3A_499, %dma_start3A_500] : memref<2x16x8x32xf32, #tpu.memory_space<vmem>> -> memref<1x1x8x32xf32, #tpu.memory_space<vmem>>
    %dma_start3A_502 = tpu.memref_squeeze %dma_start3A_501 : memref<1x1x8x32xf32, #tpu.memory_space<vmem>> -> memref<8x32xf32, #tpu.memory_space<vmem>>
    %dma_start3A_503 = arith.constant 0 : i32
    %dma_start3A_504 = arith.constant 0 : i32
    %dma_start3A_505 = tpu.memref_slice %arg5[%squeeze3A_487, %dma_start3A_503, %dma_start3A_504] : memref<125000x8x32xf32, #tpu.memory_space<hbm>> -> memref<1x8x32xf32, #tpu.memory_space<hbm>>
    %dma_start3A_506 = tpu.memref_squeeze %dma_start3A_505 : memref<1x8x32xf32, #tpu.memory_space<hbm>> -> memref<8x32xf32, #tpu.memory_space<hbm>>
    tpu.enqueue_dma source(%dma_start3A_506 : memref<8x32xf32, #tpu.memory_space<hbm>>) target(%dma_start3A_502 : memref<8x32xf32, #tpu.memory_space<vmem>>) target_semaphore(%dma_start3A_498 : memref<!tpu.dma_semaphore, #tpu.memory_space<semaphore_mem>>)
    %slice3A_507 = vector.extract_strided_slice %shift_right_arithmetic3A_68 {offsets = [10], sizes = [1], strides = [1]} : vector<16xi32> to vector<1xi32>
    %squeeze3A_508 = vector.extract %slice3A_507[0] : i32 from vector<1xi32>
    %dma_start3A_509 = arith.constant 10 : i32
    %dma_start3A_510 = arith.constant 0 : i32
    %dma_start3A_511 = arith.constant 0 : i32
    %dma_start3A_512 = tpu.memref_slice %arg13[%and3A_56, %dma_start3A_509, %dma_start3A_510, %dma_start3A_511] : memref<2x16x8x32xf32, #tpu.memory_space<vmem>> -> memref<1x1x8x32xf32, #tpu.memory_space<vmem>>
    %dma_start3A_513 = tpu.memref_squeeze %dma_start3A_512 : memref<1x1x8x32xf32, #tpu.memory_space<vmem>> -> memref<8x32xf32, #tpu.memory_space<vmem>>
    %dma_start3A_514 = arith.constant 0 : i32
    %dma_start3A_515 = arith.constant 0 : i32
    %dma_start3A_516 = tpu.memref_slice %arg6[%squeeze3A_508, %dma_start3A_514, %dma_start3A_515] : memref<125000x8x32xf32, #tpu.memory_space<hbm>> -> memref<1x8x32xf32, #tpu.memory_space<hbm>>
    %dma_start3A_517 = tpu.memref_squeeze %dma_start3A_516 : memref<1x8x32xf32, #tpu.memory_space<hbm>> -> memref<8x32xf32, #tpu.memory_space<hbm>>
    %dma_start3A_518 = tpu.memref_slice %arg19[%and3A_56] : memref<2x!tpu.dma_semaphore, #tpu.memory_space<semaphore_mem>> -> memref<1x!tpu.dma_semaphore, #tpu.memory_space<semaphore_mem>>
    %dma_start3A_519 = tpu.memref_squeeze %dma_start3A_518 : memref<1x!tpu.dma_semaphore, #tpu.memory_space<semaphore_mem>> -> memref<!tpu.dma_semaphore, #tpu.memory_space<semaphore_mem>>
    %dma_start3A_520 = arith.constant 0 : i32
    %dma_start3A_521 = arith.constant 0 : i32
    %dma_start3A_522 = tpu.memref_slice %arg13[%and3A_56, %dma_start3A_509, %dma_start3A_520, %dma_start3A_521] : memref<2x16x8x32xf32, #tpu.memory_space<vmem>> -> memref<1x1x8x32xf32, #tpu.memory_space<vmem>>
    %dma_start3A_523 = tpu.memref_squeeze %dma_start3A_522 : memref<1x1x8x32xf32, #tpu.memory_space<vmem>> -> memref<8x32xf32, #tpu.memory_space<vmem>>
    %dma_start3A_524 = arith.constant 0 : i32
    %dma_start3A_525 = arith.constant 0 : i32
    %dma_start3A_526 = tpu.memref_slice %arg6[%squeeze3A_508, %dma_start3A_524, %dma_start3A_525] : memref<125000x8x32xf32, #tpu.memory_space<hbm>> -> memref<1x8x32xf32, #tpu.memory_space<hbm>>
    %dma_start3A_527 = tpu.memref_squeeze %dma_start3A_526 : memref<1x8x32xf32, #tpu.memory_space<hbm>> -> memref<8x32xf32, #tpu.memory_space<hbm>>
    tpu.enqueue_dma source(%dma_start3A_527 : memref<8x32xf32, #tpu.memory_space<hbm>>) target(%dma_start3A_523 : memref<8x32xf32, #tpu.memory_space<vmem>>) target_semaphore(%dma_start3A_519 : memref<!tpu.dma_semaphore, #tpu.memory_space<semaphore_mem>>)
    %slice3A_528 = vector.extract_strided_slice %shift_right_arithmetic3A_62 {offsets = [11], sizes = [1], strides = [1]} : vector<16xi32> to vector<1xi32>
    %squeeze3A_529 = vector.extract %slice3A_528[0] : i32 from vector<1xi32>
    %dma_start3A_530 = arith.constant 11 : i32
    %dma_start3A_531 = arith.constant 0 : i32
    %dma_start3A_532 = arith.constant 0 : i32
    %dma_start3A_533 = tpu.memref_slice %arg12[%and3A_56, %dma_start3A_530, %dma_start3A_531, %dma_start3A_532] : memref<2x16x8x32xf32, #tpu.memory_space<vmem>> -> memref<1x1x8x32xf32, #tpu.memory_space<vmem>>
    %dma_start3A_534 = tpu.memref_squeeze %dma_start3A_533 : memref<1x1x8x32xf32, #tpu.memory_space<vmem>> -> memref<8x32xf32, #tpu.memory_space<vmem>>
    %dma_start3A_535 = arith.constant 0 : i32
    %dma_start3A_536 = arith.constant 0 : i32
    %dma_start3A_537 = tpu.memref_slice %arg5[%squeeze3A_529, %dma_start3A_535, %dma_start3A_536] : memref<125000x8x32xf32, #tpu.memory_space<hbm>> -> memref<1x8x32xf32, #tpu.memory_space<hbm>>
    %dma_start3A_538 = tpu.memref_squeeze %dma_start3A_537 : memref<1x8x32xf32, #tpu.memory_space<hbm>> -> memref<8x32xf32, #tpu.memory_space<hbm>>
    %dma_start3A_539 = tpu.memref_slice %arg18[%and3A_56] : memref<2x!tpu.dma_semaphore, #tpu.memory_space<semaphore_mem>> -> memref<1x!tpu.dma_semaphore, #tpu.memory_space<semaphore_mem>>
    %dma_start3A_540 = tpu.memref_squeeze %dma_start3A_539 : memref<1x!tpu.dma_semaphore, #tpu.memory_space<semaphore_mem>> -> memref<!tpu.dma_semaphore, #tpu.memory_space<semaphore_mem>>
    %dma_start3A_541 = arith.constant 0 : i32
    %dma_start3A_542 = arith.constant 0 : i32
    %dma_start3A_543 = tpu.memref_slice %arg12[%and3A_56, %dma_start3A_530, %dma_start3A_541, %dma_start3A_542] : memref<2x16x8x32xf32, #tpu.memory_space<vmem>> -> memref<1x1x8x32xf32, #tpu.memory_space<vmem>>
    %dma_start3A_544 = tpu.memref_squeeze %dma_start3A_543 : memref<1x1x8x32xf32, #tpu.memory_space<vmem>> -> memref<8x32xf32, #tpu.memory_space<vmem>>
    %dma_start3A_545 = arith.constant 0 : i32
    %dma_start3A_546 = arith.constant 0 : i32
    %dma_start3A_547 = tpu.memref_slice %arg5[%squeeze3A_529, %dma_start3A_545, %dma_start3A_546] : memref<125000x8x32xf32, #tpu.memory_space<hbm>> -> memref<1x8x32xf32, #tpu.memory_space<hbm>>
    %dma_start3A_548 = tpu.memref_squeeze %dma_start3A_547 : memref<1x8x32xf32, #tpu.memory_space<hbm>> -> memref<8x32xf32, #tpu.memory_space<hbm>>
    tpu.enqueue_dma source(%dma_start3A_548 : memref<8x32xf32, #tpu.memory_space<hbm>>) target(%dma_start3A_544 : memref<8x32xf32, #tpu.memory_space<vmem>>) target_semaphore(%dma_start3A_540 : memref<!tpu.dma_semaphore, #tpu.memory_space<semaphore_mem>>)
    %slice3A_549 = vector.extract_strided_slice %shift_right_arithmetic3A_68 {offsets = [11], sizes = [1], strides = [1]} : vector<16xi32> to vector<1xi32>
    %squeeze3A_550 = vector.extract %slice3A_549[0] : i32 from vector<1xi32>
    %dma_start3A_551 = arith.constant 11 : i32
    %dma_start3A_552 = arith.constant 0 : i32
    %dma_start3A_553 = arith.constant 0 : i32
    %dma_start3A_554 = tpu.memref_slice %arg13[%and3A_56, %dma_start3A_551, %dma_start3A_552, %dma_start3A_553] : memref<2x16x8x32xf32, #tpu.memory_space<vmem>> -> memref<1x1x8x32xf32, #tpu.memory_space<vmem>>
    %dma_start3A_555 = tpu.memref_squeeze %dma_start3A_554 : memref<1x1x8x32xf32, #tpu.memory_space<vmem>> -> memref<8x32xf32, #tpu.memory_space<vmem>>
    %dma_start3A_556 = arith.constant 0 : i32
    %dma_start3A_557 = arith.constant 0 : i32
    %dma_start3A_558 = tpu.memref_slice %arg6[%squeeze3A_550, %dma_start3A_556, %dma_start3A_557] : memref<125000x8x32xf32, #tpu.memory_space<hbm>> -> memref<1x8x32xf32, #tpu.memory_space<hbm>>
    %dma_start3A_559 = tpu.memref_squeeze %dma_start3A_558 : memref<1x8x32xf32, #tpu.memory_space<hbm>> -> memref<8x32xf32, #tpu.memory_space<hbm>>
    %dma_start3A_560 = tpu.memref_slice %arg19[%and3A_56] : memref<2x!tpu.dma_semaphore, #tpu.memory_space<semaphore_mem>> -> memref<1x!tpu.dma_semaphore, #tpu.memory_space<semaphore_mem>>
    %dma_start3A_561 = tpu.memref_squeeze %dma_start3A_560 : memref<1x!tpu.dma_semaphore, #tpu.memory_space<semaphore_mem>> -> memref<!tpu.dma_semaphore, #tpu.memory_space<semaphore_mem>>
    %dma_start3A_562 = arith.constant 0 : i32
    %dma_start3A_563 = arith.constant 0 : i32
    %dma_start3A_564 = tpu.memref_slice %arg13[%and3A_56, %dma_start3A_551, %dma_start3A_562, %dma_start3A_563] : memref<2x16x8x32xf32, #tpu.memory_space<vmem>> -> memref<1x1x8x32xf32, #tpu.memory_space<vmem>>
    %dma_start3A_565 = tpu.memref_squeeze %dma_start3A_564 : memref<1x1x8x32xf32, #tpu.memory_space<vmem>> -> memref<8x32xf32, #tpu.memory_space<vmem>>
    %dma_start3A_566 = arith.constant 0 : i32
    %dma_start3A_567 = arith.constant 0 : i32
    %dma_start3A_568 = tpu.memref_slice %arg6[%squeeze3A_550, %dma_start3A_566, %dma_start3A_567] : memref<125000x8x32xf32, #tpu.memory_space<hbm>> -> memref<1x8x32xf32, #tpu.memory_space<hbm>>
    %dma_start3A_569 = tpu.memref_squeeze %dma_start3A_568 : memref<1x8x32xf32, #tpu.memory_space<hbm>> -> memref<8x32xf32, #tpu.memory_space<hbm>>
    tpu.enqueue_dma source(%dma_start3A_569 : memref<8x32xf32, #tpu.memory_space<hbm>>) target(%dma_start3A_565 : memref<8x32xf32, #tpu.memory_space<vmem>>) target_semaphore(%dma_start3A_561 : memref<!tpu.dma_semaphore, #tpu.memory_space<semaphore_mem>>)
    %slice3A_570 = vector.extract_strided_slice %shift_right_arithmetic3A_62 {offsets = [12], sizes = [1], strides = [1]} : vector<16xi32> to vector<1xi32>
    %squeeze3A_571 = vector.extract %slice3A_570[0] : i32 from vector<1xi32>
    %dma_start3A_572 = arith.constant 12 : i32
    %dma_start3A_573 = arith.constant 0 : i32
    %dma_start3A_574 = arith.constant 0 : i32
    %dma_start3A_575 = tpu.memref_slice %arg12[%and3A_56, %dma_start3A_572, %dma_start3A_573, %dma_start3A_574] : memref<2x16x8x32xf32, #tpu.memory_space<vmem>> -> memref<1x1x8x32xf32, #tpu.memory_space<vmem>>
    %dma_start3A_576 = tpu.memref_squeeze %dma_start3A_575 : memref<1x1x8x32xf32, #tpu.memory_space<vmem>> -> memref<8x32xf32, #tpu.memory_space<vmem>>
    %dma_start3A_577 = arith.constant 0 : i32
    %dma_start3A_578 = arith.constant 0 : i32
    %dma_start3A_579 = tpu.memref_slice %arg5[%squeeze3A_571, %dma_start3A_577, %dma_start3A_578] : memref<125000x8x32xf32, #tpu.memory_space<hbm>> -> memref<1x8x32xf32, #tpu.memory_space<hbm>>
    %dma_start3A_580 = tpu.memref_squeeze %dma_start3A_579 : memref<1x8x32xf32, #tpu.memory_space<hbm>> -> memref<8x32xf32, #tpu.memory_space<hbm>>
    %dma_start3A_581 = tpu.memref_slice %arg18[%and3A_56] : memref<2x!tpu.dma_semaphore, #tpu.memory_space<semaphore_mem>> -> memref<1x!tpu.dma_semaphore, #tpu.memory_space<semaphore_mem>>
    %dma_start3A_582 = tpu.memref_squeeze %dma_start3A_581 : memref<1x!tpu.dma_semaphore, #tpu.memory_space<semaphore_mem>> -> memref<!tpu.dma_semaphore, #tpu.memory_space<semaphore_mem>>
    %dma_start3A_583 = arith.constant 0 : i32
    %dma_start3A_584 = arith.constant 0 : i32
    %dma_start3A_585 = tpu.memref_slice %arg12[%and3A_56, %dma_start3A_572, %dma_start3A_583, %dma_start3A_584] : memref<2x16x8x32xf32, #tpu.memory_space<vmem>> -> memref<1x1x8x32xf32, #tpu.memory_space<vmem>>
    %dma_start3A_586 = tpu.memref_squeeze %dma_start3A_585 : memref<1x1x8x32xf32, #tpu.memory_space<vmem>> -> memref<8x32xf32, #tpu.memory_space<vmem>>
    %dma_start3A_587 = arith.constant 0 : i32
    %dma_start3A_588 = arith.constant 0 : i32
    %dma_start3A_589 = tpu.memref_slice %arg5[%squeeze3A_571, %dma_start3A_587, %dma_start3A_588] : memref<125000x8x32xf32, #tpu.memory_space<hbm>> -> memref<1x8x32xf32, #tpu.memory_space<hbm>>
    %dma_start3A_590 = tpu.memref_squeeze %dma_start3A_589 : memref<1x8x32xf32, #tpu.memory_space<hbm>> -> memref<8x32xf32, #tpu.memory_space<hbm>>
    tpu.enqueue_dma source(%dma_start3A_590 : memref<8x32xf32, #tpu.memory_space<hbm>>) target(%dma_start3A_586 : memref<8x32xf32, #tpu.memory_space<vmem>>) target_semaphore(%dma_start3A_582 : memref<!tpu.dma_semaphore, #tpu.memory_space<semaphore_mem>>)
    %slice3A_591 = vector.extract_strided_slice %shift_right_arithmetic3A_68 {offsets = [12], sizes = [1], strides = [1]} : vector<16xi32> to vector<1xi32>
    %squeeze3A_592 = vector.extract %slice3A_591[0] : i32 from vector<1xi32>
    %dma_start3A_593 = arith.constant 12 : i32
    %dma_start3A_594 = arith.constant 0 : i32
    %dma_start3A_595 = arith.constant 0 : i32
    %dma_start3A_596 = tpu.memref_slice %arg13[%and3A_56, %dma_start3A_593, %dma_start3A_594, %dma_start3A_595] : memref<2x16x8x32xf32, #tpu.memory_space<vmem>> -> memref<1x1x8x32xf32, #tpu.memory_space<vmem>>
    %dma_start3A_597 = tpu.memref_squeeze %dma_start3A_596 : memref<1x1x8x32xf32, #tpu.memory_space<vmem>> -> memref<8x32xf32, #tpu.memory_space<vmem>>
    %dma_start3A_598 = arith.constant 0 : i32
    %dma_start3A_599 = arith.constant 0 : i32
    %dma_start3A_600 = tpu.memref_slice %arg6[%squeeze3A_592, %dma_start3A_598, %dma_start3A_599] : memref<125000x8x32xf32, #tpu.memory_space<hbm>> -> memref<1x8x32xf32, #tpu.memory_space<hbm>>
    %dma_start3A_601 = tpu.memref_squeeze %dma_start3A_600 : memref<1x8x32xf32, #tpu.memory_space<hbm>> -> memref<8x32xf32, #tpu.memory_space<hbm>>
    %dma_start3A_602 = tpu.memref_slice %arg19[%and3A_56] : memref<2x!tpu.dma_semaphore, #tpu.memory_space<semaphore_mem>> -> memref<1x!tpu.dma_semaphore, #tpu.memory_space<semaphore_mem>>
    %dma_start3A_603 = tpu.memref_squeeze %dma_start3A_602 : memref<1x!tpu.dma_semaphore, #tpu.memory_space<semaphore_mem>> -> memref<!tpu.dma_semaphore, #tpu.memory_space<semaphore_mem>>
    %dma_start3A_604 = arith.constant 0 : i32
    %dma_start3A_605 = arith.constant 0 : i32
    %dma_start3A_606 = tpu.memref_slice %arg13[%and3A_56, %dma_start3A_593, %dma_start3A_604, %dma_start3A_605] : memref<2x16x8x32xf32, #tpu.memory_space<vmem>> -> memref<1x1x8x32xf32, #tpu.memory_space<vmem>>
    %dma_start3A_607 = tpu.memref_squeeze %dma_start3A_606 : memref<1x1x8x32xf32, #tpu.memory_space<vmem>> -> memref<8x32xf32, #tpu.memory_space<vmem>>
    %dma_start3A_608 = arith.constant 0 : i32
    %dma_start3A_609 = arith.constant 0 : i32
    %dma_start3A_610 = tpu.memref_slice %arg6[%squeeze3A_592, %dma_start3A_608, %dma_start3A_609] : memref<125000x8x32xf32, #tpu.memory_space<hbm>> -> memref<1x8x32xf32, #tpu.memory_space<hbm>>
    %dma_start3A_611 = tpu.memref_squeeze %dma_start3A_610 : memref<1x8x32xf32, #tpu.memory_space<hbm>> -> memref<8x32xf32, #tpu.memory_space<hbm>>
    tpu.enqueue_dma source(%dma_start3A_611 : memref<8x32xf32, #tpu.memory_space<hbm>>) target(%dma_start3A_607 : memref<8x32xf32, #tpu.memory_space<vmem>>) target_semaphore(%dma_start3A_603 : memref<!tpu.dma_semaphore, #tpu.memory_space<semaphore_mem>>)
    %slice3A_612 = vector.extract_strided_slice %shift_right_arithmetic3A_62 {offsets = [13], sizes = [1], strides = [1]} : vector<16xi32> to vector<1xi32>
    %squeeze3A_613 = vector.extract %slice3A_612[0] : i32 from vector<1xi32>
    %dma_start3A_614 = arith.constant 13 : i32
    %dma_start3A_615 = arith.constant 0 : i32
    %dma_start3A_616 = arith.constant 0 : i32
    %dma_start3A_617 = tpu.memref_slice %arg12[%and3A_56, %dma_start3A_614, %dma_start3A_615, %dma_start3A_616] : memref<2x16x8x32xf32, #tpu.memory_space<vmem>> -> memref<1x1x8x32xf32, #tpu.memory_space<vmem>>
    %dma_start3A_618 = tpu.memref_squeeze %dma_start3A_617 : memref<1x1x8x32xf32, #tpu.memory_space<vmem>> -> memref<8x32xf32, #tpu.memory_space<vmem>>
    %dma_start3A_619 = arith.constant 0 : i32
    %dma_start3A_620 = arith.constant 0 : i32
    %dma_start3A_621 = tpu.memref_slice %arg5[%squeeze3A_613, %dma_start3A_619, %dma_start3A_620] : memref<125000x8x32xf32, #tpu.memory_space<hbm>> -> memref<1x8x32xf32, #tpu.memory_space<hbm>>
    %dma_start3A_622 = tpu.memref_squeeze %dma_start3A_621 : memref<1x8x32xf32, #tpu.memory_space<hbm>> -> memref<8x32xf32, #tpu.memory_space<hbm>>
    %dma_start3A_623 = tpu.memref_slice %arg18[%and3A_56] : memref<2x!tpu.dma_semaphore, #tpu.memory_space<semaphore_mem>> -> memref<1x!tpu.dma_semaphore, #tpu.memory_space<semaphore_mem>>
    %dma_start3A_624 = tpu.memref_squeeze %dma_start3A_623 : memref<1x!tpu.dma_semaphore, #tpu.memory_space<semaphore_mem>> -> memref<!tpu.dma_semaphore, #tpu.memory_space<semaphore_mem>>
    %dma_start3A_625 = arith.constant 0 : i32
    %dma_start3A_626 = arith.constant 0 : i32
    %dma_start3A_627 = tpu.memref_slice %arg12[%and3A_56, %dma_start3A_614, %dma_start3A_625, %dma_start3A_626] : memref<2x16x8x32xf32, #tpu.memory_space<vmem>> -> memref<1x1x8x32xf32, #tpu.memory_space<vmem>>
    %dma_start3A_628 = tpu.memref_squeeze %dma_start3A_627 : memref<1x1x8x32xf32, #tpu.memory_space<vmem>> -> memref<8x32xf32, #tpu.memory_space<vmem>>
    %dma_start3A_629 = arith.constant 0 : i32
    %dma_start3A_630 = arith.constant 0 : i32
    %dma_start3A_631 = tpu.memref_slice %arg5[%squeeze3A_613, %dma_start3A_629, %dma_start3A_630] : memref<125000x8x32xf32, #tpu.memory_space<hbm>> -> memref<1x8x32xf32, #tpu.memory_space<hbm>>
    %dma_start3A_632 = tpu.memref_squeeze %dma_start3A_631 : memref<1x8x32xf32, #tpu.memory_space<hbm>> -> memref<8x32xf32, #tpu.memory_space<hbm>>
    tpu.enqueue_dma source(%dma_start3A_632 : memref<8x32xf32, #tpu.memory_space<hbm>>) target(%dma_start3A_628 : memref<8x32xf32, #tpu.memory_space<vmem>>) target_semaphore(%dma_start3A_624 : memref<!tpu.dma_semaphore, #tpu.memory_space<semaphore_mem>>)
    %slice3A_633 = vector.extract_strided_slice %shift_right_arithmetic3A_68 {offsets = [13], sizes = [1], strides = [1]} : vector<16xi32> to vector<1xi32>
    %squeeze3A_634 = vector.extract %slice3A_633[0] : i32 from vector<1xi32>
    %dma_start3A_635 = arith.constant 13 : i32
    %dma_start3A_636 = arith.constant 0 : i32
    %dma_start3A_637 = arith.constant 0 : i32
    %dma_start3A_638 = tpu.memref_slice %arg13[%and3A_56, %dma_start3A_635, %dma_start3A_636, %dma_start3A_637] : memref<2x16x8x32xf32, #tpu.memory_space<vmem>> -> memref<1x1x8x32xf32, #tpu.memory_space<vmem>>
    %dma_start3A_639 = tpu.memref_squeeze %dma_start3A_638 : memref<1x1x8x32xf32, #tpu.memory_space<vmem>> -> memref<8x32xf32, #tpu.memory_space<vmem>>
    %dma_start3A_640 = arith.constant 0 : i32
    %dma_start3A_641 = arith.constant 0 : i32
    %dma_start3A_642 = tpu.memref_slice %arg6[%squeeze3A_634, %dma_start3A_640, %dma_start3A_641] : memref<125000x8x32xf32, #tpu.memory_space<hbm>> -> memref<1x8x32xf32, #tpu.memory_space<hbm>>
    %dma_start3A_643 = tpu.memref_squeeze %dma_start3A_642 : memref<1x8x32xf32, #tpu.memory_space<hbm>> -> memref<8x32xf32, #tpu.memory_space<hbm>>
    %dma_start3A_644 = tpu.memref_slice %arg19[%and3A_56] : memref<2x!tpu.dma_semaphore, #tpu.memory_space<semaphore_mem>> -> memref<1x!tpu.dma_semaphore, #tpu.memory_space<semaphore_mem>>
    %dma_start3A_645 = tpu.memref_squeeze %dma_start3A_644 : memref<1x!tpu.dma_semaphore, #tpu.memory_space<semaphore_mem>> -> memref<!tpu.dma_semaphore, #tpu.memory_space<semaphore_mem>>
    %dma_start3A_646 = arith.constant 0 : i32
    %dma_start3A_647 = arith.constant 0 : i32
    %dma_start3A_648 = tpu.memref_slice %arg13[%and3A_56, %dma_start3A_635, %dma_start3A_646, %dma_start3A_647] : memref<2x16x8x32xf32, #tpu.memory_space<vmem>> -> memref<1x1x8x32xf32, #tpu.memory_space<vmem>>
    %dma_start3A_649 = tpu.memref_squeeze %dma_start3A_648 : memref<1x1x8x32xf32, #tpu.memory_space<vmem>> -> memref<8x32xf32, #tpu.memory_space<vmem>>
    %dma_start3A_650 = arith.constant 0 : i32
    %dma_start3A_651 = arith.constant 0 : i32
    %dma_start3A_652 = tpu.memref_slice %arg6[%squeeze3A_634, %dma_start3A_650, %dma_start3A_651] : memref<125000x8x32xf32, #tpu.memory_space<hbm>> -> memref<1x8x32xf32, #tpu.memory_space<hbm>>
    %dma_start3A_653 = tpu.memref_squeeze %dma_start3A_652 : memref<1x8x32xf32, #tpu.memory_space<hbm>> -> memref<8x32xf32, #tpu.memory_space<hbm>>
    tpu.enqueue_dma source(%dma_start3A_653 : memref<8x32xf32, #tpu.memory_space<hbm>>) target(%dma_start3A_649 : memref<8x32xf32, #tpu.memory_space<vmem>>) target_semaphore(%dma_start3A_645 : memref<!tpu.dma_semaphore, #tpu.memory_space<semaphore_mem>>)
    %slice3A_654 = vector.extract_strided_slice %shift_right_arithmetic3A_62 {offsets = [14], sizes = [1], strides = [1]} : vector<16xi32> to vector<1xi32>
    %squeeze3A_655 = vector.extract %slice3A_654[0] : i32 from vector<1xi32>
    %dma_start3A_656 = arith.constant 14 : i32
    %dma_start3A_657 = arith.constant 0 : i32
    %dma_start3A_658 = arith.constant 0 : i32
    %dma_start3A_659 = tpu.memref_slice %arg12[%and3A_56, %dma_start3A_656, %dma_start3A_657, %dma_start3A_658] : memref<2x16x8x32xf32, #tpu.memory_space<vmem>> -> memref<1x1x8x32xf32, #tpu.memory_space<vmem>>
    %dma_start3A_660 = tpu.memref_squeeze %dma_start3A_659 : memref<1x1x8x32xf32, #tpu.memory_space<vmem>> -> memref<8x32xf32, #tpu.memory_space<vmem>>
    %dma_start3A_661 = arith.constant 0 : i32
    %dma_start3A_662 = arith.constant 0 : i32
    %dma_start3A_663 = tpu.memref_slice %arg5[%squeeze3A_655, %dma_start3A_661, %dma_start3A_662] : memref<125000x8x32xf32, #tpu.memory_space<hbm>> -> memref<1x8x32xf32, #tpu.memory_space<hbm>>
    %dma_start3A_664 = tpu.memref_squeeze %dma_start3A_663 : memref<1x8x32xf32, #tpu.memory_space<hbm>> -> memref<8x32xf32, #tpu.memory_space<hbm>>
    %dma_start3A_665 = tpu.memref_slice %arg18[%and3A_56] : memref<2x!tpu.dma_semaphore, #tpu.memory_space<semaphore_mem>> -> memref<1x!tpu.dma_semaphore, #tpu.memory_space<semaphore_mem>>
    %dma_start3A_666 = tpu.memref_squeeze %dma_start3A_665 : memref<1x!tpu.dma_semaphore, #tpu.memory_space<semaphore_mem>> -> memref<!tpu.dma_semaphore, #tpu.memory_space<semaphore_mem>>
    %dma_start3A_667 = arith.constant 0 : i32
    %dma_start3A_668 = arith.constant 0 : i32
    %dma_start3A_669 = tpu.memref_slice %arg12[%and3A_56, %dma_start3A_656, %dma_start3A_667, %dma_start3A_668] : memref<2x16x8x32xf32, #tpu.memory_space<vmem>> -> memref<1x1x8x32xf32, #tpu.memory_space<vmem>>
    %dma_start3A_670 = tpu.memref_squeeze %dma_start3A_669 : memref<1x1x8x32xf32, #tpu.memory_space<vmem>> -> memref<8x32xf32, #tpu.memory_space<vmem>>
    %dma_start3A_671 = arith.constant 0 : i32
    %dma_start3A_672 = arith.constant 0 : i32
    %dma_start3A_673 = tpu.memref_slice %arg5[%squeeze3A_655, %dma_start3A_671, %dma_start3A_672] : memref<125000x8x32xf32, #tpu.memory_space<hbm>> -> memref<1x8x32xf32, #tpu.memory_space<hbm>>
    %dma_start3A_674 = tpu.memref_squeeze %dma_start3A_673 : memref<1x8x32xf32, #tpu.memory_space<hbm>> -> memref<8x32xf32, #tpu.memory_space<hbm>>
    tpu.enqueue_dma source(%dma_start3A_674 : memref<8x32xf32, #tpu.memory_space<hbm>>) target(%dma_start3A_670 : memref<8x32xf32, #tpu.memory_space<vmem>>) target_semaphore(%dma_start3A_666 : memref<!tpu.dma_semaphore, #tpu.memory_space<semaphore_mem>>)
    %slice3A_675 = vector.extract_strided_slice %shift_right_arithmetic3A_68 {offsets = [14], sizes = [1], strides = [1]} : vector<16xi32> to vector<1xi32>
    %squeeze3A_676 = vector.extract %slice3A_675[0] : i32 from vector<1xi32>
    %dma_start3A_677 = arith.constant 14 : i32
    %dma_start3A_678 = arith.constant 0 : i32
    %dma_start3A_679 = arith.constant 0 : i32
    %dma_start3A_680 = tpu.memref_slice %arg13[%and3A_56, %dma_start3A_677, %dma_start3A_678, %dma_start3A_679] : memref<2x16x8x32xf32, #tpu.memory_space<vmem>> -> memref<1x1x8x32xf32, #tpu.memory_space<vmem>>
    %dma_start3A_681 = tpu.memref_squeeze %dma_start3A_680 : memref<1x1x8x32xf32, #tpu.memory_space<vmem>> -> memref<8x32xf32, #tpu.memory_space<vmem>>
    %dma_start3A_682 = arith.constant 0 : i32
    %dma_start3A_683 = arith.constant 0 : i32
    %dma_start3A_684 = tpu.memref_slice %arg6[%squeeze3A_676, %dma_start3A_682, %dma_start3A_683] : memref<125000x8x32xf32, #tpu.memory_space<hbm>> -> memref<1x8x32xf32, #tpu.memory_space<hbm>>
    %dma_start3A_685 = tpu.memref_squeeze %dma_start3A_684 : memref<1x8x32xf32, #tpu.memory_space<hbm>> -> memref<8x32xf32, #tpu.memory_space<hbm>>
    %dma_start3A_686 = tpu.memref_slice %arg19[%and3A_56] : memref<2x!tpu.dma_semaphore, #tpu.memory_space<semaphore_mem>> -> memref<1x!tpu.dma_semaphore, #tpu.memory_space<semaphore_mem>>
    %dma_start3A_687 = tpu.memref_squeeze %dma_start3A_686 : memref<1x!tpu.dma_semaphore, #tpu.memory_space<semaphore_mem>> -> memref<!tpu.dma_semaphore, #tpu.memory_space<semaphore_mem>>
    %dma_start3A_688 = arith.constant 0 : i32
    %dma_start3A_689 = arith.constant 0 : i32
    %dma_start3A_690 = tpu.memref_slice %arg13[%and3A_56, %dma_start3A_677, %dma_start3A_688, %dma_start3A_689] : memref<2x16x8x32xf32, #tpu.memory_space<vmem>> -> memref<1x1x8x32xf32, #tpu.memory_space<vmem>>
    %dma_start3A_691 = tpu.memref_squeeze %dma_start3A_690 : memref<1x1x8x32xf32, #tpu.memory_space<vmem>> -> memref<8x32xf32, #tpu.memory_space<vmem>>
    %dma_start3A_692 = arith.constant 0 : i32
    %dma_start3A_693 = arith.constant 0 : i32
    %dma_start3A_694 = tpu.memref_slice %arg6[%squeeze3A_676, %dma_start3A_692, %dma_start3A_693] : memref<125000x8x32xf32, #tpu.memory_space<hbm>> -> memref<1x8x32xf32, #tpu.memory_space<hbm>>
    %dma_start3A_695 = tpu.memref_squeeze %dma_start3A_694 : memref<1x8x32xf32, #tpu.memory_space<hbm>> -> memref<8x32xf32, #tpu.memory_space<hbm>>
    tpu.enqueue_dma source(%dma_start3A_695 : memref<8x32xf32, #tpu.memory_space<hbm>>) target(%dma_start3A_691 : memref<8x32xf32, #tpu.memory_space<vmem>>) target_semaphore(%dma_start3A_687 : memref<!tpu.dma_semaphore, #tpu.memory_space<semaphore_mem>>)
    %slice3A_696 = vector.extract_strided_slice %shift_right_arithmetic3A_62 {offsets = [15], sizes = [1], strides = [1]} : vector<16xi32> to vector<1xi32>
    %squeeze3A_697 = vector.extract %slice3A_696[0] : i32 from vector<1xi32>
    %dma_start3A_698 = arith.constant 15 : i32
    %dma_start3A_699 = arith.constant 0 : i32
    %dma_start3A_700 = arith.constant 0 : i32
    %dma_start3A_701 = tpu.memref_slice %arg12[%and3A_56, %dma_start3A_698, %dma_start3A_699, %dma_start3A_700] : memref<2x16x8x32xf32, #tpu.memory_space<vmem>> -> memref<1x1x8x32xf32, #tpu.memory_space<vmem>>
    %dma_start3A_702 = tpu.memref_squeeze %dma_start3A_701 : memref<1x1x8x32xf32, #tpu.memory_space<vmem>> -> memref<8x32xf32, #tpu.memory_space<vmem>>
    %dma_start3A_703 = arith.constant 0 : i32
    %dma_start3A_704 = arith.constant 0 : i32
    %dma_start3A_705 = tpu.memref_slice %arg5[%squeeze3A_697, %dma_start3A_703, %dma_start3A_704] : memref<125000x8x32xf32, #tpu.memory_space<hbm>> -> memref<1x8x32xf32, #tpu.memory_space<hbm>>
    %dma_start3A_706 = tpu.memref_squeeze %dma_start3A_705 : memref<1x8x32xf32, #tpu.memory_space<hbm>> -> memref<8x32xf32, #tpu.memory_space<hbm>>
    %dma_start3A_707 = tpu.memref_slice %arg18[%and3A_56] : memref<2x!tpu.dma_semaphore, #tpu.memory_space<semaphore_mem>> -> memref<1x!tpu.dma_semaphore, #tpu.memory_space<semaphore_mem>>
    %dma_start3A_708 = tpu.memref_squeeze %dma_start3A_707 : memref<1x!tpu.dma_semaphore, #tpu.memory_space<semaphore_mem>> -> memref<!tpu.dma_semaphore, #tpu.memory_space<semaphore_mem>>
    %dma_start3A_709 = arith.constant 0 : i32
    %dma_start3A_710 = arith.constant 0 : i32
    %dma_start3A_711 = tpu.memref_slice %arg12[%and3A_56, %dma_start3A_698, %dma_start3A_709, %dma_start3A_710] : memref<2x16x8x32xf32, #tpu.memory_space<vmem>> -> memref<1x1x8x32xf32, #tpu.memory_space<vmem>>
    %dma_start3A_712 = tpu.memref_squeeze %dma_start3A_711 : memref<1x1x8x32xf32, #tpu.memory_space<vmem>> -> memref<8x32xf32, #tpu.memory_space<vmem>>
    %dma_start3A_713 = arith.constant 0 : i32
    %dma_start3A_714 = arith.constant 0 : i32
    %dma_start3A_715 = tpu.memref_slice %arg5[%squeeze3A_697, %dma_start3A_713, %dma_start3A_714] : memref<125000x8x32xf32, #tpu.memory_space<hbm>> -> memref<1x8x32xf32, #tpu.memory_space<hbm>>
    %dma_start3A_716 = tpu.memref_squeeze %dma_start3A_715 : memref<1x8x32xf32, #tpu.memory_space<hbm>> -> memref<8x32xf32, #tpu.memory_space<hbm>>
    tpu.enqueue_dma source(%dma_start3A_716 : memref<8x32xf32, #tpu.memory_space<hbm>>) target(%dma_start3A_712 : memref<8x32xf32, #tpu.memory_space<vmem>>) target_semaphore(%dma_start3A_708 : memref<!tpu.dma_semaphore, #tpu.memory_space<semaphore_mem>>)
    %slice3A_717 = vector.extract_strided_slice %shift_right_arithmetic3A_68 {offsets = [15], sizes = [1], strides = [1]} : vector<16xi32> to vector<1xi32>
    %squeeze3A_718 = vector.extract %slice3A_717[0] : i32 from vector<1xi32>
    %dma_start3A_719 = arith.constant 15 : i32
    %dma_start3A_720 = arith.constant 0 : i32
    %dma_start3A_721 = arith.constant 0 : i32
    %dma_start3A_722 = tpu.memref_slice %arg13[%and3A_56, %dma_start3A_719, %dma_start3A_720, %dma_start3A_721] : memref<2x16x8x32xf32, #tpu.memory_space<vmem>> -> memref<1x1x8x32xf32, #tpu.memory_space<vmem>>
    %dma_start3A_723 = tpu.memref_squeeze %dma_start3A_722 : memref<1x1x8x32xf32, #tpu.memory_space<vmem>> -> memref<8x32xf32, #tpu.memory_space<vmem>>
    %dma_start3A_724 = arith.constant 0 : i32
    %dma_start3A_725 = arith.constant 0 : i32
    %dma_start3A_726 = tpu.memref_slice %arg6[%squeeze3A_718, %dma_start3A_724, %dma_start3A_725] : memref<125000x8x32xf32, #tpu.memory_space<hbm>> -> memref<1x8x32xf32, #tpu.memory_space<hbm>>
    %dma_start3A_727 = tpu.memref_squeeze %dma_start3A_726 : memref<1x8x32xf32, #tpu.memory_space<hbm>> -> memref<8x32xf32, #tpu.memory_space<hbm>>
    %dma_start3A_728 = tpu.memref_slice %arg19[%and3A_56] : memref<2x!tpu.dma_semaphore, #tpu.memory_space<semaphore_mem>> -> memref<1x!tpu.dma_semaphore, #tpu.memory_space<semaphore_mem>>
    %dma_start3A_729 = tpu.memref_squeeze %dma_start3A_728 : memref<1x!tpu.dma_semaphore, #tpu.memory_space<semaphore_mem>> -> memref<!tpu.dma_semaphore, #tpu.memory_space<semaphore_mem>>
    %dma_start3A_730 = arith.constant 0 : i32
    %dma_start3A_731 = arith.constant 0 : i32
    %dma_start3A_732 = tpu.memref_slice %arg13[%and3A_56, %dma_start3A_719, %dma_start3A_730, %dma_start3A_731] : memref<2x16x8x32xf32, #tpu.memory_space<vmem>> -> memref<1x1x8x32xf32, #tpu.memory_space<vmem>>
    %dma_start3A_733 = tpu.memref_squeeze %dma_start3A_732 : memref<1x1x8x32xf32, #tpu.memory_space<vmem>> -> memref<8x32xf32, #tpu.memory_space<vmem>>
    %dma_start3A_734 = arith.constant 0 : i32
    %dma_start3A_735 = arith.constant 0 : i32
    %dma_start3A_736 = tpu.memref_slice %arg6[%squeeze3A_718, %dma_start3A_734, %dma_start3A_735] : memref<125000x8x32xf32, #tpu.memory_space<hbm>> -> memref<1x8x32xf32, #tpu.memory_space<hbm>>
    %dma_start3A_737 = tpu.memref_squeeze %dma_start3A_736 : memref<1x8x32xf32, #tpu.memory_space<hbm>> -> memref<8x32xf32, #tpu.memory_space<hbm>>
    tpu.enqueue_dma source(%dma_start3A_737 : memref<8x32xf32, #tpu.memory_space<hbm>>) target(%dma_start3A_733 : memref<8x32xf32, #tpu.memory_space<vmem>>) target_semaphore(%dma_start3A_729 : memref<!tpu.dma_semaphore, #tpu.memory_space<semaphore_mem>>)
    %scan3A = arith.constant 0 : i32
    %scan3A_738 = arith.constant 0 : i32
    %scan3A_739 = arith.constant 32 : i32
    %scan3A_740 = arith.addi %scan3A_738, %scan3A_739 : i32
    %scan3A_741 = arith.constant 1 : i32
    scf.for %scan3A_743 = %scan3A_738 to %scan3A_740 step %scan3A_741  : i32 {
      %add3A_744 = arith.constant 1 : i32
      %add3A_745 = arith.addi %scan3A_743, %add3A_744 : i32
      %lt3A = arith.constant 32 : i32
      %lt3A_746 = arith.cmpi slt, %add3A_745, %lt3A : i32
      %convert_element_type3A = arith.extui %lt3A_746 : i1 to i32
      %cond3A = arith.constant 0 : i32
      %cond3A_747 = arith.cmpi ne, %convert_element_type3A, %cond3A : i32
      scf.if %cond3A_747 {
        %add3A_1867 = arith.constant 1 : i32
        %add3A_1868 = arith.addi %scan3A_743, %add3A_1867 : i32
        %and3A_1869 = arith.constant 1 : i32
        %and3A_1870 = arith.andi %add3A_1868, %and3A_1869 : i32
        %mul3A_1871 = arith.constant 16 : i32
        %mul3A_1872 = arith.muli %add3A_1868, %mul3A_1871 : i32
        %get3A_1873 = arith.index_cast %mul3A_1872 : i32 to index
        %get3A_1874 = tpu.vector_load %arg10[%get3A_1873] {strides = array<i32>} : memref<512xi32, #tpu.memory_space<vmem>>, vector<16xi32>,
        %get3A_1875 = vector.shape_cast %get3A_1874 : vector<16xi32> to vector<16xi32>
        %shift_right_arithmetic3A_1876 = arith.constant 3 : i32
        %shift_right_arithmetic3A_1877 = vector.broadcast %shift_right_arithmetic3A_1876 : i32 to vector<16xi32>
        %shift_right_arithmetic3A_1878 = arith.shrsi %get3A_1875, %shift_right_arithmetic3A_1877 : vector<16xi32>
        %mul3A_1879 = arith.constant 16 : i32
        %mul3A_1880 = arith.muli %add3A_1868, %mul3A_1879 : i32
        %get3A_1881 = arith.index_cast %mul3A_1880 : i32 to index
        %get3A_1882 = tpu.vector_load %arg11[%get3A_1881] {strides = array<i32>} : memref<512xi32, #tpu.memory_space<vmem>>, vector<16xi32>,
        %get3A_1883 = vector.shape_cast %get3A_1882 : vector<16xi32> to vector<16xi32>
        %shift_right_arithmetic3A_1884 = arith.constant 3 : i32
        %shift_right_arithmetic3A_1885 = vector.broadcast %shift_right_arithmetic3A_1884 : i32 to vector<16xi32>
        %shift_right_arithmetic3A_1886 = arith.shrsi %get3A_1883, %shift_right_arithmetic3A_1885 : vector<16xi32>
        %slice3A_1887 = vector.extract_strided_slice %shift_right_arithmetic3A_1878 {offsets = [0], sizes = [1], strides = [1]} : vector<16xi32> to vector<1xi32>
        %squeeze3A_1888 = vector.extract %slice3A_1887[0] : i32 from vector<1xi32>
        %dma_start3A_1889 = arith.constant 0 : i32
        %dma_start3A_1890 = arith.constant 0 : i32
        %dma_start3A_1891 = arith.constant 0 : i32
        %dma_start3A_1892 = tpu.memref_slice %arg12[%and3A_1870, %dma_start3A_1889, %dma_start3A_1890, %dma_start3A_1891] : memref<2x16x8x32xf32, #tpu.memory_space<vmem>> -> memref<1x1x8x32xf32, #tpu.memory_space<vmem>>
        %dma_start3A_1893 = tpu.memref_squeeze %dma_start3A_1892 : memref<1x1x8x32xf32, #tpu.memory_space<vmem>> -> memref<8x32xf32, #tpu.memory_space<vmem>>
        %dma_start3A_1894 = arith.constant 0 : i32
        %dma_start3A_1895 = arith.constant 0 : i32
        %dma_start3A_1896 = tpu.memref_slice %arg5[%squeeze3A_1888, %dma_start3A_1894, %dma_start3A_1895] : memref<125000x8x32xf32, #tpu.memory_space<hbm>> -> memref<1x8x32xf32, #tpu.memory_space<hbm>>
        %dma_start3A_1897 = tpu.memref_squeeze %dma_start3A_1896 : memref<1x8x32xf32, #tpu.memory_space<hbm>> -> memref<8x32xf32, #tpu.memory_space<hbm>>
        %dma_start3A_1898 = tpu.memref_slice %arg18[%and3A_1870] : memref<2x!tpu.dma_semaphore, #tpu.memory_space<semaphore_mem>> -> memref<1x!tpu.dma_semaphore, #tpu.memory_space<semaphore_mem>>
        %dma_start3A_1899 = tpu.memref_squeeze %dma_start3A_1898 : memref<1x!tpu.dma_semaphore, #tpu.memory_space<semaphore_mem>> -> memref<!tpu.dma_semaphore, #tpu.memory_space<semaphore_mem>>
        %dma_start3A_1900 = arith.constant 0 : i32
        %dma_start3A_1901 = arith.constant 0 : i32
        %dma_start3A_1902 = tpu.memref_slice %arg12[%and3A_1870, %dma_start3A_1889, %dma_start3A_1900, %dma_start3A_1901] : memref<2x16x8x32xf32, #tpu.memory_space<vmem>> -> memref<1x1x8x32xf32, #tpu.memory_space<vmem>>
        %dma_start3A_1903 = tpu.memref_squeeze %dma_start3A_1902 : memref<1x1x8x32xf32, #tpu.memory_space<vmem>> -> memref<8x32xf32, #tpu.memory_space<vmem>>
        %dma_start3A_1904 = arith.constant 0 : i32
        %dma_start3A_1905 = arith.constant 0 : i32
        %dma_start3A_1906 = tpu.memref_slice %arg5[%squeeze3A_1888, %dma_start3A_1904, %dma_start3A_1905] : memref<125000x8x32xf32, #tpu.memory_space<hbm>> -> memref<1x8x32xf32, #tpu.memory_space<hbm>>
        %dma_start3A_1907 = tpu.memref_squeeze %dma_start3A_1906 : memref<1x8x32xf32, #tpu.memory_space<hbm>> -> memref<8x32xf32, #tpu.memory_space<hbm>>
        tpu.enqueue_dma source(%dma_start3A_1907 : memref<8x32xf32, #tpu.memory_space<hbm>>) target(%dma_start3A_1903 : memref<8x32xf32, #tpu.memory_space<vmem>>) target_semaphore(%dma_start3A_1899 : memref<!tpu.dma_semaphore, #tpu.memory_space<semaphore_mem>>)
        %slice3A_1908 = vector.extract_strided_slice %shift_right_arithmetic3A_1886 {offsets = [0], sizes = [1], strides = [1]} : vector<16xi32> to vector<1xi32>
        %squeeze3A_1909 = vector.extract %slice3A_1908[0] : i32 from vector<1xi32>
        %dma_start3A_1910 = arith.constant 0 : i32
        %dma_start3A_1911 = arith.constant 0 : i32
        %dma_start3A_1912 = arith.constant 0 : i32
        %dma_start3A_1913 = tpu.memref_slice %arg13[%and3A_1870, %dma_start3A_1910, %dma_start3A_1911, %dma_start3A_1912] : memref<2x16x8x32xf32, #tpu.memory_space<vmem>> -> memref<1x1x8x32xf32, #tpu.memory_space<vmem>>
        %dma_start3A_1914 = tpu.memref_squeeze %dma_start3A_1913 : memref<1x1x8x32xf32, #tpu.memory_space<vmem>> -> memref<8x32xf32, #tpu.memory_space<vmem>>
        %dma_start3A_1915 = arith.constant 0 : i32
        %dma_start3A_1916 = arith.constant 0 : i32
        %dma_start3A_1917 = tpu.memref_slice %arg6[%squeeze3A_1909, %dma_start3A_1915, %dma_start3A_1916] : memref<125000x8x32xf32, #tpu.memory_space<hbm>> -> memref<1x8x32xf32, #tpu.memory_space<hbm>>
        %dma_start3A_1918 = tpu.memref_squeeze %dma_start3A_1917 : memref<1x8x32xf32, #tpu.memory_space<hbm>> -> memref<8x32xf32, #tpu.memory_space<hbm>>
        %dma_start3A_1919 = tpu.memref_slice %arg19[%and3A_1870] : memref<2x!tpu.dma_semaphore, #tpu.memory_space<semaphore_mem>> -> memref<1x!tpu.dma_semaphore, #tpu.memory_space<semaphore_mem>>
        %dma_start3A_1920 = tpu.memref_squeeze %dma_start3A_1919 : memref<1x!tpu.dma_semaphore, #tpu.memory_space<semaphore_mem>> -> memref<!tpu.dma_semaphore, #tpu.memory_space<semaphore_mem>>
        %dma_start3A_1921 = arith.constant 0 : i32
        %dma_start3A_1922 = arith.constant 0 : i32
        %dma_start3A_1923 = tpu.memref_slice %arg13[%and3A_1870, %dma_start3A_1910, %dma_start3A_1921, %dma_start3A_1922] : memref<2x16x8x32xf32, #tpu.memory_space<vmem>> -> memref<1x1x8x32xf32, #tpu.memory_space<vmem>>
        %dma_start3A_1924 = tpu.memref_squeeze %dma_start3A_1923 : memref<1x1x8x32xf32, #tpu.memory_space<vmem>> -> memref<8x32xf32, #tpu.memory_space<vmem>>
        %dma_start3A_1925 = arith.constant 0 : i32
        %dma_start3A_1926 = arith.constant 0 : i32
        %dma_start3A_1927 = tpu.memref_slice %arg6[%squeeze3A_1909, %dma_start3A_1925, %dma_start3A_1926] : memref<125000x8x32xf32, #tpu.memory_space<hbm>> -> memref<1x8x32xf32, #tpu.memory_space<hbm>>
        %dma_start3A_1928 = tpu.memref_squeeze %dma_start3A_1927 : memref<1x8x32xf32, #tpu.memory_space<hbm>> -> memref<8x32xf32, #tpu.memory_space<hbm>>
        tpu.enqueue_dma source(%dma_start3A_1928 : memref<8x32xf32, #tpu.memory_space<hbm>>) target(%dma_start3A_1924 : memref<8x32xf32, #tpu.memory_space<vmem>>) target_semaphore(%dma_start3A_1920 : memref<!tpu.dma_semaphore, #tpu.memory_space<semaphore_mem>>)
        %slice3A_1929 = vector.extract_strided_slice %shift_right_arithmetic3A_1878 {offsets = [1], sizes = [1], strides = [1]} : vector<16xi32> to vector<1xi32>
        %squeeze3A_1930 = vector.extract %slice3A_1929[0] : i32 from vector<1xi32>
        %dma_start3A_1931 = arith.constant 1 : i32
        %dma_start3A_1932 = arith.constant 0 : i32
        %dma_start3A_1933 = arith.constant 0 : i32
        %dma_start3A_1934 = tpu.memref_slice %arg12[%and3A_1870, %dma_start3A_1931, %dma_start3A_1932, %dma_start3A_1933] : memref<2x16x8x32xf32, #tpu.memory_space<vmem>> -> memref<1x1x8x32xf32, #tpu.memory_space<vmem>>
        %dma_start3A_1935 = tpu.memref_squeeze %dma_start3A_1934 : memref<1x1x8x32xf32, #tpu.memory_space<vmem>> -> memref<8x32xf32, #tpu.memory_space<vmem>>
        %dma_start3A_1936 = arith.constant 0 : i32
        %dma_start3A_1937 = arith.constant 0 : i32
        %dma_start3A_1938 = tpu.memref_slice %arg5[%squeeze3A_1930, %dma_start3A_1936, %dma_start3A_1937] : memref<125000x8x32xf32, #tpu.memory_space<hbm>> -> memref<1x8x32xf32, #tpu.memory_space<hbm>>
        %dma_start3A_1939 = tpu.memref_squeeze %dma_start3A_1938 : memref<1x8x32xf32, #tpu.memory_space<hbm>> -> memref<8x32xf32, #tpu.memory_space<hbm>>
        %dma_start3A_1940 = tpu.memref_slice %arg18[%and3A_1870] : memref<2x!tpu.dma_semaphore, #tpu.memory_space<semaphore_mem>> -> memref<1x!tpu.dma_semaphore, #tpu.memory_space<semaphore_mem>>
        %dma_start3A_1941 = tpu.memref_squeeze %dma_start3A_1940 : memref<1x!tpu.dma_semaphore, #tpu.memory_space<semaphore_mem>> -> memref<!tpu.dma_semaphore, #tpu.memory_space<semaphore_mem>>
        %dma_start3A_1942 = arith.constant 0 : i32
        %dma_start3A_1943 = arith.constant 0 : i32
        %dma_start3A_1944 = tpu.memref_slice %arg12[%and3A_1870, %dma_start3A_1931, %dma_start3A_1942, %dma_start3A_1943] : memref<2x16x8x32xf32, #tpu.memory_space<vmem>> -> memref<1x1x8x32xf32, #tpu.memory_space<vmem>>
        %dma_start3A_1945 = tpu.memref_squeeze %dma_start3A_1944 : memref<1x1x8x32xf32, #tpu.memory_space<vmem>> -> memref<8x32xf32, #tpu.memory_space<vmem>>
        %dma_start3A_1946 = arith.constant 0 : i32
        %dma_start3A_1947 = arith.constant 0 : i32
        %dma_start3A_1948 = tpu.memref_slice %arg5[%squeeze3A_1930, %dma_start3A_1946, %dma_start3A_1947] : memref<125000x8x32xf32, #tpu.memory_space<hbm>> -> memref<1x8x32xf32, #tpu.memory_space<hbm>>
        %dma_start3A_1949 = tpu.memref_squeeze %dma_start3A_1948 : memref<1x8x32xf32, #tpu.memory_space<hbm>> -> memref<8x32xf32, #tpu.memory_space<hbm>>
        tpu.enqueue_dma source(%dma_start3A_1949 : memref<8x32xf32, #tpu.memory_space<hbm>>) target(%dma_start3A_1945 : memref<8x32xf32, #tpu.memory_space<vmem>>) target_semaphore(%dma_start3A_1941 : memref<!tpu.dma_semaphore, #tpu.memory_space<semaphore_mem>>)
        %slice3A_1950 = vector.extract_strided_slice %shift_right_arithmetic3A_1886 {offsets = [1], sizes = [1], strides = [1]} : vector<16xi32> to vector<1xi32>
        %squeeze3A_1951 = vector.extract %slice3A_1950[0] : i32 from vector<1xi32>
        %dma_start3A_1952 = arith.constant 1 : i32
        %dma_start3A_1953 = arith.constant 0 : i32
        %dma_start3A_1954 = arith.constant 0 : i32
        %dma_start3A_1955 = tpu.memref_slice %arg13[%and3A_1870, %dma_start3A_1952, %dma_start3A_1953, %dma_start3A_1954] : memref<2x16x8x32xf32, #tpu.memory_space<vmem>> -> memref<1x1x8x32xf32, #tpu.memory_space<vmem>>
        %dma_start3A_1956 = tpu.memref_squeeze %dma_start3A_1955 : memref<1x1x8x32xf32, #tpu.memory_space<vmem>> -> memref<8x32xf32, #tpu.memory_space<vmem>>
        %dma_start3A_1957 = arith.constant 0 : i32
        %dma_start3A_1958 = arith.constant 0 : i32
        %dma_start3A_1959 = tpu.memref_slice %arg6[%squeeze3A_1951, %dma_start3A_1957, %dma_start3A_1958] : memref<125000x8x32xf32, #tpu.memory_space<hbm>> -> memref<1x8x32xf32, #tpu.memory_space<hbm>>
        %dma_start3A_1960 = tpu.memref_squeeze %dma_start3A_1959 : memref<1x8x32xf32, #tpu.memory_space<hbm>> -> memref<8x32xf32, #tpu.memory_space<hbm>>
        %dma_start3A_1961 = tpu.memref_slice %arg19[%and3A_1870] : memref<2x!tpu.dma_semaphore, #tpu.memory_space<semaphore_mem>> -> memref<1x!tpu.dma_semaphore, #tpu.memory_space<semaphore_mem>>
        %dma_start3A_1962 = tpu.memref_squeeze %dma_start3A_1961 : memref<1x!tpu.dma_semaphore, #tpu.memory_space<semaphore_mem>> -> memref<!tpu.dma_semaphore, #tpu.memory_space<semaphore_mem>>
        %dma_start3A_1963 = arith.constant 0 : i32
        %dma_start3A_1964 = arith.constant 0 : i32
        %dma_start3A_1965 = tpu.memref_slice %arg13[%and3A_1870, %dma_start3A_1952, %dma_start3A_1963, %dma_start3A_1964] : memref<2x16x8x32xf32, #tpu.memory_space<vmem>> -> memref<1x1x8x32xf32, #tpu.memory_space<vmem>>
        %dma_start3A_1966 = tpu.memref_squeeze %dma_start3A_1965 : memref<1x1x8x32xf32, #tpu.memory_space<vmem>> -> memref<8x32xf32, #tpu.memory_space<vmem>>
        %dma_start3A_1967 = arith.constant 0 : i32
        %dma_start3A_1968 = arith.constant 0 : i32
        %dma_start3A_1969 = tpu.memref_slice %arg6[%squeeze3A_1951, %dma_start3A_1967, %dma_start3A_1968] : memref<125000x8x32xf32, #tpu.memory_space<hbm>> -> memref<1x8x32xf32, #tpu.memory_space<hbm>>
        %dma_start3A_1970 = tpu.memref_squeeze %dma_start3A_1969 : memref<1x8x32xf32, #tpu.memory_space<hbm>> -> memref<8x32xf32, #tpu.memory_space<hbm>>
        tpu.enqueue_dma source(%dma_start3A_1970 : memref<8x32xf32, #tpu.memory_space<hbm>>) target(%dma_start3A_1966 : memref<8x32xf32, #tpu.memory_space<vmem>>) target_semaphore(%dma_start3A_1962 : memref<!tpu.dma_semaphore, #tpu.memory_space<semaphore_mem>>)
        %slice3A_1971 = vector.extract_strided_slice %shift_right_arithmetic3A_1878 {offsets = [2], sizes = [1], strides = [1]} : vector<16xi32> to vector<1xi32>
        %squeeze3A_1972 = vector.extract %slice3A_1971[0] : i32 from vector<1xi32>
        %dma_start3A_1973 = arith.constant 2 : i32
        %dma_start3A_1974 = arith.constant 0 : i32
        %dma_start3A_1975 = arith.constant 0 : i32
        %dma_start3A_1976 = tpu.memref_slice %arg12[%and3A_1870, %dma_start3A_1973, %dma_start3A_1974, %dma_start3A_1975] : memref<2x16x8x32xf32, #tpu.memory_space<vmem>> -> memref<1x1x8x32xf32, #tpu.memory_space<vmem>>
        %dma_start3A_1977 = tpu.memref_squeeze %dma_start3A_1976 : memref<1x1x8x32xf32, #tpu.memory_space<vmem>> -> memref<8x32xf32, #tpu.memory_space<vmem>>
        %dma_start3A_1978 = arith.constant 0 : i32
        %dma_start3A_1979 = arith.constant 0 : i32
        %dma_start3A_1980 = tpu.memref_slice %arg5[%squeeze3A_1972, %dma_start3A_1978, %dma_start3A_1979] : memref<125000x8x32xf32, #tpu.memory_space<hbm>> -> memref<1x8x32xf32, #tpu.memory_space<hbm>>
        %dma_start3A_1981 = tpu.memref_squeeze %dma_start3A_1980 : memref<1x8x32xf32, #tpu.memory_space<hbm>> -> memref<8x32xf32, #tpu.memory_space<hbm>>
        %dma_start3A_1982 = tpu.memref_slice %arg18[%and3A_1870] : memref<2x!tpu.dma_semaphore, #tpu.memory_space<semaphore_mem>> -> memref<1x!tpu.dma_semaphore, #tpu.memory_space<semaphore_mem>>
        %dma_start3A_1983 = tpu.memref_squeeze %dma_start3A_1982 : memref<1x!tpu.dma_semaphore, #tpu.memory_space<semaphore_mem>> -> memref<!tpu.dma_semaphore, #tpu.memory_space<semaphore_mem>>
        %dma_start3A_1984 = arith.constant 0 : i32
        %dma_start3A_1985 = arith.constant 0 : i32
        %dma_start3A_1986 = tpu.memref_slice %arg12[%and3A_1870, %dma_start3A_1973, %dma_start3A_1984, %dma_start3A_1985] : memref<2x16x8x32xf32, #tpu.memory_space<vmem>> -> memref<1x1x8x32xf32, #tpu.memory_space<vmem>>
        %dma_start3A_1987 = tpu.memref_squeeze %dma_start3A_1986 : memref<1x1x8x32xf32, #tpu.memory_space<vmem>> -> memref<8x32xf32, #tpu.memory_space<vmem>>
        %dma_start3A_1988 = arith.constant 0 : i32
        %dma_start3A_1989 = arith.constant 0 : i32
        %dma_start3A_1990 = tpu.memref_slice %arg5[%squeeze3A_1972, %dma_start3A_1988, %dma_start3A_1989] : memref<125000x8x32xf32, #tpu.memory_space<hbm>> -> memref<1x8x32xf32, #tpu.memory_space<hbm>>
        %dma_start3A_1991 = tpu.memref_squeeze %dma_start3A_1990 : memref<1x8x32xf32, #tpu.memory_space<hbm>> -> memref<8x32xf32, #tpu.memory_space<hbm>>
        tpu.enqueue_dma source(%dma_start3A_1991 : memref<8x32xf32, #tpu.memory_space<hbm>>) target(%dma_start3A_1987 : memref<8x32xf32, #tpu.memory_space<vmem>>) target_semaphore(%dma_start3A_1983 : memref<!tpu.dma_semaphore, #tpu.memory_space<semaphore_mem>>)
        %slice3A_1992 = vector.extract_strided_slice %shift_right_arithmetic3A_1886 {offsets = [2], sizes = [1], strides = [1]} : vector<16xi32> to vector<1xi32>
        %squeeze3A_1993 = vector.extract %slice3A_1992[0] : i32 from vector<1xi32>
        %dma_start3A_1994 = arith.constant 2 : i32
        %dma_start3A_1995 = arith.constant 0 : i32
        %dma_start3A_1996 = arith.constant 0 : i32
        %dma_start3A_1997 = tpu.memref_slice %arg13[%and3A_1870, %dma_start3A_1994, %dma_start3A_1995, %dma_start3A_1996] : memref<2x16x8x32xf32, #tpu.memory_space<vmem>> -> memref<1x1x8x32xf32, #tpu.memory_space<vmem>>
        %dma_start3A_1998 = tpu.memref_squeeze %dma_start3A_1997 : memref<1x1x8x32xf32, #tpu.memory_space<vmem>> -> memref<8x32xf32, #tpu.memory_space<vmem>>
        %dma_start3A_1999 = arith.constant 0 : i32
        %dma_start3A_2000 = arith.constant 0 : i32
        %dma_start3A_2001 = tpu.memref_slice %arg6[%squeeze3A_1993, %dma_start3A_1999, %dma_start3A_2000] : memref<125000x8x32xf32, #tpu.memory_space<hbm>> -> memref<1x8x32xf32, #tpu.memory_space<hbm>>
        %dma_start3A_2002 = tpu.memref_squeeze %dma_start3A_2001 : memref<1x8x32xf32, #tpu.memory_space<hbm>> -> memref<8x32xf32, #tpu.memory_space<hbm>>
        %dma_start3A_2003 = tpu.memref_slice %arg19[%and3A_1870] : memref<2x!tpu.dma_semaphore, #tpu.memory_space<semaphore_mem>> -> memref<1x!tpu.dma_semaphore, #tpu.memory_space<semaphore_mem>>
        %dma_start3A_2004 = tpu.memref_squeeze %dma_start3A_2003 : memref<1x!tpu.dma_semaphore, #tpu.memory_space<semaphore_mem>> -> memref<!tpu.dma_semaphore, #tpu.memory_space<semaphore_mem>>
        %dma_start3A_2005 = arith.constant 0 : i32
        %dma_start3A_2006 = arith.constant 0 : i32
        %dma_start3A_2007 = tpu.memref_slice %arg13[%and3A_1870, %dma_start3A_1994, %dma_start3A_2005, %dma_start3A_2006] : memref<2x16x8x32xf32, #tpu.memory_space<vmem>> -> memref<1x1x8x32xf32, #tpu.memory_space<vmem>>
        %dma_start3A_2008 = tpu.memref_squeeze %dma_start3A_2007 : memref<1x1x8x32xf32, #tpu.memory_space<vmem>> -> memref<8x32xf32, #tpu.memory_space<vmem>>
        %dma_start3A_2009 = arith.constant 0 : i32
        %dma_start3A_2010 = arith.constant 0 : i32
        %dma_start3A_2011 = tpu.memref_slice %arg6[%squeeze3A_1993, %dma_start3A_2009, %dma_start3A_2010] : memref<125000x8x32xf32, #tpu.memory_space<hbm>> -> memref<1x8x32xf32, #tpu.memory_space<hbm>>
        %dma_start3A_2012 = tpu.memref_squeeze %dma_start3A_2011 : memref<1x8x32xf32, #tpu.memory_space<hbm>> -> memref<8x32xf32, #tpu.memory_space<hbm>>
        tpu.enqueue_dma source(%dma_start3A_2012 : memref<8x32xf32, #tpu.memory_space<hbm>>) target(%dma_start3A_2008 : memref<8x32xf32, #tpu.memory_space<vmem>>) target_semaphore(%dma_start3A_2004 : memref<!tpu.dma_semaphore, #tpu.memory_space<semaphore_mem>>)
        %slice3A_2013 = vector.extract_strided_slice %shift_right_arithmetic3A_1878 {offsets = [3], sizes = [1], strides = [1]} : vector<16xi32> to vector<1xi32>
        %squeeze3A_2014 = vector.extract %slice3A_2013[0] : i32 from vector<1xi32>
        %dma_start3A_2015 = arith.constant 3 : i32
        %dma_start3A_2016 = arith.constant 0 : i32
        %dma_start3A_2017 = arith.constant 0 : i32
        %dma_start3A_2018 = tpu.memref_slice %arg12[%and3A_1870, %dma_start3A_2015, %dma_start3A_2016, %dma_start3A_2017] : memref<2x16x8x32xf32, #tpu.memory_space<vmem>> -> memref<1x1x8x32xf32, #tpu.memory_space<vmem>>
        %dma_start3A_2019 = tpu.memref_squeeze %dma_start3A_2018 : memref<1x1x8x32xf32, #tpu.memory_space<vmem>> -> memref<8x32xf32, #tpu.memory_space<vmem>>
        %dma_start3A_2020 = arith.constant 0 : i32
        %dma_start3A_2021 = arith.constant 0 : i32
        %dma_start3A_2022 = tpu.memref_slice %arg5[%squeeze3A_2014, %dma_start3A_2020, %dma_start3A_2021] : memref<125000x8x32xf32, #tpu.memory_space<hbm>> -> memref<1x8x32xf32, #tpu.memory_space<hbm>>
        %dma_start3A_2023 = tpu.memref_squeeze %dma_start3A_2022 : memref<1x8x32xf32, #tpu.memory_space<hbm>> -> memref<8x32xf32, #tpu.memory_space<hbm>>
        %dma_start3A_2024 = tpu.memref_slice %arg18[%and3A_1870] : memref<2x!tpu.dma_semaphore, #tpu.memory_space<semaphore_mem>> -> memref<1x!tpu.dma_semaphore, #tpu.memory_space<semaphore_mem>>
        %dma_start3A_2025 = tpu.memref_squeeze %dma_start3A_2024 : memref<1x!tpu.dma_semaphore, #tpu.memory_space<semaphore_mem>> -> memref<!tpu.dma_semaphore, #tpu.memory_space<semaphore_mem>>
        %dma_start3A_2026 = arith.constant 0 : i32
        %dma_start3A_2027 = arith.constant 0 : i32
        %dma_start3A_2028 = tpu.memref_slice %arg12[%and3A_1870, %dma_start3A_2015, %dma_start3A_2026, %dma_start3A_2027] : memref<2x16x8x32xf32, #tpu.memory_space<vmem>> -> memref<1x1x8x32xf32, #tpu.memory_space<vmem>>
        %dma_start3A_2029 = tpu.memref_squeeze %dma_start3A_2028 : memref<1x1x8x32xf32, #tpu.memory_space<vmem>> -> memref<8x32xf32, #tpu.memory_space<vmem>>
        %dma_start3A_2030 = arith.constant 0 : i32
        %dma_start3A_2031 = arith.constant 0 : i32
        %dma_start3A_2032 = tpu.memref_slice %arg5[%squeeze3A_2014, %dma_start3A_2030, %dma_start3A_2031] : memref<125000x8x32xf32, #tpu.memory_space<hbm>> -> memref<1x8x32xf32, #tpu.memory_space<hbm>>
        %dma_start3A_2033 = tpu.memref_squeeze %dma_start3A_2032 : memref<1x8x32xf32, #tpu.memory_space<hbm>> -> memref<8x32xf32, #tpu.memory_space<hbm>>
        tpu.enqueue_dma source(%dma_start3A_2033 : memref<8x32xf32, #tpu.memory_space<hbm>>) target(%dma_start3A_2029 : memref<8x32xf32, #tpu.memory_space<vmem>>) target_semaphore(%dma_start3A_2025 : memref<!tpu.dma_semaphore, #tpu.memory_space<semaphore_mem>>)
        %slice3A_2034 = vector.extract_strided_slice %shift_right_arithmetic3A_1886 {offsets = [3], sizes = [1], strides = [1]} : vector<16xi32> to vector<1xi32>
        %squeeze3A_2035 = vector.extract %slice3A_2034[0] : i32 from vector<1xi32>
        %dma_start3A_2036 = arith.constant 3 : i32
        %dma_start3A_2037 = arith.constant 0 : i32
        %dma_start3A_2038 = arith.constant 0 : i32
        %dma_start3A_2039 = tpu.memref_slice %arg13[%and3A_1870, %dma_start3A_2036, %dma_start3A_2037, %dma_start3A_2038] : memref<2x16x8x32xf32, #tpu.memory_space<vmem>> -> memref<1x1x8x32xf32, #tpu.memory_space<vmem>>
        %dma_start3A_2040 = tpu.memref_squeeze %dma_start3A_2039 : memref<1x1x8x32xf32, #tpu.memory_space<vmem>> -> memref<8x32xf32, #tpu.memory_space<vmem>>
        %dma_start3A_2041 = arith.constant 0 : i32
        %dma_start3A_2042 = arith.constant 0 : i32
        %dma_start3A_2043 = tpu.memref_slice %arg6[%squeeze3A_2035, %dma_start3A_2041, %dma_start3A_2042] : memref<125000x8x32xf32, #tpu.memory_space<hbm>> -> memref<1x8x32xf32, #tpu.memory_space<hbm>>
        %dma_start3A_2044 = tpu.memref_squeeze %dma_start3A_2043 : memref<1x8x32xf32, #tpu.memory_space<hbm>> -> memref<8x32xf32, #tpu.memory_space<hbm>>
        %dma_start3A_2045 = tpu.memref_slice %arg19[%and3A_1870] : memref<2x!tpu.dma_semaphore, #tpu.memory_space<semaphore_mem>> -> memref<1x!tpu.dma_semaphore, #tpu.memory_space<semaphore_mem>>
        %dma_start3A_2046 = tpu.memref_squeeze %dma_start3A_2045 : memref<1x!tpu.dma_semaphore, #tpu.memory_space<semaphore_mem>> -> memref<!tpu.dma_semaphore, #tpu.memory_space<semaphore_mem>>
        %dma_start3A_2047 = arith.constant 0 : i32
        %dma_start3A_2048 = arith.constant 0 : i32
        %dma_start3A_2049 = tpu.memref_slice %arg13[%and3A_1870, %dma_start3A_2036, %dma_start3A_2047, %dma_start3A_2048] : memref<2x16x8x32xf32, #tpu.memory_space<vmem>> -> memref<1x1x8x32xf32, #tpu.memory_space<vmem>>
        %dma_start3A_2050 = tpu.memref_squeeze %dma_start3A_2049 : memref<1x1x8x32xf32, #tpu.memory_space<vmem>> -> memref<8x32xf32, #tpu.memory_space<vmem>>
        %dma_start3A_2051 = arith.constant 0 : i32
        %dma_start3A_2052 = arith.constant 0 : i32
        %dma_start3A_2053 = tpu.memref_slice %arg6[%squeeze3A_2035, %dma_start3A_2051, %dma_start3A_2052] : memref<125000x8x32xf32, #tpu.memory_space<hbm>> -> memref<1x8x32xf32, #tpu.memory_space<hbm>>
        %dma_start3A_2054 = tpu.memref_squeeze %dma_start3A_2053 : memref<1x8x32xf32, #tpu.memory_space<hbm>> -> memref<8x32xf32, #tpu.memory_space<hbm>>
        tpu.enqueue_dma source(%dma_start3A_2054 : memref<8x32xf32, #tpu.memory_space<hbm>>) target(%dma_start3A_2050 : memref<8x32xf32, #tpu.memory_space<vmem>>) target_semaphore(%dma_start3A_2046 : memref<!tpu.dma_semaphore, #tpu.memory_space<semaphore_mem>>)
        %slice3A_2055 = vector.extract_strided_slice %shift_right_arithmetic3A_1878 {offsets = [4], sizes = [1], strides = [1]} : vector<16xi32> to vector<1xi32>
        %squeeze3A_2056 = vector.extract %slice3A_2055[0] : i32 from vector<1xi32>
        %dma_start3A_2057 = arith.constant 4 : i32
        %dma_start3A_2058 = arith.constant 0 : i32
        %dma_start3A_2059 = arith.constant 0 : i32
        %dma_start3A_2060 = tpu.memref_slice %arg12[%and3A_1870, %dma_start3A_2057, %dma_start3A_2058, %dma_start3A_2059] : memref<2x16x8x32xf32, #tpu.memory_space<vmem>> -> memref<1x1x8x32xf32, #tpu.memory_space<vmem>>
        %dma_start3A_2061 = tpu.memref_squeeze %dma_start3A_2060 : memref<1x1x8x32xf32, #tpu.memory_space<vmem>> -> memref<8x32xf32, #tpu.memory_space<vmem>>
        %dma_start3A_2062 = arith.constant 0 : i32
        %dma_start3A_2063 = arith.constant 0 : i32
        %dma_start3A_2064 = tpu.memref_slice %arg5[%squeeze3A_2056, %dma_start3A_2062, %dma_start3A_2063] : memref<125000x8x32xf32, #tpu.memory_space<hbm>> -> memref<1x8x32xf32, #tpu.memory_space<hbm>>
        %dma_start3A_2065 = tpu.memref_squeeze %dma_start3A_2064 : memref<1x8x32xf32, #tpu.memory_space<hbm>> -> memref<8x32xf32, #tpu.memory_space<hbm>>
        %dma_start3A_2066 = tpu.memref_slice %arg18[%and3A_1870] : memref<2x!tpu.dma_semaphore, #tpu.memory_space<semaphore_mem>> -> memref<1x!tpu.dma_semaphore, #tpu.memory_space<semaphore_mem>>
        %dma_start3A_2067 = tpu.memref_squeeze %dma_start3A_2066 : memref<1x!tpu.dma_semaphore, #tpu.memory_space<semaphore_mem>> -> memref<!tpu.dma_semaphore, #tpu.memory_space<semaphore_mem>>
        %dma_start3A_2068 = arith.constant 0 : i32
        %dma_start3A_2069 = arith.constant 0 : i32
        %dma_start3A_2070 = tpu.memref_slice %arg12[%and3A_1870, %dma_start3A_2057, %dma_start3A_2068, %dma_start3A_2069] : memref<2x16x8x32xf32, #tpu.memory_space<vmem>> -> memref<1x1x8x32xf32, #tpu.memory_space<vmem>>
        %dma_start3A_2071 = tpu.memref_squeeze %dma_start3A_2070 : memref<1x1x8x32xf32, #tpu.memory_space<vmem>> -> memref<8x32xf32, #tpu.memory_space<vmem>>
        %dma_start3A_2072 = arith.constant 0 : i32
        %dma_start3A_2073 = arith.constant 0 : i32
        %dma_start3A_2074 = tpu.memref_slice %arg5[%squeeze3A_2056, %dma_start3A_2072, %dma_start3A_2073] : memref<125000x8x32xf32, #tpu.memory_space<hbm>> -> memref<1x8x32xf32, #tpu.memory_space<hbm>>
        %dma_start3A_2075 = tpu.memref_squeeze %dma_start3A_2074 : memref<1x8x32xf32, #tpu.memory_space<hbm>> -> memref<8x32xf32, #tpu.memory_space<hbm>>
        tpu.enqueue_dma source(%dma_start3A_2075 : memref<8x32xf32, #tpu.memory_space<hbm>>) target(%dma_start3A_2071 : memref<8x32xf32, #tpu.memory_space<vmem>>) target_semaphore(%dma_start3A_2067 : memref<!tpu.dma_semaphore, #tpu.memory_space<semaphore_mem>>)
        %slice3A_2076 = vector.extract_strided_slice %shift_right_arithmetic3A_1886 {offsets = [4], sizes = [1], strides = [1]} : vector<16xi32> to vector<1xi32>
        %squeeze3A_2077 = vector.extract %slice3A_2076[0] : i32 from vector<1xi32>
        %dma_start3A_2078 = arith.constant 4 : i32
        %dma_start3A_2079 = arith.constant 0 : i32
        %dma_start3A_2080 = arith.constant 0 : i32
        %dma_start3A_2081 = tpu.memref_slice %arg13[%and3A_1870, %dma_start3A_2078, %dma_start3A_2079, %dma_start3A_2080] : memref<2x16x8x32xf32, #tpu.memory_space<vmem>> -> memref<1x1x8x32xf32, #tpu.memory_space<vmem>>
        %dma_start3A_2082 = tpu.memref_squeeze %dma_start3A_2081 : memref<1x1x8x32xf32, #tpu.memory_space<vmem>> -> memref<8x32xf32, #tpu.memory_space<vmem>>
        %dma_start3A_2083 = arith.constant 0 : i32
        %dma_start3A_2084 = arith.constant 0 : i32
        %dma_start3A_2085 = tpu.memref_slice %arg6[%squeeze3A_2077, %dma_start3A_2083, %dma_start3A_2084] : memref<125000x8x32xf32, #tpu.memory_space<hbm>> -> memref<1x8x32xf32, #tpu.memory_space<hbm>>
        %dma_start3A_2086 = tpu.memref_squeeze %dma_start3A_2085 : memref<1x8x32xf32, #tpu.memory_space<hbm>> -> memref<8x32xf32, #tpu.memory_space<hbm>>
        %dma_start3A_2087 = tpu.memref_slice %arg19[%and3A_1870] : memref<2x!tpu.dma_semaphore, #tpu.memory_space<semaphore_mem>> -> memref<1x!tpu.dma_semaphore, #tpu.memory_space<semaphore_mem>>
        %dma_start3A_2088 = tpu.memref_squeeze %dma_start3A_2087 : memref<1x!tpu.dma_semaphore, #tpu.memory_space<semaphore_mem>> -> memref<!tpu.dma_semaphore, #tpu.memory_space<semaphore_mem>>
        %dma_start3A_2089 = arith.constant 0 : i32
        %dma_start3A_2090 = arith.constant 0 : i32
        %dma_start3A_2091 = tpu.memref_slice %arg13[%and3A_1870, %dma_start3A_2078, %dma_start3A_2089, %dma_start3A_2090] : memref<2x16x8x32xf32, #tpu.memory_space<vmem>> -> memref<1x1x8x32xf32, #tpu.memory_space<vmem>>
        %dma_start3A_2092 = tpu.memref_squeeze %dma_start3A_2091 : memref<1x1x8x32xf32, #tpu.memory_space<vmem>> -> memref<8x32xf32, #tpu.memory_space<vmem>>
        %dma_start3A_2093 = arith.constant 0 : i32
        %dma_start3A_2094 = arith.constant 0 : i32
        %dma_start3A_2095 = tpu.memref_slice %arg6[%squeeze3A_2077, %dma_start3A_2093, %dma_start3A_2094] : memref<125000x8x32xf32, #tpu.memory_space<hbm>> -> memref<1x8x32xf32, #tpu.memory_space<hbm>>
        %dma_start3A_2096 = tpu.memref_squeeze %dma_start3A_2095 : memref<1x8x32xf32, #tpu.memory_space<hbm>> -> memref<8x32xf32, #tpu.memory_space<hbm>>
        tpu.enqueue_dma source(%dma_start3A_2096 : memref<8x32xf32, #tpu.memory_space<hbm>>) target(%dma_start3A_2092 : memref<8x32xf32, #tpu.memory_space<vmem>>) target_semaphore(%dma_start3A_2088 : memref<!tpu.dma_semaphore, #tpu.memory_space<semaphore_mem>>)
        %slice3A_2097 = vector.extract_strided_slice %shift_right_arithmetic3A_1878 {offsets = [5], sizes = [1], strides = [1]} : vector<16xi32> to vector<1xi32>
        %squeeze3A_2098 = vector.extract %slice3A_2097[0] : i32 from vector<1xi32>
        %dma_start3A_2099 = arith.constant 5 : i32
        %dma_start3A_2100 = arith.constant 0 : i32
        %dma_start3A_2101 = arith.constant 0 : i32
        %dma_start3A_2102 = tpu.memref_slice %arg12[%and3A_1870, %dma_start3A_2099, %dma_start3A_2100, %dma_start3A_2101] : memref<2x16x8x32xf32, #tpu.memory_space<vmem>> -> memref<1x1x8x32xf32, #tpu.memory_space<vmem>>
        %dma_start3A_2103 = tpu.memref_squeeze %dma_start3A_2102 : memref<1x1x8x32xf32, #tpu.memory_space<vmem>> -> memref<8x32xf32, #tpu.memory_space<vmem>>
        %dma_start3A_2104 = arith.constant 0 : i32
        %dma_start3A_2105 = arith.constant 0 : i32
        %dma_start3A_2106 = tpu.memref_slice %arg5[%squeeze3A_2098, %dma_start3A_2104, %dma_start3A_2105] : memref<125000x8x32xf32, #tpu.memory_space<hbm>> -> memref<1x8x32xf32, #tpu.memory_space<hbm>>
        %dma_start3A_2107 = tpu.memref_squeeze %dma_start3A_2106 : memref<1x8x32xf32, #tpu.memory_space<hbm>> -> memref<8x32xf32, #tpu.memory_space<hbm>>
        %dma_start3A_2108 = tpu.memref_slice %arg18[%and3A_1870] : memref<2x!tpu.dma_semaphore, #tpu.memory_space<semaphore_mem>> -> memref<1x!tpu.dma_semaphore, #tpu.memory_space<semaphore_mem>>
        %dma_start3A_2109 = tpu.memref_squeeze %dma_start3A_2108 : memref<1x!tpu.dma_semaphore, #tpu.memory_space<semaphore_mem>> -> memref<!tpu.dma_semaphore, #tpu.memory_space<semaphore_mem>>
        %dma_start3A_2110 = arith.constant 0 : i32
        %dma_start3A_2111 = arith.constant 0 : i32
        %dma_start3A_2112 = tpu.memref_slice %arg12[%and3A_1870, %dma_start3A_2099, %dma_start3A_2110, %dma_start3A_2111] : memref<2x16x8x32xf32, #tpu.memory_space<vmem>> -> memref<1x1x8x32xf32, #tpu.memory_space<vmem>>
        %dma_start3A_2113 = tpu.memref_squeeze %dma_start3A_2112 : memref<1x1x8x32xf32, #tpu.memory_space<vmem>> -> memref<8x32xf32, #tpu.memory_space<vmem>>
        %dma_start3A_2114 = arith.constant 0 : i32
        %dma_start3A_2115 = arith.constant 0 : i32
        %dma_start3A_2116 = tpu.memref_slice %arg5[%squeeze3A_2098, %dma_start3A_2114, %dma_start3A_2115] : memref<125000x8x32xf32, #tpu.memory_space<hbm>> -> memref<1x8x32xf32, #tpu.memory_space<hbm>>
        %dma_start3A_2117 = tpu.memref_squeeze %dma_start3A_2116 : memref<1x8x32xf32, #tpu.memory_space<hbm>> -> memref<8x32xf32, #tpu.memory_space<hbm>>
        tpu.enqueue_dma source(%dma_start3A_2117 : memref<8x32xf32, #tpu.memory_space<hbm>>) target(%dma_start3A_2113 : memref<8x32xf32, #tpu.memory_space<vmem>>) target_semaphore(%dma_start3A_2109 : memref<!tpu.dma_semaphore, #tpu.memory_space<semaphore_mem>>)
        %slice3A_2118 = vector.extract_strided_slice %shift_right_arithmetic3A_1886 {offsets = [5], sizes = [1], strides = [1]} : vector<16xi32> to vector<1xi32>
        %squeeze3A_2119 = vector.extract %slice3A_2118[0] : i32 from vector<1xi32>
        %dma_start3A_2120 = arith.constant 5 : i32
        %dma_start3A_2121 = arith.constant 0 : i32
        %dma_start3A_2122 = arith.constant 0 : i32
        %dma_start3A_2123 = tpu.memref_slice %arg13[%and3A_1870, %dma_start3A_2120, %dma_start3A_2121, %dma_start3A_2122] : memref<2x16x8x32xf32, #tpu.memory_space<vmem>> -> memref<1x1x8x32xf32, #tpu.memory_space<vmem>>
        %dma_start3A_2124 = tpu.memref_squeeze %dma_start3A_2123 : memref<1x1x8x32xf32, #tpu.memory_space<vmem>> -> memref<8x32xf32, #tpu.memory_space<vmem>>
        %dma_start3A_2125 = arith.constant 0 : i32
        %dma_start3A_2126 = arith.constant 0 : i32
        %dma_start3A_2127 = tpu.memref_slice %arg6[%squeeze3A_2119, %dma_start3A_2125, %dma_start3A_2126] : memref<125000x8x32xf32, #tpu.memory_space<hbm>> -> memref<1x8x32xf32, #tpu.memory_space<hbm>>
        %dma_start3A_2128 = tpu.memref_squeeze %dma_start3A_2127 : memref<1x8x32xf32, #tpu.memory_space<hbm>> -> memref<8x32xf32, #tpu.memory_space<hbm>>
        %dma_start3A_2129 = tpu.memref_slice %arg19[%and3A_1870] : memref<2x!tpu.dma_semaphore, #tpu.memory_space<semaphore_mem>> -> memref<1x!tpu.dma_semaphore, #tpu.memory_space<semaphore_mem>>
        %dma_start3A_2130 = tpu.memref_squeeze %dma_start3A_2129 : memref<1x!tpu.dma_semaphore, #tpu.memory_space<semaphore_mem>> -> memref<!tpu.dma_semaphore, #tpu.memory_space<semaphore_mem>>
        %dma_start3A_2131 = arith.constant 0 : i32
        %dma_start3A_2132 = arith.constant 0 : i32
        %dma_start3A_2133 = tpu.memref_slice %arg13[%and3A_1870, %dma_start3A_2120, %dma_start3A_2131, %dma_start3A_2132] : memref<2x16x8x32xf32, #tpu.memory_space<vmem>> -> memref<1x1x8x32xf32, #tpu.memory_space<vmem>>
        %dma_start3A_2134 = tpu.memref_squeeze %dma_start3A_2133 : memref<1x1x8x32xf32, #tpu.memory_space<vmem>> -> memref<8x32xf32, #tpu.memory_space<vmem>>
        %dma_start3A_2135 = arith.constant 0 : i32
        %dma_start3A_2136 = arith.constant 0 : i32
        %dma_start3A_2137 = tpu.memref_slice %arg6[%squeeze3A_2119, %dma_start3A_2135, %dma_start3A_2136] : memref<125000x8x32xf32, #tpu.memory_space<hbm>> -> memref<1x8x32xf32, #tpu.memory_space<hbm>>
        %dma_start3A_2138 = tpu.memref_squeeze %dma_start3A_2137 : memref<1x8x32xf32, #tpu.memory_space<hbm>> -> memref<8x32xf32, #tpu.memory_space<hbm>>
        tpu.enqueue_dma source(%dma_start3A_2138 : memref<8x32xf32, #tpu.memory_space<hbm>>) target(%dma_start3A_2134 : memref<8x32xf32, #tpu.memory_space<vmem>>) target_semaphore(%dma_start3A_2130 : memref<!tpu.dma_semaphore, #tpu.memory_space<semaphore_mem>>)
        %slice3A_2139 = vector.extract_strided_slice %shift_right_arithmetic3A_1878 {offsets = [6], sizes = [1], strides = [1]} : vector<16xi32> to vector<1xi32>
        %squeeze3A_2140 = vector.extract %slice3A_2139[0] : i32 from vector<1xi32>
        %dma_start3A_2141 = arith.constant 6 : i32
        %dma_start3A_2142 = arith.constant 0 : i32
        %dma_start3A_2143 = arith.constant 0 : i32
        %dma_start3A_2144 = tpu.memref_slice %arg12[%and3A_1870, %dma_start3A_2141, %dma_start3A_2142, %dma_start3A_2143] : memref<2x16x8x32xf32, #tpu.memory_space<vmem>> -> memref<1x1x8x32xf32, #tpu.memory_space<vmem>>
        %dma_start3A_2145 = tpu.memref_squeeze %dma_start3A_2144 : memref<1x1x8x32xf32, #tpu.memory_space<vmem>> -> memref<8x32xf32, #tpu.memory_space<vmem>>
        %dma_start3A_2146 = arith.constant 0 : i32
        %dma_start3A_2147 = arith.constant 0 : i32
        %dma_start3A_2148 = tpu.memref_slice %arg5[%squeeze3A_2140, %dma_start3A_2146, %dma_start3A_2147] : memref<125000x8x32xf32, #tpu.memory_space<hbm>> -> memref<1x8x32xf32, #tpu.memory_space<hbm>>
        %dma_start3A_2149 = tpu.memref_squeeze %dma_start3A_2148 : memref<1x8x32xf32, #tpu.memory_space<hbm>> -> memref<8x32xf32, #tpu.memory_space<hbm>>
        %dma_start3A_2150 = tpu.memref_slice %arg18[%and3A_1870] : memref<2x!tpu.dma_semaphore, #tpu.memory_space<semaphore_mem>> -> memref<1x!tpu.dma_semaphore, #tpu.memory_space<semaphore_mem>>
        %dma_start3A_2151 = tpu.memref_squeeze %dma_start3A_2150 : memref<1x!tpu.dma_semaphore, #tpu.memory_space<semaphore_mem>> -> memref<!tpu.dma_semaphore, #tpu.memory_space<semaphore_mem>>
        %dma_start3A_2152 = arith.constant 0 : i32
        %dma_start3A_2153 = arith.constant 0 : i32
        %dma_start3A_2154 = tpu.memref_slice %arg12[%and3A_1870, %dma_start3A_2141, %dma_start3A_2152, %dma_start3A_2153] : memref<2x16x8x32xf32, #tpu.memory_space<vmem>> -> memref<1x1x8x32xf32, #tpu.memory_space<vmem>>
        %dma_start3A_2155 = tpu.memref_squeeze %dma_start3A_2154 : memref<1x1x8x32xf32, #tpu.memory_space<vmem>> -> memref<8x32xf32, #tpu.memory_space<vmem>>
        %dma_start3A_2156 = arith.constant 0 : i32
        %dma_start3A_2157 = arith.constant 0 : i32
        %dma_start3A_2158 = tpu.memref_slice %arg5[%squeeze3A_2140, %dma_start3A_2156, %dma_start3A_2157] : memref<125000x8x32xf32, #tpu.memory_space<hbm>> -> memref<1x8x32xf32, #tpu.memory_space<hbm>>
        %dma_start3A_2159 = tpu.memref_squeeze %dma_start3A_2158 : memref<1x8x32xf32, #tpu.memory_space<hbm>> -> memref<8x32xf32, #tpu.memory_space<hbm>>
        tpu.enqueue_dma source(%dma_start3A_2159 : memref<8x32xf32, #tpu.memory_space<hbm>>) target(%dma_start3A_2155 : memref<8x32xf32, #tpu.memory_space<vmem>>) target_semaphore(%dma_start3A_2151 : memref<!tpu.dma_semaphore, #tpu.memory_space<semaphore_mem>>)
        %slice3A_2160 = vector.extract_strided_slice %shift_right_arithmetic3A_1886 {offsets = [6], sizes = [1], strides = [1]} : vector<16xi32> to vector<1xi32>
        %squeeze3A_2161 = vector.extract %slice3A_2160[0] : i32 from vector<1xi32>
        %dma_start3A_2162 = arith.constant 6 : i32
        %dma_start3A_2163 = arith.constant 0 : i32
        %dma_start3A_2164 = arith.constant 0 : i32
        %dma_start3A_2165 = tpu.memref_slice %arg13[%and3A_1870, %dma_start3A_2162, %dma_start3A_2163, %dma_start3A_2164] : memref<2x16x8x32xf32, #tpu.memory_space<vmem>> -> memref<1x1x8x32xf32, #tpu.memory_space<vmem>>
        %dma_start3A_2166 = tpu.memref_squeeze %dma_start3A_2165 : memref<1x1x8x32xf32, #tpu.memory_space<vmem>> -> memref<8x32xf32, #tpu.memory_space<vmem>>
        %dma_start3A_2167 = arith.constant 0 : i32
        %dma_start3A_2168 = arith.constant 0 : i32
        %dma_start3A_2169 = tpu.memref_slice %arg6[%squeeze3A_2161, %dma_start3A_2167, %dma_start3A_2168] : memref<125000x8x32xf32, #tpu.memory_space<hbm>> -> memref<1x8x32xf32, #tpu.memory_space<hbm>>
        %dma_start3A_2170 = tpu.memref_squeeze %dma_start3A_2169 : memref<1x8x32xf32, #tpu.memory_space<hbm>> -> memref<8x32xf32, #tpu.memory_space<hbm>>
        %dma_start3A_2171 = tpu.memref_slice %arg19[%and3A_1870] : memref<2x!tpu.dma_semaphore, #tpu.memory_space<semaphore_mem>> -> memref<1x!tpu.dma_semaphore, #tpu.memory_space<semaphore_mem>>
        %dma_start3A_2172 = tpu.memref_squeeze %dma_start3A_2171 : memref<1x!tpu.dma_semaphore, #tpu.memory_space<semaphore_mem>> -> memref<!tpu.dma_semaphore, #tpu.memory_space<semaphore_mem>>
        %dma_start3A_2173 = arith.constant 0 : i32
        %dma_start3A_2174 = arith.constant 0 : i32
        %dma_start3A_2175 = tpu.memref_slice %arg13[%and3A_1870, %dma_start3A_2162, %dma_start3A_2173, %dma_start3A_2174] : memref<2x16x8x32xf32, #tpu.memory_space<vmem>> -> memref<1x1x8x32xf32, #tpu.memory_space<vmem>>
        %dma_start3A_2176 = tpu.memref_squeeze %dma_start3A_2175 : memref<1x1x8x32xf32, #tpu.memory_space<vmem>> -> memref<8x32xf32, #tpu.memory_space<vmem>>
        %dma_start3A_2177 = arith.constant 0 : i32
        %dma_start3A_2178 = arith.constant 0 : i32
        %dma_start3A_2179 = tpu.memref_slice %arg6[%squeeze3A_2161, %dma_start3A_2177, %dma_start3A_2178] : memref<125000x8x32xf32, #tpu.memory_space<hbm>> -> memref<1x8x32xf32, #tpu.memory_space<hbm>>
        %dma_start3A_2180 = tpu.memref_squeeze %dma_start3A_2179 : memref<1x8x32xf32, #tpu.memory_space<hbm>> -> memref<8x32xf32, #tpu.memory_space<hbm>>
        tpu.enqueue_dma source(%dma_start3A_2180 : memref<8x32xf32, #tpu.memory_space<hbm>>) target(%dma_start3A_2176 : memref<8x32xf32, #tpu.memory_space<vmem>>) target_semaphore(%dma_start3A_2172 : memref<!tpu.dma_semaphore, #tpu.memory_space<semaphore_mem>>)
        %slice3A_2181 = vector.extract_strided_slice %shift_right_arithmetic3A_1878 {offsets = [7], sizes = [1], strides = [1]} : vector<16xi32> to vector<1xi32>
        %squeeze3A_2182 = vector.extract %slice3A_2181[0] : i32 from vector<1xi32>
        %dma_start3A_2183 = arith.constant 7 : i32
        %dma_start3A_2184 = arith.constant 0 : i32
        %dma_start3A_2185 = arith.constant 0 : i32
        %dma_start3A_2186 = tpu.memref_slice %arg12[%and3A_1870, %dma_start3A_2183, %dma_start3A_2184, %dma_start3A_2185] : memref<2x16x8x32xf32, #tpu.memory_space<vmem>> -> memref<1x1x8x32xf32, #tpu.memory_space<vmem>>
        %dma_start3A_2187 = tpu.memref_squeeze %dma_start3A_2186 : memref<1x1x8x32xf32, #tpu.memory_space<vmem>> -> memref<8x32xf32, #tpu.memory_space<vmem>>
        %dma_start3A_2188 = arith.constant 0 : i32
        %dma_start3A_2189 = arith.constant 0 : i32
        %dma_start3A_2190 = tpu.memref_slice %arg5[%squeeze3A_2182, %dma_start3A_2188, %dma_start3A_2189] : memref<125000x8x32xf32, #tpu.memory_space<hbm>> -> memref<1x8x32xf32, #tpu.memory_space<hbm>>
        %dma_start3A_2191 = tpu.memref_squeeze %dma_start3A_2190 : memref<1x8x32xf32, #tpu.memory_space<hbm>> -> memref<8x32xf32, #tpu.memory_space<hbm>>
        %dma_start3A_2192 = tpu.memref_slice %arg18[%and3A_1870] : memref<2x!tpu.dma_semaphore, #tpu.memory_space<semaphore_mem>> -> memref<1x!tpu.dma_semaphore, #tpu.memory_space<semaphore_mem>>
        %dma_start3A_2193 = tpu.memref_squeeze %dma_start3A_2192 : memref<1x!tpu.dma_semaphore, #tpu.memory_space<semaphore_mem>> -> memref<!tpu.dma_semaphore, #tpu.memory_space<semaphore_mem>>
        %dma_start3A_2194 = arith.constant 0 : i32
        %dma_start3A_2195 = arith.constant 0 : i32
        %dma_start3A_2196 = tpu.memref_slice %arg12[%and3A_1870, %dma_start3A_2183, %dma_start3A_2194, %dma_start3A_2195] : memref<2x16x8x32xf32, #tpu.memory_space<vmem>> -> memref<1x1x8x32xf32, #tpu.memory_space<vmem>>
        %dma_start3A_2197 = tpu.memref_squeeze %dma_start3A_2196 : memref<1x1x8x32xf32, #tpu.memory_space<vmem>> -> memref<8x32xf32, #tpu.memory_space<vmem>>
        %dma_start3A_2198 = arith.constant 0 : i32
        %dma_start3A_2199 = arith.constant 0 : i32
        %dma_start3A_2200 = tpu.memref_slice %arg5[%squeeze3A_2182, %dma_start3A_2198, %dma_start3A_2199] : memref<125000x8x32xf32, #tpu.memory_space<hbm>> -> memref<1x8x32xf32, #tpu.memory_space<hbm>>
        %dma_start3A_2201 = tpu.memref_squeeze %dma_start3A_2200 : memref<1x8x32xf32, #tpu.memory_space<hbm>> -> memref<8x32xf32, #tpu.memory_space<hbm>>
        tpu.enqueue_dma source(%dma_start3A_2201 : memref<8x32xf32, #tpu.memory_space<hbm>>) target(%dma_start3A_2197 : memref<8x32xf32, #tpu.memory_space<vmem>>) target_semaphore(%dma_start3A_2193 : memref<!tpu.dma_semaphore, #tpu.memory_space<semaphore_mem>>)
        %slice3A_2202 = vector.extract_strided_slice %shift_right_arithmetic3A_1886 {offsets = [7], sizes = [1], strides = [1]} : vector<16xi32> to vector<1xi32>
        %squeeze3A_2203 = vector.extract %slice3A_2202[0] : i32 from vector<1xi32>
        %dma_start3A_2204 = arith.constant 7 : i32
        %dma_start3A_2205 = arith.constant 0 : i32
        %dma_start3A_2206 = arith.constant 0 : i32
        %dma_start3A_2207 = tpu.memref_slice %arg13[%and3A_1870, %dma_start3A_2204, %dma_start3A_2205, %dma_start3A_2206] : memref<2x16x8x32xf32, #tpu.memory_space<vmem>> -> memref<1x1x8x32xf32, #tpu.memory_space<vmem>>
        %dma_start3A_2208 = tpu.memref_squeeze %dma_start3A_2207 : memref<1x1x8x32xf32, #tpu.memory_space<vmem>> -> memref<8x32xf32, #tpu.memory_space<vmem>>
        %dma_start3A_2209 = arith.constant 0 : i32
        %dma_start3A_2210 = arith.constant 0 : i32
        %dma_start3A_2211 = tpu.memref_slice %arg6[%squeeze3A_2203, %dma_start3A_2209, %dma_start3A_2210] : memref<125000x8x32xf32, #tpu.memory_space<hbm>> -> memref<1x8x32xf32, #tpu.memory_space<hbm>>
        %dma_start3A_2212 = tpu.memref_squeeze %dma_start3A_2211 : memref<1x8x32xf32, #tpu.memory_space<hbm>> -> memref<8x32xf32, #tpu.memory_space<hbm>>
        %dma_start3A_2213 = tpu.memref_slice %arg19[%and3A_1870] : memref<2x!tpu.dma_semaphore, #tpu.memory_space<semaphore_mem>> -> memref<1x!tpu.dma_semaphore, #tpu.memory_space<semaphore_mem>>
        %dma_start3A_2214 = tpu.memref_squeeze %dma_start3A_2213 : memref<1x!tpu.dma_semaphore, #tpu.memory_space<semaphore_mem>> -> memref<!tpu.dma_semaphore, #tpu.memory_space<semaphore_mem>>
        %dma_start3A_2215 = arith.constant 0 : i32
        %dma_start3A_2216 = arith.constant 0 : i32
        %dma_start3A_2217 = tpu.memref_slice %arg13[%and3A_1870, %dma_start3A_2204, %dma_start3A_2215, %dma_start3A_2216] : memref<2x16x8x32xf32, #tpu.memory_space<vmem>> -> memref<1x1x8x32xf32, #tpu.memory_space<vmem>>
        %dma_start3A_2218 = tpu.memref_squeeze %dma_start3A_2217 : memref<1x1x8x32xf32, #tpu.memory_space<vmem>> -> memref<8x32xf32, #tpu.memory_space<vmem>>
        %dma_start3A_2219 = arith.constant 0 : i32
        %dma_start3A_2220 = arith.constant 0 : i32
        %dma_start3A_2221 = tpu.memref_slice %arg6[%squeeze3A_2203, %dma_start3A_2219, %dma_start3A_2220] : memref<125000x8x32xf32, #tpu.memory_space<hbm>> -> memref<1x8x32xf32, #tpu.memory_space<hbm>>
        %dma_start3A_2222 = tpu.memref_squeeze %dma_start3A_2221 : memref<1x8x32xf32, #tpu.memory_space<hbm>> -> memref<8x32xf32, #tpu.memory_space<hbm>>
        tpu.enqueue_dma source(%dma_start3A_2222 : memref<8x32xf32, #tpu.memory_space<hbm>>) target(%dma_start3A_2218 : memref<8x32xf32, #tpu.memory_space<vmem>>) target_semaphore(%dma_start3A_2214 : memref<!tpu.dma_semaphore, #tpu.memory_space<semaphore_mem>>)
        %slice3A_2223 = vector.extract_strided_slice %shift_right_arithmetic3A_1878 {offsets = [8], sizes = [1], strides = [1]} : vector<16xi32> to vector<1xi32>
        %squeeze3A_2224 = vector.extract %slice3A_2223[0] : i32 from vector<1xi32>
        %dma_start3A_2225 = arith.constant 8 : i32
        %dma_start3A_2226 = arith.constant 0 : i32
        %dma_start3A_2227 = arith.constant 0 : i32
        %dma_start3A_2228 = tpu.memref_slice %arg12[%and3A_1870, %dma_start3A_2225, %dma_start3A_2226, %dma_start3A_2227] : memref<2x16x8x32xf32, #tpu.memory_space<vmem>> -> memref<1x1x8x32xf32, #tpu.memory_space<vmem>>
        %dma_start3A_2229 = tpu.memref_squeeze %dma_start3A_2228 : memref<1x1x8x32xf32, #tpu.memory_space<vmem>> -> memref<8x32xf32, #tpu.memory_space<vmem>>
        %dma_start3A_2230 = arith.constant 0 : i32
        %dma_start3A_2231 = arith.constant 0 : i32
        %dma_start3A_2232 = tpu.memref_slice %arg5[%squeeze3A_2224, %dma_start3A_2230, %dma_start3A_2231] : memref<125000x8x32xf32, #tpu.memory_space<hbm>> -> memref<1x8x32xf32, #tpu.memory_space<hbm>>
        %dma_start3A_2233 = tpu.memref_squeeze %dma_start3A_2232 : memref<1x8x32xf32, #tpu.memory_space<hbm>> -> memref<8x32xf32, #tpu.memory_space<hbm>>
        %dma_start3A_2234 = tpu.memref_slice %arg18[%and3A_1870] : memref<2x!tpu.dma_semaphore, #tpu.memory_space<semaphore_mem>> -> memref<1x!tpu.dma_semaphore, #tpu.memory_space<semaphore_mem>>
        %dma_start3A_2235 = tpu.memref_squeeze %dma_start3A_2234 : memref<1x!tpu.dma_semaphore, #tpu.memory_space<semaphore_mem>> -> memref<!tpu.dma_semaphore, #tpu.memory_space<semaphore_mem>>
        %dma_start3A_2236 = arith.constant 0 : i32
        %dma_start3A_2237 = arith.constant 0 : i32
        %dma_start3A_2238 = tpu.memref_slice %arg12[%and3A_1870, %dma_start3A_2225, %dma_start3A_2236, %dma_start3A_2237] : memref<2x16x8x32xf32, #tpu.memory_space<vmem>> -> memref<1x1x8x32xf32, #tpu.memory_space<vmem>>
        %dma_start3A_2239 = tpu.memref_squeeze %dma_start3A_2238 : memref<1x1x8x32xf32, #tpu.memory_space<vmem>> -> memref<8x32xf32, #tpu.memory_space<vmem>>
        %dma_start3A_2240 = arith.constant 0 : i32
        %dma_start3A_2241 = arith.constant 0 : i32
        %dma_start3A_2242 = tpu.memref_slice %arg5[%squeeze3A_2224, %dma_start3A_2240, %dma_start3A_2241] : memref<125000x8x32xf32, #tpu.memory_space<hbm>> -> memref<1x8x32xf32, #tpu.memory_space<hbm>>
        %dma_start3A_2243 = tpu.memref_squeeze %dma_start3A_2242 : memref<1x8x32xf32, #tpu.memory_space<hbm>> -> memref<8x32xf32, #tpu.memory_space<hbm>>
        tpu.enqueue_dma source(%dma_start3A_2243 : memref<8x32xf32, #tpu.memory_space<hbm>>) target(%dma_start3A_2239 : memref<8x32xf32, #tpu.memory_space<vmem>>) target_semaphore(%dma_start3A_2235 : memref<!tpu.dma_semaphore, #tpu.memory_space<semaphore_mem>>)
        %slice3A_2244 = vector.extract_strided_slice %shift_right_arithmetic3A_1886 {offsets = [8], sizes = [1], strides = [1]} : vector<16xi32> to vector<1xi32>
        %squeeze3A_2245 = vector.extract %slice3A_2244[0] : i32 from vector<1xi32>
        %dma_start3A_2246 = arith.constant 8 : i32
        %dma_start3A_2247 = arith.constant 0 : i32
        %dma_start3A_2248 = arith.constant 0 : i32
        %dma_start3A_2249 = tpu.memref_slice %arg13[%and3A_1870, %dma_start3A_2246, %dma_start3A_2247, %dma_start3A_2248] : memref<2x16x8x32xf32, #tpu.memory_space<vmem>> -> memref<1x1x8x32xf32, #tpu.memory_space<vmem>>
        %dma_start3A_2250 = tpu.memref_squeeze %dma_start3A_2249 : memref<1x1x8x32xf32, #tpu.memory_space<vmem>> -> memref<8x32xf32, #tpu.memory_space<vmem>>
        %dma_start3A_2251 = arith.constant 0 : i32
        %dma_start3A_2252 = arith.constant 0 : i32
        %dma_start3A_2253 = tpu.memref_slice %arg6[%squeeze3A_2245, %dma_start3A_2251, %dma_start3A_2252] : memref<125000x8x32xf32, #tpu.memory_space<hbm>> -> memref<1x8x32xf32, #tpu.memory_space<hbm>>
        %dma_start3A_2254 = tpu.memref_squeeze %dma_start3A_2253 : memref<1x8x32xf32, #tpu.memory_space<hbm>> -> memref<8x32xf32, #tpu.memory_space<hbm>>
        %dma_start3A_2255 = tpu.memref_slice %arg19[%and3A_1870] : memref<2x!tpu.dma_semaphore, #tpu.memory_space<semaphore_mem>> -> memref<1x!tpu.dma_semaphore, #tpu.memory_space<semaphore_mem>>
        %dma_start3A_2256 = tpu.memref_squeeze %dma_start3A_2255 : memref<1x!tpu.dma_semaphore, #tpu.memory_space<semaphore_mem>> -> memref<!tpu.dma_semaphore, #tpu.memory_space<semaphore_mem>>
        %dma_start3A_2257 = arith.constant 0 : i32
        %dma_start3A_2258 = arith.constant 0 : i32
        %dma_start3A_2259 = tpu.memref_slice %arg13[%and3A_1870, %dma_start3A_2246, %dma_start3A_2257, %dma_start3A_2258] : memref<2x16x8x32xf32, #tpu.memory_space<vmem>> -> memref<1x1x8x32xf32, #tpu.memory_space<vmem>>
        %dma_start3A_2260 = tpu.memref_squeeze %dma_start3A_2259 : memref<1x1x8x32xf32, #tpu.memory_space<vmem>> -> memref<8x32xf32, #tpu.memory_space<vmem>>
        %dma_start3A_2261 = arith.constant 0 : i32
        %dma_start3A_2262 = arith.constant 0 : i32
        %dma_start3A_2263 = tpu.memref_slice %arg6[%squeeze3A_2245, %dma_start3A_2261, %dma_start3A_2262] : memref<125000x8x32xf32, #tpu.memory_space<hbm>> -> memref<1x8x32xf32, #tpu.memory_space<hbm>>
        %dma_start3A_2264 = tpu.memref_squeeze %dma_start3A_2263 : memref<1x8x32xf32, #tpu.memory_space<hbm>> -> memref<8x32xf32, #tpu.memory_space<hbm>>
        tpu.enqueue_dma source(%dma_start3A_2264 : memref<8x32xf32, #tpu.memory_space<hbm>>) target(%dma_start3A_2260 : memref<8x32xf32, #tpu.memory_space<vmem>>) target_semaphore(%dma_start3A_2256 : memref<!tpu.dma_semaphore, #tpu.memory_space<semaphore_mem>>)
        %slice3A_2265 = vector.extract_strided_slice %shift_right_arithmetic3A_1878 {offsets = [9], sizes = [1], strides = [1]} : vector<16xi32> to vector<1xi32>
        %squeeze3A_2266 = vector.extract %slice3A_2265[0] : i32 from vector<1xi32>
        %dma_start3A_2267 = arith.constant 9 : i32
        %dma_start3A_2268 = arith.constant 0 : i32
        %dma_start3A_2269 = arith.constant 0 : i32
        %dma_start3A_2270 = tpu.memref_slice %arg12[%and3A_1870, %dma_start3A_2267, %dma_start3A_2268, %dma_start3A_2269] : memref<2x16x8x32xf32, #tpu.memory_space<vmem>> -> memref<1x1x8x32xf32, #tpu.memory_space<vmem>>
        %dma_start3A_2271 = tpu.memref_squeeze %dma_start3A_2270 : memref<1x1x8x32xf32, #tpu.memory_space<vmem>> -> memref<8x32xf32, #tpu.memory_space<vmem>>
        %dma_start3A_2272 = arith.constant 0 : i32
        %dma_start3A_2273 = arith.constant 0 : i32
        %dma_start3A_2274 = tpu.memref_slice %arg5[%squeeze3A_2266, %dma_start3A_2272, %dma_start3A_2273] : memref<125000x8x32xf32, #tpu.memory_space<hbm>> -> memref<1x8x32xf32, #tpu.memory_space<hbm>>
        %dma_start3A_2275 = tpu.memref_squeeze %dma_start3A_2274 : memref<1x8x32xf32, #tpu.memory_space<hbm>> -> memref<8x32xf32, #tpu.memory_space<hbm>>
        %dma_start3A_2276 = tpu.memref_slice %arg18[%and3A_1870] : memref<2x!tpu.dma_semaphore, #tpu.memory_space<semaphore_mem>> -> memref<1x!tpu.dma_semaphore, #tpu.memory_space<semaphore_mem>>
        %dma_start3A_2277 = tpu.memref_squeeze %dma_start3A_2276 : memref<1x!tpu.dma_semaphore, #tpu.memory_space<semaphore_mem>> -> memref<!tpu.dma_semaphore, #tpu.memory_space<semaphore_mem>>
        %dma_start3A_2278 = arith.constant 0 : i32
        %dma_start3A_2279 = arith.constant 0 : i32
        %dma_start3A_2280 = tpu.memref_slice %arg12[%and3A_1870, %dma_start3A_2267, %dma_start3A_2278, %dma_start3A_2279] : memref<2x16x8x32xf32, #tpu.memory_space<vmem>> -> memref<1x1x8x32xf32, #tpu.memory_space<vmem>>
        %dma_start3A_2281 = tpu.memref_squeeze %dma_start3A_2280 : memref<1x1x8x32xf32, #tpu.memory_space<vmem>> -> memref<8x32xf32, #tpu.memory_space<vmem>>
        %dma_start3A_2282 = arith.constant 0 : i32
        %dma_start3A_2283 = arith.constant 0 : i32
        %dma_start3A_2284 = tpu.memref_slice %arg5[%squeeze3A_2266, %dma_start3A_2282, %dma_start3A_2283] : memref<125000x8x32xf32, #tpu.memory_space<hbm>> -> memref<1x8x32xf32, #tpu.memory_space<hbm>>
        %dma_start3A_2285 = tpu.memref_squeeze %dma_start3A_2284 : memref<1x8x32xf32, #tpu.memory_space<hbm>> -> memref<8x32xf32, #tpu.memory_space<hbm>>
        tpu.enqueue_dma source(%dma_start3A_2285 : memref<8x32xf32, #tpu.memory_space<hbm>>) target(%dma_start3A_2281 : memref<8x32xf32, #tpu.memory_space<vmem>>) target_semaphore(%dma_start3A_2277 : memref<!tpu.dma_semaphore, #tpu.memory_space<semaphore_mem>>)
        %slice3A_2286 = vector.extract_strided_slice %shift_right_arithmetic3A_1886 {offsets = [9], sizes = [1], strides = [1]} : vector<16xi32> to vector<1xi32>
        %squeeze3A_2287 = vector.extract %slice3A_2286[0] : i32 from vector<1xi32>
        %dma_start3A_2288 = arith.constant 9 : i32
        %dma_start3A_2289 = arith.constant 0 : i32
        %dma_start3A_2290 = arith.constant 0 : i32
        %dma_start3A_2291 = tpu.memref_slice %arg13[%and3A_1870, %dma_start3A_2288, %dma_start3A_2289, %dma_start3A_2290] : memref<2x16x8x32xf32, #tpu.memory_space<vmem>> -> memref<1x1x8x32xf32, #tpu.memory_space<vmem>>
        %dma_start3A_2292 = tpu.memref_squeeze %dma_start3A_2291 : memref<1x1x8x32xf32, #tpu.memory_space<vmem>> -> memref<8x32xf32, #tpu.memory_space<vmem>>
        %dma_start3A_2293 = arith.constant 0 : i32
        %dma_start3A_2294 = arith.constant 0 : i32
        %dma_start3A_2295 = tpu.memref_slice %arg6[%squeeze3A_2287, %dma_start3A_2293, %dma_start3A_2294] : memref<125000x8x32xf32, #tpu.memory_space<hbm>> -> memref<1x8x32xf32, #tpu.memory_space<hbm>>
        %dma_start3A_2296 = tpu.memref_squeeze %dma_start3A_2295 : memref<1x8x32xf32, #tpu.memory_space<hbm>> -> memref<8x32xf32, #tpu.memory_space<hbm>>
        %dma_start3A_2297 = tpu.memref_slice %arg19[%and3A_1870] : memref<2x!tpu.dma_semaphore, #tpu.memory_space<semaphore_mem>> -> memref<1x!tpu.dma_semaphore, #tpu.memory_space<semaphore_mem>>
        %dma_start3A_2298 = tpu.memref_squeeze %dma_start3A_2297 : memref<1x!tpu.dma_semaphore, #tpu.memory_space<semaphore_mem>> -> memref<!tpu.dma_semaphore, #tpu.memory_space<semaphore_mem>>
        %dma_start3A_2299 = arith.constant 0 : i32
        %dma_start3A_2300 = arith.constant 0 : i32
        %dma_start3A_2301 = tpu.memref_slice %arg13[%and3A_1870, %dma_start3A_2288, %dma_start3A_2299, %dma_start3A_2300] : memref<2x16x8x32xf32, #tpu.memory_space<vmem>> -> memref<1x1x8x32xf32, #tpu.memory_space<vmem>>
        %dma_start3A_2302 = tpu.memref_squeeze %dma_start3A_2301 : memref<1x1x8x32xf32, #tpu.memory_space<vmem>> -> memref<8x32xf32, #tpu.memory_space<vmem>>
        %dma_start3A_2303 = arith.constant 0 : i32
        %dma_start3A_2304 = arith.constant 0 : i32
        %dma_start3A_2305 = tpu.memref_slice %arg6[%squeeze3A_2287, %dma_start3A_2303, %dma_start3A_2304] : memref<125000x8x32xf32, #tpu.memory_space<hbm>> -> memref<1x8x32xf32, #tpu.memory_space<hbm>>
        %dma_start3A_2306 = tpu.memref_squeeze %dma_start3A_2305 : memref<1x8x32xf32, #tpu.memory_space<hbm>> -> memref<8x32xf32, #tpu.memory_space<hbm>>
        tpu.enqueue_dma source(%dma_start3A_2306 : memref<8x32xf32, #tpu.memory_space<hbm>>) target(%dma_start3A_2302 : memref<8x32xf32, #tpu.memory_space<vmem>>) target_semaphore(%dma_start3A_2298 : memref<!tpu.dma_semaphore, #tpu.memory_space<semaphore_mem>>)
        %slice3A_2307 = vector.extract_strided_slice %shift_right_arithmetic3A_1878 {offsets = [10], sizes = [1], strides = [1]} : vector<16xi32> to vector<1xi32>
        %squeeze3A_2308 = vector.extract %slice3A_2307[0] : i32 from vector<1xi32>
        %dma_start3A_2309 = arith.constant 10 : i32
        %dma_start3A_2310 = arith.constant 0 : i32
        %dma_start3A_2311 = arith.constant 0 : i32
        %dma_start3A_2312 = tpu.memref_slice %arg12[%and3A_1870, %dma_start3A_2309, %dma_start3A_2310, %dma_start3A_2311] : memref<2x16x8x32xf32, #tpu.memory_space<vmem>> -> memref<1x1x8x32xf32, #tpu.memory_space<vmem>>
        %dma_start3A_2313 = tpu.memref_squeeze %dma_start3A_2312 : memref<1x1x8x32xf32, #tpu.memory_space<vmem>> -> memref<8x32xf32, #tpu.memory_space<vmem>>
        %dma_start3A_2314 = arith.constant 0 : i32
        %dma_start3A_2315 = arith.constant 0 : i32
        %dma_start3A_2316 = tpu.memref_slice %arg5[%squeeze3A_2308, %dma_start3A_2314, %dma_start3A_2315] : memref<125000x8x32xf32, #tpu.memory_space<hbm>> -> memref<1x8x32xf32, #tpu.memory_space<hbm>>
        %dma_start3A_2317 = tpu.memref_squeeze %dma_start3A_2316 : memref<1x8x32xf32, #tpu.memory_space<hbm>> -> memref<8x32xf32, #tpu.memory_space<hbm>>
        %dma_start3A_2318 = tpu.memref_slice %arg18[%and3A_1870] : memref<2x!tpu.dma_semaphore, #tpu.memory_space<semaphore_mem>> -> memref<1x!tpu.dma_semaphore, #tpu.memory_space<semaphore_mem>>
        %dma_start3A_2319 = tpu.memref_squeeze %dma_start3A_2318 : memref<1x!tpu.dma_semaphore, #tpu.memory_space<semaphore_mem>> -> memref<!tpu.dma_semaphore, #tpu.memory_space<semaphore_mem>>
        %dma_start3A_2320 = arith.constant 0 : i32
        %dma_start3A_2321 = arith.constant 0 : i32
        %dma_start3A_2322 = tpu.memref_slice %arg12[%and3A_1870, %dma_start3A_2309, %dma_start3A_2320, %dma_start3A_2321] : memref<2x16x8x32xf32, #tpu.memory_space<vmem>> -> memref<1x1x8x32xf32, #tpu.memory_space<vmem>>
        %dma_start3A_2323 = tpu.memref_squeeze %dma_start3A_2322 : memref<1x1x8x32xf32, #tpu.memory_space<vmem>> -> memref<8x32xf32, #tpu.memory_space<vmem>>
        %dma_start3A_2324 = arith.constant 0 : i32
        %dma_start3A_2325 = arith.constant 0 : i32
        %dma_start3A_2326 = tpu.memref_slice %arg5[%squeeze3A_2308, %dma_start3A_2324, %dma_start3A_2325] : memref<125000x8x32xf32, #tpu.memory_space<hbm>> -> memref<1x8x32xf32, #tpu.memory_space<hbm>>
        %dma_start3A_2327 = tpu.memref_squeeze %dma_start3A_2326 : memref<1x8x32xf32, #tpu.memory_space<hbm>> -> memref<8x32xf32, #tpu.memory_space<hbm>>
        tpu.enqueue_dma source(%dma_start3A_2327 : memref<8x32xf32, #tpu.memory_space<hbm>>) target(%dma_start3A_2323 : memref<8x32xf32, #tpu.memory_space<vmem>>) target_semaphore(%dma_start3A_2319 : memref<!tpu.dma_semaphore, #tpu.memory_space<semaphore_mem>>)
        %slice3A_2328 = vector.extract_strided_slice %shift_right_arithmetic3A_1886 {offsets = [10], sizes = [1], strides = [1]} : vector<16xi32> to vector<1xi32>
        %squeeze3A_2329 = vector.extract %slice3A_2328[0] : i32 from vector<1xi32>
        %dma_start3A_2330 = arith.constant 10 : i32
        %dma_start3A_2331 = arith.constant 0 : i32
        %dma_start3A_2332 = arith.constant 0 : i32
        %dma_start3A_2333 = tpu.memref_slice %arg13[%and3A_1870, %dma_start3A_2330, %dma_start3A_2331, %dma_start3A_2332] : memref<2x16x8x32xf32, #tpu.memory_space<vmem>> -> memref<1x1x8x32xf32, #tpu.memory_space<vmem>>
        %dma_start3A_2334 = tpu.memref_squeeze %dma_start3A_2333 : memref<1x1x8x32xf32, #tpu.memory_space<vmem>> -> memref<8x32xf32, #tpu.memory_space<vmem>>
        %dma_start3A_2335 = arith.constant 0 : i32
        %dma_start3A_2336 = arith.constant 0 : i32
        %dma_start3A_2337 = tpu.memref_slice %arg6[%squeeze3A_2329, %dma_start3A_2335, %dma_start3A_2336] : memref<125000x8x32xf32, #tpu.memory_space<hbm>> -> memref<1x8x32xf32, #tpu.memory_space<hbm>>
        %dma_start3A_2338 = tpu.memref_squeeze %dma_start3A_2337 : memref<1x8x32xf32, #tpu.memory_space<hbm>> -> memref<8x32xf32, #tpu.memory_space<hbm>>
        %dma_start3A_2339 = tpu.memref_slice %arg19[%and3A_1870] : memref<2x!tpu.dma_semaphore, #tpu.memory_space<semaphore_mem>> -> memref<1x!tpu.dma_semaphore, #tpu.memory_space<semaphore_mem>>
        %dma_start3A_2340 = tpu.memref_squeeze %dma_start3A_2339 : memref<1x!tpu.dma_semaphore, #tpu.memory_space<semaphore_mem>> -> memref<!tpu.dma_semaphore, #tpu.memory_space<semaphore_mem>>
        %dma_start3A_2341 = arith.constant 0 : i32
        %dma_start3A_2342 = arith.constant 0 : i32
        %dma_start3A_2343 = tpu.memref_slice %arg13[%and3A_1870, %dma_start3A_2330, %dma_start3A_2341, %dma_start3A_2342] : memref<2x16x8x32xf32, #tpu.memory_space<vmem>> -> memref<1x1x8x32xf32, #tpu.memory_space<vmem>>
        %dma_start3A_2344 = tpu.memref_squeeze %dma_start3A_2343 : memref<1x1x8x32xf32, #tpu.memory_space<vmem>> -> memref<8x32xf32, #tpu.memory_space<vmem>>
        %dma_start3A_2345 = arith.constant 0 : i32
        %dma_start3A_2346 = arith.constant 0 : i32
        %dma_start3A_2347 = tpu.memref_slice %arg6[%squeeze3A_2329, %dma_start3A_2345, %dma_start3A_2346] : memref<125000x8x32xf32, #tpu.memory_space<hbm>> -> memref<1x8x32xf32, #tpu.memory_space<hbm>>
        %dma_start3A_2348 = tpu.memref_squeeze %dma_start3A_2347 : memref<1x8x32xf32, #tpu.memory_space<hbm>> -> memref<8x32xf32, #tpu.memory_space<hbm>>
        tpu.enqueue_dma source(%dma_start3A_2348 : memref<8x32xf32, #tpu.memory_space<hbm>>) target(%dma_start3A_2344 : memref<8x32xf32, #tpu.memory_space<vmem>>) target_semaphore(%dma_start3A_2340 : memref<!tpu.dma_semaphore, #tpu.memory_space<semaphore_mem>>)
        %slice3A_2349 = vector.extract_strided_slice %shift_right_arithmetic3A_1878 {offsets = [11], sizes = [1], strides = [1]} : vector<16xi32> to vector<1xi32>
        %squeeze3A_2350 = vector.extract %slice3A_2349[0] : i32 from vector<1xi32>
        %dma_start3A_2351 = arith.constant 11 : i32
        %dma_start3A_2352 = arith.constant 0 : i32
        %dma_start3A_2353 = arith.constant 0 : i32
        %dma_start3A_2354 = tpu.memref_slice %arg12[%and3A_1870, %dma_start3A_2351, %dma_start3A_2352, %dma_start3A_2353] : memref<2x16x8x32xf32, #tpu.memory_space<vmem>> -> memref<1x1x8x32xf32, #tpu.memory_space<vmem>>
        %dma_start3A_2355 = tpu.memref_squeeze %dma_start3A_2354 : memref<1x1x8x32xf32, #tpu.memory_space<vmem>> -> memref<8x32xf32, #tpu.memory_space<vmem>>
        %dma_start3A_2356 = arith.constant 0 : i32
        %dma_start3A_2357 = arith.constant 0 : i32
        %dma_start3A_2358 = tpu.memref_slice %arg5[%squeeze3A_2350, %dma_start3A_2356, %dma_start3A_2357] : memref<125000x8x32xf32, #tpu.memory_space<hbm>> -> memref<1x8x32xf32, #tpu.memory_space<hbm>>
        %dma_start3A_2359 = tpu.memref_squeeze %dma_start3A_2358 : memref<1x8x32xf32, #tpu.memory_space<hbm>> -> memref<8x32xf32, #tpu.memory_space<hbm>>
        %dma_start3A_2360 = tpu.memref_slice %arg18[%and3A_1870] : memref<2x!tpu.dma_semaphore, #tpu.memory_space<semaphore_mem>> -> memref<1x!tpu.dma_semaphore, #tpu.memory_space<semaphore_mem>>
        %dma_start3A_2361 = tpu.memref_squeeze %dma_start3A_2360 : memref<1x!tpu.dma_semaphore, #tpu.memory_space<semaphore_mem>> -> memref<!tpu.dma_semaphore, #tpu.memory_space<semaphore_mem>>
        %dma_start3A_2362 = arith.constant 0 : i32
        %dma_start3A_2363 = arith.constant 0 : i32
        %dma_start3A_2364 = tpu.memref_slice %arg12[%and3A_1870, %dma_start3A_2351, %dma_start3A_2362, %dma_start3A_2363] : memref<2x16x8x32xf32, #tpu.memory_space<vmem>> -> memref<1x1x8x32xf32, #tpu.memory_space<vmem>>
        %dma_start3A_2365 = tpu.memref_squeeze %dma_start3A_2364 : memref<1x1x8x32xf32, #tpu.memory_space<vmem>> -> memref<8x32xf32, #tpu.memory_space<vmem>>
        %dma_start3A_2366 = arith.constant 0 : i32
        %dma_start3A_2367 = arith.constant 0 : i32
        %dma_start3A_2368 = tpu.memref_slice %arg5[%squeeze3A_2350, %dma_start3A_2366, %dma_start3A_2367] : memref<125000x8x32xf32, #tpu.memory_space<hbm>> -> memref<1x8x32xf32, #tpu.memory_space<hbm>>
        %dma_start3A_2369 = tpu.memref_squeeze %dma_start3A_2368 : memref<1x8x32xf32, #tpu.memory_space<hbm>> -> memref<8x32xf32, #tpu.memory_space<hbm>>
        tpu.enqueue_dma source(%dma_start3A_2369 : memref<8x32xf32, #tpu.memory_space<hbm>>) target(%dma_start3A_2365 : memref<8x32xf32, #tpu.memory_space<vmem>>) target_semaphore(%dma_start3A_2361 : memref<!tpu.dma_semaphore, #tpu.memory_space<semaphore_mem>>)
        %slice3A_2370 = vector.extract_strided_slice %shift_right_arithmetic3A_1886 {offsets = [11], sizes = [1], strides = [1]} : vector<16xi32> to vector<1xi32>
        %squeeze3A_2371 = vector.extract %slice3A_2370[0] : i32 from vector<1xi32>
        %dma_start3A_2372 = arith.constant 11 : i32
        %dma_start3A_2373 = arith.constant 0 : i32
        %dma_start3A_2374 = arith.constant 0 : i32
        %dma_start3A_2375 = tpu.memref_slice %arg13[%and3A_1870, %dma_start3A_2372, %dma_start3A_2373, %dma_start3A_2374] : memref<2x16x8x32xf32, #tpu.memory_space<vmem>> -> memref<1x1x8x32xf32, #tpu.memory_space<vmem>>
        %dma_start3A_2376 = tpu.memref_squeeze %dma_start3A_2375 : memref<1x1x8x32xf32, #tpu.memory_space<vmem>> -> memref<8x32xf32, #tpu.memory_space<vmem>>
        %dma_start3A_2377 = arith.constant 0 : i32
        %dma_start3A_2378 = arith.constant 0 : i32
        %dma_start3A_2379 = tpu.memref_slice %arg6[%squeeze3A_2371, %dma_start3A_2377, %dma_start3A_2378] : memref<125000x8x32xf32, #tpu.memory_space<hbm>> -> memref<1x8x32xf32, #tpu.memory_space<hbm>>
        %dma_start3A_2380 = tpu.memref_squeeze %dma_start3A_2379 : memref<1x8x32xf32, #tpu.memory_space<hbm>> -> memref<8x32xf32, #tpu.memory_space<hbm>>
        %dma_start3A_2381 = tpu.memref_slice %arg19[%and3A_1870] : memref<2x!tpu.dma_semaphore, #tpu.memory_space<semaphore_mem>> -> memref<1x!tpu.dma_semaphore, #tpu.memory_space<semaphore_mem>>
        %dma_start3A_2382 = tpu.memref_squeeze %dma_start3A_2381 : memref<1x!tpu.dma_semaphore, #tpu.memory_space<semaphore_mem>> -> memref<!tpu.dma_semaphore, #tpu.memory_space<semaphore_mem>>
        %dma_start3A_2383 = arith.constant 0 : i32
        %dma_start3A_2384 = arith.constant 0 : i32
        %dma_start3A_2385 = tpu.memref_slice %arg13[%and3A_1870, %dma_start3A_2372, %dma_start3A_2383, %dma_start3A_2384] : memref<2x16x8x32xf32, #tpu.memory_space<vmem>> -> memref<1x1x8x32xf32, #tpu.memory_space<vmem>>
        %dma_start3A_2386 = tpu.memref_squeeze %dma_start3A_2385 : memref<1x1x8x32xf32, #tpu.memory_space<vmem>> -> memref<8x32xf32, #tpu.memory_space<vmem>>
        %dma_start3A_2387 = arith.constant 0 : i32
        %dma_start3A_2388 = arith.constant 0 : i32
        %dma_start3A_2389 = tpu.memref_slice %arg6[%squeeze3A_2371, %dma_start3A_2387, %dma_start3A_2388] : memref<125000x8x32xf32, #tpu.memory_space<hbm>> -> memref<1x8x32xf32, #tpu.memory_space<hbm>>
        %dma_start3A_2390 = tpu.memref_squeeze %dma_start3A_2389 : memref<1x8x32xf32, #tpu.memory_space<hbm>> -> memref<8x32xf32, #tpu.memory_space<hbm>>
        tpu.enqueue_dma source(%dma_start3A_2390 : memref<8x32xf32, #tpu.memory_space<hbm>>) target(%dma_start3A_2386 : memref<8x32xf32, #tpu.memory_space<vmem>>) target_semaphore(%dma_start3A_2382 : memref<!tpu.dma_semaphore, #tpu.memory_space<semaphore_mem>>)
        %slice3A_2391 = vector.extract_strided_slice %shift_right_arithmetic3A_1878 {offsets = [12], sizes = [1], strides = [1]} : vector<16xi32> to vector<1xi32>
        %squeeze3A_2392 = vector.extract %slice3A_2391[0] : i32 from vector<1xi32>
        %dma_start3A_2393 = arith.constant 12 : i32
        %dma_start3A_2394 = arith.constant 0 : i32
        %dma_start3A_2395 = arith.constant 0 : i32
        %dma_start3A_2396 = tpu.memref_slice %arg12[%and3A_1870, %dma_start3A_2393, %dma_start3A_2394, %dma_start3A_2395] : memref<2x16x8x32xf32, #tpu.memory_space<vmem>> -> memref<1x1x8x32xf32, #tpu.memory_space<vmem>>
        %dma_start3A_2397 = tpu.memref_squeeze %dma_start3A_2396 : memref<1x1x8x32xf32, #tpu.memory_space<vmem>> -> memref<8x32xf32, #tpu.memory_space<vmem>>
        %dma_start3A_2398 = arith.constant 0 : i32
        %dma_start3A_2399 = arith.constant 0 : i32
        %dma_start3A_2400 = tpu.memref_slice %arg5[%squeeze3A_2392, %dma_start3A_2398, %dma_start3A_2399] : memref<125000x8x32xf32, #tpu.memory_space<hbm>> -> memref<1x8x32xf32, #tpu.memory_space<hbm>>
        %dma_start3A_2401 = tpu.memref_squeeze %dma_start3A_2400 : memref<1x8x32xf32, #tpu.memory_space<hbm>> -> memref<8x32xf32, #tpu.memory_space<hbm>>
        %dma_start3A_2402 = tpu.memref_slice %arg18[%and3A_1870] : memref<2x!tpu.dma_semaphore, #tpu.memory_space<semaphore_mem>> -> memref<1x!tpu.dma_semaphore, #tpu.memory_space<semaphore_mem>>
        %dma_start3A_2403 = tpu.memref_squeeze %dma_start3A_2402 : memref<1x!tpu.dma_semaphore, #tpu.memory_space<semaphore_mem>> -> memref<!tpu.dma_semaphore, #tpu.memory_space<semaphore_mem>>
        %dma_start3A_2404 = arith.constant 0 : i32
        %dma_start3A_2405 = arith.constant 0 : i32
        %dma_start3A_2406 = tpu.memref_slice %arg12[%and3A_1870, %dma_start3A_2393, %dma_start3A_2404, %dma_start3A_2405] : memref<2x16x8x32xf32, #tpu.memory_space<vmem>> -> memref<1x1x8x32xf32, #tpu.memory_space<vmem>>
        %dma_start3A_2407 = tpu.memref_squeeze %dma_start3A_2406 : memref<1x1x8x32xf32, #tpu.memory_space<vmem>> -> memref<8x32xf32, #tpu.memory_space<vmem>>
        %dma_start3A_2408 = arith.constant 0 : i32
        %dma_start3A_2409 = arith.constant 0 : i32
        %dma_start3A_2410 = tpu.memref_slice %arg5[%squeeze3A_2392, %dma_start3A_2408, %dma_start3A_2409] : memref<125000x8x32xf32, #tpu.memory_space<hbm>> -> memref<1x8x32xf32, #tpu.memory_space<hbm>>
        %dma_start3A_2411 = tpu.memref_squeeze %dma_start3A_2410 : memref<1x8x32xf32, #tpu.memory_space<hbm>> -> memref<8x32xf32, #tpu.memory_space<hbm>>
        tpu.enqueue_dma source(%dma_start3A_2411 : memref<8x32xf32, #tpu.memory_space<hbm>>) target(%dma_start3A_2407 : memref<8x32xf32, #tpu.memory_space<vmem>>) target_semaphore(%dma_start3A_2403 : memref<!tpu.dma_semaphore, #tpu.memory_space<semaphore_mem>>)
        %slice3A_2412 = vector.extract_strided_slice %shift_right_arithmetic3A_1886 {offsets = [12], sizes = [1], strides = [1]} : vector<16xi32> to vector<1xi32>
        %squeeze3A_2413 = vector.extract %slice3A_2412[0] : i32 from vector<1xi32>
        %dma_start3A_2414 = arith.constant 12 : i32
        %dma_start3A_2415 = arith.constant 0 : i32
        %dma_start3A_2416 = arith.constant 0 : i32
        %dma_start3A_2417 = tpu.memref_slice %arg13[%and3A_1870, %dma_start3A_2414, %dma_start3A_2415, %dma_start3A_2416] : memref<2x16x8x32xf32, #tpu.memory_space<vmem>> -> memref<1x1x8x32xf32, #tpu.memory_space<vmem>>
        %dma_start3A_2418 = tpu.memref_squeeze %dma_start3A_2417 : memref<1x1x8x32xf32, #tpu.memory_space<vmem>> -> memref<8x32xf32, #tpu.memory_space<vmem>>
        %dma_start3A_2419 = arith.constant 0 : i32
        %dma_start3A_2420 = arith.constant 0 : i32
        %dma_start3A_2421 = tpu.memref_slice %arg6[%squeeze3A_2413, %dma_start3A_2419, %dma_start3A_2420] : memref<125000x8x32xf32, #tpu.memory_space<hbm>> -> memref<1x8x32xf32, #tpu.memory_space<hbm>>
        %dma_start3A_2422 = tpu.memref_squeeze %dma_start3A_2421 : memref<1x8x32xf32, #tpu.memory_space<hbm>> -> memref<8x32xf32, #tpu.memory_space<hbm>>
        %dma_start3A_2423 = tpu.memref_slice %arg19[%and3A_1870] : memref<2x!tpu.dma_semaphore, #tpu.memory_space<semaphore_mem>> -> memref<1x!tpu.dma_semaphore, #tpu.memory_space<semaphore_mem>>
        %dma_start3A_2424 = tpu.memref_squeeze %dma_start3A_2423 : memref<1x!tpu.dma_semaphore, #tpu.memory_space<semaphore_mem>> -> memref<!tpu.dma_semaphore, #tpu.memory_space<semaphore_mem>>
        %dma_start3A_2425 = arith.constant 0 : i32
        %dma_start3A_2426 = arith.constant 0 : i32
        %dma_start3A_2427 = tpu.memref_slice %arg13[%and3A_1870, %dma_start3A_2414, %dma_start3A_2425, %dma_start3A_2426] : memref<2x16x8x32xf32, #tpu.memory_space<vmem>> -> memref<1x1x8x32xf32, #tpu.memory_space<vmem>>
        %dma_start3A_2428 = tpu.memref_squeeze %dma_start3A_2427 : memref<1x1x8x32xf32, #tpu.memory_space<vmem>> -> memref<8x32xf32, #tpu.memory_space<vmem>>
        %dma_start3A_2429 = arith.constant 0 : i32
        %dma_start3A_2430 = arith.constant 0 : i32
        %dma_start3A_2431 = tpu.memref_slice %arg6[%squeeze3A_2413, %dma_start3A_2429, %dma_start3A_2430] : memref<125000x8x32xf32, #tpu.memory_space<hbm>> -> memref<1x8x32xf32, #tpu.memory_space<hbm>>
        %dma_start3A_2432 = tpu.memref_squeeze %dma_start3A_2431 : memref<1x8x32xf32, #tpu.memory_space<hbm>> -> memref<8x32xf32, #tpu.memory_space<hbm>>
        tpu.enqueue_dma source(%dma_start3A_2432 : memref<8x32xf32, #tpu.memory_space<hbm>>) target(%dma_start3A_2428 : memref<8x32xf32, #tpu.memory_space<vmem>>) target_semaphore(%dma_start3A_2424 : memref<!tpu.dma_semaphore, #tpu.memory_space<semaphore_mem>>)
        %slice3A_2433 = vector.extract_strided_slice %shift_right_arithmetic3A_1878 {offsets = [13], sizes = [1], strides = [1]} : vector<16xi32> to vector<1xi32>
        %squeeze3A_2434 = vector.extract %slice3A_2433[0] : i32 from vector<1xi32>
        %dma_start3A_2435 = arith.constant 13 : i32
        %dma_start3A_2436 = arith.constant 0 : i32
        %dma_start3A_2437 = arith.constant 0 : i32
        %dma_start3A_2438 = tpu.memref_slice %arg12[%and3A_1870, %dma_start3A_2435, %dma_start3A_2436, %dma_start3A_2437] : memref<2x16x8x32xf32, #tpu.memory_space<vmem>> -> memref<1x1x8x32xf32, #tpu.memory_space<vmem>>
        %dma_start3A_2439 = tpu.memref_squeeze %dma_start3A_2438 : memref<1x1x8x32xf32, #tpu.memory_space<vmem>> -> memref<8x32xf32, #tpu.memory_space<vmem>>
        %dma_start3A_2440 = arith.constant 0 : i32
        %dma_start3A_2441 = arith.constant 0 : i32
        %dma_start3A_2442 = tpu.memref_slice %arg5[%squeeze3A_2434, %dma_start3A_2440, %dma_start3A_2441] : memref<125000x8x32xf32, #tpu.memory_space<hbm>> -> memref<1x8x32xf32, #tpu.memory_space<hbm>>
        %dma_start3A_2443 = tpu.memref_squeeze %dma_start3A_2442 : memref<1x8x32xf32, #tpu.memory_space<hbm>> -> memref<8x32xf32, #tpu.memory_space<hbm>>
        %dma_start3A_2444 = tpu.memref_slice %arg18[%and3A_1870] : memref<2x!tpu.dma_semaphore, #tpu.memory_space<semaphore_mem>> -> memref<1x!tpu.dma_semaphore, #tpu.memory_space<semaphore_mem>>
        %dma_start3A_2445 = tpu.memref_squeeze %dma_start3A_2444 : memref<1x!tpu.dma_semaphore, #tpu.memory_space<semaphore_mem>> -> memref<!tpu.dma_semaphore, #tpu.memory_space<semaphore_mem>>
        %dma_start3A_2446 = arith.constant 0 : i32
        %dma_start3A_2447 = arith.constant 0 : i32
        %dma_start3A_2448 = tpu.memref_slice %arg12[%and3A_1870, %dma_start3A_2435, %dma_start3A_2446, %dma_start3A_2447] : memref<2x16x8x32xf32, #tpu.memory_space<vmem>> -> memref<1x1x8x32xf32, #tpu.memory_space<vmem>>
        %dma_start3A_2449 = tpu.memref_squeeze %dma_start3A_2448 : memref<1x1x8x32xf32, #tpu.memory_space<vmem>> -> memref<8x32xf32, #tpu.memory_space<vmem>>
        %dma_start3A_2450 = arith.constant 0 : i32
        %dma_start3A_2451 = arith.constant 0 : i32
        %dma_start3A_2452 = tpu.memref_slice %arg5[%squeeze3A_2434, %dma_start3A_2450, %dma_start3A_2451] : memref<125000x8x32xf32, #tpu.memory_space<hbm>> -> memref<1x8x32xf32, #tpu.memory_space<hbm>>
        %dma_start3A_2453 = tpu.memref_squeeze %dma_start3A_2452 : memref<1x8x32xf32, #tpu.memory_space<hbm>> -> memref<8x32xf32, #tpu.memory_space<hbm>>
        tpu.enqueue_dma source(%dma_start3A_2453 : memref<8x32xf32, #tpu.memory_space<hbm>>) target(%dma_start3A_2449 : memref<8x32xf32, #tpu.memory_space<vmem>>) target_semaphore(%dma_start3A_2445 : memref<!tpu.dma_semaphore, #tpu.memory_space<semaphore_mem>>)
        %slice3A_2454 = vector.extract_strided_slice %shift_right_arithmetic3A_1886 {offsets = [13], sizes = [1], strides = [1]} : vector<16xi32> to vector<1xi32>
        %squeeze3A_2455 = vector.extract %slice3A_2454[0] : i32 from vector<1xi32>
        %dma_start3A_2456 = arith.constant 13 : i32
        %dma_start3A_2457 = arith.constant 0 : i32
        %dma_start3A_2458 = arith.constant 0 : i32
        %dma_start3A_2459 = tpu.memref_slice %arg13[%and3A_1870, %dma_start3A_2456, %dma_start3A_2457, %dma_start3A_2458] : memref<2x16x8x32xf32, #tpu.memory_space<vmem>> -> memref<1x1x8x32xf32, #tpu.memory_space<vmem>>
        %dma_start3A_2460 = tpu.memref_squeeze %dma_start3A_2459 : memref<1x1x8x32xf32, #tpu.memory_space<vmem>> -> memref<8x32xf32, #tpu.memory_space<vmem>>
        %dma_start3A_2461 = arith.constant 0 : i32
        %dma_start3A_2462 = arith.constant 0 : i32
        %dma_start3A_2463 = tpu.memref_slice %arg6[%squeeze3A_2455, %dma_start3A_2461, %dma_start3A_2462] : memref<125000x8x32xf32, #tpu.memory_space<hbm>> -> memref<1x8x32xf32, #tpu.memory_space<hbm>>
        %dma_start3A_2464 = tpu.memref_squeeze %dma_start3A_2463 : memref<1x8x32xf32, #tpu.memory_space<hbm>> -> memref<8x32xf32, #tpu.memory_space<hbm>>
        %dma_start3A_2465 = tpu.memref_slice %arg19[%and3A_1870] : memref<2x!tpu.dma_semaphore, #tpu.memory_space<semaphore_mem>> -> memref<1x!tpu.dma_semaphore, #tpu.memory_space<semaphore_mem>>
        %dma_start3A_2466 = tpu.memref_squeeze %dma_start3A_2465 : memref<1x!tpu.dma_semaphore, #tpu.memory_space<semaphore_mem>> -> memref<!tpu.dma_semaphore, #tpu.memory_space<semaphore_mem>>
        %dma_start3A_2467 = arith.constant 0 : i32
        %dma_start3A_2468 = arith.constant 0 : i32
        %dma_start3A_2469 = tpu.memref_slice %arg13[%and3A_1870, %dma_start3A_2456, %dma_start3A_2467, %dma_start3A_2468] : memref<2x16x8x32xf32, #tpu.memory_space<vmem>> -> memref<1x1x8x32xf32, #tpu.memory_space<vmem>>
        %dma_start3A_2470 = tpu.memref_squeeze %dma_start3A_2469 : memref<1x1x8x32xf32, #tpu.memory_space<vmem>> -> memref<8x32xf32, #tpu.memory_space<vmem>>
        %dma_start3A_2471 = arith.constant 0 : i32
        %dma_start3A_2472 = arith.constant 0 : i32
        %dma_start3A_2473 = tpu.memref_slice %arg6[%squeeze3A_2455, %dma_start3A_2471, %dma_start3A_2472] : memref<125000x8x32xf32, #tpu.memory_space<hbm>> -> memref<1x8x32xf32, #tpu.memory_space<hbm>>
        %dma_start3A_2474 = tpu.memref_squeeze %dma_start3A_2473 : memref<1x8x32xf32, #tpu.memory_space<hbm>> -> memref<8x32xf32, #tpu.memory_space<hbm>>
        tpu.enqueue_dma source(%dma_start3A_2474 : memref<8x32xf32, #tpu.memory_space<hbm>>) target(%dma_start3A_2470 : memref<8x32xf32, #tpu.memory_space<vmem>>) target_semaphore(%dma_start3A_2466 : memref<!tpu.dma_semaphore, #tpu.memory_space<semaphore_mem>>)
        %slice3A_2475 = vector.extract_strided_slice %shift_right_arithmetic3A_1878 {offsets = [14], sizes = [1], strides = [1]} : vector<16xi32> to vector<1xi32>
        %squeeze3A_2476 = vector.extract %slice3A_2475[0] : i32 from vector<1xi32>
        %dma_start3A_2477 = arith.constant 14 : i32
        %dma_start3A_2478 = arith.constant 0 : i32
        %dma_start3A_2479 = arith.constant 0 : i32
        %dma_start3A_2480 = tpu.memref_slice %arg12[%and3A_1870, %dma_start3A_2477, %dma_start3A_2478, %dma_start3A_2479] : memref<2x16x8x32xf32, #tpu.memory_space<vmem>> -> memref<1x1x8x32xf32, #tpu.memory_space<vmem>>
        %dma_start3A_2481 = tpu.memref_squeeze %dma_start3A_2480 : memref<1x1x8x32xf32, #tpu.memory_space<vmem>> -> memref<8x32xf32, #tpu.memory_space<vmem>>
        %dma_start3A_2482 = arith.constant 0 : i32
        %dma_start3A_2483 = arith.constant 0 : i32
        %dma_start3A_2484 = tpu.memref_slice %arg5[%squeeze3A_2476, %dma_start3A_2482, %dma_start3A_2483] : memref<125000x8x32xf32, #tpu.memory_space<hbm>> -> memref<1x8x32xf32, #tpu.memory_space<hbm>>
        %dma_start3A_2485 = tpu.memref_squeeze %dma_start3A_2484 : memref<1x8x32xf32, #tpu.memory_space<hbm>> -> memref<8x32xf32, #tpu.memory_space<hbm>>
        %dma_start3A_2486 = tpu.memref_slice %arg18[%and3A_1870] : memref<2x!tpu.dma_semaphore, #tpu.memory_space<semaphore_mem>> -> memref<1x!tpu.dma_semaphore, #tpu.memory_space<semaphore_mem>>
        %dma_start3A_2487 = tpu.memref_squeeze %dma_start3A_2486 : memref<1x!tpu.dma_semaphore, #tpu.memory_space<semaphore_mem>> -> memref<!tpu.dma_semaphore, #tpu.memory_space<semaphore_mem>>
        %dma_start3A_2488 = arith.constant 0 : i32
        %dma_start3A_2489 = arith.constant 0 : i32
        %dma_start3A_2490 = tpu.memref_slice %arg12[%and3A_1870, %dma_start3A_2477, %dma_start3A_2488, %dma_start3A_2489] : memref<2x16x8x32xf32, #tpu.memory_space<vmem>> -> memref<1x1x8x32xf32, #tpu.memory_space<vmem>>
        %dma_start3A_2491 = tpu.memref_squeeze %dma_start3A_2490 : memref<1x1x8x32xf32, #tpu.memory_space<vmem>> -> memref<8x32xf32, #tpu.memory_space<vmem>>
        %dma_start3A_2492 = arith.constant 0 : i32
        %dma_start3A_2493 = arith.constant 0 : i32
        %dma_start3A_2494 = tpu.memref_slice %arg5[%squeeze3A_2476, %dma_start3A_2492, %dma_start3A_2493] : memref<125000x8x32xf32, #tpu.memory_space<hbm>> -> memref<1x8x32xf32, #tpu.memory_space<hbm>>
        %dma_start3A_2495 = tpu.memref_squeeze %dma_start3A_2494 : memref<1x8x32xf32, #tpu.memory_space<hbm>> -> memref<8x32xf32, #tpu.memory_space<hbm>>
        tpu.enqueue_dma source(%dma_start3A_2495 : memref<8x32xf32, #tpu.memory_space<hbm>>) target(%dma_start3A_2491 : memref<8x32xf32, #tpu.memory_space<vmem>>) target_semaphore(%dma_start3A_2487 : memref<!tpu.dma_semaphore, #tpu.memory_space<semaphore_mem>>)
        %slice3A_2496 = vector.extract_strided_slice %shift_right_arithmetic3A_1886 {offsets = [14], sizes = [1], strides = [1]} : vector<16xi32> to vector<1xi32>
        %squeeze3A_2497 = vector.extract %slice3A_2496[0] : i32 from vector<1xi32>
        %dma_start3A_2498 = arith.constant 14 : i32
        %dma_start3A_2499 = arith.constant 0 : i32
        %dma_start3A_2500 = arith.constant 0 : i32
        %dma_start3A_2501 = tpu.memref_slice %arg13[%and3A_1870, %dma_start3A_2498, %dma_start3A_2499, %dma_start3A_2500] : memref<2x16x8x32xf32, #tpu.memory_space<vmem>> -> memref<1x1x8x32xf32, #tpu.memory_space<vmem>>
        %dma_start3A_2502 = tpu.memref_squeeze %dma_start3A_2501 : memref<1x1x8x32xf32, #tpu.memory_space<vmem>> -> memref<8x32xf32, #tpu.memory_space<vmem>>
        %dma_start3A_2503 = arith.constant 0 : i32
        %dma_start3A_2504 = arith.constant 0 : i32
        %dma_start3A_2505 = tpu.memref_slice %arg6[%squeeze3A_2497, %dma_start3A_2503, %dma_start3A_2504] : memref<125000x8x32xf32, #tpu.memory_space<hbm>> -> memref<1x8x32xf32, #tpu.memory_space<hbm>>
        %dma_start3A_2506 = tpu.memref_squeeze %dma_start3A_2505 : memref<1x8x32xf32, #tpu.memory_space<hbm>> -> memref<8x32xf32, #tpu.memory_space<hbm>>
        %dma_start3A_2507 = tpu.memref_slice %arg19[%and3A_1870] : memref<2x!tpu.dma_semaphore, #tpu.memory_space<semaphore_mem>> -> memref<1x!tpu.dma_semaphore, #tpu.memory_space<semaphore_mem>>
        %dma_start3A_2508 = tpu.memref_squeeze %dma_start3A_2507 : memref<1x!tpu.dma_semaphore, #tpu.memory_space<semaphore_mem>> -> memref<!tpu.dma_semaphore, #tpu.memory_space<semaphore_mem>>
        %dma_start3A_2509 = arith.constant 0 : i32
        %dma_start3A_2510 = arith.constant 0 : i32
        %dma_start3A_2511 = tpu.memref_slice %arg13[%and3A_1870, %dma_start3A_2498, %dma_start3A_2509, %dma_start3A_2510] : memref<2x16x8x32xf32, #tpu.memory_space<vmem>> -> memref<1x1x8x32xf32, #tpu.memory_space<vmem>>
        %dma_start3A_2512 = tpu.memref_squeeze %dma_start3A_2511 : memref<1x1x8x32xf32, #tpu.memory_space<vmem>> -> memref<8x32xf32, #tpu.memory_space<vmem>>
        %dma_start3A_2513 = arith.constant 0 : i32
        %dma_start3A_2514 = arith.constant 0 : i32
        %dma_start3A_2515 = tpu.memref_slice %arg6[%squeeze3A_2497, %dma_start3A_2513, %dma_start3A_2514] : memref<125000x8x32xf32, #tpu.memory_space<hbm>> -> memref<1x8x32xf32, #tpu.memory_space<hbm>>
        %dma_start3A_2516 = tpu.memref_squeeze %dma_start3A_2515 : memref<1x8x32xf32, #tpu.memory_space<hbm>> -> memref<8x32xf32, #tpu.memory_space<hbm>>
        tpu.enqueue_dma source(%dma_start3A_2516 : memref<8x32xf32, #tpu.memory_space<hbm>>) target(%dma_start3A_2512 : memref<8x32xf32, #tpu.memory_space<vmem>>) target_semaphore(%dma_start3A_2508 : memref<!tpu.dma_semaphore, #tpu.memory_space<semaphore_mem>>)
        %slice3A_2517 = vector.extract_strided_slice %shift_right_arithmetic3A_1878 {offsets = [15], sizes = [1], strides = [1]} : vector<16xi32> to vector<1xi32>
        %squeeze3A_2518 = vector.extract %slice3A_2517[0] : i32 from vector<1xi32>
        %dma_start3A_2519 = arith.constant 15 : i32
        %dma_start3A_2520 = arith.constant 0 : i32
        %dma_start3A_2521 = arith.constant 0 : i32
        %dma_start3A_2522 = tpu.memref_slice %arg12[%and3A_1870, %dma_start3A_2519, %dma_start3A_2520, %dma_start3A_2521] : memref<2x16x8x32xf32, #tpu.memory_space<vmem>> -> memref<1x1x8x32xf32, #tpu.memory_space<vmem>>
        %dma_start3A_2523 = tpu.memref_squeeze %dma_start3A_2522 : memref<1x1x8x32xf32, #tpu.memory_space<vmem>> -> memref<8x32xf32, #tpu.memory_space<vmem>>
        %dma_start3A_2524 = arith.constant 0 : i32
        %dma_start3A_2525 = arith.constant 0 : i32
        %dma_start3A_2526 = tpu.memref_slice %arg5[%squeeze3A_2518, %dma_start3A_2524, %dma_start3A_2525] : memref<125000x8x32xf32, #tpu.memory_space<hbm>> -> memref<1x8x32xf32, #tpu.memory_space<hbm>>
        %dma_start3A_2527 = tpu.memref_squeeze %dma_start3A_2526 : memref<1x8x32xf32, #tpu.memory_space<hbm>> -> memref<8x32xf32, #tpu.memory_space<hbm>>
        %dma_start3A_2528 = tpu.memref_slice %arg18[%and3A_1870] : memref<2x!tpu.dma_semaphore, #tpu.memory_space<semaphore_mem>> -> memref<1x!tpu.dma_semaphore, #tpu.memory_space<semaphore_mem>>
        %dma_start3A_2529 = tpu.memref_squeeze %dma_start3A_2528 : memref<1x!tpu.dma_semaphore, #tpu.memory_space<semaphore_mem>> -> memref<!tpu.dma_semaphore, #tpu.memory_space<semaphore_mem>>
        %dma_start3A_2530 = arith.constant 0 : i32
        %dma_start3A_2531 = arith.constant 0 : i32
        %dma_start3A_2532 = tpu.memref_slice %arg12[%and3A_1870, %dma_start3A_2519, %dma_start3A_2530, %dma_start3A_2531] : memref<2x16x8x32xf32, #tpu.memory_space<vmem>> -> memref<1x1x8x32xf32, #tpu.memory_space<vmem>>
        %dma_start3A_2533 = tpu.memref_squeeze %dma_start3A_2532 : memref<1x1x8x32xf32, #tpu.memory_space<vmem>> -> memref<8x32xf32, #tpu.memory_space<vmem>>
        %dma_start3A_2534 = arith.constant 0 : i32
        %dma_start3A_2535 = arith.constant 0 : i32
        %dma_start3A_2536 = tpu.memref_slice %arg5[%squeeze3A_2518, %dma_start3A_2534, %dma_start3A_2535] : memref<125000x8x32xf32, #tpu.memory_space<hbm>> -> memref<1x8x32xf32, #tpu.memory_space<hbm>>
        %dma_start3A_2537 = tpu.memref_squeeze %dma_start3A_2536 : memref<1x8x32xf32, #tpu.memory_space<hbm>> -> memref<8x32xf32, #tpu.memory_space<hbm>>
        tpu.enqueue_dma source(%dma_start3A_2537 : memref<8x32xf32, #tpu.memory_space<hbm>>) target(%dma_start3A_2533 : memref<8x32xf32, #tpu.memory_space<vmem>>) target_semaphore(%dma_start3A_2529 : memref<!tpu.dma_semaphore, #tpu.memory_space<semaphore_mem>>)
        %slice3A_2538 = vector.extract_strided_slice %shift_right_arithmetic3A_1886 {offsets = [15], sizes = [1], strides = [1]} : vector<16xi32> to vector<1xi32>
        %squeeze3A_2539 = vector.extract %slice3A_2538[0] : i32 from vector<1xi32>
        %dma_start3A_2540 = arith.constant 15 : i32
        %dma_start3A_2541 = arith.constant 0 : i32
        %dma_start3A_2542 = arith.constant 0 : i32
        %dma_start3A_2543 = tpu.memref_slice %arg13[%and3A_1870, %dma_start3A_2540, %dma_start3A_2541, %dma_start3A_2542] : memref<2x16x8x32xf32, #tpu.memory_space<vmem>> -> memref<1x1x8x32xf32, #tpu.memory_space<vmem>>
        %dma_start3A_2544 = tpu.memref_squeeze %dma_start3A_2543 : memref<1x1x8x32xf32, #tpu.memory_space<vmem>> -> memref<8x32xf32, #tpu.memory_space<vmem>>
        %dma_start3A_2545 = arith.constant 0 : i32
        %dma_start3A_2546 = arith.constant 0 : i32
        %dma_start3A_2547 = tpu.memref_slice %arg6[%squeeze3A_2539, %dma_start3A_2545, %dma_start3A_2546] : memref<125000x8x32xf32, #tpu.memory_space<hbm>> -> memref<1x8x32xf32, #tpu.memory_space<hbm>>
        %dma_start3A_2548 = tpu.memref_squeeze %dma_start3A_2547 : memref<1x8x32xf32, #tpu.memory_space<hbm>> -> memref<8x32xf32, #tpu.memory_space<hbm>>
        %dma_start3A_2549 = tpu.memref_slice %arg19[%and3A_1870] : memref<2x!tpu.dma_semaphore, #tpu.memory_space<semaphore_mem>> -> memref<1x!tpu.dma_semaphore, #tpu.memory_space<semaphore_mem>>
        %dma_start3A_2550 = tpu.memref_squeeze %dma_start3A_2549 : memref<1x!tpu.dma_semaphore, #tpu.memory_space<semaphore_mem>> -> memref<!tpu.dma_semaphore, #tpu.memory_space<semaphore_mem>>
        %dma_start3A_2551 = arith.constant 0 : i32
        %dma_start3A_2552 = arith.constant 0 : i32
        %dma_start3A_2553 = tpu.memref_slice %arg13[%and3A_1870, %dma_start3A_2540, %dma_start3A_2551, %dma_start3A_2552] : memref<2x16x8x32xf32, #tpu.memory_space<vmem>> -> memref<1x1x8x32xf32, #tpu.memory_space<vmem>>
        %dma_start3A_2554 = tpu.memref_squeeze %dma_start3A_2553 : memref<1x1x8x32xf32, #tpu.memory_space<vmem>> -> memref<8x32xf32, #tpu.memory_space<vmem>>
        %dma_start3A_2555 = arith.constant 0 : i32
        %dma_start3A_2556 = arith.constant 0 : i32
        %dma_start3A_2557 = tpu.memref_slice %arg6[%squeeze3A_2539, %dma_start3A_2555, %dma_start3A_2556] : memref<125000x8x32xf32, #tpu.memory_space<hbm>> -> memref<1x8x32xf32, #tpu.memory_space<hbm>>
        %dma_start3A_2558 = tpu.memref_squeeze %dma_start3A_2557 : memref<1x8x32xf32, #tpu.memory_space<hbm>> -> memref<8x32xf32, #tpu.memory_space<hbm>>
        tpu.enqueue_dma source(%dma_start3A_2558 : memref<8x32xf32, #tpu.memory_space<hbm>>) target(%dma_start3A_2554 : memref<8x32xf32, #tpu.memory_space<vmem>>) target_semaphore(%dma_start3A_2550 : memref<!tpu.dma_semaphore, #tpu.memory_space<semaphore_mem>>)
      } else {
      }
      %and3A_748 = arith.constant 1 : i32
      %and3A_749 = arith.andi %scan3A_743, %and3A_748 : i32
      %dma_wait3A = arith.constant 0 : i32
      %dma_wait3A_750 = arith.constant 0 : i32
      %dma_wait3A_751 = arith.constant 0 : i32
      %dma_wait3A_752 = tpu.memref_slice %arg12[%and3A_749, %dma_wait3A, %dma_wait3A_750, %dma_wait3A_751] : memref<2x16x8x32xf32, #tpu.memory_space<vmem>> -> memref<1x16x8x32xf32, #tpu.memory_space<vmem>>
      %dma_wait3A_753 = tpu.memref_squeeze %dma_wait3A_752 : memref<1x16x8x32xf32, #tpu.memory_space<vmem>> -> memref<16x8x32xf32, #tpu.memory_space<vmem>>
      %dma_wait3A_754 = arith.constant 0 : i32
      %dma_wait3A_755 = arith.constant 0 : i32
      %dma_wait3A_756 = arith.constant 0 : i32
      %dma_wait3A_757 = tpu.memref_slice %arg5[%dma_wait3A_754, %dma_wait3A_755, %dma_wait3A_756] : memref<125000x8x32xf32, #tpu.memory_space<hbm>> -> memref<16x8x32xf32, #tpu.memory_space<hbm>>
      %dma_wait3A_758 = tpu.memref_slice %arg18[%and3A_749] : memref<2x!tpu.dma_semaphore, #tpu.memory_space<semaphore_mem>> -> memref<1x!tpu.dma_semaphore, #tpu.memory_space<semaphore_mem>>
      %dma_wait3A_759 = tpu.memref_squeeze %dma_wait3A_758 : memref<1x!tpu.dma_semaphore, #tpu.memory_space<semaphore_mem>> -> memref<!tpu.dma_semaphore, #tpu.memory_space<semaphore_mem>>
      %dma_wait3A_760 = arith.constant 0 : i32
      %dma_wait3A_761 = arith.constant 0 : i32
      %dma_wait3A_762 = arith.constant 0 : i32
      %dma_wait3A_763 = tpu.memref_slice %arg12[%and3A_749, %dma_wait3A_760, %dma_wait3A_761, %dma_wait3A_762] : memref<2x16x8x32xf32, #tpu.memory_space<vmem>> -> memref<1x16x8x32xf32, #tpu.memory_space<vmem>>
      %dma_wait3A_764 = tpu.memref_squeeze %dma_wait3A_763 : memref<1x16x8x32xf32, #tpu.memory_space<vmem>> -> memref<16x8x32xf32, #tpu.memory_space<vmem>>
      %dma_wait3A_765 = arith.constant 0 : i32
      %dma_wait3A_766 = arith.constant 0 : i32
      %dma_wait3A_767 = arith.constant 0 : i32
      %dma_wait3A_768 = tpu.memref_slice %arg5[%dma_wait3A_765, %dma_wait3A_766, %dma_wait3A_767] : memref<125000x8x32xf32, #tpu.memory_space<hbm>> -> memref<16x8x32xf32, #tpu.memory_space<hbm>>
      tpu.wait_dma2 semaphore(%dma_wait3A_759 : memref<!tpu.dma_semaphore, #tpu.memory_space<semaphore_mem>>) src(%dma_wait3A_768 : memref<16x8x32xf32, #tpu.memory_space<hbm>>) dst(%dma_wait3A_764 : memref<16x8x32xf32, #tpu.memory_space<vmem>>)
      %dma_wait3A_769 = arith.constant 0 : i32
      %dma_wait3A_770 = arith.constant 0 : i32
      %dma_wait3A_771 = arith.constant 0 : i32
      %dma_wait3A_772 = tpu.memref_slice %arg13[%and3A_749, %dma_wait3A_769, %dma_wait3A_770, %dma_wait3A_771] : memref<2x16x8x32xf32, #tpu.memory_space<vmem>> -> memref<1x16x8x32xf32, #tpu.memory_space<vmem>>
      %dma_wait3A_773 = tpu.memref_squeeze %dma_wait3A_772 : memref<1x16x8x32xf32, #tpu.memory_space<vmem>> -> memref<16x8x32xf32, #tpu.memory_space<vmem>>
      %dma_wait3A_774 = arith.constant 0 : i32
      %dma_wait3A_775 = arith.constant 0 : i32
      %dma_wait3A_776 = arith.constant 0 : i32
      %dma_wait3A_777 = tpu.memref_slice %arg6[%dma_wait3A_774, %dma_wait3A_775, %dma_wait3A_776] : memref<125000x8x32xf32, #tpu.memory_space<hbm>> -> memref<16x8x32xf32, #tpu.memory_space<hbm>>
      %dma_wait3A_778 = tpu.memref_slice %arg19[%and3A_749] : memref<2x!tpu.dma_semaphore, #tpu.memory_space<semaphore_mem>> -> memref<1x!tpu.dma_semaphore, #tpu.memory_space<semaphore_mem>>
      %dma_wait3A_779 = tpu.memref_squeeze %dma_wait3A_778 : memref<1x!tpu.dma_semaphore, #tpu.memory_space<semaphore_mem>> -> memref<!tpu.dma_semaphore, #tpu.memory_space<semaphore_mem>>
      %dma_wait3A_780 = arith.constant 0 : i32
      %dma_wait3A_781 = arith.constant 0 : i32
      %dma_wait3A_782 = arith.constant 0 : i32
      %dma_wait3A_783 = tpu.memref_slice %arg13[%and3A_749, %dma_wait3A_780, %dma_wait3A_781, %dma_wait3A_782] : memref<2x16x8x32xf32, #tpu.memory_space<vmem>> -> memref<1x16x8x32xf32, #tpu.memory_space<vmem>>
      %dma_wait3A_784 = tpu.memref_squeeze %dma_wait3A_783 : memref<1x16x8x32xf32, #tpu.memory_space<vmem>> -> memref<16x8x32xf32, #tpu.memory_space<vmem>>
      %dma_wait3A_785 = arith.constant 0 : i32
      %dma_wait3A_786 = arith.constant 0 : i32
      %dma_wait3A_787 = arith.constant 0 : i32
      %dma_wait3A_788 = tpu.memref_slice %arg6[%dma_wait3A_785, %dma_wait3A_786, %dma_wait3A_787] : memref<125000x8x32xf32, #tpu.memory_space<hbm>> -> memref<16x8x32xf32, #tpu.memory_space<hbm>>
      tpu.wait_dma2 semaphore(%dma_wait3A_779 : memref<!tpu.dma_semaphore, #tpu.memory_space<semaphore_mem>>) src(%dma_wait3A_788 : memref<16x8x32xf32, #tpu.memory_space<hbm>>) dst(%dma_wait3A_784 : memref<16x8x32xf32, #tpu.memory_space<vmem>>)
      %mul3A_789 = arith.constant 16 : i32
      %mul3A_790 = arith.muli %scan3A_743, %mul3A_789 : i32
      %get3A_791 = arith.index_cast %mul3A_790 : i32 to index
      %get3A_792 = tpu.vector_load %arg10[%get3A_791] {strides = array<i32>} : memref<512xi32, #tpu.memory_space<vmem>>, vector<16xi32>,
      %get3A_793 = vector.shape_cast %get3A_792 : vector<16xi32> to vector<16xi32>
      %and3A_794 = arith.constant 7 : i32
      %and3A_795 = vector.broadcast %and3A_794 : i32 to vector<16xi32>
      %and3A_796 = arith.andi %get3A_793, %and3A_795 : vector<16xi32>
      %mul3A_797 = arith.constant 16 : i32
      %mul3A_798 = arith.muli %scan3A_743, %mul3A_797 : i32
      %get3A_799 = arith.index_cast %mul3A_798 : i32 to index
      %get3A_800 = tpu.vector_load %arg11[%get3A_799] {strides = array<i32>} : memref<512xi32, #tpu.memory_space<vmem>>, vector<16xi32>,
      %get3A_801 = vector.shape_cast %get3A_800 : vector<16xi32> to vector<16xi32>
      %and3A_802 = arith.constant 7 : i32
      %and3A_803 = vector.broadcast %and3A_802 : i32 to vector<16xi32>
      %and3A_804 = arith.andi %get3A_801, %and3A_803 : vector<16xi32>
      %slice3A_805 = vector.extract_strided_slice %and3A_796 {offsets = [0], sizes = [1], strides = [1]} : vector<16xi32> to vector<1xi32>
      %squeeze3A_806 = vector.extract %slice3A_805[0] : i32 from vector<1xi32>
      %slice3A_807 = vector.extract_strided_slice %and3A_804 {offsets = [0], sizes = [1], strides = [1]} : vector<16xi32> to vector<1xi32>
      %squeeze3A_808 = vector.extract %slice3A_807[0] : i32 from vector<1xi32>
      %broadcast_in_dim3A = arith.constant 0.000000e+00 : f32
      %broadcast_in_dim3A_809 = vector.broadcast %broadcast_in_dim3A : f32 to vector<16xf32>
      %get3A_810 = arith.constant 0 : i32
      %get3A_811 = arith.index_cast %and3A_749 : i32 to index
      %get3A_812 = arith.index_cast %get3A_810 : i32 to index
      %get3A_813 = arith.index_cast %squeeze3A_806 : i32 to index
      %get3A_814 = arith.constant 0 : index
      %get3A_815 = tpu.vector_load %arg12[%get3A_811, %get3A_812, %get3A_813, %get3A_814] {strides = array<i32>} : memref<2x16x8x32xf32, #tpu.memory_space<vmem>>, vector<1x1x1x16xf32>,
      %get3A_816 = vector.shape_cast %get3A_815 : vector<1x1x1x16xf32> to vector<16xf32>
      %get3A_817 = arith.constant 0 : i32
      %get3A_818 = arith.index_cast %and3A_749 : i32 to index
      %get3A_819 = arith.index_cast %get3A_817 : i32 to index
      %get3A_820 = arith.index_cast %squeeze3A_808 : i32 to index
      %get3A_821 = arith.constant 0 : index
      %get3A_822 = tpu.vector_load %arg13[%get3A_818, %get3A_819, %get3A_820, %get3A_821] {strides = array<i32>} : memref<2x16x8x32xf32, #tpu.memory_space<vmem>>, vector<1x1x1x16xf32>,
      %get3A_823 = vector.shape_cast %get3A_822 : vector<1x1x1x16xf32> to vector<16xf32>
      %mul3A_824 = arith.mulf %get3A_816, %get3A_823 : vector<16xf32>
      %add3A_825 = arith.addf %broadcast_in_dim3A_809, %mul3A_824 : vector<16xf32>
      %get3A_826 = arith.constant 0 : i32
      %get3A_827 = arith.index_cast %and3A_749 : i32 to index
      %get3A_828 = arith.index_cast %get3A_826 : i32 to index
      %get3A_829 = arith.index_cast %squeeze3A_806 : i32 to index
      %get3A_830 = arith.constant 16 : index
      %get3A_831 = tpu.vector_load %arg12[%get3A_827, %get3A_828, %get3A_829, %get3A_830] {strides = array<i32>} : memref<2x16x8x32xf32, #tpu.memory_space<vmem>>, vector<1x1x1x16xf32>,
      %get3A_832 = vector.shape_cast %get3A_831 : vector<1x1x1x16xf32> to vector<16xf32>
      %get3A_833 = arith.constant 0 : i32
      %get3A_834 = arith.index_cast %and3A_749 : i32 to index
      %get3A_835 = arith.index_cast %get3A_833 : i32 to index
      %get3A_836 = arith.index_cast %squeeze3A_808 : i32 to index
      %get3A_837 = arith.constant 16 : index
      %get3A_838 = tpu.vector_load %arg13[%get3A_834, %get3A_835, %get3A_836, %get3A_837] {strides = array<i32>} : memref<2x16x8x32xf32, #tpu.memory_space<vmem>>, vector<1x1x1x16xf32>,
      %get3A_839 = vector.shape_cast %get3A_838 : vector<1x1x1x16xf32> to vector<16xf32>
      %mul3A_840 = arith.mulf %get3A_832, %get3A_839 : vector<16xf32>
      %add3A_841 = arith.addf %add3A_825, %mul3A_840 : vector<16xf32>
      %slice3A_842 = vector.extract_strided_slice %and3A_796 {offsets = [1], sizes = [1], strides = [1]} : vector<16xi32> to vector<1xi32>
      %squeeze3A_843 = vector.extract %slice3A_842[0] : i32 from vector<1xi32>
      %slice3A_844 = vector.extract_strided_slice %and3A_804 {offsets = [1], sizes = [1], strides = [1]} : vector<16xi32> to vector<1xi32>
      %squeeze3A_845 = vector.extract %slice3A_844[0] : i32 from vector<1xi32>
      %broadcast_in_dim3A_846 = arith.constant 0.000000e+00 : f32
      %broadcast_in_dim3A_847 = vector.broadcast %broadcast_in_dim3A_846 : f32 to vector<16xf32>
      %get3A_848 = arith.constant 1 : i32
      %get3A_849 = arith.index_cast %and3A_749 : i32 to index
      %get3A_850 = arith.index_cast %get3A_848 : i32 to index
      %get3A_851 = arith.index_cast %squeeze3A_843 : i32 to index
      %get3A_852 = arith.constant 0 : index
      %get3A_853 = tpu.vector_load %arg12[%get3A_849, %get3A_850, %get3A_851, %get3A_852] {strides = array<i32>} : memref<2x16x8x32xf32, #tpu.memory_space<vmem>>, vector<1x1x1x16xf32>,
      %get3A_854 = vector.shape_cast %get3A_853 : vector<1x1x1x16xf32> to vector<16xf32>
      %get3A_855 = arith.constant 1 : i32
      %get3A_856 = arith.index_cast %and3A_749 : i32 to index
      %get3A_857 = arith.index_cast %get3A_855 : i32 to index
      %get3A_858 = arith.index_cast %squeeze3A_845 : i32 to index
      %get3A_859 = arith.constant 0 : index
      %get3A_860 = tpu.vector_load %arg13[%get3A_856, %get3A_857, %get3A_858, %get3A_859] {strides = array<i32>} : memref<2x16x8x32xf32, #tpu.memory_space<vmem>>, vector<1x1x1x16xf32>,
      %get3A_861 = vector.shape_cast %get3A_860 : vector<1x1x1x16xf32> to vector<16xf32>
      %mul3A_862 = arith.mulf %get3A_854, %get3A_861 : vector<16xf32>
      %add3A_863 = arith.addf %broadcast_in_dim3A_847, %mul3A_862 : vector<16xf32>
      %get3A_864 = arith.constant 1 : i32
      %get3A_865 = arith.index_cast %and3A_749 : i32 to index
      %get3A_866 = arith.index_cast %get3A_864 : i32 to index
      %get3A_867 = arith.index_cast %squeeze3A_843 : i32 to index
      %get3A_868 = arith.constant 16 : index
      %get3A_869 = tpu.vector_load %arg12[%get3A_865, %get3A_866, %get3A_867, %get3A_868] {strides = array<i32>} : memref<2x16x8x32xf32, #tpu.memory_space<vmem>>, vector<1x1x1x16xf32>,
      %get3A_870 = vector.shape_cast %get3A_869 : vector<1x1x1x16xf32> to vector<16xf32>
      %get3A_871 = arith.constant 1 : i32
      %get3A_872 = arith.index_cast %and3A_749 : i32 to index
      %get3A_873 = arith.index_cast %get3A_871 : i32 to index
      %get3A_874 = arith.index_cast %squeeze3A_845 : i32 to index
      %get3A_875 = arith.constant 16 : index
      %get3A_876 = tpu.vector_load %arg13[%get3A_872, %get3A_873, %get3A_874, %get3A_875] {strides = array<i32>} : memref<2x16x8x32xf32, #tpu.memory_space<vmem>>, vector<1x1x1x16xf32>,
      %get3A_877 = vector.shape_cast %get3A_876 : vector<1x1x1x16xf32> to vector<16xf32>
      %mul3A_878 = arith.mulf %get3A_870, %get3A_877 : vector<16xf32>
      %add3A_879 = arith.addf %add3A_863, %mul3A_878 : vector<16xf32>
      %slice3A_880 = vector.extract_strided_slice %and3A_796 {offsets = [2], sizes = [1], strides = [1]} : vector<16xi32> to vector<1xi32>
      %squeeze3A_881 = vector.extract %slice3A_880[0] : i32 from vector<1xi32>
      %slice3A_882 = vector.extract_strided_slice %and3A_804 {offsets = [2], sizes = [1], strides = [1]} : vector<16xi32> to vector<1xi32>
      %squeeze3A_883 = vector.extract %slice3A_882[0] : i32 from vector<1xi32>
      %broadcast_in_dim3A_884 = arith.constant 0.000000e+00 : f32
      %broadcast_in_dim3A_885 = vector.broadcast %broadcast_in_dim3A_884 : f32 to vector<16xf32>
      %get3A_886 = arith.constant 2 : i32
      %get3A_887 = arith.index_cast %and3A_749 : i32 to index
      %get3A_888 = arith.index_cast %get3A_886 : i32 to index
      %get3A_889 = arith.index_cast %squeeze3A_881 : i32 to index
      %get3A_890 = arith.constant 0 : index
      %get3A_891 = tpu.vector_load %arg12[%get3A_887, %get3A_888, %get3A_889, %get3A_890] {strides = array<i32>} : memref<2x16x8x32xf32, #tpu.memory_space<vmem>>, vector<1x1x1x16xf32>,
      %get3A_892 = vector.shape_cast %get3A_891 : vector<1x1x1x16xf32> to vector<16xf32>
      %get3A_893 = arith.constant 2 : i32
      %get3A_894 = arith.index_cast %and3A_749 : i32 to index
      %get3A_895 = arith.index_cast %get3A_893 : i32 to index
      %get3A_896 = arith.index_cast %squeeze3A_883 : i32 to index
      %get3A_897 = arith.constant 0 : index
      %get3A_898 = tpu.vector_load %arg13[%get3A_894, %get3A_895, %get3A_896, %get3A_897] {strides = array<i32>} : memref<2x16x8x32xf32, #tpu.memory_space<vmem>>, vector<1x1x1x16xf32>,
      %get3A_899 = vector.shape_cast %get3A_898 : vector<1x1x1x16xf32> to vector<16xf32>
      %mul3A_900 = arith.mulf %get3A_892, %get3A_899 : vector<16xf32>
      %add3A_901 = arith.addf %broadcast_in_dim3A_885, %mul3A_900 : vector<16xf32>
      %get3A_902 = arith.constant 2 : i32
      %get3A_903 = arith.index_cast %and3A_749 : i32 to index
      %get3A_904 = arith.index_cast %get3A_902 : i32 to index
      %get3A_905 = arith.index_cast %squeeze3A_881 : i32 to index
      %get3A_906 = arith.constant 16 : index
      %get3A_907 = tpu.vector_load %arg12[%get3A_903, %get3A_904, %get3A_905, %get3A_906] {strides = array<i32>} : memref<2x16x8x32xf32, #tpu.memory_space<vmem>>, vector<1x1x1x16xf32>,
      %get3A_908 = vector.shape_cast %get3A_907 : vector<1x1x1x16xf32> to vector<16xf32>
      %get3A_909 = arith.constant 2 : i32
      %get3A_910 = arith.index_cast %and3A_749 : i32 to index
      %get3A_911 = arith.index_cast %get3A_909 : i32 to index
      %get3A_912 = arith.index_cast %squeeze3A_883 : i32 to index
      %get3A_913 = arith.constant 16 : index
      %get3A_914 = tpu.vector_load %arg13[%get3A_910, %get3A_911, %get3A_912, %get3A_913] {strides = array<i32>} : memref<2x16x8x32xf32, #tpu.memory_space<vmem>>, vector<1x1x1x16xf32>,
      %get3A_915 = vector.shape_cast %get3A_914 : vector<1x1x1x16xf32> to vector<16xf32>
      %mul3A_916 = arith.mulf %get3A_908, %get3A_915 : vector<16xf32>
      %add3A_917 = arith.addf %add3A_901, %mul3A_916 : vector<16xf32>
      %slice3A_918 = vector.extract_strided_slice %and3A_796 {offsets = [3], sizes = [1], strides = [1]} : vector<16xi32> to vector<1xi32>
      %squeeze3A_919 = vector.extract %slice3A_918[0] : i32 from vector<1xi32>
      %slice3A_920 = vector.extract_strided_slice %and3A_804 {offsets = [3], sizes = [1], strides = [1]} : vector<16xi32> to vector<1xi32>
      %squeeze3A_921 = vector.extract %slice3A_920[0] : i32 from vector<1xi32>
      %broadcast_in_dim3A_922 = arith.constant 0.000000e+00 : f32
      %broadcast_in_dim3A_923 = vector.broadcast %broadcast_in_dim3A_922 : f32 to vector<16xf32>
      %get3A_924 = arith.constant 3 : i32
      %get3A_925 = arith.index_cast %and3A_749 : i32 to index
      %get3A_926 = arith.index_cast %get3A_924 : i32 to index
      %get3A_927 = arith.index_cast %squeeze3A_919 : i32 to index
      %get3A_928 = arith.constant 0 : index
      %get3A_929 = tpu.vector_load %arg12[%get3A_925, %get3A_926, %get3A_927, %get3A_928] {strides = array<i32>} : memref<2x16x8x32xf32, #tpu.memory_space<vmem>>, vector<1x1x1x16xf32>,
      %get3A_930 = vector.shape_cast %get3A_929 : vector<1x1x1x16xf32> to vector<16xf32>
      %get3A_931 = arith.constant 3 : i32
      %get3A_932 = arith.index_cast %and3A_749 : i32 to index
      %get3A_933 = arith.index_cast %get3A_931 : i32 to index
      %get3A_934 = arith.index_cast %squeeze3A_921 : i32 to index
      %get3A_935 = arith.constant 0 : index
      %get3A_936 = tpu.vector_load %arg13[%get3A_932, %get3A_933, %get3A_934, %get3A_935] {strides = array<i32>} : memref<2x16x8x32xf32, #tpu.memory_space<vmem>>, vector<1x1x1x16xf32>,
      %get3A_937 = vector.shape_cast %get3A_936 : vector<1x1x1x16xf32> to vector<16xf32>
      %mul3A_938 = arith.mulf %get3A_930, %get3A_937 : vector<16xf32>
      %add3A_939 = arith.addf %broadcast_in_dim3A_923, %mul3A_938 : vector<16xf32>
      %get3A_940 = arith.constant 3 : i32
      %get3A_941 = arith.index_cast %and3A_749 : i32 to index
      %get3A_942 = arith.index_cast %get3A_940 : i32 to index
      %get3A_943 = arith.index_cast %squeeze3A_919 : i32 to index
      %get3A_944 = arith.constant 16 : index
      %get3A_945 = tpu.vector_load %arg12[%get3A_941, %get3A_942, %get3A_943, %get3A_944] {strides = array<i32>} : memref<2x16x8x32xf32, #tpu.memory_space<vmem>>, vector<1x1x1x16xf32>,
      %get3A_946 = vector.shape_cast %get3A_945 : vector<1x1x1x16xf32> to vector<16xf32>
      %get3A_947 = arith.constant 3 : i32
      %get3A_948 = arith.index_cast %and3A_749 : i32 to index
      %get3A_949 = arith.index_cast %get3A_947 : i32 to index
      %get3A_950 = arith.index_cast %squeeze3A_921 : i32 to index
      %get3A_951 = arith.constant 16 : index
      %get3A_952 = tpu.vector_load %arg13[%get3A_948, %get3A_949, %get3A_950, %get3A_951] {strides = array<i32>} : memref<2x16x8x32xf32, #tpu.memory_space<vmem>>, vector<1x1x1x16xf32>,
      %get3A_953 = vector.shape_cast %get3A_952 : vector<1x1x1x16xf32> to vector<16xf32>
      %mul3A_954 = arith.mulf %get3A_946, %get3A_953 : vector<16xf32>
      %add3A_955 = arith.addf %add3A_939, %mul3A_954 : vector<16xf32>
      %slice3A_956 = vector.extract_strided_slice %and3A_796 {offsets = [4], sizes = [1], strides = [1]} : vector<16xi32> to vector<1xi32>
      %squeeze3A_957 = vector.extract %slice3A_956[0] : i32 from vector<1xi32>
      %slice3A_958 = vector.extract_strided_slice %and3A_804 {offsets = [4], sizes = [1], strides = [1]} : vector<16xi32> to vector<1xi32>
      %squeeze3A_959 = vector.extract %slice3A_958[0] : i32 from vector<1xi32>
      %broadcast_in_dim3A_960 = arith.constant 0.000000e+00 : f32
      %broadcast_in_dim3A_961 = vector.broadcast %broadcast_in_dim3A_960 : f32 to vector<16xf32>
      %get3A_962 = arith.constant 4 : i32
      %get3A_963 = arith.index_cast %and3A_749 : i32 to index
      %get3A_964 = arith.index_cast %get3A_962 : i32 to index
      %get3A_965 = arith.index_cast %squeeze3A_957 : i32 to index
      %get3A_966 = arith.constant 0 : index
      %get3A_967 = tpu.vector_load %arg12[%get3A_963, %get3A_964, %get3A_965, %get3A_966] {strides = array<i32>} : memref<2x16x8x32xf32, #tpu.memory_space<vmem>>, vector<1x1x1x16xf32>,
      %get3A_968 = vector.shape_cast %get3A_967 : vector<1x1x1x16xf32> to vector<16xf32>
      %get3A_969 = arith.constant 4 : i32
      %get3A_970 = arith.index_cast %and3A_749 : i32 to index
      %get3A_971 = arith.index_cast %get3A_969 : i32 to index
      %get3A_972 = arith.index_cast %squeeze3A_959 : i32 to index
      %get3A_973 = arith.constant 0 : index
      %get3A_974 = tpu.vector_load %arg13[%get3A_970, %get3A_971, %get3A_972, %get3A_973] {strides = array<i32>} : memref<2x16x8x32xf32, #tpu.memory_space<vmem>>, vector<1x1x1x16xf32>,
      %get3A_975 = vector.shape_cast %get3A_974 : vector<1x1x1x16xf32> to vector<16xf32>
      %mul3A_976 = arith.mulf %get3A_968, %get3A_975 : vector<16xf32>
      %add3A_977 = arith.addf %broadcast_in_dim3A_961, %mul3A_976 : vector<16xf32>
      %get3A_978 = arith.constant 4 : i32
      %get3A_979 = arith.index_cast %and3A_749 : i32 to index
      %get3A_980 = arith.index_cast %get3A_978 : i32 to index
      %get3A_981 = arith.index_cast %squeeze3A_957 : i32 to index
      %get3A_982 = arith.constant 16 : index
      %get3A_983 = tpu.vector_load %arg12[%get3A_979, %get3A_980, %get3A_981, %get3A_982] {strides = array<i32>} : memref<2x16x8x32xf32, #tpu.memory_space<vmem>>, vector<1x1x1x16xf32>,
      %get3A_984 = vector.shape_cast %get3A_983 : vector<1x1x1x16xf32> to vector<16xf32>
      %get3A_985 = arith.constant 4 : i32
      %get3A_986 = arith.index_cast %and3A_749 : i32 to index
      %get3A_987 = arith.index_cast %get3A_985 : i32 to index
      %get3A_988 = arith.index_cast %squeeze3A_959 : i32 to index
      %get3A_989 = arith.constant 16 : index
      %get3A_990 = tpu.vector_load %arg13[%get3A_986, %get3A_987, %get3A_988, %get3A_989] {strides = array<i32>} : memref<2x16x8x32xf32, #tpu.memory_space<vmem>>, vector<1x1x1x16xf32>,
      %get3A_991 = vector.shape_cast %get3A_990 : vector<1x1x1x16xf32> to vector<16xf32>
      %mul3A_992 = arith.mulf %get3A_984, %get3A_991 : vector<16xf32>
      %add3A_993 = arith.addf %add3A_977, %mul3A_992 : vector<16xf32>
      %slice3A_994 = vector.extract_strided_slice %and3A_796 {offsets = [5], sizes = [1], strides = [1]} : vector<16xi32> to vector<1xi32>
      %squeeze3A_995 = vector.extract %slice3A_994[0] : i32 from vector<1xi32>
      %slice3A_996 = vector.extract_strided_slice %and3A_804 {offsets = [5], sizes = [1], strides = [1]} : vector<16xi32> to vector<1xi32>
      %squeeze3A_997 = vector.extract %slice3A_996[0] : i32 from vector<1xi32>
      %broadcast_in_dim3A_998 = arith.constant 0.000000e+00 : f32
      %broadcast_in_dim3A_999 = vector.broadcast %broadcast_in_dim3A_998 : f32 to vector<16xf32>
      %get3A_1000 = arith.constant 5 : i32
      %get3A_1001 = arith.index_cast %and3A_749 : i32 to index
      %get3A_1002 = arith.index_cast %get3A_1000 : i32 to index
      %get3A_1003 = arith.index_cast %squeeze3A_995 : i32 to index
      %get3A_1004 = arith.constant 0 : index
      %get3A_1005 = tpu.vector_load %arg12[%get3A_1001, %get3A_1002, %get3A_1003, %get3A_1004] {strides = array<i32>} : memref<2x16x8x32xf32, #tpu.memory_space<vmem>>, vector<1x1x1x16xf32>,
      %get3A_1006 = vector.shape_cast %get3A_1005 : vector<1x1x1x16xf32> to vector<16xf32>
      %get3A_1007 = arith.constant 5 : i32
      %get3A_1008 = arith.index_cast %and3A_749 : i32 to index
      %get3A_1009 = arith.index_cast %get3A_1007 : i32 to index
      %get3A_1010 = arith.index_cast %squeeze3A_997 : i32 to index
      %get3A_1011 = arith.constant 0 : index
      %get3A_1012 = tpu.vector_load %arg13[%get3A_1008, %get3A_1009, %get3A_1010, %get3A_1011] {strides = array<i32>} : memref<2x16x8x32xf32, #tpu.memory_space<vmem>>, vector<1x1x1x16xf32>,
      %get3A_1013 = vector.shape_cast %get3A_1012 : vector<1x1x1x16xf32> to vector<16xf32>
      %mul3A_1014 = arith.mulf %get3A_1006, %get3A_1013 : vector<16xf32>
      %add3A_1015 = arith.addf %broadcast_in_dim3A_999, %mul3A_1014 : vector<16xf32>
      %get3A_1016 = arith.constant 5 : i32
      %get3A_1017 = arith.index_cast %and3A_749 : i32 to index
      %get3A_1018 = arith.index_cast %get3A_1016 : i32 to index
      %get3A_1019 = arith.index_cast %squeeze3A_995 : i32 to index
      %get3A_1020 = arith.constant 16 : index
      %get3A_1021 = tpu.vector_load %arg12[%get3A_1017, %get3A_1018, %get3A_1019, %get3A_1020] {strides = array<i32>} : memref<2x16x8x32xf32, #tpu.memory_space<vmem>>, vector<1x1x1x16xf32>,
      %get3A_1022 = vector.shape_cast %get3A_1021 : vector<1x1x1x16xf32> to vector<16xf32>
      %get3A_1023 = arith.constant 5 : i32
      %get3A_1024 = arith.index_cast %and3A_749 : i32 to index
      %get3A_1025 = arith.index_cast %get3A_1023 : i32 to index
      %get3A_1026 = arith.index_cast %squeeze3A_997 : i32 to index
      %get3A_1027 = arith.constant 16 : index
      %get3A_1028 = tpu.vector_load %arg13[%get3A_1024, %get3A_1025, %get3A_1026, %get3A_1027] {strides = array<i32>} : memref<2x16x8x32xf32, #tpu.memory_space<vmem>>, vector<1x1x1x16xf32>,
      %get3A_1029 = vector.shape_cast %get3A_1028 : vector<1x1x1x16xf32> to vector<16xf32>
      %mul3A_1030 = arith.mulf %get3A_1022, %get3A_1029 : vector<16xf32>
      %add3A_1031 = arith.addf %add3A_1015, %mul3A_1030 : vector<16xf32>
      %slice3A_1032 = vector.extract_strided_slice %and3A_796 {offsets = [6], sizes = [1], strides = [1]} : vector<16xi32> to vector<1xi32>
      %squeeze3A_1033 = vector.extract %slice3A_1032[0] : i32 from vector<1xi32>
      %slice3A_1034 = vector.extract_strided_slice %and3A_804 {offsets = [6], sizes = [1], strides = [1]} : vector<16xi32> to vector<1xi32>
      %squeeze3A_1035 = vector.extract %slice3A_1034[0] : i32 from vector<1xi32>
      %broadcast_in_dim3A_1036 = arith.constant 0.000000e+00 : f32
      %broadcast_in_dim3A_1037 = vector.broadcast %broadcast_in_dim3A_1036 : f32 to vector<16xf32>
      %get3A_1038 = arith.constant 6 : i32
      %get3A_1039 = arith.index_cast %and3A_749 : i32 to index
      %get3A_1040 = arith.index_cast %get3A_1038 : i32 to index
      %get3A_1041 = arith.index_cast %squeeze3A_1033 : i32 to index
      %get3A_1042 = arith.constant 0 : index
      %get3A_1043 = tpu.vector_load %arg12[%get3A_1039, %get3A_1040, %get3A_1041, %get3A_1042] {strides = array<i32>} : memref<2x16x8x32xf32, #tpu.memory_space<vmem>>, vector<1x1x1x16xf32>,
      %get3A_1044 = vector.shape_cast %get3A_1043 : vector<1x1x1x16xf32> to vector<16xf32>
      %get3A_1045 = arith.constant 6 : i32
      %get3A_1046 = arith.index_cast %and3A_749 : i32 to index
      %get3A_1047 = arith.index_cast %get3A_1045 : i32 to index
      %get3A_1048 = arith.index_cast %squeeze3A_1035 : i32 to index
      %get3A_1049 = arith.constant 0 : index
      %get3A_1050 = tpu.vector_load %arg13[%get3A_1046, %get3A_1047, %get3A_1048, %get3A_1049] {strides = array<i32>} : memref<2x16x8x32xf32, #tpu.memory_space<vmem>>, vector<1x1x1x16xf32>,
      %get3A_1051 = vector.shape_cast %get3A_1050 : vector<1x1x1x16xf32> to vector<16xf32>
      %mul3A_1052 = arith.mulf %get3A_1044, %get3A_1051 : vector<16xf32>
      %add3A_1053 = arith.addf %broadcast_in_dim3A_1037, %mul3A_1052 : vector<16xf32>
      %get3A_1054 = arith.constant 6 : i32
      %get3A_1055 = arith.index_cast %and3A_749 : i32 to index
      %get3A_1056 = arith.index_cast %get3A_1054 : i32 to index
      %get3A_1057 = arith.index_cast %squeeze3A_1033 : i32 to index
      %get3A_1058 = arith.constant 16 : index
      %get3A_1059 = tpu.vector_load %arg12[%get3A_1055, %get3A_1056, %get3A_1057, %get3A_1058] {strides = array<i32>} : memref<2x16x8x32xf32, #tpu.memory_space<vmem>>, vector<1x1x1x16xf32>,
      %get3A_1060 = vector.shape_cast %get3A_1059 : vector<1x1x1x16xf32> to vector<16xf32>
      %get3A_1061 = arith.constant 6 : i32
      %get3A_1062 = arith.index_cast %and3A_749 : i32 to index
      %get3A_1063 = arith.index_cast %get3A_1061 : i32 to index
      %get3A_1064 = arith.index_cast %squeeze3A_1035 : i32 to index
      %get3A_1065 = arith.constant 16 : index
      %get3A_1066 = tpu.vector_load %arg13[%get3A_1062, %get3A_1063, %get3A_1064, %get3A_1065] {strides = array<i32>} : memref<2x16x8x32xf32, #tpu.memory_space<vmem>>, vector<1x1x1x16xf32>,
      %get3A_1067 = vector.shape_cast %get3A_1066 : vector<1x1x1x16xf32> to vector<16xf32>
      %mul3A_1068 = arith.mulf %get3A_1060, %get3A_1067 : vector<16xf32>
      %add3A_1069 = arith.addf %add3A_1053, %mul3A_1068 : vector<16xf32>
      %slice3A_1070 = vector.extract_strided_slice %and3A_796 {offsets = [7], sizes = [1], strides = [1]} : vector<16xi32> to vector<1xi32>
      %squeeze3A_1071 = vector.extract %slice3A_1070[0] : i32 from vector<1xi32>
      %slice3A_1072 = vector.extract_strided_slice %and3A_804 {offsets = [7], sizes = [1], strides = [1]} : vector<16xi32> to vector<1xi32>
      %squeeze3A_1073 = vector.extract %slice3A_1072[0] : i32 from vector<1xi32>
      %broadcast_in_dim3A_1074 = arith.constant 0.000000e+00 : f32
      %broadcast_in_dim3A_1075 = vector.broadcast %broadcast_in_dim3A_1074 : f32 to vector<16xf32>
      %get3A_1076 = arith.constant 7 : i32
      %get3A_1077 = arith.index_cast %and3A_749 : i32 to index
      %get3A_1078 = arith.index_cast %get3A_1076 : i32 to index
      %get3A_1079 = arith.index_cast %squeeze3A_1071 : i32 to index
      %get3A_1080 = arith.constant 0 : index
      %get3A_1081 = tpu.vector_load %arg12[%get3A_1077, %get3A_1078, %get3A_1079, %get3A_1080] {strides = array<i32>} : memref<2x16x8x32xf32, #tpu.memory_space<vmem>>, vector<1x1x1x16xf32>,
      %get3A_1082 = vector.shape_cast %get3A_1081 : vector<1x1x1x16xf32> to vector<16xf32>
      %get3A_1083 = arith.constant 7 : i32
      %get3A_1084 = arith.index_cast %and3A_749 : i32 to index
      %get3A_1085 = arith.index_cast %get3A_1083 : i32 to index
      %get3A_1086 = arith.index_cast %squeeze3A_1073 : i32 to index
      %get3A_1087 = arith.constant 0 : index
      %get3A_1088 = tpu.vector_load %arg13[%get3A_1084, %get3A_1085, %get3A_1086, %get3A_1087] {strides = array<i32>} : memref<2x16x8x32xf32, #tpu.memory_space<vmem>>, vector<1x1x1x16xf32>,
      %get3A_1089 = vector.shape_cast %get3A_1088 : vector<1x1x1x16xf32> to vector<16xf32>
      %mul3A_1090 = arith.mulf %get3A_1082, %get3A_1089 : vector<16xf32>
      %add3A_1091 = arith.addf %broadcast_in_dim3A_1075, %mul3A_1090 : vector<16xf32>
      %get3A_1092 = arith.constant 7 : i32
      %get3A_1093 = arith.index_cast %and3A_749 : i32 to index
      %get3A_1094 = arith.index_cast %get3A_1092 : i32 to index
      %get3A_1095 = arith.index_cast %squeeze3A_1071 : i32 to index
      %get3A_1096 = arith.constant 16 : index
      %get3A_1097 = tpu.vector_load %arg12[%get3A_1093, %get3A_1094, %get3A_1095, %get3A_1096] {strides = array<i32>} : memref<2x16x8x32xf32, #tpu.memory_space<vmem>>, vector<1x1x1x16xf32>,
      %get3A_1098 = vector.shape_cast %get3A_1097 : vector<1x1x1x16xf32> to vector<16xf32>
      %get3A_1099 = arith.constant 7 : i32
      %get3A_1100 = arith.index_cast %and3A_749 : i32 to index
      %get3A_1101 = arith.index_cast %get3A_1099 : i32 to index
      %get3A_1102 = arith.index_cast %squeeze3A_1073 : i32 to index
      %get3A_1103 = arith.constant 16 : index
      %get3A_1104 = tpu.vector_load %arg13[%get3A_1100, %get3A_1101, %get3A_1102, %get3A_1103] {strides = array<i32>} : memref<2x16x8x32xf32, #tpu.memory_space<vmem>>, vector<1x1x1x16xf32>,
      %get3A_1105 = vector.shape_cast %get3A_1104 : vector<1x1x1x16xf32> to vector<16xf32>
      %mul3A_1106 = arith.mulf %get3A_1098, %get3A_1105 : vector<16xf32>
      %add3A_1107 = arith.addf %add3A_1091, %mul3A_1106 : vector<16xf32>
      %slice3A_1108 = vector.extract_strided_slice %and3A_796 {offsets = [8], sizes = [1], strides = [1]} : vector<16xi32> to vector<1xi32>
      %squeeze3A_1109 = vector.extract %slice3A_1108[0] : i32 from vector<1xi32>
      %slice3A_1110 = vector.extract_strided_slice %and3A_804 {offsets = [8], sizes = [1], strides = [1]} : vector<16xi32> to vector<1xi32>
      %squeeze3A_1111 = vector.extract %slice3A_1110[0] : i32 from vector<1xi32>
      %broadcast_in_dim3A_1112 = arith.constant 0.000000e+00 : f32
      %broadcast_in_dim3A_1113 = vector.broadcast %broadcast_in_dim3A_1112 : f32 to vector<16xf32>
      %get3A_1114 = arith.constant 8 : i32
      %get3A_1115 = arith.index_cast %and3A_749 : i32 to index
      %get3A_1116 = arith.index_cast %get3A_1114 : i32 to index
      %get3A_1117 = arith.index_cast %squeeze3A_1109 : i32 to index
      %get3A_1118 = arith.constant 0 : index
      %get3A_1119 = tpu.vector_load %arg12[%get3A_1115, %get3A_1116, %get3A_1117, %get3A_1118] {strides = array<i32>} : memref<2x16x8x32xf32, #tpu.memory_space<vmem>>, vector<1x1x1x16xf32>,
      %get3A_1120 = vector.shape_cast %get3A_1119 : vector<1x1x1x16xf32> to vector<16xf32>
      %get3A_1121 = arith.constant 8 : i32
      %get3A_1122 = arith.index_cast %and3A_749 : i32 to index
      %get3A_1123 = arith.index_cast %get3A_1121 : i32 to index
      %get3A_1124 = arith.index_cast %squeeze3A_1111 : i32 to index
      %get3A_1125 = arith.constant 0 : index
      %get3A_1126 = tpu.vector_load %arg13[%get3A_1122, %get3A_1123, %get3A_1124, %get3A_1125] {strides = array<i32>} : memref<2x16x8x32xf32, #tpu.memory_space<vmem>>, vector<1x1x1x16xf32>,
      %get3A_1127 = vector.shape_cast %get3A_1126 : vector<1x1x1x16xf32> to vector<16xf32>
      %mul3A_1128 = arith.mulf %get3A_1120, %get3A_1127 : vector<16xf32>
      %add3A_1129 = arith.addf %broadcast_in_dim3A_1113, %mul3A_1128 : vector<16xf32>
      %get3A_1130 = arith.constant 8 : i32
      %get3A_1131 = arith.index_cast %and3A_749 : i32 to index
      %get3A_1132 = arith.index_cast %get3A_1130 : i32 to index
      %get3A_1133 = arith.index_cast %squeeze3A_1109 : i32 to index
      %get3A_1134 = arith.constant 16 : index
      %get3A_1135 = tpu.vector_load %arg12[%get3A_1131, %get3A_1132, %get3A_1133, %get3A_1134] {strides = array<i32>} : memref<2x16x8x32xf32, #tpu.memory_space<vmem>>, vector<1x1x1x16xf32>,
      %get3A_1136 = vector.shape_cast %get3A_1135 : vector<1x1x1x16xf32> to vector<16xf32>
      %get3A_1137 = arith.constant 8 : i32
      %get3A_1138 = arith.index_cast %and3A_749 : i32 to index
      %get3A_1139 = arith.index_cast %get3A_1137 : i32 to index
      %get3A_1140 = arith.index_cast %squeeze3A_1111 : i32 to index
      %get3A_1141 = arith.constant 16 : index
      %get3A_1142 = tpu.vector_load %arg13[%get3A_1138, %get3A_1139, %get3A_1140, %get3A_1141] {strides = array<i32>} : memref<2x16x8x32xf32, #tpu.memory_space<vmem>>, vector<1x1x1x16xf32>,
      %get3A_1143 = vector.shape_cast %get3A_1142 : vector<1x1x1x16xf32> to vector<16xf32>
      %mul3A_1144 = arith.mulf %get3A_1136, %get3A_1143 : vector<16xf32>
      %add3A_1145 = arith.addf %add3A_1129, %mul3A_1144 : vector<16xf32>
      %slice3A_1146 = vector.extract_strided_slice %and3A_796 {offsets = [9], sizes = [1], strides = [1]} : vector<16xi32> to vector<1xi32>
      %squeeze3A_1147 = vector.extract %slice3A_1146[0] : i32 from vector<1xi32>
      %slice3A_1148 = vector.extract_strided_slice %and3A_804 {offsets = [9], sizes = [1], strides = [1]} : vector<16xi32> to vector<1xi32>
      %squeeze3A_1149 = vector.extract %slice3A_1148[0] : i32 from vector<1xi32>
      %broadcast_in_dim3A_1150 = arith.constant 0.000000e+00 : f32
      %broadcast_in_dim3A_1151 = vector.broadcast %broadcast_in_dim3A_1150 : f32 to vector<16xf32>
      %get3A_1152 = arith.constant 9 : i32
      %get3A_1153 = arith.index_cast %and3A_749 : i32 to index
      %get3A_1154 = arith.index_cast %get3A_1152 : i32 to index
      %get3A_1155 = arith.index_cast %squeeze3A_1147 : i32 to index
      %get3A_1156 = arith.constant 0 : index
      %get3A_1157 = tpu.vector_load %arg12[%get3A_1153, %get3A_1154, %get3A_1155, %get3A_1156] {strides = array<i32>} : memref<2x16x8x32xf32, #tpu.memory_space<vmem>>, vector<1x1x1x16xf32>,
      %get3A_1158 = vector.shape_cast %get3A_1157 : vector<1x1x1x16xf32> to vector<16xf32>
      %get3A_1159 = arith.constant 9 : i32
      %get3A_1160 = arith.index_cast %and3A_749 : i32 to index
      %get3A_1161 = arith.index_cast %get3A_1159 : i32 to index
      %get3A_1162 = arith.index_cast %squeeze3A_1149 : i32 to index
      %get3A_1163 = arith.constant 0 : index
      %get3A_1164 = tpu.vector_load %arg13[%get3A_1160, %get3A_1161, %get3A_1162, %get3A_1163] {strides = array<i32>} : memref<2x16x8x32xf32, #tpu.memory_space<vmem>>, vector<1x1x1x16xf32>,
      %get3A_1165 = vector.shape_cast %get3A_1164 : vector<1x1x1x16xf32> to vector<16xf32>
      %mul3A_1166 = arith.mulf %get3A_1158, %get3A_1165 : vector<16xf32>
      %add3A_1167 = arith.addf %broadcast_in_dim3A_1151, %mul3A_1166 : vector<16xf32>
      %get3A_1168 = arith.constant 9 : i32
      %get3A_1169 = arith.index_cast %and3A_749 : i32 to index
      %get3A_1170 = arith.index_cast %get3A_1168 : i32 to index
      %get3A_1171 = arith.index_cast %squeeze3A_1147 : i32 to index
      %get3A_1172 = arith.constant 16 : index
      %get3A_1173 = tpu.vector_load %arg12[%get3A_1169, %get3A_1170, %get3A_1171, %get3A_1172] {strides = array<i32>} : memref<2x16x8x32xf32, #tpu.memory_space<vmem>>, vector<1x1x1x16xf32>,
      %get3A_1174 = vector.shape_cast %get3A_1173 : vector<1x1x1x16xf32> to vector<16xf32>
      %get3A_1175 = arith.constant 9 : i32
      %get3A_1176 = arith.index_cast %and3A_749 : i32 to index
      %get3A_1177 = arith.index_cast %get3A_1175 : i32 to index
      %get3A_1178 = arith.index_cast %squeeze3A_1149 : i32 to index
      %get3A_1179 = arith.constant 16 : index
      %get3A_1180 = tpu.vector_load %arg13[%get3A_1176, %get3A_1177, %get3A_1178, %get3A_1179] {strides = array<i32>} : memref<2x16x8x32xf32, #tpu.memory_space<vmem>>, vector<1x1x1x16xf32>,
      %get3A_1181 = vector.shape_cast %get3A_1180 : vector<1x1x1x16xf32> to vector<16xf32>
      %mul3A_1182 = arith.mulf %get3A_1174, %get3A_1181 : vector<16xf32>
      %add3A_1183 = arith.addf %add3A_1167, %mul3A_1182 : vector<16xf32>
      %slice3A_1184 = vector.extract_strided_slice %and3A_796 {offsets = [10], sizes = [1], strides = [1]} : vector<16xi32> to vector<1xi32>
      %squeeze3A_1185 = vector.extract %slice3A_1184[0] : i32 from vector<1xi32>
      %slice3A_1186 = vector.extract_strided_slice %and3A_804 {offsets = [10], sizes = [1], strides = [1]} : vector<16xi32> to vector<1xi32>
      %squeeze3A_1187 = vector.extract %slice3A_1186[0] : i32 from vector<1xi32>
      %broadcast_in_dim3A_1188 = arith.constant 0.000000e+00 : f32
      %broadcast_in_dim3A_1189 = vector.broadcast %broadcast_in_dim3A_1188 : f32 to vector<16xf32>
      %get3A_1190 = arith.constant 10 : i32
      %get3A_1191 = arith.index_cast %and3A_749 : i32 to index
      %get3A_1192 = arith.index_cast %get3A_1190 : i32 to index
      %get3A_1193 = arith.index_cast %squeeze3A_1185 : i32 to index
      %get3A_1194 = arith.constant 0 : index
      %get3A_1195 = tpu.vector_load %arg12[%get3A_1191, %get3A_1192, %get3A_1193, %get3A_1194] {strides = array<i32>} : memref<2x16x8x32xf32, #tpu.memory_space<vmem>>, vector<1x1x1x16xf32>,
      %get3A_1196 = vector.shape_cast %get3A_1195 : vector<1x1x1x16xf32> to vector<16xf32>
      %get3A_1197 = arith.constant 10 : i32
      %get3A_1198 = arith.index_cast %and3A_749 : i32 to index
      %get3A_1199 = arith.index_cast %get3A_1197 : i32 to index
      %get3A_1200 = arith.index_cast %squeeze3A_1187 : i32 to index
      %get3A_1201 = arith.constant 0 : index
      %get3A_1202 = tpu.vector_load %arg13[%get3A_1198, %get3A_1199, %get3A_1200, %get3A_1201] {strides = array<i32>} : memref<2x16x8x32xf32, #tpu.memory_space<vmem>>, vector<1x1x1x16xf32>,
      %get3A_1203 = vector.shape_cast %get3A_1202 : vector<1x1x1x16xf32> to vector<16xf32>
      %mul3A_1204 = arith.mulf %get3A_1196, %get3A_1203 : vector<16xf32>
      %add3A_1205 = arith.addf %broadcast_in_dim3A_1189, %mul3A_1204 : vector<16xf32>
      %get3A_1206 = arith.constant 10 : i32
      %get3A_1207 = arith.index_cast %and3A_749 : i32 to index
      %get3A_1208 = arith.index_cast %get3A_1206 : i32 to index
      %get3A_1209 = arith.index_cast %squeeze3A_1185 : i32 to index
      %get3A_1210 = arith.constant 16 : index
      %get3A_1211 = tpu.vector_load %arg12[%get3A_1207, %get3A_1208, %get3A_1209, %get3A_1210] {strides = array<i32>} : memref<2x16x8x32xf32, #tpu.memory_space<vmem>>, vector<1x1x1x16xf32>,
      %get3A_1212 = vector.shape_cast %get3A_1211 : vector<1x1x1x16xf32> to vector<16xf32>
      %get3A_1213 = arith.constant 10 : i32
      %get3A_1214 = arith.index_cast %and3A_749 : i32 to index
      %get3A_1215 = arith.index_cast %get3A_1213 : i32 to index
      %get3A_1216 = arith.index_cast %squeeze3A_1187 : i32 to index
      %get3A_1217 = arith.constant 16 : index
      %get3A_1218 = tpu.vector_load %arg13[%get3A_1214, %get3A_1215, %get3A_1216, %get3A_1217] {strides = array<i32>} : memref<2x16x8x32xf32, #tpu.memory_space<vmem>>, vector<1x1x1x16xf32>,
      %get3A_1219 = vector.shape_cast %get3A_1218 : vector<1x1x1x16xf32> to vector<16xf32>
      %mul3A_1220 = arith.mulf %get3A_1212, %get3A_1219 : vector<16xf32>
      %add3A_1221 = arith.addf %add3A_1205, %mul3A_1220 : vector<16xf32>
      %slice3A_1222 = vector.extract_strided_slice %and3A_796 {offsets = [11], sizes = [1], strides = [1]} : vector<16xi32> to vector<1xi32>
      %squeeze3A_1223 = vector.extract %slice3A_1222[0] : i32 from vector<1xi32>
      %slice3A_1224 = vector.extract_strided_slice %and3A_804 {offsets = [11], sizes = [1], strides = [1]} : vector<16xi32> to vector<1xi32>
      %squeeze3A_1225 = vector.extract %slice3A_1224[0] : i32 from vector<1xi32>
      %broadcast_in_dim3A_1226 = arith.constant 0.000000e+00 : f32
      %broadcast_in_dim3A_1227 = vector.broadcast %broadcast_in_dim3A_1226 : f32 to vector<16xf32>
      %get3A_1228 = arith.constant 11 : i32
      %get3A_1229 = arith.index_cast %and3A_749 : i32 to index
      %get3A_1230 = arith.index_cast %get3A_1228 : i32 to index
      %get3A_1231 = arith.index_cast %squeeze3A_1223 : i32 to index
      %get3A_1232 = arith.constant 0 : index
      %get3A_1233 = tpu.vector_load %arg12[%get3A_1229, %get3A_1230, %get3A_1231, %get3A_1232] {strides = array<i32>} : memref<2x16x8x32xf32, #tpu.memory_space<vmem>>, vector<1x1x1x16xf32>,
      %get3A_1234 = vector.shape_cast %get3A_1233 : vector<1x1x1x16xf32> to vector<16xf32>
      %get3A_1235 = arith.constant 11 : i32
      %get3A_1236 = arith.index_cast %and3A_749 : i32 to index
      %get3A_1237 = arith.index_cast %get3A_1235 : i32 to index
      %get3A_1238 = arith.index_cast %squeeze3A_1225 : i32 to index
      %get3A_1239 = arith.constant 0 : index
      %get3A_1240 = tpu.vector_load %arg13[%get3A_1236, %get3A_1237, %get3A_1238, %get3A_1239] {strides = array<i32>} : memref<2x16x8x32xf32, #tpu.memory_space<vmem>>, vector<1x1x1x16xf32>,
      %get3A_1241 = vector.shape_cast %get3A_1240 : vector<1x1x1x16xf32> to vector<16xf32>
      %mul3A_1242 = arith.mulf %get3A_1234, %get3A_1241 : vector<16xf32>
      %add3A_1243 = arith.addf %broadcast_in_dim3A_1227, %mul3A_1242 : vector<16xf32>
      %get3A_1244 = arith.constant 11 : i32
      %get3A_1245 = arith.index_cast %and3A_749 : i32 to index
      %get3A_1246 = arith.index_cast %get3A_1244 : i32 to index
      %get3A_1247 = arith.index_cast %squeeze3A_1223 : i32 to index
      %get3A_1248 = arith.constant 16 : index
      %get3A_1249 = tpu.vector_load %arg12[%get3A_1245, %get3A_1246, %get3A_1247, %get3A_1248] {strides = array<i32>} : memref<2x16x8x32xf32, #tpu.memory_space<vmem>>, vector<1x1x1x16xf32>,
      %get3A_1250 = vector.shape_cast %get3A_1249 : vector<1x1x1x16xf32> to vector<16xf32>
      %get3A_1251 = arith.constant 11 : i32
      %get3A_1252 = arith.index_cast %and3A_749 : i32 to index
      %get3A_1253 = arith.index_cast %get3A_1251 : i32 to index
      %get3A_1254 = arith.index_cast %squeeze3A_1225 : i32 to index
      %get3A_1255 = arith.constant 16 : index
      %get3A_1256 = tpu.vector_load %arg13[%get3A_1252, %get3A_1253, %get3A_1254, %get3A_1255] {strides = array<i32>} : memref<2x16x8x32xf32, #tpu.memory_space<vmem>>, vector<1x1x1x16xf32>,
      %get3A_1257 = vector.shape_cast %get3A_1256 : vector<1x1x1x16xf32> to vector<16xf32>
      %mul3A_1258 = arith.mulf %get3A_1250, %get3A_1257 : vector<16xf32>
      %add3A_1259 = arith.addf %add3A_1243, %mul3A_1258 : vector<16xf32>
      %slice3A_1260 = vector.extract_strided_slice %and3A_796 {offsets = [12], sizes = [1], strides = [1]} : vector<16xi32> to vector<1xi32>
      %squeeze3A_1261 = vector.extract %slice3A_1260[0] : i32 from vector<1xi32>
      %slice3A_1262 = vector.extract_strided_slice %and3A_804 {offsets = [12], sizes = [1], strides = [1]} : vector<16xi32> to vector<1xi32>
      %squeeze3A_1263 = vector.extract %slice3A_1262[0] : i32 from vector<1xi32>
      %broadcast_in_dim3A_1264 = arith.constant 0.000000e+00 : f32
      %broadcast_in_dim3A_1265 = vector.broadcast %broadcast_in_dim3A_1264 : f32 to vector<16xf32>
      %get3A_1266 = arith.constant 12 : i32
      %get3A_1267 = arith.index_cast %and3A_749 : i32 to index
      %get3A_1268 = arith.index_cast %get3A_1266 : i32 to index
      %get3A_1269 = arith.index_cast %squeeze3A_1261 : i32 to index
      %get3A_1270 = arith.constant 0 : index
      %get3A_1271 = tpu.vector_load %arg12[%get3A_1267, %get3A_1268, %get3A_1269, %get3A_1270] {strides = array<i32>} : memref<2x16x8x32xf32, #tpu.memory_space<vmem>>, vector<1x1x1x16xf32>,
      %get3A_1272 = vector.shape_cast %get3A_1271 : vector<1x1x1x16xf32> to vector<16xf32>
      %get3A_1273 = arith.constant 12 : i32
      %get3A_1274 = arith.index_cast %and3A_749 : i32 to index
      %get3A_1275 = arith.index_cast %get3A_1273 : i32 to index
      %get3A_1276 = arith.index_cast %squeeze3A_1263 : i32 to index
      %get3A_1277 = arith.constant 0 : index
      %get3A_1278 = tpu.vector_load %arg13[%get3A_1274, %get3A_1275, %get3A_1276, %get3A_1277] {strides = array<i32>} : memref<2x16x8x32xf32, #tpu.memory_space<vmem>>, vector<1x1x1x16xf32>,
      %get3A_1279 = vector.shape_cast %get3A_1278 : vector<1x1x1x16xf32> to vector<16xf32>
      %mul3A_1280 = arith.mulf %get3A_1272, %get3A_1279 : vector<16xf32>
      %add3A_1281 = arith.addf %broadcast_in_dim3A_1265, %mul3A_1280 : vector<16xf32>
      %get3A_1282 = arith.constant 12 : i32
      %get3A_1283 = arith.index_cast %and3A_749 : i32 to index
      %get3A_1284 = arith.index_cast %get3A_1282 : i32 to index
      %get3A_1285 = arith.index_cast %squeeze3A_1261 : i32 to index
      %get3A_1286 = arith.constant 16 : index
      %get3A_1287 = tpu.vector_load %arg12[%get3A_1283, %get3A_1284, %get3A_1285, %get3A_1286] {strides = array<i32>} : memref<2x16x8x32xf32, #tpu.memory_space<vmem>>, vector<1x1x1x16xf32>,
      %get3A_1288 = vector.shape_cast %get3A_1287 : vector<1x1x1x16xf32> to vector<16xf32>
      %get3A_1289 = arith.constant 12 : i32
      %get3A_1290 = arith.index_cast %and3A_749 : i32 to index
      %get3A_1291 = arith.index_cast %get3A_1289 : i32 to index
      %get3A_1292 = arith.index_cast %squeeze3A_1263 : i32 to index
      %get3A_1293 = arith.constant 16 : index
      %get3A_1294 = tpu.vector_load %arg13[%get3A_1290, %get3A_1291, %get3A_1292, %get3A_1293] {strides = array<i32>} : memref<2x16x8x32xf32, #tpu.memory_space<vmem>>, vector<1x1x1x16xf32>,
      %get3A_1295 = vector.shape_cast %get3A_1294 : vector<1x1x1x16xf32> to vector<16xf32>
      %mul3A_1296 = arith.mulf %get3A_1288, %get3A_1295 : vector<16xf32>
      %add3A_1297 = arith.addf %add3A_1281, %mul3A_1296 : vector<16xf32>
      %slice3A_1298 = vector.extract_strided_slice %and3A_796 {offsets = [13], sizes = [1], strides = [1]} : vector<16xi32> to vector<1xi32>
      %squeeze3A_1299 = vector.extract %slice3A_1298[0] : i32 from vector<1xi32>
      %slice3A_1300 = vector.extract_strided_slice %and3A_804 {offsets = [13], sizes = [1], strides = [1]} : vector<16xi32> to vector<1xi32>
      %squeeze3A_1301 = vector.extract %slice3A_1300[0] : i32 from vector<1xi32>
      %broadcast_in_dim3A_1302 = arith.constant 0.000000e+00 : f32
      %broadcast_in_dim3A_1303 = vector.broadcast %broadcast_in_dim3A_1302 : f32 to vector<16xf32>
      %get3A_1304 = arith.constant 13 : i32
      %get3A_1305 = arith.index_cast %and3A_749 : i32 to index
      %get3A_1306 = arith.index_cast %get3A_1304 : i32 to index
      %get3A_1307 = arith.index_cast %squeeze3A_1299 : i32 to index
      %get3A_1308 = arith.constant 0 : index
      %get3A_1309 = tpu.vector_load %arg12[%get3A_1305, %get3A_1306, %get3A_1307, %get3A_1308] {strides = array<i32>} : memref<2x16x8x32xf32, #tpu.memory_space<vmem>>, vector<1x1x1x16xf32>,
      %get3A_1310 = vector.shape_cast %get3A_1309 : vector<1x1x1x16xf32> to vector<16xf32>
      %get3A_1311 = arith.constant 13 : i32
      %get3A_1312 = arith.index_cast %and3A_749 : i32 to index
      %get3A_1313 = arith.index_cast %get3A_1311 : i32 to index
      %get3A_1314 = arith.index_cast %squeeze3A_1301 : i32 to index
      %get3A_1315 = arith.constant 0 : index
      %get3A_1316 = tpu.vector_load %arg13[%get3A_1312, %get3A_1313, %get3A_1314, %get3A_1315] {strides = array<i32>} : memref<2x16x8x32xf32, #tpu.memory_space<vmem>>, vector<1x1x1x16xf32>,
      %get3A_1317 = vector.shape_cast %get3A_1316 : vector<1x1x1x16xf32> to vector<16xf32>
      %mul3A_1318 = arith.mulf %get3A_1310, %get3A_1317 : vector<16xf32>
      %add3A_1319 = arith.addf %broadcast_in_dim3A_1303, %mul3A_1318 : vector<16xf32>
      %get3A_1320 = arith.constant 13 : i32
      %get3A_1321 = arith.index_cast %and3A_749 : i32 to index
      %get3A_1322 = arith.index_cast %get3A_1320 : i32 to index
      %get3A_1323 = arith.index_cast %squeeze3A_1299 : i32 to index
      %get3A_1324 = arith.constant 16 : index
      %get3A_1325 = tpu.vector_load %arg12[%get3A_1321, %get3A_1322, %get3A_1323, %get3A_1324] {strides = array<i32>} : memref<2x16x8x32xf32, #tpu.memory_space<vmem>>, vector<1x1x1x16xf32>,
      %get3A_1326 = vector.shape_cast %get3A_1325 : vector<1x1x1x16xf32> to vector<16xf32>
      %get3A_1327 = arith.constant 13 : i32
      %get3A_1328 = arith.index_cast %and3A_749 : i32 to index
      %get3A_1329 = arith.index_cast %get3A_1327 : i32 to index
      %get3A_1330 = arith.index_cast %squeeze3A_1301 : i32 to index
      %get3A_1331 = arith.constant 16 : index
      %get3A_1332 = tpu.vector_load %arg13[%get3A_1328, %get3A_1329, %get3A_1330, %get3A_1331] {strides = array<i32>} : memref<2x16x8x32xf32, #tpu.memory_space<vmem>>, vector<1x1x1x16xf32>,
      %get3A_1333 = vector.shape_cast %get3A_1332 : vector<1x1x1x16xf32> to vector<16xf32>
      %mul3A_1334 = arith.mulf %get3A_1326, %get3A_1333 : vector<16xf32>
      %add3A_1335 = arith.addf %add3A_1319, %mul3A_1334 : vector<16xf32>
      %slice3A_1336 = vector.extract_strided_slice %and3A_796 {offsets = [14], sizes = [1], strides = [1]} : vector<16xi32> to vector<1xi32>
      %squeeze3A_1337 = vector.extract %slice3A_1336[0] : i32 from vector<1xi32>
      %slice3A_1338 = vector.extract_strided_slice %and3A_804 {offsets = [14], sizes = [1], strides = [1]} : vector<16xi32> to vector<1xi32>
      %squeeze3A_1339 = vector.extract %slice3A_1338[0] : i32 from vector<1xi32>
      %broadcast_in_dim3A_1340 = arith.constant 0.000000e+00 : f32
      %broadcast_in_dim3A_1341 = vector.broadcast %broadcast_in_dim3A_1340 : f32 to vector<16xf32>
      %get3A_1342 = arith.constant 14 : i32
      %get3A_1343 = arith.index_cast %and3A_749 : i32 to index
      %get3A_1344 = arith.index_cast %get3A_1342 : i32 to index
      %get3A_1345 = arith.index_cast %squeeze3A_1337 : i32 to index
      %get3A_1346 = arith.constant 0 : index
      %get3A_1347 = tpu.vector_load %arg12[%get3A_1343, %get3A_1344, %get3A_1345, %get3A_1346] {strides = array<i32>} : memref<2x16x8x32xf32, #tpu.memory_space<vmem>>, vector<1x1x1x16xf32>,
      %get3A_1348 = vector.shape_cast %get3A_1347 : vector<1x1x1x16xf32> to vector<16xf32>
      %get3A_1349 = arith.constant 14 : i32
      %get3A_1350 = arith.index_cast %and3A_749 : i32 to index
      %get3A_1351 = arith.index_cast %get3A_1349 : i32 to index
      %get3A_1352 = arith.index_cast %squeeze3A_1339 : i32 to index
      %get3A_1353 = arith.constant 0 : index
      %get3A_1354 = tpu.vector_load %arg13[%get3A_1350, %get3A_1351, %get3A_1352, %get3A_1353] {strides = array<i32>} : memref<2x16x8x32xf32, #tpu.memory_space<vmem>>, vector<1x1x1x16xf32>,
      %get3A_1355 = vector.shape_cast %get3A_1354 : vector<1x1x1x16xf32> to vector<16xf32>
      %mul3A_1356 = arith.mulf %get3A_1348, %get3A_1355 : vector<16xf32>
      %add3A_1357 = arith.addf %broadcast_in_dim3A_1341, %mul3A_1356 : vector<16xf32>
      %get3A_1358 = arith.constant 14 : i32
      %get3A_1359 = arith.index_cast %and3A_749 : i32 to index
      %get3A_1360 = arith.index_cast %get3A_1358 : i32 to index
      %get3A_1361 = arith.index_cast %squeeze3A_1337 : i32 to index
      %get3A_1362 = arith.constant 16 : index
      %get3A_1363 = tpu.vector_load %arg12[%get3A_1359, %get3A_1360, %get3A_1361, %get3A_1362] {strides = array<i32>} : memref<2x16x8x32xf32, #tpu.memory_space<vmem>>, vector<1x1x1x16xf32>,
      %get3A_1364 = vector.shape_cast %get3A_1363 : vector<1x1x1x16xf32> to vector<16xf32>
      %get3A_1365 = arith.constant 14 : i32
      %get3A_1366 = arith.index_cast %and3A_749 : i32 to index
      %get3A_1367 = arith.index_cast %get3A_1365 : i32 to index
      %get3A_1368 = arith.index_cast %squeeze3A_1339 : i32 to index
      %get3A_1369 = arith.constant 16 : index
      %get3A_1370 = tpu.vector_load %arg13[%get3A_1366, %get3A_1367, %get3A_1368, %get3A_1369] {strides = array<i32>} : memref<2x16x8x32xf32, #tpu.memory_space<vmem>>, vector<1x1x1x16xf32>,
      %get3A_1371 = vector.shape_cast %get3A_1370 : vector<1x1x1x16xf32> to vector<16xf32>
      %mul3A_1372 = arith.mulf %get3A_1364, %get3A_1371 : vector<16xf32>
      %add3A_1373 = arith.addf %add3A_1357, %mul3A_1372 : vector<16xf32>
      %slice3A_1374 = vector.extract_strided_slice %and3A_796 {offsets = [15], sizes = [1], strides = [1]} : vector<16xi32> to vector<1xi32>
      %squeeze3A_1375 = vector.extract %slice3A_1374[0] : i32 from vector<1xi32>
      %slice3A_1376 = vector.extract_strided_slice %and3A_804 {offsets = [15], sizes = [1], strides = [1]} : vector<16xi32> to vector<1xi32>
      %squeeze3A_1377 = vector.extract %slice3A_1376[0] : i32 from vector<1xi32>
      %broadcast_in_dim3A_1378 = arith.constant 0.000000e+00 : f32
      %broadcast_in_dim3A_1379 = vector.broadcast %broadcast_in_dim3A_1378 : f32 to vector<16xf32>
      %get3A_1380 = arith.constant 15 : i32
      %get3A_1381 = arith.index_cast %and3A_749 : i32 to index
      %get3A_1382 = arith.index_cast %get3A_1380 : i32 to index
      %get3A_1383 = arith.index_cast %squeeze3A_1375 : i32 to index
      %get3A_1384 = arith.constant 0 : index
      %get3A_1385 = tpu.vector_load %arg12[%get3A_1381, %get3A_1382, %get3A_1383, %get3A_1384] {strides = array<i32>} : memref<2x16x8x32xf32, #tpu.memory_space<vmem>>, vector<1x1x1x16xf32>,
      %get3A_1386 = vector.shape_cast %get3A_1385 : vector<1x1x1x16xf32> to vector<16xf32>
      %get3A_1387 = arith.constant 15 : i32
      %get3A_1388 = arith.index_cast %and3A_749 : i32 to index
      %get3A_1389 = arith.index_cast %get3A_1387 : i32 to index
      %get3A_1390 = arith.index_cast %squeeze3A_1377 : i32 to index
      %get3A_1391 = arith.constant 0 : index
      %get3A_1392 = tpu.vector_load %arg13[%get3A_1388, %get3A_1389, %get3A_1390, %get3A_1391] {strides = array<i32>} : memref<2x16x8x32xf32, #tpu.memory_space<vmem>>, vector<1x1x1x16xf32>,
      %get3A_1393 = vector.shape_cast %get3A_1392 : vector<1x1x1x16xf32> to vector<16xf32>
      %mul3A_1394 = arith.mulf %get3A_1386, %get3A_1393 : vector<16xf32>
      %add3A_1395 = arith.addf %broadcast_in_dim3A_1379, %mul3A_1394 : vector<16xf32>
      %get3A_1396 = arith.constant 15 : i32
      %get3A_1397 = arith.index_cast %and3A_749 : i32 to index
      %get3A_1398 = arith.index_cast %get3A_1396 : i32 to index
      %get3A_1399 = arith.index_cast %squeeze3A_1375 : i32 to index
      %get3A_1400 = arith.constant 16 : index
      %get3A_1401 = tpu.vector_load %arg12[%get3A_1397, %get3A_1398, %get3A_1399, %get3A_1400] {strides = array<i32>} : memref<2x16x8x32xf32, #tpu.memory_space<vmem>>, vector<1x1x1x16xf32>,
      %get3A_1402 = vector.shape_cast %get3A_1401 : vector<1x1x1x16xf32> to vector<16xf32>
      %get3A_1403 = arith.constant 15 : i32
      %get3A_1404 = arith.index_cast %and3A_749 : i32 to index
      %get3A_1405 = arith.index_cast %get3A_1403 : i32 to index
      %get3A_1406 = arith.index_cast %squeeze3A_1377 : i32 to index
      %get3A_1407 = arith.constant 16 : index
      %get3A_1408 = tpu.vector_load %arg13[%get3A_1404, %get3A_1405, %get3A_1406, %get3A_1407] {strides = array<i32>} : memref<2x16x8x32xf32, #tpu.memory_space<vmem>>, vector<1x1x1x16xf32>,
      %get3A_1409 = vector.shape_cast %get3A_1408 : vector<1x1x1x16xf32> to vector<16xf32>
      %mul3A_1410 = arith.mulf %get3A_1402, %get3A_1409 : vector<16xf32>
      %add3A_1411 = arith.addf %add3A_1395, %mul3A_1410 : vector<16xf32>
      %xor3A = arith.constant 8 : i32
      %xor3A_1412 = vector.broadcast %xor3A : i32 to vector<16xi32>
      %xor3A_1413 = arith.xori %iota3A, %xor3A_1412 : vector<16xi32>
      %lt3A_1414 = arith.constant 0 : i32
      %lt3A_1415 = vector.broadcast %lt3A_1414 : i32 to vector<16xi32>
      %lt3A_1416 = arith.cmpi slt, %xor3A_1413, %lt3A_1415 : vector<16xi32>
      %add3A_1417 = arith.constant 16 : i32
      %add3A_1418 = vector.broadcast %add3A_1417 : i32 to vector<16xi32>
      %add3A_1419 = arith.addi %xor3A_1413, %add3A_1418 : vector<16xi32>
      %select_n3A = arith.select %lt3A_1416, %add3A_1419, %xor3A_1413 : vector<16xi1>, vector<16xi32>
      %broadcast_in_dim3A_1420 = vector.shape_cast %select_n3A : vector<16xi32> to vector<16x1xi32>
      %gather3A = vector.shape_cast %broadcast_in_dim3A_1420 : vector<16x1xi32> to vector<16xi32>
      %gather3A_1421 = tpu.dynamic_gather %add3A_841[%gather3A] in [0] : vector<16xf32>, vector<16xi32> -> vector<16xf32>
      %add3A_1422 = arith.addf %add3A_841, %gather3A_1421 : vector<16xf32>
      %xor3A_1423 = arith.constant 8 : i32
      %xor3A_1424 = vector.broadcast %xor3A_1423 : i32 to vector<16xi32>
      %xor3A_1425 = arith.xori %iota3A, %xor3A_1424 : vector<16xi32>
      %lt3A_1426 = arith.constant 0 : i32
      %lt3A_1427 = vector.broadcast %lt3A_1426 : i32 to vector<16xi32>
      %lt3A_1428 = arith.cmpi slt, %xor3A_1425, %lt3A_1427 : vector<16xi32>
      %add3A_1429 = arith.constant 16 : i32
      %add3A_1430 = vector.broadcast %add3A_1429 : i32 to vector<16xi32>
      %add3A_1431 = arith.addi %xor3A_1425, %add3A_1430 : vector<16xi32>
      %select_n3A_1432 = arith.select %lt3A_1428, %add3A_1431, %xor3A_1425 : vector<16xi1>, vector<16xi32>
      %broadcast_in_dim3A_1433 = vector.shape_cast %select_n3A_1432 : vector<16xi32> to vector<16x1xi32>
      %gather3A_1434 = vector.shape_cast %broadcast_in_dim3A_1433 : vector<16x1xi32> to vector<16xi32>
      %gather3A_1435 = tpu.dynamic_gather %add3A_879[%gather3A_1434] in [0] : vector<16xf32>, vector<16xi32> -> vector<16xf32>
      %add3A_1436 = arith.addf %add3A_879, %gather3A_1435 : vector<16xf32>
      %select_n3A_1437 = arith.select %eq3A_11, %add3A_1422, %add3A_1436 : vector<16xi1>, vector<16xf32>
      %xor3A_1438 = arith.constant 8 : i32
      %xor3A_1439 = vector.broadcast %xor3A_1438 : i32 to vector<16xi32>
      %xor3A_1440 = arith.xori %iota3A, %xor3A_1439 : vector<16xi32>
      %lt3A_1441 = arith.constant 0 : i32
      %lt3A_1442 = vector.broadcast %lt3A_1441 : i32 to vector<16xi32>
      %lt3A_1443 = arith.cmpi slt, %xor3A_1440, %lt3A_1442 : vector<16xi32>
      %add3A_1444 = arith.constant 16 : i32
      %add3A_1445 = vector.broadcast %add3A_1444 : i32 to vector<16xi32>
      %add3A_1446 = arith.addi %xor3A_1440, %add3A_1445 : vector<16xi32>
      %select_n3A_1447 = arith.select %lt3A_1443, %add3A_1446, %xor3A_1440 : vector<16xi1>, vector<16xi32>
      %broadcast_in_dim3A_1448 = vector.shape_cast %select_n3A_1447 : vector<16xi32> to vector<16x1xi32>
      %gather3A_1449 = vector.shape_cast %broadcast_in_dim3A_1448 : vector<16x1xi32> to vector<16xi32>
      %gather3A_1450 = tpu.dynamic_gather %add3A_917[%gather3A_1449] in [0] : vector<16xf32>, vector<16xi32> -> vector<16xf32>
      %add3A_1451 = arith.addf %add3A_917, %gather3A_1450 : vector<16xf32>
      %xor3A_1452 = arith.constant 8 : i32
      %xor3A_1453 = vector.broadcast %xor3A_1452 : i32 to vector<16xi32>
      %xor3A_1454 = arith.xori %iota3A, %xor3A_1453 : vector<16xi32>
      %lt3A_1455 = arith.constant 0 : i32
      %lt3A_1456 = vector.broadcast %lt3A_1455 : i32 to vector<16xi32>
      %lt3A_1457 = arith.cmpi slt, %xor3A_1454, %lt3A_1456 : vector<16xi32>
      %add3A_1458 = arith.constant 16 : i32
      %add3A_1459 = vector.broadcast %add3A_1458 : i32 to vector<16xi32>
      %add3A_1460 = arith.addi %xor3A_1454, %add3A_1459 : vector<16xi32>
      %select_n3A_1461 = arith.select %lt3A_1457, %add3A_1460, %xor3A_1454 : vector<16xi1>, vector<16xi32>
      %broadcast_in_dim3A_1462 = vector.shape_cast %select_n3A_1461 : vector<16xi32> to vector<16x1xi32>
      %gather3A_1463 = vector.shape_cast %broadcast_in_dim3A_1462 : vector<16x1xi32> to vector<16xi32>
      %gather3A_1464 = tpu.dynamic_gather %add3A_955[%gather3A_1463] in [0] : vector<16xf32>, vector<16xi32> -> vector<16xf32>
      %add3A_1465 = arith.addf %add3A_955, %gather3A_1464 : vector<16xf32>
      %select_n3A_1466 = arith.select %eq3A_11, %add3A_1451, %add3A_1465 : vector<16xi1>, vector<16xf32>
      %xor3A_1467 = arith.constant 8 : i32
      %xor3A_1468 = vector.broadcast %xor3A_1467 : i32 to vector<16xi32>
      %xor3A_1469 = arith.xori %iota3A, %xor3A_1468 : vector<16xi32>
      %lt3A_1470 = arith.constant 0 : i32
      %lt3A_1471 = vector.broadcast %lt3A_1470 : i32 to vector<16xi32>
      %lt3A_1472 = arith.cmpi slt, %xor3A_1469, %lt3A_1471 : vector<16xi32>
      %add3A_1473 = arith.constant 16 : i32
      %add3A_1474 = vector.broadcast %add3A_1473 : i32 to vector<16xi32>
      %add3A_1475 = arith.addi %xor3A_1469, %add3A_1474 : vector<16xi32>
      %select_n3A_1476 = arith.select %lt3A_1472, %add3A_1475, %xor3A_1469 : vector<16xi1>, vector<16xi32>
      %broadcast_in_dim3A_1477 = vector.shape_cast %select_n3A_1476 : vector<16xi32> to vector<16x1xi32>
      %gather3A_1478 = vector.shape_cast %broadcast_in_dim3A_1477 : vector<16x1xi32> to vector<16xi32>
      %gather3A_1479 = tpu.dynamic_gather %add3A_993[%gather3A_1478] in [0] : vector<16xf32>, vector<16xi32> -> vector<16xf32>
      %add3A_1480 = arith.addf %add3A_993, %gather3A_1479 : vector<16xf32>
      %xor3A_1481 = arith.constant 8 : i32
      %xor3A_1482 = vector.broadcast %xor3A_1481 : i32 to vector<16xi32>
      %xor3A_1483 = arith.xori %iota3A, %xor3A_1482 : vector<16xi32>
      %lt3A_1484 = arith.constant 0 : i32
      %lt3A_1485 = vector.broadcast %lt3A_1484 : i32 to vector<16xi32>
      %lt3A_1486 = arith.cmpi slt, %xor3A_1483, %lt3A_1485 : vector<16xi32>
      %add3A_1487 = arith.constant 16 : i32
      %add3A_1488 = vector.broadcast %add3A_1487 : i32 to vector<16xi32>
      %add3A_1489 = arith.addi %xor3A_1483, %add3A_1488 : vector<16xi32>
      %select_n3A_1490 = arith.select %lt3A_1486, %add3A_1489, %xor3A_1483 : vector<16xi1>, vector<16xi32>
      %broadcast_in_dim3A_1491 = vector.shape_cast %select_n3A_1490 : vector<16xi32> to vector<16x1xi32>
      %gather3A_1492 = vector.shape_cast %broadcast_in_dim3A_1491 : vector<16x1xi32> to vector<16xi32>
      %gather3A_1493 = tpu.dynamic_gather %add3A_1031[%gather3A_1492] in [0] : vector<16xf32>, vector<16xi32> -> vector<16xf32>
      %add3A_1494 = arith.addf %add3A_1031, %gather3A_1493 : vector<16xf32>
      %select_n3A_1495 = arith.select %eq3A_11, %add3A_1480, %add3A_1494 : vector<16xi1>, vector<16xf32>
      %xor3A_1496 = arith.constant 8 : i32
      %xor3A_1497 = vector.broadcast %xor3A_1496 : i32 to vector<16xi32>
      %xor3A_1498 = arith.xori %iota3A, %xor3A_1497 : vector<16xi32>
      %lt3A_1499 = arith.constant 0 : i32
      %lt3A_1500 = vector.broadcast %lt3A_1499 : i32 to vector<16xi32>
      %lt3A_1501 = arith.cmpi slt, %xor3A_1498, %lt3A_1500 : vector<16xi32>
      %add3A_1502 = arith.constant 16 : i32
      %add3A_1503 = vector.broadcast %add3A_1502 : i32 to vector<16xi32>
      %add3A_1504 = arith.addi %xor3A_1498, %add3A_1503 : vector<16xi32>
      %select_n3A_1505 = arith.select %lt3A_1501, %add3A_1504, %xor3A_1498 : vector<16xi1>, vector<16xi32>
      %broadcast_in_dim3A_1506 = vector.shape_cast %select_n3A_1505 : vector<16xi32> to vector<16x1xi32>
      %gather3A_1507 = vector.shape_cast %broadcast_in_dim3A_1506 : vector<16x1xi32> to vector<16xi32>
      %gather3A_1508 = tpu.dynamic_gather %add3A_1069[%gather3A_1507] in [0] : vector<16xf32>, vector<16xi32> -> vector<16xf32>
      %add3A_1509 = arith.addf %add3A_1069, %gather3A_1508 : vector<16xf32>
      %xor3A_1510 = arith.constant 8 : i32
      %xor3A_1511 = vector.broadcast %xor3A_1510 : i32 to vector<16xi32>
      %xor3A_1512 = arith.xori %iota3A, %xor3A_1511 : vector<16xi32>
      %lt3A_1513 = arith.constant 0 : i32
      %lt3A_1514 = vector.broadcast %lt3A_1513 : i32 to vector<16xi32>
      %lt3A_1515 = arith.cmpi slt, %xor3A_1512, %lt3A_1514 : vector<16xi32>
      %add3A_1516 = arith.constant 16 : i32
      %add3A_1517 = vector.broadcast %add3A_1516 : i32 to vector<16xi32>
      %add3A_1518 = arith.addi %xor3A_1512, %add3A_1517 : vector<16xi32>
      %select_n3A_1519 = arith.select %lt3A_1515, %add3A_1518, %xor3A_1512 : vector<16xi1>, vector<16xi32>
      %broadcast_in_dim3A_1520 = vector.shape_cast %select_n3A_1519 : vector<16xi32> to vector<16x1xi32>
      %gather3A_1521 = vector.shape_cast %broadcast_in_dim3A_1520 : vector<16x1xi32> to vector<16xi32>
      %gather3A_1522 = tpu.dynamic_gather %add3A_1107[%gather3A_1521] in [0] : vector<16xf32>, vector<16xi32> -> vector<16xf32>
      %add3A_1523 = arith.addf %add3A_1107, %gather3A_1522 : vector<16xf32>
      %select_n3A_1524 = arith.select %eq3A_11, %add3A_1509, %add3A_1523 : vector<16xi1>, vector<16xf32>
      %xor3A_1525 = arith.constant 8 : i32
      %xor3A_1526 = vector.broadcast %xor3A_1525 : i32 to vector<16xi32>
      %xor3A_1527 = arith.xori %iota3A, %xor3A_1526 : vector<16xi32>
      %lt3A_1528 = arith.constant 0 : i32
      %lt3A_1529 = vector.broadcast %lt3A_1528 : i32 to vector<16xi32>
      %lt3A_1530 = arith.cmpi slt, %xor3A_1527, %lt3A_1529 : vector<16xi32>
      %add3A_1531 = arith.constant 16 : i32
      %add3A_1532 = vector.broadcast %add3A_1531 : i32 to vector<16xi32>
      %add3A_1533 = arith.addi %xor3A_1527, %add3A_1532 : vector<16xi32>
      %select_n3A_1534 = arith.select %lt3A_1530, %add3A_1533, %xor3A_1527 : vector<16xi1>, vector<16xi32>
      %broadcast_in_dim3A_1535 = vector.shape_cast %select_n3A_1534 : vector<16xi32> to vector<16x1xi32>
      %gather3A_1536 = vector.shape_cast %broadcast_in_dim3A_1535 : vector<16x1xi32> to vector<16xi32>
      %gather3A_1537 = tpu.dynamic_gather %add3A_1145[%gather3A_1536] in [0] : vector<16xf32>, vector<16xi32> -> vector<16xf32>
      %add3A_1538 = arith.addf %add3A_1145, %gather3A_1537 : vector<16xf32>
      %xor3A_1539 = arith.constant 8 : i32
      %xor3A_1540 = vector.broadcast %xor3A_1539 : i32 to vector<16xi32>
      %xor3A_1541 = arith.xori %iota3A, %xor3A_1540 : vector<16xi32>
      %lt3A_1542 = arith.constant 0 : i32
      %lt3A_1543 = vector.broadcast %lt3A_1542 : i32 to vector<16xi32>
      %lt3A_1544 = arith.cmpi slt, %xor3A_1541, %lt3A_1543 : vector<16xi32>
      %add3A_1545 = arith.constant 16 : i32
      %add3A_1546 = vector.broadcast %add3A_1545 : i32 to vector<16xi32>
      %add3A_1547 = arith.addi %xor3A_1541, %add3A_1546 : vector<16xi32>
      %select_n3A_1548 = arith.select %lt3A_1544, %add3A_1547, %xor3A_1541 : vector<16xi1>, vector<16xi32>
      %broadcast_in_dim3A_1549 = vector.shape_cast %select_n3A_1548 : vector<16xi32> to vector<16x1xi32>
      %gather3A_1550 = vector.shape_cast %broadcast_in_dim3A_1549 : vector<16x1xi32> to vector<16xi32>
      %gather3A_1551 = tpu.dynamic_gather %add3A_1183[%gather3A_1550] in [0] : vector<16xf32>, vector<16xi32> -> vector<16xf32>
      %add3A_1552 = arith.addf %add3A_1183, %gather3A_1551 : vector<16xf32>
      %select_n3A_1553 = arith.select %eq3A_11, %add3A_1538, %add3A_1552 : vector<16xi1>, vector<16xf32>
      %xor3A_1554 = arith.constant 8 : i32
      %xor3A_1555 = vector.broadcast %xor3A_1554 : i32 to vector<16xi32>
      %xor3A_1556 = arith.xori %iota3A, %xor3A_1555 : vector<16xi32>
      %lt3A_1557 = arith.constant 0 : i32
      %lt3A_1558 = vector.broadcast %lt3A_1557 : i32 to vector<16xi32>
      %lt3A_1559 = arith.cmpi slt, %xor3A_1556, %lt3A_1558 : vector<16xi32>
      %add3A_1560 = arith.constant 16 : i32
      %add3A_1561 = vector.broadcast %add3A_1560 : i32 to vector<16xi32>
      %add3A_1562 = arith.addi %xor3A_1556, %add3A_1561 : vector<16xi32>
      %select_n3A_1563 = arith.select %lt3A_1559, %add3A_1562, %xor3A_1556 : vector<16xi1>, vector<16xi32>
      %broadcast_in_dim3A_1564 = vector.shape_cast %select_n3A_1563 : vector<16xi32> to vector<16x1xi32>
      %gather3A_1565 = vector.shape_cast %broadcast_in_dim3A_1564 : vector<16x1xi32> to vector<16xi32>
      %gather3A_1566 = tpu.dynamic_gather %add3A_1221[%gather3A_1565] in [0] : vector<16xf32>, vector<16xi32> -> vector<16xf32>
      %add3A_1567 = arith.addf %add3A_1221, %gather3A_1566 : vector<16xf32>
      %xor3A_1568 = arith.constant 8 : i32
      %xor3A_1569 = vector.broadcast %xor3A_1568 : i32 to vector<16xi32>
      %xor3A_1570 = arith.xori %iota3A, %xor3A_1569 : vector<16xi32>
      %lt3A_1571 = arith.constant 0 : i32
      %lt3A_1572 = vector.broadcast %lt3A_1571 : i32 to vector<16xi32>
      %lt3A_1573 = arith.cmpi slt, %xor3A_1570, %lt3A_1572 : vector<16xi32>
      %add3A_1574 = arith.constant 16 : i32
      %add3A_1575 = vector.broadcast %add3A_1574 : i32 to vector<16xi32>
      %add3A_1576 = arith.addi %xor3A_1570, %add3A_1575 : vector<16xi32>
      %select_n3A_1577 = arith.select %lt3A_1573, %add3A_1576, %xor3A_1570 : vector<16xi1>, vector<16xi32>
      %broadcast_in_dim3A_1578 = vector.shape_cast %select_n3A_1577 : vector<16xi32> to vector<16x1xi32>
      %gather3A_1579 = vector.shape_cast %broadcast_in_dim3A_1578 : vector<16x1xi32> to vector<16xi32>
      %gather3A_1580 = tpu.dynamic_gather %add3A_1259[%gather3A_1579] in [0] : vector<16xf32>, vector<16xi32> -> vector<16xf32>
      %add3A_1581 = arith.addf %add3A_1259, %gather3A_1580 : vector<16xf32>
      %select_n3A_1582 = arith.select %eq3A_11, %add3A_1567, %add3A_1581 : vector<16xi1>, vector<16xf32>
      %xor3A_1583 = arith.constant 8 : i32
      %xor3A_1584 = vector.broadcast %xor3A_1583 : i32 to vector<16xi32>
      %xor3A_1585 = arith.xori %iota3A, %xor3A_1584 : vector<16xi32>
      %lt3A_1586 = arith.constant 0 : i32
      %lt3A_1587 = vector.broadcast %lt3A_1586 : i32 to vector<16xi32>
      %lt3A_1588 = arith.cmpi slt, %xor3A_1585, %lt3A_1587 : vector<16xi32>
      %add3A_1589 = arith.constant 16 : i32
      %add3A_1590 = vector.broadcast %add3A_1589 : i32 to vector<16xi32>
      %add3A_1591 = arith.addi %xor3A_1585, %add3A_1590 : vector<16xi32>
      %select_n3A_1592 = arith.select %lt3A_1588, %add3A_1591, %xor3A_1585 : vector<16xi1>, vector<16xi32>
      %broadcast_in_dim3A_1593 = vector.shape_cast %select_n3A_1592 : vector<16xi32> to vector<16x1xi32>
      %gather3A_1594 = vector.shape_cast %broadcast_in_dim3A_1593 : vector<16x1xi32> to vector<16xi32>
      %gather3A_1595 = tpu.dynamic_gather %add3A_1297[%gather3A_1594] in [0] : vector<16xf32>, vector<16xi32> -> vector<16xf32>
      %add3A_1596 = arith.addf %add3A_1297, %gather3A_1595 : vector<16xf32>
      %xor3A_1597 = arith.constant 8 : i32
      %xor3A_1598 = vector.broadcast %xor3A_1597 : i32 to vector<16xi32>
      %xor3A_1599 = arith.xori %iota3A, %xor3A_1598 : vector<16xi32>
      %lt3A_1600 = arith.constant 0 : i32
      %lt3A_1601 = vector.broadcast %lt3A_1600 : i32 to vector<16xi32>
      %lt3A_1602 = arith.cmpi slt, %xor3A_1599, %lt3A_1601 : vector<16xi32>
      %add3A_1603 = arith.constant 16 : i32
      %add3A_1604 = vector.broadcast %add3A_1603 : i32 to vector<16xi32>
      %add3A_1605 = arith.addi %xor3A_1599, %add3A_1604 : vector<16xi32>
      %select_n3A_1606 = arith.select %lt3A_1602, %add3A_1605, %xor3A_1599 : vector<16xi1>, vector<16xi32>
      %broadcast_in_dim3A_1607 = vector.shape_cast %select_n3A_1606 : vector<16xi32> to vector<16x1xi32>
      %gather3A_1608 = vector.shape_cast %broadcast_in_dim3A_1607 : vector<16x1xi32> to vector<16xi32>
      %gather3A_1609 = tpu.dynamic_gather %add3A_1335[%gather3A_1608] in [0] : vector<16xf32>, vector<16xi32> -> vector<16xf32>
      %add3A_1610 = arith.addf %add3A_1335, %gather3A_1609 : vector<16xf32>
      %select_n3A_1611 = arith.select %eq3A_11, %add3A_1596, %add3A_1610 : vector<16xi1>, vector<16xf32>
      %xor3A_1612 = arith.constant 8 : i32
      %xor3A_1613 = vector.broadcast %xor3A_1612 : i32 to vector<16xi32>
      %xor3A_1614 = arith.xori %iota3A, %xor3A_1613 : vector<16xi32>
      %lt3A_1615 = arith.constant 0 : i32
      %lt3A_1616 = vector.broadcast %lt3A_1615 : i32 to vector<16xi32>
      %lt3A_1617 = arith.cmpi slt, %xor3A_1614, %lt3A_1616 : vector<16xi32>
      %add3A_1618 = arith.constant 16 : i32
      %add3A_1619 = vector.broadcast %add3A_1618 : i32 to vector<16xi32>
      %add3A_1620 = arith.addi %xor3A_1614, %add3A_1619 : vector<16xi32>
      %select_n3A_1621 = arith.select %lt3A_1617, %add3A_1620, %xor3A_1614 : vector<16xi1>, vector<16xi32>
      %broadcast_in_dim3A_1622 = vector.shape_cast %select_n3A_1621 : vector<16xi32> to vector<16x1xi32>
      %gather3A_1623 = vector.shape_cast %broadcast_in_dim3A_1622 : vector<16x1xi32> to vector<16xi32>
      %gather3A_1624 = tpu.dynamic_gather %add3A_1373[%gather3A_1623] in [0] : vector<16xf32>, vector<16xi32> -> vector<16xf32>
      %add3A_1625 = arith.addf %add3A_1373, %gather3A_1624 : vector<16xf32>
      %xor3A_1626 = arith.constant 8 : i32
      %xor3A_1627 = vector.broadcast %xor3A_1626 : i32 to vector<16xi32>
      %xor3A_1628 = arith.xori %iota3A, %xor3A_1627 : vector<16xi32>
      %lt3A_1629 = arith.constant 0 : i32
      %lt3A_1630 = vector.broadcast %lt3A_1629 : i32 to vector<16xi32>
      %lt3A_1631 = arith.cmpi slt, %xor3A_1628, %lt3A_1630 : vector<16xi32>
      %add3A_1632 = arith.constant 16 : i32
      %add3A_1633 = vector.broadcast %add3A_1632 : i32 to vector<16xi32>
      %add3A_1634 = arith.addi %xor3A_1628, %add3A_1633 : vector<16xi32>
      %select_n3A_1635 = arith.select %lt3A_1631, %add3A_1634, %xor3A_1628 : vector<16xi1>, vector<16xi32>
      %broadcast_in_dim3A_1636 = vector.shape_cast %select_n3A_1635 : vector<16xi32> to vector<16x1xi32>
      %gather3A_1637 = vector.shape_cast %broadcast_in_dim3A_1636 : vector<16x1xi32> to vector<16xi32>
      %gather3A_1638 = tpu.dynamic_gather %add3A_1411[%gather3A_1637] in [0] : vector<16xf32>, vector<16xi32> -> vector<16xf32>
      %add3A_1639 = arith.addf %add3A_1411, %gather3A_1638 : vector<16xf32>
      %select_n3A_1640 = arith.select %eq3A_11, %add3A_1625, %add3A_1639 : vector<16xi1>, vector<16xf32>
      %xor3A_1641 = arith.constant 4 : i32
      %xor3A_1642 = vector.broadcast %xor3A_1641 : i32 to vector<16xi32>
      %xor3A_1643 = arith.xori %iota3A, %xor3A_1642 : vector<16xi32>
      %lt3A_1644 = arith.constant 0 : i32
      %lt3A_1645 = vector.broadcast %lt3A_1644 : i32 to vector<16xi32>
      %lt3A_1646 = arith.cmpi slt, %xor3A_1643, %lt3A_1645 : vector<16xi32>
      %add3A_1647 = arith.constant 16 : i32
      %add3A_1648 = vector.broadcast %add3A_1647 : i32 to vector<16xi32>
      %add3A_1649 = arith.addi %xor3A_1643, %add3A_1648 : vector<16xi32>
      %select_n3A_1650 = arith.select %lt3A_1646, %add3A_1649, %xor3A_1643 : vector<16xi1>, vector<16xi32>
      %broadcast_in_dim3A_1651 = vector.shape_cast %select_n3A_1650 : vector<16xi32> to vector<16x1xi32>
      %gather3A_1652 = vector.shape_cast %broadcast_in_dim3A_1651 : vector<16x1xi32> to vector<16xi32>
      %gather3A_1653 = tpu.dynamic_gather %select_n3A_1437[%gather3A_1652] in [0] : vector<16xf32>, vector<16xi32> -> vector<16xf32>
      %add3A_1654 = arith.addf %select_n3A_1437, %gather3A_1653 : vector<16xf32>
      %xor3A_1655 = arith.constant 4 : i32
      %xor3A_1656 = vector.broadcast %xor3A_1655 : i32 to vector<16xi32>
      %xor3A_1657 = arith.xori %iota3A, %xor3A_1656 : vector<16xi32>
      %lt3A_1658 = arith.constant 0 : i32
      %lt3A_1659 = vector.broadcast %lt3A_1658 : i32 to vector<16xi32>
      %lt3A_1660 = arith.cmpi slt, %xor3A_1657, %lt3A_1659 : vector<16xi32>
      %add3A_1661 = arith.constant 16 : i32
      %add3A_1662 = vector.broadcast %add3A_1661 : i32 to vector<16xi32>
      %add3A_1663 = arith.addi %xor3A_1657, %add3A_1662 : vector<16xi32>
      %select_n3A_1664 = arith.select %lt3A_1660, %add3A_1663, %xor3A_1657 : vector<16xi1>, vector<16xi32>
      %broadcast_in_dim3A_1665 = vector.shape_cast %select_n3A_1664 : vector<16xi32> to vector<16x1xi32>
      %gather3A_1666 = vector.shape_cast %broadcast_in_dim3A_1665 : vector<16x1xi32> to vector<16xi32>
      %gather3A_1667 = tpu.dynamic_gather %select_n3A_1466[%gather3A_1666] in [0] : vector<16xf32>, vector<16xi32> -> vector<16xf32>
      %add3A_1668 = arith.addf %select_n3A_1466, %gather3A_1667 : vector<16xf32>
      %select_n3A_1669 = arith.select %eq3A_17, %add3A_1654, %add3A_1668 : vector<16xi1>, vector<16xf32>
      %xor3A_1670 = arith.constant 4 : i32
      %xor3A_1671 = vector.broadcast %xor3A_1670 : i32 to vector<16xi32>
      %xor3A_1672 = arith.xori %iota3A, %xor3A_1671 : vector<16xi32>
      %lt3A_1673 = arith.constant 0 : i32
      %lt3A_1674 = vector.broadcast %lt3A_1673 : i32 to vector<16xi32>
      %lt3A_1675 = arith.cmpi slt, %xor3A_1672, %lt3A_1674 : vector<16xi32>
      %add3A_1676 = arith.constant 16 : i32
      %add3A_1677 = vector.broadcast %add3A_1676 : i32 to vector<16xi32>
      %add3A_1678 = arith.addi %xor3A_1672, %add3A_1677 : vector<16xi32>
      %select_n3A_1679 = arith.select %lt3A_1675, %add3A_1678, %xor3A_1672 : vector<16xi1>, vector<16xi32>
      %broadcast_in_dim3A_1680 = vector.shape_cast %select_n3A_1679 : vector<16xi32> to vector<16x1xi32>
      %gather3A_1681 = vector.shape_cast %broadcast_in_dim3A_1680 : vector<16x1xi32> to vector<16xi32>
      %gather3A_1682 = tpu.dynamic_gather %select_n3A_1495[%gather3A_1681] in [0] : vector<16xf32>, vector<16xi32> -> vector<16xf32>
      %add3A_1683 = arith.addf %select_n3A_1495, %gather3A_1682 : vector<16xf32>
      %xor3A_1684 = arith.constant 4 : i32
      %xor3A_1685 = vector.broadcast %xor3A_1684 : i32 to vector<16xi32>
      %xor3A_1686 = arith.xori %iota3A, %xor3A_1685 : vector<16xi32>
      %lt3A_1687 = arith.constant 0 : i32
      %lt3A_1688 = vector.broadcast %lt3A_1687 : i32 to vector<16xi32>
      %lt3A_1689 = arith.cmpi slt, %xor3A_1686, %lt3A_1688 : vector<16xi32>
      %add3A_1690 = arith.constant 16 : i32
      %add3A_1691 = vector.broadcast %add3A_1690 : i32 to vector<16xi32>
      %add3A_1692 = arith.addi %xor3A_1686, %add3A_1691 : vector<16xi32>
      %select_n3A_1693 = arith.select %lt3A_1689, %add3A_1692, %xor3A_1686 : vector<16xi1>, vector<16xi32>
      %broadcast_in_dim3A_1694 = vector.shape_cast %select_n3A_1693 : vector<16xi32> to vector<16x1xi32>
      %gather3A_1695 = vector.shape_cast %broadcast_in_dim3A_1694 : vector<16x1xi32> to vector<16xi32>
      %gather3A_1696 = tpu.dynamic_gather %select_n3A_1524[%gather3A_1695] in [0] : vector<16xf32>, vector<16xi32> -> vector<16xf32>
      %add3A_1697 = arith.addf %select_n3A_1524, %gather3A_1696 : vector<16xf32>
      %select_n3A_1698 = arith.select %eq3A_17, %add3A_1683, %add3A_1697 : vector<16xi1>, vector<16xf32>
      %xor3A_1699 = arith.constant 4 : i32
      %xor3A_1700 = vector.broadcast %xor3A_1699 : i32 to vector<16xi32>
      %xor3A_1701 = arith.xori %iota3A, %xor3A_1700 : vector<16xi32>
      %lt3A_1702 = arith.constant 0 : i32
      %lt3A_1703 = vector.broadcast %lt3A_1702 : i32 to vector<16xi32>
      %lt3A_1704 = arith.cmpi slt, %xor3A_1701, %lt3A_1703 : vector<16xi32>
      %add3A_1705 = arith.constant 16 : i32
      %add3A_1706 = vector.broadcast %add3A_1705 : i32 to vector<16xi32>
      %add3A_1707 = arith.addi %xor3A_1701, %add3A_1706 : vector<16xi32>
      %select_n3A_1708 = arith.select %lt3A_1704, %add3A_1707, %xor3A_1701 : vector<16xi1>, vector<16xi32>
      %broadcast_in_dim3A_1709 = vector.shape_cast %select_n3A_1708 : vector<16xi32> to vector<16x1xi32>
      %gather3A_1710 = vector.shape_cast %broadcast_in_dim3A_1709 : vector<16x1xi32> to vector<16xi32>
      %gather3A_1711 = tpu.dynamic_gather %select_n3A_1553[%gather3A_1710] in [0] : vector<16xf32>, vector<16xi32> -> vector<16xf32>
      %add3A_1712 = arith.addf %select_n3A_1553, %gather3A_1711 : vector<16xf32>
      %xor3A_1713 = arith.constant 4 : i32
      %xor3A_1714 = vector.broadcast %xor3A_1713 : i32 to vector<16xi32>
      %xor3A_1715 = arith.xori %iota3A, %xor3A_1714 : vector<16xi32>
      %lt3A_1716 = arith.constant 0 : i32
      %lt3A_1717 = vector.broadcast %lt3A_1716 : i32 to vector<16xi32>
      %lt3A_1718 = arith.cmpi slt, %xor3A_1715, %lt3A_1717 : vector<16xi32>
      %add3A_1719 = arith.constant 16 : i32
      %add3A_1720 = vector.broadcast %add3A_1719 : i32 to vector<16xi32>
      %add3A_1721 = arith.addi %xor3A_1715, %add3A_1720 : vector<16xi32>
      %select_n3A_1722 = arith.select %lt3A_1718, %add3A_1721, %xor3A_1715 : vector<16xi1>, vector<16xi32>
      %broadcast_in_dim3A_1723 = vector.shape_cast %select_n3A_1722 : vector<16xi32> to vector<16x1xi32>
      %gather3A_1724 = vector.shape_cast %broadcast_in_dim3A_1723 : vector<16x1xi32> to vector<16xi32>
      %gather3A_1725 = tpu.dynamic_gather %select_n3A_1582[%gather3A_1724] in [0] : vector<16xf32>, vector<16xi32> -> vector<16xf32>
      %add3A_1726 = arith.addf %select_n3A_1582, %gather3A_1725 : vector<16xf32>
      %select_n3A_1727 = arith.select %eq3A_17, %add3A_1712, %add3A_1726 : vector<16xi1>, vector<16xf32>
      %xor3A_1728 = arith.constant 4 : i32
      %xor3A_1729 = vector.broadcast %xor3A_1728 : i32 to vector<16xi32>
      %xor3A_1730 = arith.xori %iota3A, %xor3A_1729 : vector<16xi32>
      %lt3A_1731 = arith.constant 0 : i32
      %lt3A_1732 = vector.broadcast %lt3A_1731 : i32 to vector<16xi32>
      %lt3A_1733 = arith.cmpi slt, %xor3A_1730, %lt3A_1732 : vector<16xi32>
      %add3A_1734 = arith.constant 16 : i32
      %add3A_1735 = vector.broadcast %add3A_1734 : i32 to vector<16xi32>
      %add3A_1736 = arith.addi %xor3A_1730, %add3A_1735 : vector<16xi32>
      %select_n3A_1737 = arith.select %lt3A_1733, %add3A_1736, %xor3A_1730 : vector<16xi1>, vector<16xi32>
      %broadcast_in_dim3A_1738 = vector.shape_cast %select_n3A_1737 : vector<16xi32> to vector<16x1xi32>
      %gather3A_1739 = vector.shape_cast %broadcast_in_dim3A_1738 : vector<16x1xi32> to vector<16xi32>
      %gather3A_1740 = tpu.dynamic_gather %select_n3A_1611[%gather3A_1739] in [0] : vector<16xf32>, vector<16xi32> -> vector<16xf32>
      %add3A_1741 = arith.addf %select_n3A_1611, %gather3A_1740 : vector<16xf32>
      %xor3A_1742 = arith.constant 4 : i32
      %xor3A_1743 = vector.broadcast %xor3A_1742 : i32 to vector<16xi32>
      %xor3A_1744 = arith.xori %iota3A, %xor3A_1743 : vector<16xi32>
      %lt3A_1745 = arith.constant 0 : i32
      %lt3A_1746 = vector.broadcast %lt3A_1745 : i32 to vector<16xi32>
      %lt3A_1747 = arith.cmpi slt, %xor3A_1744, %lt3A_1746 : vector<16xi32>
      %add3A_1748 = arith.constant 16 : i32
      %add3A_1749 = vector.broadcast %add3A_1748 : i32 to vector<16xi32>
      %add3A_1750 = arith.addi %xor3A_1744, %add3A_1749 : vector<16xi32>
      %select_n3A_1751 = arith.select %lt3A_1747, %add3A_1750, %xor3A_1744 : vector<16xi1>, vector<16xi32>
      %broadcast_in_dim3A_1752 = vector.shape_cast %select_n3A_1751 : vector<16xi32> to vector<16x1xi32>
      %gather3A_1753 = vector.shape_cast %broadcast_in_dim3A_1752 : vector<16x1xi32> to vector<16xi32>
      %gather3A_1754 = tpu.dynamic_gather %select_n3A_1640[%gather3A_1753] in [0] : vector<16xf32>, vector<16xi32> -> vector<16xf32>
      %add3A_1755 = arith.addf %select_n3A_1640, %gather3A_1754 : vector<16xf32>
      %select_n3A_1756 = arith.select %eq3A_17, %add3A_1741, %add3A_1755 : vector<16xi1>, vector<16xf32>
      %xor3A_1757 = arith.constant 2 : i32
      %xor3A_1758 = vector.broadcast %xor3A_1757 : i32 to vector<16xi32>
      %xor3A_1759 = arith.xori %iota3A, %xor3A_1758 : vector<16xi32>
      %lt3A_1760 = arith.constant 0 : i32
      %lt3A_1761 = vector.broadcast %lt3A_1760 : i32 to vector<16xi32>
      %lt3A_1762 = arith.cmpi slt, %xor3A_1759, %lt3A_1761 : vector<16xi32>
      %add3A_1763 = arith.constant 16 : i32
      %add3A_1764 = vector.broadcast %add3A_1763 : i32 to vector<16xi32>
      %add3A_1765 = arith.addi %xor3A_1759, %add3A_1764 : vector<16xi32>
      %select_n3A_1766 = arith.select %lt3A_1762, %add3A_1765, %xor3A_1759 : vector<16xi1>, vector<16xi32>
      %broadcast_in_dim3A_1767 = vector.shape_cast %select_n3A_1766 : vector<16xi32> to vector<16x1xi32>
      %gather3A_1768 = vector.shape_cast %broadcast_in_dim3A_1767 : vector<16x1xi32> to vector<16xi32>
      %gather3A_1769 = tpu.dynamic_gather %select_n3A_1669[%gather3A_1768] in [0] : vector<16xf32>, vector<16xi32> -> vector<16xf32>
      %add3A_1770 = arith.addf %select_n3A_1669, %gather3A_1769 : vector<16xf32>
      %xor3A_1771 = arith.constant 2 : i32
      %xor3A_1772 = vector.broadcast %xor3A_1771 : i32 to vector<16xi32>
      %xor3A_1773 = arith.xori %iota3A, %xor3A_1772 : vector<16xi32>
      %lt3A_1774 = arith.constant 0 : i32
      %lt3A_1775 = vector.broadcast %lt3A_1774 : i32 to vector<16xi32>
      %lt3A_1776 = arith.cmpi slt, %xor3A_1773, %lt3A_1775 : vector<16xi32>
      %add3A_1777 = arith.constant 16 : i32
      %add3A_1778 = vector.broadcast %add3A_1777 : i32 to vector<16xi32>
      %add3A_1779 = arith.addi %xor3A_1773, %add3A_1778 : vector<16xi32>
      %select_n3A_1780 = arith.select %lt3A_1776, %add3A_1779, %xor3A_1773 : vector<16xi1>, vector<16xi32>
      %broadcast_in_dim3A_1781 = vector.shape_cast %select_n3A_1780 : vector<16xi32> to vector<16x1xi32>
      %gather3A_1782 = vector.shape_cast %broadcast_in_dim3A_1781 : vector<16x1xi32> to vector<16xi32>
      %gather3A_1783 = tpu.dynamic_gather %select_n3A_1698[%gather3A_1782] in [0] : vector<16xf32>, vector<16xi32> -> vector<16xf32>
      %add3A_1784 = arith.addf %select_n3A_1698, %gather3A_1783 : vector<16xf32>
      %select_n3A_1785 = arith.select %eq3A_23, %add3A_1770, %add3A_1784 : vector<16xi1>, vector<16xf32>
      %xor3A_1786 = arith.constant 2 : i32
      %xor3A_1787 = vector.broadcast %xor3A_1786 : i32 to vector<16xi32>
      %xor3A_1788 = arith.xori %iota3A, %xor3A_1787 : vector<16xi32>
      %lt3A_1789 = arith.constant 0 : i32
      %lt3A_1790 = vector.broadcast %lt3A_1789 : i32 to vector<16xi32>
      %lt3A_1791 = arith.cmpi slt, %xor3A_1788, %lt3A_1790 : vector<16xi32>
      %add3A_1792 = arith.constant 16 : i32
      %add3A_1793 = vector.broadcast %add3A_1792 : i32 to vector<16xi32>
      %add3A_1794 = arith.addi %xor3A_1788, %add3A_1793 : vector<16xi32>
      %select_n3A_1795 = arith.select %lt3A_1791, %add3A_1794, %xor3A_1788 : vector<16xi1>, vector<16xi32>
      %broadcast_in_dim3A_1796 = vector.shape_cast %select_n3A_1795 : vector<16xi32> to vector<16x1xi32>
      %gather3A_1797 = vector.shape_cast %broadcast_in_dim3A_1796 : vector<16x1xi32> to vector<16xi32>
      %gather3A_1798 = tpu.dynamic_gather %select_n3A_1727[%gather3A_1797] in [0] : vector<16xf32>, vector<16xi32> -> vector<16xf32>
      %add3A_1799 = arith.addf %select_n3A_1727, %gather3A_1798 : vector<16xf32>
      %xor3A_1800 = arith.constant 2 : i32
      %xor3A_1801 = vector.broadcast %xor3A_1800 : i32 to vector<16xi32>
      %xor3A_1802 = arith.xori %iota3A, %xor3A_1801 : vector<16xi32>
      %lt3A_1803 = arith.constant 0 : i32
      %lt3A_1804 = vector.broadcast %lt3A_1803 : i32 to vector<16xi32>
      %lt3A_1805 = arith.cmpi slt, %xor3A_1802, %lt3A_1804 : vector<16xi32>
      %add3A_1806 = arith.constant 16 : i32
      %add3A_1807 = vector.broadcast %add3A_1806 : i32 to vector<16xi32>
      %add3A_1808 = arith.addi %xor3A_1802, %add3A_1807 : vector<16xi32>
      %select_n3A_1809 = arith.select %lt3A_1805, %add3A_1808, %xor3A_1802 : vector<16xi1>, vector<16xi32>
      %broadcast_in_dim3A_1810 = vector.shape_cast %select_n3A_1809 : vector<16xi32> to vector<16x1xi32>
      %gather3A_1811 = vector.shape_cast %broadcast_in_dim3A_1810 : vector<16x1xi32> to vector<16xi32>
      %gather3A_1812 = tpu.dynamic_gather %select_n3A_1756[%gather3A_1811] in [0] : vector<16xf32>, vector<16xi32> -> vector<16xf32>
      %add3A_1813 = arith.addf %select_n3A_1756, %gather3A_1812 : vector<16xf32>
      %select_n3A_1814 = arith.select %eq3A_23, %add3A_1799, %add3A_1813 : vector<16xi1>, vector<16xf32>
      %xor3A_1815 = arith.constant 1 : i32
      %xor3A_1816 = vector.broadcast %xor3A_1815 : i32 to vector<16xi32>
      %xor3A_1817 = arith.xori %iota3A, %xor3A_1816 : vector<16xi32>
      %lt3A_1818 = arith.constant 0 : i32
      %lt3A_1819 = vector.broadcast %lt3A_1818 : i32 to vector<16xi32>
      %lt3A_1820 = arith.cmpi slt, %xor3A_1817, %lt3A_1819 : vector<16xi32>
      %add3A_1821 = arith.constant 16 : i32
      %add3A_1822 = vector.broadcast %add3A_1821 : i32 to vector<16xi32>
      %add3A_1823 = arith.addi %xor3A_1817, %add3A_1822 : vector<16xi32>
      %select_n3A_1824 = arith.select %lt3A_1820, %add3A_1823, %xor3A_1817 : vector<16xi1>, vector<16xi32>
      %broadcast_in_dim3A_1825 = vector.shape_cast %select_n3A_1824 : vector<16xi32> to vector<16x1xi32>
      %gather3A_1826 = vector.shape_cast %broadcast_in_dim3A_1825 : vector<16x1xi32> to vector<16xi32>
      %gather3A_1827 = tpu.dynamic_gather %select_n3A_1785[%gather3A_1826] in [0] : vector<16xf32>, vector<16xi32> -> vector<16xf32>
      %add3A_1828 = arith.addf %select_n3A_1785, %gather3A_1827 : vector<16xf32>
      %xor3A_1829 = arith.constant 1 : i32
      %xor3A_1830 = vector.broadcast %xor3A_1829 : i32 to vector<16xi32>
      %xor3A_1831 = arith.xori %iota3A, %xor3A_1830 : vector<16xi32>
      %lt3A_1832 = arith.constant 0 : i32
      %lt3A_1833 = vector.broadcast %lt3A_1832 : i32 to vector<16xi32>
      %lt3A_1834 = arith.cmpi slt, %xor3A_1831, %lt3A_1833 : vector<16xi32>
      %add3A_1835 = arith.constant 16 : i32
      %add3A_1836 = vector.broadcast %add3A_1835 : i32 to vector<16xi32>
      %add3A_1837 = arith.addi %xor3A_1831, %add3A_1836 : vector<16xi32>
      %select_n3A_1838 = arith.select %lt3A_1834, %add3A_1837, %xor3A_1831 : vector<16xi1>, vector<16xi32>
      %broadcast_in_dim3A_1839 = vector.shape_cast %select_n3A_1838 : vector<16xi32> to vector<16x1xi32>
      %gather3A_1840 = vector.shape_cast %broadcast_in_dim3A_1839 : vector<16x1xi32> to vector<16xi32>
      %gather3A_1841 = tpu.dynamic_gather %select_n3A_1814[%gather3A_1840] in [0] : vector<16xf32>, vector<16xi32> -> vector<16xf32>
      %add3A_1842 = arith.addf %select_n3A_1814, %gather3A_1841 : vector<16xf32>
      %select_n3A_1843 = arith.select %eq3A_29, %add3A_1828, %add3A_1842 : vector<16xi1>, vector<16xf32>
      %lt3A_1844 = arith.constant 0 : i32
      %lt3A_1845 = vector.broadcast %lt3A_1844 : i32 to vector<16xi32>
      %lt3A_1846 = arith.cmpi slt, %or3A_53, %lt3A_1845 : vector<16xi32>
      %add3A_1847 = arith.constant 16 : i32
      %add3A_1848 = vector.broadcast %add3A_1847 : i32 to vector<16xi32>
      %add3A_1849 = arith.addi %or3A_53, %add3A_1848 : vector<16xi32>
      %select_n3A_1850 = arith.select %lt3A_1846, %add3A_1849, %or3A_53 : vector<16xi1>, vector<16xi32>
      %broadcast_in_dim3A_1851 = vector.shape_cast %select_n3A_1850 : vector<16xi32> to vector<16x1xi32>
      %gather3A_1852 = vector.shape_cast %broadcast_in_dim3A_1851 : vector<16x1xi32> to vector<16xi32>
      %gather3A_1853 = tpu.dynamic_gather %select_n3A_1843[%gather3A_1852] in [0] : vector<16xf32>, vector<16xi32> -> vector<16xf32>
      %mul3A_1854 = arith.constant 16 : i32
      %mul3A_1855 = arith.muli %scan3A_743, %mul3A_1854 : i32
      %get3A_1856 = arith.index_cast %mul3A_1855 : i32 to index
      %get3A_1857 = tpu.vector_load %arg14[%get3A_1856] {strides = array<i32>} : memref<512xf32, #tpu.memory_space<vmem>>, vector<16xf32>,
      %get3A_1858 = vector.shape_cast %get3A_1857 : vector<16xf32> to vector<16xf32>
      %mul3A_1859 = arith.mulf %get3A_1858, %get3A_4 : vector<16xf32>
      %add3A_1860 = arith.addf %gather3A_1853, %mul3A_1859 : vector<16xf32>
      %add3A_1861 = arith.addf %add3A_1860, %get3A_7 : vector<16xf32>
      %mul3A_1862 = arith.constant 16 : i32
      %mul3A_1863 = arith.muli %scan3A_743, %mul3A_1862 : i32
      %swap3A = arith.index_cast %mul3A_1863 : i32 to index
      %swap3A_1864 = tpu.vector_load %arg15[%swap3A] {strides = array<i32>} : memref<512xf32, #tpu.memory_space<vmem>>, vector<16xf32>,
      %swap3A_1865 = vector.shape_cast %swap3A_1864 : vector<16xf32> to vector<16xf32>
      %swap3A_1866 = vector.shape_cast %add3A_1861 : vector<16xf32> to vector<16xf32>
      tpu.vector_store %arg15[%swap3A], %swap3A_1866 {strides = array<i32>} : memref<512xf32, #tpu.memory_space<vmem>>, vector<16xf32>,
    }
    %scan3A_742 = arith.constant 32 : i32
    "tpu.region"() ({
      %run_scoped3A = tpu.sem_alloc : memref<!tpu.dma_semaphore, #tpu.memory_space<semaphore_mem>>
      %dma_start3A_743 = tpu.memref_slice %arg9[%mul3A_2] : memref<16384xf32, #tpu.memory_space<hbm>> -> memref<512xf32, #tpu.memory_space<hbm>>
      %dma_start3A_744 = tpu.memref_slice %arg9[%mul3A_2] : memref<16384xf32, #tpu.memory_space<hbm>> -> memref<512xf32, #tpu.memory_space<hbm>>
      tpu.enqueue_dma source(%arg15 : memref<512xf32, #tpu.memory_space<vmem>>) target(%dma_start3A_744 : memref<512xf32, #tpu.memory_space<hbm>>) target_semaphore(%run_scoped3A : memref<!tpu.dma_semaphore, #tpu.memory_space<semaphore_mem>>)
      %dma_wait3A = tpu.memref_slice %arg9[%mul3A_2] : memref<16384xf32, #tpu.memory_space<hbm>> -> memref<512xf32, #tpu.memory_space<hbm>>
      %dma_wait3A_745 = tpu.memref_slice %arg9[%mul3A_2] : memref<16384xf32, #tpu.memory_space<hbm>> -> memref<512xf32, #tpu.memory_space<hbm>>
      tpu.wait_dma2 semaphore(%run_scoped3A : memref<!tpu.dma_semaphore, #tpu.memory_space<semaphore_mem>>) src(%arg15 : memref<512xf32, #tpu.memory_space<vmem>>) dst(%dma_wait3A_745 : memref<512xf32, #tpu.memory_space<hbm>>)
      tpu.yield
    }) : () -> ()
    return
  }
}

</mosaic_0001>

<sc_bundles>
// kernel: kernel.3.cloned.1.call-start
scs
__scs_entry_jumppad:
0x0: {  	(pc) =	sbr.rel $0x88, $3  }
0x1: {  	(tag) =	ssettag $0x0;
	lr =	simm.s32 $0x1  }
0x2: {  	[smem:$0x3F9A] =	sst lr;
	_ =	strace $0xD0000000  }
0x3: {  	_ = 	snop  }
0x4: {  	_ = 	snop  }
0x5: {  	_ = 	snop  }
0x6: {  	_ = 	snop  }
0x7: {  	_ = 	snop  }
__scs_overlays_trampoline_lowered:
0x8: {  	[smem:$0x3FA9] =	sst s0  }
0x9: {  	[smem:$0x3FAA] =	sst s1  }
0xa: {  	[smem:$0x3FAB] =	sst s2  }
0xb: {  	[smem:$0x3FAC] =	sst s3  }
0xc: {  	[smem:$0x3FAD] =	sst s4  }
0xd: {  	[smem:$0x3FAE] =	sst s5  }
0xe: {  	[smem:$0x3FAF] =	sst s6  }
0xf: {  	[smem:$0x3FB0] =	sst s7  }
0x10: {  	[smem:$0x3FB1] =	sst s8  }
0x11: {  	[smem:$0x3FB2] =	sst s9;
	s0 =	simm.s32 @!p0 $0x0  }
0x12: {  	s1 =	sld [smem:$0x3F98];
	s0 =	simm.s32 @p0 $0x1  }
0x13: {  	[smem:$0x3FB3] =	sst s0;
	s0 =	simm.s32 @!p1 $0x0  }
0x14: {  	s2 =	sld [smem:$0x3F97];
	s0 =	simm.s32 @p1 $0x1  }
0x15: {  	[smem:$0x3FB4] =	sst s0;
	s0 =	simm.s32 @!p2 $0x0  }
0x16: {  	s3 =	sld [smem:$0x3FDB];
	s0 =	simm.s32 @p2 $0x1  }
0x17: {  	s4 =	simm.s32 $0x1BF5;
	[smem:$0x3FB6] =	sst s0  }
0x18: {  	s0 =	sld [smem:$0x3F99];
	_ =	swait.ge [sflag:s4], $0x0  }
0x19: {  	s7 =	sld [smem:$0x3F9A]  }
0x1a: {  	s8 =	sadd.s32 $0xFFFFE003, lr  }
0x1b: {  	s9 =	sadd.s32 $0xFFFFFEF7, lr;
	s5 =	simm.s32 $0xFFFFFFFF;
	p2 =	slt.u32 s8, $0xFFFFF086  }
0x1c: {  	p1 =	slt.u32 s9, $0xF7A;
	s5 =	simm.s32 @!p2 $0x0  }
0x1d: {  	s5 =	simm.s32 @p1 $0x1;
	p0 =	seq.s32 s7, s2  }
0x1e: {  	s7 =	smul.u32 @!p0 $0xF7A, s2;
	p2 =	seq.s32 @!p0 s5, $0x0  }
0x1f: {  	s9 =	smul.u32 $0xF7A, s1;
	s8 =	simm.s32 @!p0 $0x1BF5;
	p2 =	por !p2, p0  }
0x20: {  	[sflag:s8] =	ssyncset.s32 @!p0 $0xFFFFF086;
	s6 =	sadd.s32 @!p0 s3, s7;
	s7 =	simm.s32 @!p0 $0x108  }
0x21: {  	s3 =	sadd.s32 s3, s9;
	s6 =	sadd.s32 @!p0 $0x88, s6;
	s7 =	simm.s32 @p2 $0x1082  }
0x22: {  	[simem:s7], [sflag:s8] =	dma.local @!p0 [hbm:s6], $0xF7A  }
0x23: {  	s9 =	sor.u32 $0xD0000000, s2;
	s6 =	simm.s32 $0x108;
	_ =	swait.ge @!p0 [sflag:s8], $0x0  }
0x24: {  	s3 =	sadd.s32 $0x88, s3;
	s6 =	simm.s32 @!p1 $0x1082;
	[sflag:s4] =	ssyncset.s32 $0xFFFFF086  }
0x25: {  	[simem:s6], [sflag:s4] =	dma.local [hbm:s3], $0xF7A  }
0x26: {  	[smem:$0x3F9A] =	sst s1;
	(tag) =	ssettag s2;
	_ =	strace s9  }
0x27: {  	s1 =	sld [smem:$0x3FAA]  }
0x28: {  	s2 =	sld [smem:$0x3FAB]  }
0x29: {  	s4 =	sld [smem:$0x3FAD]  }
0x2a: {  	p0 =	seq.s32 s5, $0x0;
	s5 =	sld [smem:$0x3FAE]  }
0x2b: {  	s6 =	sld [smem:$0x3FAF]  }
0x2c: {  	s7 =	sld [smem:$0x3FB0]  }
0x2d: {  	s3 =	simm.s32 $0x108;
	s8 =	sld [smem:$0x3FB1]  }
0x2e: {  	s3 =	simm.s32 @!p0 $0x1082;
	s9 =	sld [smem:$0x3FB2]  }
0x2f: {  	lr =	sadd.s32 s0, s3;
	s0 =	sld [smem:$0x3FA9]  }
0x30: {  	s3 =	sld [smem:$0x3FAC]  }
0x31: {  	[smem:$0x3FB5] =	sst s10  }
0x32: {  	s10 =	sld [smem:$0x3FB3];
	_ =	sdelay $0x3  }
0x33: {  	p0 =	seq.s32 s10, $0x1;
	s10 =	sld [smem:$0x3FB5];
	_ =	sdelay $0x3  }
0x34: {  	[smem:$0x3FB5] =	sst s10  }
0x35: {  	s10 =	sld [smem:$0x3FB4];
	_ =	sdelay $0x3  }
0x36: {  	p1 =	seq.s32 s10, $0x1;
	s10 =	sld [smem:$0x3FB5];
	_ =	sdelay $0x3  }
0x37: {  	[smem:$0x3FB5] =	sst s10  }
0x38: {  	s10 =	sld [smem:$0x3FB6]  }
0x39: {  	_ = 	snop;
	(pc) =	sbr.ind lr, $3  }
0x3a: {  	_ = 	snop  }
0x3b: {  	_ = 	snop  }
0x3c: {  	p2 =	seq.s32 s10, $0x1;
	s10 =	sld [smem:$0x3FB5]  }
0x3d: {  	_ =	shalt  }
0x3e: {  	_ =	shalt  }
0x3f: {  	_ =	shalt  }
0x40: {  	_ =	shalt  }
0x41: {  	_ =	shalt  }
0x42: {  	_ =	shalt  }
0x43: {  	_ =	shalt  }
0x44: {  	_ =	shalt  }
0x45: {  	_ =	shalt  }
0x46: {  	_ =	shalt  }
0x47: {  	_ =	shalt  }
0x48: {  	_ =	shalt  }
0x49: {  	_ =	shalt  }
0x4a: {  	_ =	shalt  }
0x4b: {  	_ =	shalt  }
0x4c: {  	_ =	shalt  }
0x4d: {  	_ =	shalt  }
0x4e: {  	_ =	shalt  }
0x4f: {  	_ =	shalt  }
0x50: {  	_ =	shalt  }
0x51: {  	_ =	shalt  }
0x52: {  	_ =	shalt  }
0x53: {  	_ =	shalt  }
0x54: {  	_ =	shalt  }
0x55: {  	_ =	shalt  }
0x56: {  	_ =	shalt  }
0x57: {  	_ =	shalt  }
0x58: {  	_ =	shalt  }
0x59: {  	_ =	shalt  }
0x5a: {  	_ =	shalt  }
0x5b: {  	_ =	shalt  }
0x5c: {  	_ =	shalt  }
0x5d: {  	_ =	shalt  }
0x5e: {  	_ =	shalt  }
0x5f: {  	_ =	shalt  }
0x60: {  	_ =	shalt  }
0x61: {  	_ =	shalt  }
0x62: {  	_ =	shalt  }
0x63: {  	_ =	shalt  }
0x64: {  	_ =	shalt  }
0x65: {  	_ =	shalt  }
0x66: {  	_ =	shalt  }
0x67: {  	_ =	shalt  }
0x68: {  	_ =	shalt  }
0x69: {  	_ =	shalt  }
0x6a: {  	_ =	shalt  }
0x6b: {  	_ =	shalt  }
0x6c: {  	_ =	shalt  }
0x6d: {  	_ =	shalt  }
0x6e: {  	_ =	shalt  }
0x6f: {  	_ =	shalt  }
0x70: {  	_ =	shalt  }
0x71: {  	_ =	shalt  }
0x72: {  	_ =	shalt  }
0x73: {  	_ =	shalt  }
0x74: {  	_ =	shalt  }
0x75: {  	_ =	shalt  }
0x76: {  	_ =	shalt  }
0x77: {  	_ =	shalt  }
0x78: {  	_ =	shalt  }
0x79: {  	_ =	shalt  }
0x7a: {  	_ =	shalt  }
0x7b: {  	_ =	shalt  }
0x7c: {  	_ =	shalt  }
0x7d: {  	_ =	shalt  }
0x7e: {  	_ =	shalt  }
0x7f: {  	_ =	shalt  }
0x80: {  	_ =	shalt  }
0x81: {  	_ =	shalt  }
0x82: {  	_ =	shalt  }
0x83: {  	_ =	shalt  }
0x84: {  	_ =	shalt  }
0x85: {  	_ =	shalt  }
0x86: {  	_ =	shalt  }
0x87: {  	_ =	shalt  }
.Lfunc_end0:
.L_simem_size_0:
called_computation_lowered:
.L_overlay_start_0:
0x88: {  	s2 =	sld [smem:$0x3FD9]  }
0x89: {  	s3 =	sld [smem:$0x3FFE];
	_ =	sdelay $0x1  }
0x8a: {  	s1 =	srdreg.scid  }
0x8b: {  	s0 =	sand.u32 $0x1, s1  }
0x8c: {  	s17 =	sshll.u32 s0, $0xA;
	s2 =	sadd.s32 s3, s2  }
0x8d: {  	s2 =	sadd.s32 s2, s17  }
0x8e: {  	[smem:$0x3FC1] =	sst s2  }
0x8f: {  	_ = 	snop  }
0x90: {  	s2 =	sld [smem:$0x3FC9]  }
0x91: {  	s18 =	sld [smem:$0x3FC8]  }
0x92: {  	s4 =	sld [smem:$0x3FC7]  }
0x93: {  	s5 =	sld [smem:$0x3FD0];
	(tm) =	ssettm $0x1  }
0x94: {  	s6 =	sld [smem:$0x3FFB];
	_ =	sdelay $0x3  }
0x95: {  	_ =	strace s6  }
0x96: {  	s6 =	sld [smem:$0x3FFC];
	_ =	sdelay $0x3  }
0x97: {  	_ =	strace s6  }
0x98: {  	s6 =	sld [smem:$0x3FFD];
	_ =	sdelay $0x3  }
0x99: {  	_ =	strace s6  }
0x9a: {  	_ =	strace $0x8FFFFFFF  }
0x9b: {  	s19 =	sld [smem:$0x3FDB];
	_ =	sdelay $0x1  }
0x9c: {  	s7 =	simm.s32 $_scs_section_size  }
0x9d: {  	s8 =	simm.s32 $_size__tile_overlayer_lowered;
	s9 =	simm.s32 $_tile_overlayer_lowered  }
0x9e: {  	s22 =	simm.s32 $0x1BFF;
	s21 =	sshll.u32 s9, $0x1;
	s6 =	sadd.s32 s7, s19  }
0x9f: {  	s10 =	simm.s32 $0x0;
	s20 =	sshll.u32 s8, $0x1;
	s8 =	sadd.s32 s21, s6  }
0xa0: {  	[timem:s10], [sflag:s22] =	dma.local [hbm:s8], s20  }
0xa1: {  	_ =	swait.ge [sflag:s22], s20  }
0xa2: {  	s7 =	ssub.s32 $0x0, s20;
	[sflag:s22] =	ssyncset.done $0x0  }
0xa3: {  	[sflag:s22] =	ssyncadd.s32 s7;
	_ =	sdelay $0x1  }
0xa4: {  	s23 =	simm.s32 $0x1B8B  }
0xa5: {  	_ =	swait.ge [sflag:s23], $0x1  }
0xa6: {  	[sflag:s23] =	ssyncset.done $0x0  }
0xa7: {  	s25 =	simm.s32 $0x1B8E;
	s24 =	sld [smem:$0x3FFE];
	[sflag:s23] =	ssyncadd.s32 $0xFFFFFFFF  }
0xa8: {  	s26 =	simm.s32 $execute0_lowered;
	[smem:$0x3FD2] =	sst s25  }
0xa9: {  	s8 =	sshll.u32 s26, $0x1;
	_ =	strace $0x80000046;
	[dreg:$0x1] =	wrdreg $0xFFFFFFFF  }
0xaa: {  	s28 =	simm.s32 $_size_execute0_lowered;
	s6 =	sadd.s32 s6, s8;
	[dreg:$0x0] =	wrdreg $0x0  }
0xab: {  	s8 =	sshll.u32 s28, $0x1;
	[dreg:$0x2] =	wrdreg s6  }
0xac: {  	[dreg:$0x3] =	wrdreg s8  }
0xad: {  	[dreg:$0x4] =	wrdreg $0xC0  }
0xae: {  	_ =	task [dreg:s10], $0x5FFFF  }
0xaf: {  	[dreg:$0x1] =	wrdreg $0xFFFFFFFF  }
0xb0: {  	[dreg:$0x0] =	wrdreg $0x60  }
0xb1: {  	[dreg:$0x2] =	wrdreg s2  }
0xb2: {  	[dreg:$0x3] =	wrdreg s18  }
0xb3: {  	[dreg:$0x4] =	wrdreg s4  }
0xb4: {  	[dreg:$0x5] =	wrdreg s24  }
0xb5: {  	[dreg:$0x6] =	wrdreg s5  }
0xb6: {  	[dreg:$0x7] =	wrdreg $0x9  }
0xb7: {  	_ =	task.clear_ibuf [dreg:s10], $0x8FFFF;
	_ =	strace $0x90000046  }
0xb8: {  	s29 =	simm.s32 $0x9;
	_ =	strace $0x80000048  }
0xb9: {  	_ =	swait.ge [sflag:s29], $0x1  }
0xba: {  	[sflag:s29] =	ssyncadd.s32 $0xFFFFFFFF  }
0xbb: {  	_ =	strace $0x90000048  }
0xbc: {  	_ =	sfence  }
0xbd: {  	s30 =	sld [smem:$0x0];
	_ =	sdelay $0x2  }
0xbe: {  	s31 =	sshll.u32 s1, $0xD;
	s1 =	sshrl.u32 s1, $0x2  }
0xbf: {  	s3 =	sand.u32 $0x4000, s31;
	s1 =	sadd.s32 s1, s30  }
0xc0: {  	s0 =	sor.u32 s3, s0;
	s1 =	sshll.u32 s1, $0x11  }
0xc1: {  	s0 =	sor.u32 s1, s0  }
0xc2: {  	s0 =	sadd.s32 $0x8F2B, s0  }
0xc3: {  	[sflag:s0] =	ssyncadd.remote.s32 $0x1  }
0xc4: {  	_ =	sfence.sel $0xFFFF  }
0xc5: {  	[dreg:$0x0] =	wrdreg $0xFFFFFFFF;
	(pc) =	sbr.abs _section_cstart, $3  }
0xc6: {  	[dreg:$0x1] =	wrdreg $0xFFFFFFFF  }
0xc7: {  	_ =	task.clear_ibuf [dreg:s10], $0x2FFFF;
	_ =	strace $0x9FFFFFFF  }
0xc8: {  	(tm) =	ssettm $0x7FFFFFFF  }
0xc9: {  	_ =	shalt  }
tec
execute0_lowered:
.L_overlay_start_1:
0x0: {  	(tag) =	ssettag $0x1  }
0x1: {  	v0 =	vimm.s32 $0xFEDCBA98;
	v1 =	vimm.s32 $0x76543210  }
0x2: {  	v2 =	vimm.s32 $0xBA98FEDC;
	v3 =	vimm.s32 $0x32107654;
	v4 =	vimm.s32 $0x54761032  }
0x3: {  	vm0 =	vcmask $0x2F20;
	vm1 =	vcmask $0xF00;
	vm2 =	vcmask $0x700  }
0x4: {  	vm3 =	vcmask $0xB08;
	vm4 =	vcmask $0x300;
	v5 =	vimm.s32 $0xF7B3D591  }
0x5: {  	v6 =	vimm.s32 $0xE6A2C480;
	v0 =	vunpack.c.l.s4.s8 v0;
	v1 =	vunpack.c.l.s4.s8 v1  }
0x6: {  	v2 =	vunpack.c.l.s4.s8 v2;
	v3 =	vunpack.c.l.s4.s8 v3;
	v4 =	vunpack.c.l.s4.s8 v4  }
0x7: {  	s0 =	rddreg [dreg:$0x0];
	vm0 =	vmor vm1, vm0;
	vm1 =	vcmask $0x1710;
	v0 =	vunpack.c.0.s8.s32 v0  }
0x8: {  	s4 =	rddreg [dreg:$0x1];
	vm3 =	vmor vm4, vm3;
	vm4 =	vcmask $0x1310;
	v1 =	vunpack.c.0.s8.s32 v1  }
0x9: {  	s9 =	rddreg [dreg:$0x2];
	v5 =	vunpack.c.l.s4.s8 v5;
	v6 =	vunpack.c.l.s4.s8 v6;
	v0 =	vand.u32 $0xF, v0  }
0xa: {  	s6 =	rddreg [dreg:$0x3];
	v0 =	vcombine.low v0, v1;
	v1 =	vunpack.c.0.s8.s32 v2;
	v2 =	vimm.s32 $0xDCFE98BA  }
0xb: {  	s10 =	rddreg [dreg:$0x4];
	s1 =	simm.s32 $0x0;
	vm1 =	vmor vm2, vm1;
	v3 =	vunpack.c.0.s8.s32 v3;
	v2 =	vunpack.c.l.s4.s8 v2  }
0xc: {  	s7 =	srdreg.scid;
	s11 =	stileid.u32;
	s24 =	simm.s32 $0x5;
	vm2 =	vcmask $0x2720;
	vm3 =	vmor vm3, vm4;
	vm4 =	vcmask $0x1B18  }
0xd: {  	s19 =	simm.s32 $0xB000;
	s20 =	simm.s32 $0x3400;
	s21 =	simm.s32 $0xB400;
	v1 =	vcombine.low v3, v1;
	v3 =	vunpack.c.0.s8.s32 v4;
	v2 =	vunpack.c.0.s8.s32 v2  }
0xe: {  	s22 =	simm.s32 $0x3800;
	s23 =	simm.s32 $0xB800;
	s25 =	simm.s32 $0x3C00;
	vm3 =	vmor vm3, vm4;
	vm4 =	vcmask $0x2320;
	v4 =	vimm.s32 $0xEFCDAB89  }
0xf: {  	s26 =	simm.s32 $0xBC00;
	s28 =	simm.s32 $0x4000;
	s29 =	simm.s32 $0xC000;
	v2 =	vcombine.low v3, v2;
	v3 =	vunpack.c.l.s4.s8 v4;
	v4 =	vimm.s32 $0x67452301  }
0x10: {  	s30 =	simm.s32 $0x10600;
	[smem:$0x7FF] =	sst s1;
	s2 =	sadd.s32 $0x600, s6;
	vm3 =	vmor vm3, vm4;
	vm4 =	vcmask $0x2B28;
	v4 =	vunpack.c.l.s4.s8 v4  }
0x11: {  	s31 =	simm.s32 $0x0;
	s3 =	sadd.s32 $0xF42A00, s6;
	s5 =	sadd.s32 $0x1E84E00, s6;
	vm1 =	vmor vm1, vm2;
	vm2 =	vcmask $0x3730;
	vm3 =	vmor vm3, vm4  }
.Ltmp0:
0x12: {  	s7 =	sand.u32 $0x1, s7;
	s11 =	sshll.u32 s11, $0x7;
	vm4 =	vcmask $0x3330;
	v3 =	vunpack.c.0.s8.s32 v3;
	v4 =	vunpack.c.0.s8.s32 v4;
	(pc) =	sbr.rel .LBB2_1-.Ltmp0, $4  }
0x13: {  	s6 =	sadd.s32 $0x1E85000, s6;
	s8 =	ssub.s32 $0x2, s7;
	s7 =	sshll.u32 s7, $0x6;
	vm1 =	vmor vm1, vm2;
	vm2 =	vmor vm3, vm4;
	vm3 =	vcmask $0x3B38  }
0x14: {  	_ =	strace $0x80000047;
	s12 =	sshrl.u32 s8, $0x1;
	s11 =	sor.u32 s7, s11;
	v3 =	vcombine.low v4, v3;
	v4 =	vunpack.c.0.s8.s32 v5;
	v5 =	vunpack.c.0.s8.s32 v6  }
0x15: {  	s12 =	ssub.s32 s8, s12;
	s7 =	sadd.s32 s0, s11;
	s8 =	sadd.s32 s4, s11;
	vm2 =	vmor vm2, vm3;
	vm3 =	vmmov $0xff;
	v1 =	vand.u32 $0xF, v1  }
0x16: {  	s9 =	sadd.s32 s9, s11;
	s10 =	sadd.s32 s10, s11;
	s11 =	smax.u32 s12, $0x1;
	v2 =	vand.u32 $0xF, v2;
	v3 =	vand.u32 $0xF, v3;
	v4 =	vcombine.low v5, v4  }
.LBB2_5:
0x17: {  	s31 =	sadd.s32 $0x1, s31  }
0x18: {  	p0 =	sne.s32 s31, s11  }
.Ltmp1:
0x19: {  	_ = 	snop;
	(pc) =	sbr.rel @!p0 .LBB2_6-.Ltmp1, $4  }
0x1a: {  	[hbm4b:s10+s1] =	stream.linear.scatter [tilespmem:s30], [sflag:$0x5], $0x200, $0x38;
	[tilespmem:$0x10900] =	vst v63  }
0x1b: {  	_ =	swait.ge [sflag:s24], $0x200  }
0x1c: {  	[sflag:s24] =	ssyncset.done $0x0  }
0x1d: {  	[sflag:s24] =	ssyncadd.s32 $0xFFFFFE00  }
.LBB2_1:
0x1e: {  	[tilespmem:s1], [sflag:$0x5] =	stream.linear.gather [hbm4b:s7+s1], $0x200, $0x38;
	[tilespmem:$0x10900] =	vst v63  }
0x1f: {  	_ =	swait.ge [sflag:s24], $0x200  }
0x20: {  	[sflag:s24] =	ssyncset.done $0x0  }
0x21: {  	s0 =	simm.s32 $0x200;
	[sflag:s24] =	ssyncadd.s32 $0xFFFFFE00  }
0x22: {  	[tilespmem:s0], [sflag:$0x5] =	stream.linear.gather [hbm4b:s8+s1], $0x200, $0x38;
	[tilespmem:$0x10900] =	vst v63  }
0x23: {  	_ =	swait.ge [sflag:s24], $0x200  }
0x24: {  	[sflag:s24] =	ssyncset.done $0x0  }
0x25: {  	s13 =	simm.s32 $0x10400;
	[sflag:s24] =	ssyncadd.s32 $0xFFFFFE00  }
0x26: {  	[tilespmem:s13], [sflag:$0x5] =	stream.linear.gather [hbm4b:s9+s1], $0x200, $0x38;
	[tilespmem:$0x10900] =	vst v63  }
0x27: {  	_ =	swait.ge [sflag:s24], $0x200  }
0x28: {  	[sflag:s24] =	ssyncset.done $0x0  }
0x29: {  	s14 =	simm.s32 $0x10800;
	[sflag:s24] =	ssyncadd.s32 $0xFFFFFE00  }
0x2a: {  	[tilespmem:s14], [sflag:$0x5] =	stream.linear.gather [hbm4b:s5+s1], $0x80, $0x38;
	[tilespmem:$0x10900] =	vst v63  }
0x2b: {  	_ =	swait.ge [sflag:s24], $0x80  }
0x2c: {  	[sflag:s24] =	ssyncset.done $0x0  }
0x2d: {  	s15 =	simm.s32 $0x10880;
	[sflag:s24] =	ssyncadd.s32 $0xFFFFFF80  }
0x2e: {  	[tilespmem:s15], [sflag:$0x5] =	stream.linear.gather [hbm4b:s6+s1], $0x80, $0x38;
	[tilespmem:$0x10900] =	vst v63  }
0x2f: {  	_ =	swait.ge [sflag:s24], $0x80  }
0x30: {  	[sflag:s24] =	ssyncset.done $0x0  }
0x31: {  	[sflag:s24] =	ssyncadd.s32 $0xFFFFFF80  }
0x32: {  	v5 =	vld [tilespmem:$0x0]  }
0x33: {  	v6 =	vld [tilespmem:$0x200];
	_ =	sdelay $0x3  }
0x34: {  	v5 =	vshrl.u32 v5, $0x3  }
0x35: {  	v8 =	vshll.u32 v5, $0x7;
	v5 =	vshrl.u32 v6, $0x3  }
0x36: {  	(v2sf) =	vpush v8, $0x0;
	v7 =	vshll.u32 v5, $0x7  }
0x37: {  	(v2sf) =	vpush v7, $0x0;
	_ =	sdelay $0x6  }
0x38: {  	(v2sf) =	vpush v8, $0x1  }
0x39: {  	(v2sf) =	vpush v7, $0x1;
	_ =	sdelay $0x5  }
0x3a: {  	s16 =	spop (v2sf);
	(v2sf) =	vpush v8, $0x2  }
0x3b: {  	s17 =	spop (v2sf);
	(v2sf) =	vpush v7, $0x2;
	_ =	sdelay $0x3  }
0x3c: {  	s0 =	sand.u32 $0x1FFFFF80, s16  }
0x3d: {  	s4 =	simm.s32 $0x400;
	v6 =	vld [tilespmem:$0x10880];
	s0 =	sadd.s32 s2, s0  }
0x3e: {  	v5 =	vld [tilespmem:$0x10800];
	(v2sf) =	vpush v8, $0x3;
	[tilespmem:s4], [sflag:$0x1] =	stream.linear.gather [hbm4b:s0+s1], $0x400, $0x38  }
0x3f: {  	s4 =	spop (v2sf)  }
0x40: {  	s13 =	spop (v2sf);
	(v2sf) =	vpush v7, $0x3;
	_ =	sdelay $0x5  }
0x41: {  	s15 =	spop (v2sf);
	(v2sf) =	vpush v8, $0x4  }
0x42: {  	s0 =	sand.u32 $0x1FFFFF80, s17;
	s17 =	spop (v2sf);
	(v2sf) =	vpush v7, $0x4;
	_ =	sdelay $0x2  }
0x43: {  	s18 =	simm.s32 $0x8400;
	s0 =	sadd.s32 s3, s0  }
0x44: {  	[tilespmem:s18], [sflag:$0x3] =	stream.linear.gather [hbm4b:s0+s1], $0x400, $0x38;
	[tilespmem:$0x10900] =	vst v63  }
0x45: {  	s0 =	sand.u32 $0x1FFFFF80, s4  }
0x46: {  	s12 =	simm.s32 $0x800;
	s0 =	sadd.s32 s2, s0;
	s4 =	spop (v2sf);
	(v2sf) =	vpush v8, $0x5  }
0x47: {  	[tilespmem:s12], [sflag:$0x1] =	stream.linear.gather [hbm4b:s0+s1], $0x400, $0x38;
	[tilespmem:$0x10900] =	vst v63  }
0x48: {  	s0 =	sand.u32 $0x1FFFFF80, s13;
	s13 =	spop (v2sf);
	(v2sf) =	vpush v7, $0x5  }
0x49: {  	s14 =	simm.s32 $0x8800;
	s0 =	sadd.s32 s3, s0  }
0x4a: {  	[tilespmem:s14], [sflag:$0x3] =	stream.linear.gather [hbm4b:s0+s1], $0x400, $0x38;
	[tilespmem:$0x10900] =	vst v63  }
0x4b: {  	s0 =	sand.u32 $0x1FFFFF80, s15  }
0x4c: {  	s16 =	simm.s32 $0xC00;
	s0 =	sadd.s32 s2, s0  }
0x4d: {  	[tilespmem:s16], [sflag:$0x1] =	stream.linear.gather [hbm4b:s0+s1], $0x400, $0x38;
	[tilespmem:$0x10900] =	vst v63  }
0x4e: {  	s15 =	spop (v2sf);
	(v2sf) =	vpush v8, $0x6  }
0x4f: {  	s0 =	sand.u32 $0x1FFFFF80, s17;
	s17 =	spop (v2sf);
	(v2sf) =	vpush v7, $0x6;
	_ =	sdelay $0x2  }
0x50: {  	s18 =	simm.s32 $0x8C00;
	s0 =	sadd.s32 s3, s0  }
0x51: {  	[tilespmem:s18], [sflag:$0x3] =	stream.linear.gather [hbm4b:s0+s1], $0x400, $0x38;
	[tilespmem:$0x10900] =	vst v63  }
0x52: {  	s0 =	sand.u32 $0x1FFFFF80, s4  }
0x53: {  	s12 =	simm.s32 $0x1000;
	s0 =	sadd.s32 s2, s0;
	s4 =	spop (v2sf);
	(v2sf) =	vpush v8, $0x7  }
0x54: {  	[tilespmem:s12], [sflag:$0x1] =	stream.linear.gather [hbm4b:s0+s1], $0x400, $0x38;
	[tilespmem:$0x10900] =	vst v63  }
0x55: {  	s0 =	sand.u32 $0x1FFFFF80, s13;
	s13 =	spop (v2sf);
	(v2sf) =	vpush v7, $0x7  }
0x56: {  	s14 =	simm.s32 $0x9000;
	s0 =	sadd.s32 s3, s0  }
0x57: {  	[tilespmem:s14], [sflag:$0x3] =	stream.linear.gather [hbm4b:s0+s1], $0x400, $0x38;
	[tilespmem:$0x10900] =	vst v63  }
0x58: {  	s0 =	sand.u32 $0x1FFFFF80, s15  }
0x59: {  	s16 =	simm.s32 $0x1400;
	s0 =	sadd.s32 s2, s0  }
0x5a: {  	[tilespmem:s16], [sflag:$0x1] =	stream.linear.gather [hbm4b:s0+s1], $0x400, $0x38;
	[tilespmem:$0x10900] =	vst v63  }
0x5b: {  	s0 =	sand.u32 $0x1FFFFF80, s17;
	s15 =	spop (v2sf);
	(v2sf) =	vpush v8, $0x8  }
0x5c: {  	s18 =	simm.s32 $0x9400;
	s0 =	sadd.s32 s3, s0;
	s17 =	spop (v2sf);
	(v2sf) =	vpush v7, $0x8  }
0x5d: {  	[tilespmem:s18], [sflag:$0x3] =	stream.linear.gather [hbm4b:s0+s1], $0x400, $0x38;
	[tilespmem:$0x10900] =	vst v63  }
0x5e: {  	s0 =	sand.u32 $0x1FFFFF80, s4  }
0x5f: {  	s12 =	simm.s32 $0x1800;
	s0 =	sadd.s32 s2, s0  }
0x60: {  	[tilespmem:s12], [sflag:$0x1] =	stream.linear.gather [hbm4b:s0+s1], $0x400, $0x38;
	[tilespmem:$0x10900] =	vst v63  }
0x61: {  	s0 =	sand.u32 $0x1FFFFF80, s13  }
0x62: {  	s14 =	simm.s32 $0x9800;
	s0 =	sadd.s32 s3, s0;
	s4 =	spop (v2sf);
	(v2sf) =	vpush v8, $0x9  }
0x63: {  	[tilespmem:s14], [sflag:$0x3] =	stream.linear.gather [hbm4b:s0+s1], $0x400, $0x38;
	[tilespmem:$0x10900] =	vst v63  }
0x64: {  	s0 =	sand.u32 $0x1FFFFF80, s15;
	s13 =	spop (v2sf);
	(v2sf) =	vpush v7, $0x9  }
0x65: {  	s16 =	simm.s32 $0x1C00;
	s0 =	sadd.s32 s2, s0  }
0x66: {  	[tilespmem:s16], [sflag:$0x1] =	stream.linear.gather [hbm4b:s0+s1], $0x400, $0x38;
	[tilespmem:$0x10900] =	vst v63  }
0x67: {  	s0 =	sand.u32 $0x1FFFFF80, s17  }
0x68: {  	s18 =	simm.s32 $0x9C00;
	s0 =	sadd.s32 s3, s0  }
0x69: {  	[tilespmem:s18], [sflag:$0x3] =	stream.linear.gather [hbm4b:s0+s1], $0x400, $0x38;
	[tilespmem:$0x10900] =	vst v63  }
0x6a: {  	s0 =	sand.u32 $0x1FFFFF80, s4;
	s15 =	spop (v2sf);
	(v2sf) =	vpush v8, $0xA  }
0x6b: {  	s12 =	simm.s32 $0x2000;
	s0 =	sadd.s32 s2, s0;
	s17 =	spop (v2sf);
	(v2sf) =	vpush v7, $0xA  }
0x6c: {  	[tilespmem:s12], [sflag:$0x1] =	stream.linear.gather [hbm4b:s0+s1], $0x400, $0x38;
	[tilespmem:$0x10900] =	vst v63  }
0x6d: {  	s0 =	sand.u32 $0x1FFFFF80, s13  }
0x6e: {  	s14 =	simm.s32 $0xA000;
	s0 =	sadd.s32 s3, s0  }
0x6f: {  	[tilespmem:s14], [sflag:$0x3] =	stream.linear.gather [hbm4b:s0+s1], $0x400, $0x38;
	[tilespmem:$0x10900] =	vst v63  }
0x70: {  	s0 =	sand.u32 $0x1FFFFF80, s15  }
0x71: {  	s16 =	simm.s32 $0x2400;
	s0 =	sadd.s32 s2, s0;
	s4 =	spop (v2sf);
	(v2sf) =	vpush v8, $0xB  }
0x72: {  	[tilespmem:s16], [sflag:$0x1] =	stream.linear.gather [hbm4b:s0+s1], $0x400, $0x38;
	[tilespmem:$0x10900] =	vst v63  }
0x73: {  	s0 =	sand.u32 $0x1FFFFF80, s17;
	s13 =	spop (v2sf);
	(v2sf) =	vpush v7, $0xB  }
0x74: {  	s18 =	simm.s32 $0xA400;
	s0 =	sadd.s32 s3, s0  }
0x75: {  	[tilespmem:s18], [sflag:$0x3] =	stream.linear.gather [hbm4b:s0+s1], $0x400, $0x38;
	[tilespmem:$0x10900] =	vst v63  }
0x76: {  	s0 =	sand.u32 $0x1FFFFF80, s4  }
0x77: {  	s12 =	simm.s32 $0x2800;
	s0 =	sadd.s32 s2, s0  }
0x78: {  	[tilespmem:s12], [sflag:$0x1] =	stream.linear.gather [hbm4b:s0+s1], $0x400, $0x38;
	[tilespmem:$0x10900] =	vst v63  }
0x79: {  	s0 =	sand.u32 $0x1FFFFF80, s13;
	s15 =	spop (v2sf);
	(v2sf) =	vpush v8, $0xC  }
0x7a: {  	s14 =	simm.s32 $0xA800;
	s0 =	sadd.s32 s3, s0;
	s17 =	spop (v2sf);
	(v2sf) =	vpush v7, $0xC  }
0x7b: {  	[tilespmem:s14], [sflag:$0x3] =	stream.linear.gather [hbm4b:s0+s1], $0x400, $0x38;
	[tilespmem:$0x10900] =	vst v63  }
0x7c: {  	s0 =	sand.u32 $0x1FFFFF80, s15  }
0x7d: {  	s16 =	simm.s32 $0x2C00;
	s0 =	sadd.s32 s2, s0  }
0x7e: {  	[tilespmem:s16], [sflag:$0x1] =	stream.linear.gather [hbm4b:s0+s1], $0x400, $0x38;
	[tilespmem:$0x10900] =	vst v63  }
0x7f: {  	(v2sf) =	vpush v8, $0xD;
	s0 =	sand.u32 $0x1FFFFF80, s17  }
0x80: {  	s18 =	simm.s32 $0xAC00;
	s12 =	spop (v2sf);
	s0 =	sadd.s32 s3, s0  }
0x81: {  	(v2sf) =	vpush v7, $0xD;
	[tilespmem:s18], [sflag:$0x3] =	stream.linear.gather [hbm4b:s0+s1], $0x400, $0x38;
	[tilespmem:$0x10900] =	vst v63  }
0x82: {  	s14 =	spop (v2sf);
	(v2sf) =	vpush v8, $0xE;
	s0 =	sand.u32 $0x1FFFFF80, s12  }
0x83: {  	s13 =	simm.s32 $0x3000;
	s0 =	sadd.s32 s2, s0  }
0x84: {  	[tilespmem:s13], [sflag:$0x1] =	stream.linear.gather [hbm4b:s0+s1], $0x400, $0x38;
	[tilespmem:$0x10900] =	vst v63  }
0x85: {  	s0 =	sand.u32 $0x1FFFFF80, s14  }
0x86: {  	s0 =	sadd.s32 s3, s0  }
0x87: {  	[tilespmem:s19], [sflag:$0x3] =	stream.linear.gather [hbm4b:s0+s1], $0x400, $0x38;
	[tilespmem:$0x10900] =	vst v63  }
0x88: {  	s15 =	spop (v2sf);
	(v2sf) =	vpush v7, $0xE  }
0x89: {  	s16 =	spop (v2sf);
	(v2sf) =	vpush v8, $0xF  }
0x8a: {  	s0 =	sand.u32 $0x1FFFFF80, s15  }
0x8b: {  	s0 =	sadd.s32 s2, s0  }
0x8c: {  	[tilespmem:s20], [sflag:$0x1] =	stream.linear.gather [hbm4b:s0+s1], $0x400, $0x38;
	[tilespmem:$0x10900] =	vst v63  }
0x8d: {  	s0 =	sand.u32 $0x1FFFFF80, s16  }
0x8e: {  	s17 =	spop (v2sf);
	(v2sf) =	vpush v7, $0xF;
	s0 =	sadd.s32 s3, s0  }
0x8f: {  	[tilespmem:s21], [sflag:$0x3] =	stream.linear.gather [hbm4b:s0+s1], $0x400, $0x38;
	[tilespmem:$0x10900] =	vst v63  }
0x90: {  	s18 =	spop (v2sf);
	s0 =	sand.u32 $0x1FFFFF80, s17  }
0x91: {  	s4 =	sand.u32 $0x1FFFFF80, s18;
	s12 =	spop (v2sf);
	s0 =	sadd.s32 s2, s0  }
0x92: {  	[tilespmem:s22], [sflag:$0x1] =	stream.linear.gather [hbm4b:s0+s1], $0x400, $0x38;
	[tilespmem:$0x10900] =	vst v63  }
0x93: {  	s13 =	sand.u32 $0x1FFFFF80, s12;
	s0 =	sadd.s32 s3, s4  }
0x94: {  	[tilespmem:s23], [sflag:$0x3] =	stream.linear.gather [hbm4b:s0+s1], $0x400, $0x38;
	[tilespmem:$0x10900] =	vst v63  }
0x95: {  	s0 =	sadd.s32 s2, s13  }
0x96: {  	[tilespmem:s25], [sflag:$0x1] =	stream.linear.gather [hbm4b:s0+s1], $0x400, $0x38;
	[tilespmem:$0x10900] =	vst v63  }
0x97: {  	s14 =	spop (v2sf)  }
0x98: {  	s15 =	sand.u32 $0x1FFFFF80, s14;
	s16 =	spop (v2sf)  }
0x99: {  	s0 =	sadd.s32 s3, s15;
	s17 =	sand.u32 $0x1FFFFF80, s16  }
0x9a: {  	[tilespmem:s26], [sflag:$0x3] =	stream.linear.gather [hbm4b:s0+s1], $0x400, $0x38;
	[tilespmem:$0x10900] =	vst v63  }
0x9b: {  	s0 =	sadd.s32 s2, s17  }
0x9c: {  	[tilespmem:s28], [sflag:$0x1] =	stream.linear.gather [hbm4b:s0+s1], $0x400, $0x38;
	[tilespmem:$0x10900] =	vst v63  }
.Ltmp2:
0x9d: {  	s18 =	spop (v2sf);
	(pc) =	sbr.rel .LBB2_2-.Ltmp2, $4  }
0x9e: {  	s0 =	sand.u32 $0x1FFFFF80, s18  }
0x9f: {  	s0 =	sadd.s32 s3, s0  }
0xa0: {  	[tilespmem:s29], [sflag:$0x3] =	stream.linear.gather [hbm4b:s0+s1], $0x400, $0x38;
	[tilespmem:$0x10900] =	vst v63  }
0xa1: {  	s12 =	simm.s32 $0x0;
	s0 =	simm.s32 $0x0  }
.LBB2_4:
0xa2: {  	s13 =	sand.u32 $0x1, s12  }
0xa3: {  	s12 =	sadd.s32 $0x1, s13  }
0xa4: {  	_ =	swait.ge [sflag:s12], $0x4000  }
0xa5: {  	[sflag:s12] =	ssyncset.done $0x0  }
0xa6: {  	s17 =	sadd.s32 $0x3, s13;
	[sflag:s12] =	ssyncadd.s32 $0xFFFFC000  }
0xa7: {  	_ =	swait.ge [sflag:s17], $0x4000  }
0xa8: {  	[sflag:s17] =	ssyncset.done $0x0  }
0xa9: {  	s12 =	sshra.s32 s0, $0x2;
	[sflag:s17] =	ssyncadd.s32 $0xFFFFC000  }
0xaa: {  	v7 =	vld [tilespmem:s12+$0x0];
	_ =	sdelay $0x3  }
0xab: {  	v8 =	vld [tilespmem:s12+$0x200]  }
0xac: {  	v7 =	vand.u32 $0x7, v7  }
0xad: {  	v9 =	vshll.u32 v7, $0x7  }
0xae: {  	(v2sf) =	vpush v9, $0x1;
	_ =	sdelay $0x1  }
0xaf: {  	v7 =	vand.u32 $0x7, v8;
	(v2sf) =	vpush v9, $0x0  }
0xb0: {  	v7 =	vshll.u32 v7, $0x7  }
0xb1: {  	(v2sf) =	vpush v7, $0x0;
	_ =	sdelay $0x1  }
0xb2: {  	(v2sf) =	vpush v7, $0x1;
	_ =	sdelay $0x1  }
0xb3: {  	(v2sf) =	vpush v9, $0x2;
	_ =	sdelay $0x1  }
0xb4: {  	(v2sf) =	vpush v9, $0x3;
	_ =	sdelay $0x1  }
0xb5: {  	(v2sf) =	vpush v7, $0x2;
	_ =	sdelay $0x1  }
0xb6: {  	s13 =	sshll.u32 s13, $0xE;
	(v2sf) =	vpush v7, $0x3  }
0xb7: {  	s16 =	sor.u32 $0x400, s13;
	s14 =	spop (v2sf)  }
0xb8: {  	(v2sf) =	vpush v9, $0x4;
	s14 =	sor.u32 s14, s16  }
0xb9: {  	s15 =	spop (v2sf);
	v13 =	vld [tilespmem:s14+$0x400]  }
0xba: {  	(v2sf) =	vpush v9, $0x5;
	s15 =	sor.u32 s15, s16;
	v15 =	vld [tilespmem:s14+$0x410]  }
0xbb: {  	s17 =	spop (v2sf);
	v8 =	vld [tilespmem:s15+$0x0]  }
0xbc: {  	(v2sf) =	vpush v7, $0x4;
	s17 =	sor.u32 s17, s13;
	v11 =	vld [tilespmem:s15+$0x10]  }
0xbd: {  	s18 =	spop (v2sf);
	v10 =	vld [tilespmem:s17+$0x8400]  }
0xbe: {  	(v2sf) =	vpush v7, $0x5;
	v12 =	vld [tilespmem:s17+$0x8410];
	s15 =	sor.u32 s18, s16  }
0xbf: {  	s14 =	sor.u32 $0x800, s13;
	s18 =	spop (v2sf);
	v14 =	vld [tilespmem:s15+$0x8400]  }
0xc0: {  	(v2sf) =	vpush v9, $0x6;
	v16 =	vld [tilespmem:s15+$0x8410];
	s15 =	sor.u32 s18, s14  }
0xc1: {  	s16 =	sor.u32 $0xC00, s13;
	s17 =	spop (v2sf);
	v17 =	vld [tilespmem:s15+$0x400]  }
0xc2: {  	(v2sf) =	vpush v9, $0x7;
	v19 =	vld [tilespmem:s15+$0x410];
	s17 =	sor.u32 s17, s16  }
0xc3: {  	s18 =	spop (v2sf);
	(v2sf) =	vpush v7, $0x6;
	v21 =	vld [tilespmem:s17+$0x400]  }
0xc4: {  	s14 =	sor.u32 s18, s14;
	v23 =	vld [tilespmem:s17+$0x410]  }
0xc5: {  	s18 =	spop (v2sf);
	v18 =	vld [tilespmem:s14+$0x8400]  }
0xc6: {  	(v2sf) =	vpush v7, $0x7;
	v20 =	vld [tilespmem:s14+$0x8410];
	s15 =	sor.u32 s18, s16  }
0xc7: {  	s14 =	sor.u32 $0x1000, s13;
	v22 =	vld [tilespmem:s15+$0x8400];
	s18 =	spop (v2sf)  }
0xc8: {  	v24 =	vld [tilespmem:s15+$0x8410];
	(v2sf) =	vpush v9, $0x8;
	s15 =	sor.u32 s18, s14  }
0xc9: {  	s16 =	sor.u32 $0x1400, s13;
	s17 =	spop (v2sf);
	v25 =	vld [tilespmem:s15+$0x400]  }
0xca: {  	(v2sf) =	vpush v9, $0x9;
	v27 =	vld [tilespmem:s15+$0x410];
	s17 =	sor.u32 s17, s16  }
0xcb: {  	s18 =	spop (v2sf);
	(v2sf) =	vpush v7, $0x8;
	v29 =	vld [tilespmem:s17+$0x400]  }
0xcc: {  	s14 =	sor.u32 s18, s14;
	v31 =	vld [tilespmem:s17+$0x410]  }
0xcd: {  	s18 =	spop (v2sf);
	v26 =	vld [tilespmem:s14+$0x8400]  }
0xce: {  	(v2sf) =	vpush v7, $0x9;
	v28 =	vld [tilespmem:s14+$0x8410];
	s15 =	sor.u32 s18, s16  }
0xcf: {  	s18 =	spop (v2sf);
	s14 =	sor.u32 $0x1800, s13;
	v30 =	vld [tilespmem:s15+$0x8400]  }
0xd0: {  	(v2sf) =	vpush v9, $0xA;
	v32 =	vld [tilespmem:s15+$0x8410];
	s15 =	sor.u32 s18, s14  }
0xd1: {  	s16 =	sor.u32 $0x1C00, s13;
	s17 =	spop (v2sf);
	(v2sf) =	vpush v9, $0xB;
	v33 =	vld [tilespmem:s15+$0x400]  }
0xd2: {  	s18 =	spop (v2sf);
	(v2sf) =	vpush v7, $0xA;
	v35 =	vld [tilespmem:s15+$0x410];
	s17 =	sor.u32 s17, s16  }
0xd3: {  	v37 =	vld [tilespmem:s17+$0x400]  }
0xd4: {  	s14 =	sor.u32 s18, s14;
	v39 =	vld [tilespmem:s17+$0x410]  }
0xd5: {  	s18 =	spop (v2sf);
	v34 =	vld [tilespmem:s14+$0x8400]  }
0xd6: {  	(v2sf) =	vpush v7, $0xB;
	v36 =	vld [tilespmem:s14+$0x8410];
	s15 =	sor.u32 s18, s16  }
0xd7: {  	s14 =	sor.u32 $0x2000, s13;
	v38 =	vld [tilespmem:s15+$0x8400];
	s18 =	spop (v2sf)  }
0xd8: {  	v40 =	vld [tilespmem:s15+$0x8410];
	(v2sf) =	vpush v9, $0xC;
	s15 =	sor.u32 s18, s14  }
0xd9: {  	s16 =	sor.u32 $0x2400, s13;
	s17 =	spop (v2sf);
	(v2sf) =	vpush v9, $0xD;
	v41 =	vld [tilespmem:s15+$0x400]  }
0xda: {  	s18 =	spop (v2sf);
	(v2sf) =	vpush v7, $0xC;
	v43 =	vld [tilespmem:s15+$0x410];
	s17 =	sor.u32 s17, s16  }
0xdb: {  	v45 =	vld [tilespmem:s17+$0x400]  }
0xdc: {  	s14 =	sor.u32 s18, s14;
	v47 =	vld [tilespmem:s17+$0x410]  }
0xdd: {  	s18 =	spop (v2sf);
	v42 =	vld [tilespmem:s14+$0x8400]  }
0xde: {  	v8 =	vmul.f32 v10, v8;
	v58 =	vmul.f32 v12, v11;
	(v2sf) =	vpush v7, $0xD;
	v44 =	vld [tilespmem:s14+$0x8410];
	s15 =	sor.u32 s18, s16  }
0xdf: {  	v59 =	vmul.f32 v14, v13;
	v60 =	vmul.f32 v16, v15;
	s18 =	spop (v2sf);
	s14 =	sor.u32 $0x2800, s13;
	v46 =	vld [tilespmem:s15+$0x8400]  }
0xe0: {  	v8 =	vadd.f32 $0.0e+00, v8;
	v62 =	vmul.f32 v22, v21;
	(v2sf) =	vpush v9, $0xE;
	s17 =	spop (v2sf);
	v48 =	vld [tilespmem:s15+$0x8410];
	s15 =	sor.u32 s18, s14  }
0xe1: {  	v12 =	vadd.f32 $0.0e+00, v59;
	v61 =	vmul.f32 v18, v17;
	(v2sf) =	vpush v9, $0xF;
	s18 =	spop (v2sf);
	v9 =	vld [tilespmem:s15+$0x400]  }
0xe2: {  	v24 =	vmul.f32 v24, v23;
	v16 =	vadd.f32 $0.0e+00, v62;
	(v2sf) =	vpush v7, $0xE;
	v50 =	vld [tilespmem:s15+$0x410];
	s14 =	sor.u32 s18, s14  }
0xe3: {  	v8 =	vadd.f32 v58, v8;
	v10 =	vadd.f32 v60, v12;
	s15 =	sor.u32 $0x2C00, s13;
	v49 =	vld [tilespmem:s14+$0x8400]  }
0xe4: {  	v63 =	vmul.f32 v20, v19;
	v15 =	vadd.f32 $0.0e+00, v61;
	v16 =	vadd.f32 v24, v16;
	s18 =	sor.u32 s17, s15;
	v51 =	vld [tilespmem:s14+$0x8410]  }
0xe5: {  	v26 =	vmul.f32 v26, v25;
	v30 =	vmul.f32 v30, v29;
	s16 =	spop (v2sf);
	(v2sf) =	vpush v7, $0xF;
	v52 =	vld [tilespmem:s18+$0x400]  }
0xe6: {  	v15 =	vadd.f32 v63, v15;
	v55 =	vmul.f32 v28, v27;
	v29 =	vperm.xlane v16, v0;
	s15 =	sor.u32 s16, s15;
	v53 =	vld [tilespmem:s18+$0x410]  }
0xe7: {  	v56 =	vmul.f32 v32, v31;
	v18 =	vadd.f32 $0.0e+00, v30;
	v58 =	vmul.f32 v34, v33;
	s14 =	sor.u32 $0x3000, s13;
	v7 =	vld [tilespmem:s15+$0x8400];
	s16 =	spop (v2sf)  }
0xe8: {  	v12 =	vadd.f32 $0.0e+00, v26;
	v32 =	vadd.f32 v29, v16;
	v61 =	vmul.f32 v38, v37;
	v54 =	vld [tilespmem:s15+$0x8410];
	s17 =	spop (v2sf);
	s16 =	sor.u32 s16, s14  }
0xe9: {  	v59 =	vmul.f32 v36, v35;
	v18 =	vadd.f32 v56, v18;
	v25 =	vadd.f32 $0.0e+00, v58;
	s18 =	spop (v2sf);
	v11 =	vld [tilespmem:s16+$0x400]  }
0xea: {  	v12 =	vadd.f32 v55, v12;
	v62 =	vmul.f32 v40, v39;
	v22 =	vadd.f32 $0.0e+00, v61;
	v17 =	vld [tilespmem:s16+$0x410];
	s14 =	sor.u32 s18, s14  }
0xeb: {  	v31 =	vperm.xlane v18, v0;
	v25 =	vadd.f32 v59, v25;
	v59 =	vperm.xlane v8, v0;
	s15 =	sor.u32 $0x3400, s13;
	v14 =	vld [tilespmem:s14+$0x8400]  }
0xec: {  	v22 =	vadd.f32 v62, v22;
	v62 =	vperm.xlane v10, v0;
	v40 =	vmul.f32 v42, v41;
	s18 =	sor.u32 s17, s15;
	v19 =	vld [tilespmem:s14+$0x8410]  }
0xed: {  	v34 =	vadd.f32 v31, v18;
	v8 =	vadd.f32 v59, v8;
	v41 =	vmul.f32 v46, v45;
	s16 =	spop (v2sf);
	v21 =	vld [tilespmem:s18+$0x400]  }
0xee: {  	v35 =	vperm.xlane v25, v0;
	v43 =	vmul.f32 v44, v43;
	v23 =	vadd.f32 $0.0e+00, v40;
	s15 =	sor.u32 s16, s15;
	v20 =	vld [tilespmem:s18+$0x410]  }
0xef: {  	v10 =	vadd.f32 v62, v10;
	v45 =	vmul.f32 v48, v47;
	v30 =	vadd.f32 $0.0e+00, v41;
	s16 =	spop (v2sf);
	s14 =	sor.u32 $0x3800, s13;
	v13 =	vld [tilespmem:s15+$0x8400]  }
0xf0: {  	v9 =	vmul.f32 v49, v9;
	v23 =	vadd.f32 v43, v23;
	v7 =	vmul.f32 v7, v52;
	s17 =	spop (v2sf);
	v57 =	vld [tilespmem:s15+$0x8410];
	s16 =	sor.u32 s16, s14  }
0xf1: {  	v50 =	vmul.f32 v51, v50;
	v48 =	vadd.f32 v45, v30;
	v30 =	vperm.xlane v12, v0;
	s18 =	spop (v2sf);
	v60 =	vld [tilespmem:s16+$0x400]  }
0xf2: {  	v51 =	vmul.f32 v54, v53;
	v9 =	vadd.f32 $0.0e+00, v9;
	v7 =	vadd.f32 $0.0e+00, v7;
	v42 =	vld [tilespmem:s16+$0x410];
	s14 =	sor.u32 s18, s14  }
0xf3: {  	v37 =	vperm.xlane v23, v0;
	v33 =	vadd.f32 v30, v12;
	v38 =	vperm.xlane v48, v0;
	s13 =	sor.u32 $0x3C00, s13;
	v63 =	vld [tilespmem:s14+$0x8400]  }
0xf4: {  	v36 =	vperm.xlane v22, v0;
	v9 =	vadd.f32 v50, v9;
	v7 =	vadd.f32 v51, v7;
	s16 =	spop (v2sf);
	s18 =	sor.u32 s17, s13;
	v44 =	vld [tilespmem:s14+$0x8410]  }
0xf5: {  	v8 =	vsel vm3, v8, v10;
	v12 =	vadd.f32 v37, v23;
	v18 =	vadd.f32 v38, v48;
	v46 =	vld [tilespmem:s18+$0x400];
	s13 =	sor.u32 s16, s13  }
0xf6: {  	v10 =	vsel vm3, v33, v34;
	v39 =	vperm.xlane v9, v0;
	v40 =	vperm.xlane v7, v0;
	v47 =	vld [tilespmem:s13+$0x8400]  }
0xf7: {  	v16 =	vadd.f32 v36, v22;
	v50 =	vperm.xlane v10, v1;
	v12 =	vsel vm3, v12, v18;
	v49 =	vld [tilespmem:s18+$0x410]  }
0xf8: {  	v9 =	vadd.f32 v39, v9;
	v7 =	vadd.f32 v40, v7;
	v52 =	vld [tilespmem:s13+$0x8410];
	v11 =	vmul.f32 v14, v11  }
0xf9: {  	v10 =	vadd.f32 v50, v10;
	v53 =	vmul.f32 v19, v17;
	v13 =	vmul.f32 v13, v21  }
0xfa: {  	v7 =	vsel vm3, v9, v7;
	v54 =	vmul.f32 v57, v20;
	v11 =	vadd.f32 $0.0e+00, v11  }
0xfb: {  	v13 =	vadd.f32 $0.0e+00, v13;
	v55 =	vmul.f32 v63, v60;
	v56 =	vmul.f32 v47, v46  }
0xfc: {  	v57 =	vmul.f32 v44, v42;
	v11 =	vadd.f32 v53, v11;
	v63 =	vperm.xlane v15, v0  }
0xfd: {  	v58 =	vmul.f32 v52, v49;
	v19 =	vadd.f32 $0.0e+00, v55;
	v20 =	vadd.f32 $0.0e+00, v56  }
0xfe: {  	v53 =	vperm.xlane v12, v1;
	v13 =	vadd.f32 v54, v13;
	v14 =	vadd.f32 v63, v15  }
0xff: {  	v47 =	vperm.xlane v8, v1;
	v60 =	vadd.f32 v57, v19;
	v61 =	vadd.f32 v58, v20  }
0x100: {  	v15 =	vadd.f32 v35, v25;
	v41 =	vperm.xlane v11, v0;
	v42 =	vperm.xlane v13, v0  }
0x101: {  	v12 =	vadd.f32 v53, v12;
	v43 =	vperm.xlane v60, v0;
	v44 =	vperm.xlane v61, v0  }
0x102: {  	v54 =	vperm.xlane v7, v1;
	v11 =	vadd.f32 v41, v11;
	v13 =	vadd.f32 v42, v13  }
0x103: {  	v14 =	vsel vm3, v14, v32;
	v45 =	vadd.f32 v43, v60;
	v46 =	vadd.f32 v44, v61  }
0x104: {  	v8 =	vadd.f32 v47, v8;
	v15 =	vsel vm3, v15, v16;
	v48 =	vperm.xlane v14, v1  }
0x105: {  	v52 =	vperm.xlane v15, v1;
	v11 =	vsel vm3, v11, v13;
	v49 =	vsel vm3, v45, v46  }
0x106: {  	v7 =	vadd.f32 v54, v7;
	v55 =	vperm.xlane v11, v1;
	v56 =	vperm.xlane v49, v1  }
0x107: {  	v51 =	vadd.f32 v48, v14;
	v14 =	vadd.f32 v52, v15  }
0x108: {  	v11 =	vadd.f32 v55, v11;
	v13 =	vadd.f32 v56, v49  }
0x109: {  	v7 =	vsel vm0, v12, v7;
	v8 =	vsel vm0, v8, v51;
	v57 =	vsel vm0, v10, v14  }
0x10a: {  	v61 =	vperm.xlane v7, v2;
	v59 =	vperm.xlane v8, v2;
	v58 =	vsel vm0, v11, v13  }
0x10b: {  	v60 =	vperm.xlane v57, v2;
	v62 =	vperm.xlane v58, v2  }
0x10c: {  	v7 =	vadd.f32 v61, v7;
	v8 =	vadd.f32 v59, v8  }
0x10d: {  	v9 =	vadd.f32 v60, v57;
	v10 =	vadd.f32 v62, v58;
	_ =	sdelay $0x1  }
0x10e: {  	v8 =	vsel vm1, v8, v9;
	v7 =	vsel vm1, v7, v10  }
0x10f: {  	v63 =	vld [tilespmem:s12+$0x10400];
	v9 =	vperm.xlane v8, v3;
	v10 =	vperm.xlane v7, v3;
	_ =	sdelay $0x1  }
0x110: {  	v8 =	vadd.f32 v9, v8;
	v7 =	vadd.f32 v10, v7;
	_ =	sdelay $0x1  }
0x111: {  	v7 =	vsel vm2, v8, v7  }
0x112: {  	s0 =	sadd.s32 $0x40, s0;
	v8 =	vmul.f32 v63, v5;
	v7 =	vperm.xlane v7, v4  }
0x113: {  	p0 =	sne.s32 s0, $0x800  }
.Ltmp3:
0x114: {  	v7 =	vadd.f32 v8, v7;
	(pc) =	sbr.rel @!p0 .LBB2_5-.Ltmp3, $3  }
0x115: {  	_ = 	snop  }
0x116: {  	v7 =	vadd.f32 v7, v6;
	_ =	sdelay $0x1  }
0x117: {  	[tilespmem:s12+$0x10600] =	vst v7;
	s12 =	smov.u32 s4  }
.LBB2_2:
0x118: {  	p0 =	seq.s32 s0, $0x7C0  }
.Ltmp4:
0x119: {  	_ = 	snop;
	(pc) =	sbr.rel @p0 .LBB2_4-.Ltmp4, $2  }
0x11a: {  	_ =	sdelay $0x2  }
0x11b: {  	s4 =	sadd.s32 $0x1, s12  }
0x11c: {  	s13 =	sshra.s32 s0, $0x2  }
0x11d: {  	v7 =	vld [tilespmem:s13+$0x10];
	_ =	sdelay $0x3  }
0x11e: {  	v9 =	vld [tilespmem:s13+$0x210]  }
0x11f: {  	v7 =	vshrl.u32 v7, $0x3  }
0x120: {  	v8 =	vshll.u32 v7, $0x7  }
0x121: {  	(v2sf) =	vpush v8, $0x0;
	_ =	sdelay $0x1  }
0x122: {  	v7 =	vshrl.u32 v9, $0x3  }
0x123: {  	v7 =	vshll.u32 v7, $0x7  }
0x124: {  	(v2sf) =	vpush v7, $0x0;
	_ =	sdelay $0x1  }
0x125: {  	(v2sf) =	vpush v8, $0x1;
	_ =	sdelay $0x3  }
0x126: {  	(v2sf) =	vpush v7, $0x1;
	_ =	sdelay $0x4  }
0x127: {  	s15 =	sand.u32 $0x1, s4;
	s14 =	spop (v2sf);
	(v2sf) =	vpush v8, $0x2  }
0x128: {  	s13 =	sshll.u32 s15, $0xE;
	s16 =	sand.u32 $0x1FFFFF80, s14  }
0x129: {  	s17 =	sor.u32 $0x400, s13;
	s14 =	sadd.s32 $0x1, s15;
	s16 =	sadd.s32 s2, s16  }
0x12a: {  	[tilespmem:s17], [sflag:s14] =	stream.linear.gather [hbm4b:s16+s1], $0x400, $0x38;
	[tilespmem:$0x10900] =	vst v63  }
0x12b: {  	s17 =	spop (v2sf);
	(v2sf) =	vpush v7, $0x2;
	_ =	sdelay $0x1  }
0x12c: {  	s16 =	sand.u32 $0x1FFFFF80, s17;
	s17 =	spop (v2sf);
	(v2sf) =	vpush v8, $0x3;
	_ =	sdelay $0x1  }
0x12d: {  	s18 =	sor.u32 $0x8400, s13;
	s15 =	sadd.s32 $0x3, s15;
	s16 =	sadd.s32 s3, s16  }
0x12e: {  	[tilespmem:s18], [sflag:s15] =	stream.linear.gather [hbm4b:s16+s1], $0x400, $0x38;
	[tilespmem:$0x10900] =	vst v63  }
0x12f: {  	s16 =	sand.u32 $0x1FFFFF80, s17;
	s17 =	spop (v2sf);
	(v2sf) =	vpush v7, $0x3;
	_ =	sdelay $0x2  }
0x130: {  	s18 =	sor.u32 $0x800, s13;
	s16 =	sadd.s32 s2, s16  }
0x131: {  	[tilespmem:s18], [sflag:s14] =	stream.linear.gather [hbm4b:s16+s1], $0x400, $0x38;
	[tilespmem:$0x10900] =	vst v63  }
0x132: {  	s16 =	sand.u32 $0x1FFFFF80, s17;
	s17 =	spop (v2sf);
	(v2sf) =	vpush v8, $0x4  }
0x133: {  	s18 =	sor.u32 $0x8800, s13;
	s16 =	sadd.s32 s3, s16  }
0x134: {  	[tilespmem:s18], [sflag:s15] =	stream.linear.gather [hbm4b:s16+s1], $0x400, $0x38;
	[tilespmem:$0x10900] =	vst v63  }
0x135: {  	s16 =	sand.u32 $0x1FFFFF80, s17  }
0x136: {  	s18 =	sor.u32 $0xC00, s13;
	s16 =	sadd.s32 s2, s16;
	s17 =	spop (v2sf);
	(v2sf) =	vpush v7, $0x4  }
0x137: {  	[tilespmem:s18], [sflag:s14] =	stream.linear.gather [hbm4b:s16+s1], $0x400, $0x38;
	[tilespmem:$0x10900] =	vst v63  }
0x138: {  	s16 =	sand.u32 $0x1FFFFF80, s17;
	s17 =	spop (v2sf);
	(v2sf) =	vpush v8, $0x5;
	_ =	sdelay $0x1  }
0x139: {  	s18 =	sor.u32 $0x8C00, s13;
	s16 =	sadd.s32 s3, s16  }
0x13a: {  	[tilespmem:s18], [sflag:s15] =	stream.linear.gather [hbm4b:s16+s1], $0x400, $0x38;
	[tilespmem:$0x10900] =	vst v63  }
0x13b: {  	s16 =	sand.u32 $0x1FFFFF80, s17;
	s17 =	spop (v2sf);
	(v2sf) =	vpush v7, $0x5;
	_ =	sdelay $0x2  }
0x13c: {  	s18 =	sor.u32 $0x1000, s13;
	s16 =	sadd.s32 s2, s16  }
0x13d: {  	[tilespmem:s18], [sflag:s14] =	stream.linear.gather [hbm4b:s16+s1], $0x400, $0x38;
	[tilespmem:$0x10900] =	vst v63  }
0x13e: {  	s16 =	sand.u32 $0x1FFFFF80, s17;
	s17 =	spop (v2sf);
	(v2sf) =	vpush v8, $0x6  }
0x13f: {  	s18 =	sor.u32 $0x9000, s13;
	s16 =	sadd.s32 s3, s16  }
0x140: {  	[tilespmem:s18], [sflag:s15] =	stream.linear.gather [hbm4b:s16+s1], $0x400, $0x38;
	[tilespmem:$0x10900] =	vst v63  }
0x141: {  	s16 =	sand.u32 $0x1FFFFF80, s17  }
0x142: {  	s18 =	sor.u32 $0x1400, s13;
	s16 =	sadd.s32 s2, s16;
	s17 =	spop (v2sf);
	(v2sf) =	vpush v7, $0x6  }
0x143: {  	[tilespmem:s18], [sflag:s14] =	stream.linear.gather [hbm4b:s16+s1], $0x400, $0x38;
	[tilespmem:$0x10900] =	vst v63  }
0x144: {  	s16 =	sand.u32 $0x1FFFFF80, s17;
	s17 =	spop (v2sf);
	(v2sf) =	vpush v8, $0x7;
	_ =	sdelay $0x1  }
0x145: {  	s18 =	sor.u32 $0x9400, s13;
	s16 =	sadd.s32 s3, s16  }
0x146: {  	[tilespmem:s18], [sflag:s15] =	stream.linear.gather [hbm4b:s16+s1], $0x400, $0x38;
	[tilespmem:$0x10900] =	vst v63  }
0x147: {  	s16 =	sand.u32 $0x1FFFFF80, s17;
	s17 =	spop (v2sf);
	(v2sf) =	vpush v7, $0x7;
	_ =	sdelay $0x2  }
0x148: {  	s18 =	sor.u32 $0x1800, s13;
	s16 =	sadd.s32 s2, s16  }
0x149: {  	[tilespmem:s18], [sflag:s14] =	stream.linear.gather [hbm4b:s16+s1], $0x400, $0x38;
	[tilespmem:$0x10900] =	vst v63  }
0x14a: {  	s16 =	sand.u32 $0x1FFFFF80, s17;
	s17 =	spop (v2sf);
	(v2sf) =	vpush v8, $0x8  }
0x14b: {  	s18 =	sor.u32 $0x9800, s13;
	s16 =	sadd.s32 s3, s16  }
0x14c: {  	[tilespmem:s18], [sflag:s15] =	stream.linear.gather [hbm4b:s16+s1], $0x400, $0x38;
	[tilespmem:$0x10900] =	vst v63  }
0x14d: {  	s16 =	sand.u32 $0x1FFFFF80, s17  }
0x14e: {  	s18 =	sor.u32 $0x1C00, s13;
	s16 =	sadd.s32 s2, s16;
	s17 =	spop (v2sf);
	(v2sf) =	vpush v7, $0x8  }
0x14f: {  	[tilespmem:s18], [sflag:s14] =	stream.linear.gather [hbm4b:s16+s1], $0x400, $0x38;
	[tilespmem:$0x10900] =	vst v63  }
0x150: {  	s16 =	sand.u32 $0x1FFFFF80, s17;
	s17 =	spop (v2sf);
	(v2sf) =	vpush v8, $0x9;
	_ =	sdelay $0x1  }
0x151: {  	s18 =	sor.u32 $0x9C00, s13;
	s16 =	sadd.s32 s3, s16  }
0x152: {  	[tilespmem:s18], [sflag:s15] =	stream.linear.gather [hbm4b:s16+s1], $0x400, $0x38;
	[tilespmem:$0x10900] =	vst v63  }
0x153: {  	s16 =	sand.u32 $0x1FFFFF80, s17;
	s17 =	spop (v2sf);
	(v2sf) =	vpush v7, $0x9;
	_ =	sdelay $0x2  }
0x154: {  	s18 =	sor.u32 $0x2000, s13;
	s16 =	sadd.s32 s2, s16  }
0x155: {  	[tilespmem:s18], [sflag:s14] =	stream.linear.gather [hbm4b:s16+s1], $0x400, $0x38;
	[tilespmem:$0x10900] =	vst v63  }
0x156: {  	s16 =	sand.u32 $0x1FFFFF80, s17;
	s17 =	spop (v2sf);
	(v2sf) =	vpush v8, $0xA  }
0x157: {  	s18 =	sor.u32 $0xA000, s13;
	s16 =	sadd.s32 s3, s16  }
0x158: {  	[tilespmem:s18], [sflag:s15] =	stream.linear.gather [hbm4b:s16+s1], $0x400, $0x38;
	[tilespmem:$0x10900] =	vst v63  }
0x159: {  	s16 =	sand.u32 $0x1FFFFF80, s17  }
0x15a: {  	s18 =	sor.u32 $0x2400, s13;
	s16 =	sadd.s32 s2, s16;
	s17 =	spop (v2sf);
	(v2sf) =	vpush v7, $0xA  }
0x15b: {  	[tilespmem:s18], [sflag:s14] =	stream.linear.gather [hbm4b:s16+s1], $0x400, $0x38;
	[tilespmem:$0x10900] =	vst v63  }
0x15c: {  	s16 =	sand.u32 $0x1FFFFF80, s17;
	s17 =	spop (v2sf);
	(v2sf) =	vpush v8, $0xB;
	_ =	sdelay $0x1  }
0x15d: {  	s18 =	sor.u32 $0xA400, s13;
	s16 =	sadd.s32 s3, s16  }
0x15e: {  	[tilespmem:s18], [sflag:s15] =	stream.linear.gather [hbm4b:s16+s1], $0x400, $0x38;
	[tilespmem:$0x10900] =	vst v63  }
0x15f: {  	s16 =	sand.u32 $0x1FFFFF80, s17;
	s17 =	spop (v2sf);
	(v2sf) =	vpush v7, $0xB;
	_ =	sdelay $0x2  }
0x160: {  	s18 =	sor.u32 $0x2800, s13;
	s16 =	sadd.s32 s2, s16  }
0x161: {  	[tilespmem:s18], [sflag:s14] =	stream.linear.gather [hbm4b:s16+s1], $0x400, $0x38;
	[tilespmem:$0x10900] =	vst v63  }
0x162: {  	s16 =	sand.u32 $0x1FFFFF80, s17;
	s17 =	spop (v2sf);
	(v2sf) =	vpush v8, $0xC  }
0x163: {  	s18 =	sor.u32 $0xA800, s13;
	s16 =	sadd.s32 s3, s16  }
0x164: {  	[tilespmem:s18], [sflag:s15] =	stream.linear.gather [hbm4b:s16+s1], $0x400, $0x38;
	[tilespmem:$0x10900] =	vst v63  }
0x165: {  	s16 =	sand.u32 $0x1FFFFF80, s17  }
0x166: {  	s18 =	sor.u32 $0x2C00, s13;
	s16 =	sadd.s32 s2, s16;
	s17 =	spop (v2sf);
	(v2sf) =	vpush v7, $0xC  }
0x167: {  	[tilespmem:s18], [sflag:s14] =	stream.linear.gather [hbm4b:s16+s1], $0x400, $0x38;
	[tilespmem:$0x10900] =	vst v63  }
0x168: {  	s16 =	sand.u32 $0x1FFFFF80, s17;
	s17 =	spop (v2sf);
	(v2sf) =	vpush v8, $0xD;
	_ =	sdelay $0x1  }
0x169: {  	s18 =	sor.u32 $0xAC00, s13;
	s16 =	sadd.s32 s3, s16  }
0x16a: {  	[tilespmem:s18], [sflag:s15] =	stream.linear.gather [hbm4b:s16+s1], $0x400, $0x38;
	[tilespmem:$0x10900] =	vst v63  }
0x16b: {  	s16 =	sand.u32 $0x1FFFFF80, s17;
	s17 =	spop (v2sf);
	(v2sf) =	vpush v7, $0xD;
	_ =	sdelay $0x2  }
0x16c: {  	s18 =	sor.u32 $0x3000, s13;
	s16 =	sadd.s32 s2, s16  }
0x16d: {  	[tilespmem:s18], [sflag:s14] =	stream.linear.gather [hbm4b:s16+s1], $0x400, $0x38;
	[tilespmem:$0x10900] =	vst v63  }
0x16e: {  	s16 =	sand.u32 $0x1FFFFF80, s17;
	s17 =	spop (v2sf);
	(v2sf) =	vpush v8, $0xE  }
0x16f: {  	s18 =	sor.u32 $0xB000, s13;
	s16 =	sadd.s32 s3, s16  }
0x170: {  	[tilespmem:s18], [sflag:s15] =	stream.linear.gather [hbm4b:s16+s1], $0x400, $0x38;
	[tilespmem:$0x10900] =	vst v63  }
0x171: {  	s16 =	sand.u32 $0x1FFFFF80, s17  }
0x172: {  	s18 =	sor.u32 $0x3400, s13;
	s16 =	sadd.s32 s2, s16;
	s17 =	spop (v2sf);
	(v2sf) =	vpush v7, $0xE  }
0x173: {  	[tilespmem:s18], [sflag:s14] =	stream.linear.gather [hbm4b:s16+s1], $0x400, $0x38;
	[tilespmem:$0x10900] =	vst v63  }
0x174: {  	s16 =	sand.u32 $0x1FFFFF80, s17;
	s17 =	spop (v2sf);
	(v2sf) =	vpush v8, $0xF  }
0x175: {  	s18 =	sor.u32 $0xB400, s13;
	s16 =	sadd.s32 s3, s16  }
0x176: {  	[tilespmem:s18], [sflag:s15] =	stream.linear.gather [hbm4b:s16+s1], $0x400, $0x38;
	[tilespmem:$0x10900] =	vst v63  }
0x177: {  	s16 =	sand.u32 $0x1FFFFF80, s17  }
0x178: {  	s18 =	sor.u32 $0x3800, s13;
	s17 =	spop (v2sf);
	s16 =	sadd.s32 s2, s16  }
0x179: {  	[tilespmem:s18], [sflag:s14] =	stream.linear.gather [hbm4b:s16+s1], $0x400, $0x38;
	[tilespmem:$0x10900] =	vst v63  }
0x17a: {  	(v2sf) =	vpush v7, $0xF;
	s16 =	sand.u32 $0x1FFFFF80, s17  }
0x17b: {  	s18 =	sor.u32 $0xB800, s13;
	s16 =	sadd.s32 s3, s16  }
0x17c: {  	[tilespmem:s18], [sflag:s15] =	stream.linear.gather [hbm4b:s16+s1], $0x400, $0x38;
	[tilespmem:$0x10900] =	vst v63  }
0x17d: {  	s17 =	spop (v2sf)  }
0x17e: {  	s16 =	sand.u32 $0x1FFFFF80, s17  }
0x17f: {  	s18 =	sor.u32 $0x3C00, s13;
	s16 =	sadd.s32 s2, s16  }
0x180: {  	[tilespmem:s18], [sflag:s14] =	stream.linear.gather [hbm4b:s16+s1], $0x400, $0x38;
	[tilespmem:$0x10900] =	vst v63  }
0x181: {  	s17 =	spop (v2sf)  }
0x182: {  	s16 =	sand.u32 $0x1FFFFF80, s17  }
0x183: {  	s18 =	sor.u32 $0xBC00, s13;
	s17 =	spop (v2sf);
	s16 =	sadd.s32 s3, s16  }
0x184: {  	[tilespmem:s18], [sflag:s15] =	stream.linear.gather [hbm4b:s16+s1], $0x400, $0x38;
	[tilespmem:$0x10900] =	vst v63  }
0x185: {  	s16 =	sand.u32 $0x1FFFFF80, s17  }
0x186: {  	s18 =	sadd.s32 $0x4000, s13;
	s16 =	sadd.s32 s2, s16  }
0x187: {  	[tilespmem:s18], [sflag:s14] =	stream.linear.gather [hbm4b:s16+s1], $0x400, $0x38;
	[tilespmem:$0x10900] =	vst v63  }
.Ltmp5:
0x188: {  	_ = 	snop;
	(pc) =	sbr.rel .LBB2_4-.Ltmp5, $4  }
0x189: {  	s18 =	spop (v2sf)  }
0x18a: {  	s14 =	sand.u32 $0x1FFFFF80, s18  }
0x18b: {  	s13 =	sadd.s32 $0xC000, s13;
	s14 =	sadd.s32 s3, s14  }
0x18c: {  	[tilespmem:s13], [sflag:s15] =	stream.linear.gather [hbm4b:s14+s1], $0x400, $0x38;
	[tilespmem:$0x10900] =	vst v63  }
.LBB2_6:
0x18d: {  	_ =	sfence.sel $0x180000  }
0x18e: {  	[bflag:$0x0] =	sbarrier.arrive $0xFFFF  }
0x18f: {  	_ =	strace $0x90000047  }
0x190: {  	s0 =	stileid.u32;
	[bflag:$0x2] =	sbarrier.arrive $0xFFFF  }
0x191: {  	p0 =	sne.s32 s0, $0x0;
	s0 =	rddreg [dreg:$0x5]  }
0x192: {  	s0 =	sadd.s32 @!p0 $0x100000, s0  }
0x193: {  	[sflag:s0] =	ssyncadd.tile.s32 @!p0 $0x1;
	_ =	shalt  }
.Lfunc_end2:
_tile_overlayer_lowered:
.L_overlay_start_2:
0x194: {  	(tag) =	ssettag $0x2  }
0x195: {  	s0 =	rddreg [dreg:$0x0];
	s2 =	stileid.u32  }
0x196: {  	s1 =	rddreg [dreg:$0x1];
	p0 =	sne.s32 s2, $0x0  }
0x197: {  	s3 =	rddreg [dreg:$0x2];
	[bflag:$0x3] =	sbarrier.arrive $0xFFFF;
	s2 =	simm.s32 @!p0 $0x1C05  }
0x198: {  	[timem:s3], [sflag:s2] =	dma.local @!p0 [hbm:s0], s1  }
0x199: {  	s0 =	simm.s32 @!p0 $0x5  }
0x19a: {  	_ =	swait.ge @!p0 [sflag:s0], s1  }
0x19b: {  	s1 =	ssub.s32 @!p0 $0x0, s1;
	[sflag:s0] =	ssyncset.done @!p0 $0x0  }
0x19c: {  	[sflag:s0] =	ssyncadd.s32 @!p0 s1  }
0x19d: {  	[bflag:$0x3] =	sbarrier.arrive $0xFFFF  }
0x19e: {  	_ =	shalt  }

</sc_bundles>
